<compile_context>
chip_gen: v7x
topology: tpu7x:2x2x1
jax: 0.10.2.dev20260603
libtpu: 0.0.44.dev20260713+nightly
codegen_flags: <defaults>
</compile_context>

<pallas_src>
import functools

import jax
import jax.numpy as jnp
from jax import lax
from jax.experimental import pallas as pl
from jax.experimental.pallas import tpu as pltpu
from jax.experimental.pallas import tpu_sc as plsc

B, L, V, D, P = 4096, 200, 100000, 64, 3
RW = 8
PADW = 16
NC, NS = 2, 16
NW = NC * NS
SEQ_PER_W = B // NW
LPAD = 224
HALF = LPAD // 2
NCHUNK = LPAD // 16
LROW = 256
DEPTH = 2

_PACK = 16
_PROJ_ROWS = V // _PACK
_PROJ_BLK = 512
_PROJ_OUT_ROWS = 13 * _PROJ_BLK
_V_PAD = _PROJ_OUT_ROWS * _PACK


def _proj_body(x_ref, w_ref, o_ref):
    x3 = x_ref[...].reshape(_PROJ_BLK, _PACK, D)
    acc = lax.dot_general(
        x3[:, 0, :], w_ref[pl.ds(0, D), :], (((1,), (0,)), ((), ())),
        preferred_element_type=jnp.float32)
    for t in range(1, _PACK):
        acc = acc + lax.dot_general(
            x3[:, t, :], w_ref[pl.ds(t * D, D), :],
            (((1,), (0,)), ((), ())), preferred_element_type=jnp.float32)
    o_ref[...] = acc


def _project(table, w_blockdiag):
    return pl.pallas_call(
        _proj_body,
        grid=(_PROJ_OUT_ROWS // _PROJ_BLK,),
        in_specs=[
            pl.BlockSpec((_PROJ_BLK * _PACK, D), lambda i: (i, 0)),
            pl.BlockSpec((_PACK * D, _PACK * RW), lambda i: (0, 0)),
        ],
        out_specs=pl.BlockSpec((_PROJ_BLK, _PACK * RW), lambda i: (i, 0)),
        out_shape=jax.ShapeDtypeStruct((_PROJ_OUT_ROWS, _PACK * RW),
                                       jnp.float32),
    )(table, w_blockdiag)


@functools.partial(
    pl.kernel,
    out_type=jax.ShapeDtypeStruct((B * PADW,), jnp.float32),
    mesh=plsc.VectorSubcoreMesh(core_axis_name="c", subcore_axis_name="s"),
    compiler_params=pltpu.CompilerParams(use_tc_tiling_on_sc=False,
                                         needs_layout_passes=False),
    scratch_types=[
        pltpu.VMEM((SEQ_PER_W * LROW,), jnp.int32),
        pltpu.VMEM((2 * DEPTH, HALF), jnp.int32),
        pltpu.VMEM((2 * DEPTH, HALF, RW), jnp.float32),
        pltpu.VMEM((8, RW), jnp.float32),
        pltpu.VMEM((PADW,), jnp.float32),
        pltpu.VMEM((PADW,), jnp.float32),
        pltpu.VMEM((SEQ_PER_W * PADW,), jnp.float32),
        pltpu.VMEM_SHARED((V, RW), jnp.float32),
        pltpu.SemaphoreType.DMA,
    ],
)
def _sc_main(idx_hbm, tproj_hbm, bias_hbm, out_hbm,
             idx_all, idx2, rows, t0buf, bias_v, accsp, outbuf,
             tshared, sem):
    wid = lax.axis_index("s") * NC + lax.axis_index("c")
    sid = lax.axis_index("s")
    base = wid * SEQ_PER_W
    vshard = V // NS
    pltpu.sync_copy(tproj_hbm.at[pl.ds(sid * vshard, vshard)],
                    tshared.at[pl.ds(sid * vshard, vshard)])
    pltpu.sync_copy(bias_hbm, bias_v)
    pltpu.sync_copy(tproj_hbm.at[pl.ds(0, 8)], t0buf)
    pltpu.sync_copy(idx_hbm.at[pl.ds(base * LROW, SEQ_PER_W * LROW)],
                    idx_all)
    bias = bias_v[...]
    iota = lax.iota(jnp.int32, 16)
    colpat = jnp.bitwise_and(iota, 7)
    rowpat = lax.shift_right_logical(iota, 3)
    foldpat = colpat + 8
    t0 = plsc.load_gather(t0buf, [jnp.zeros((16,), jnp.int32), colpat])
    plsc.subcore_barrier()

    def iter_body(j, carry):
        s0 = j * DEPTH
        copies = []
        cnts = []
        for k in range(DEPTH):
            off = (s0 + k) * LROW
            cnt = jnp.zeros((16,), jnp.int32)
            chunks = []
            for c in range(NCHUNK):
                v = idx_all[pl.ds(off + c * 16, 16)]
                chunks.append(v)
                cnt = cnt + plsc.all_reduce_population_count(v != 0)
            cnts.append(cnt)
            for c in range(NCHUNK):
                sel = jnp.where(iota + (c * 16) < cnt, chunks[c], 0)
                if c < NCHUNK // 2:
                    idx2[2 * k, pl.ds(c * 16, 16)] = sel
                else:
                    idx2[2 * k + 1, pl.ds((c - NCHUNK // 2) * 16, 16)] = sel
            copies.append(
                pltpu.async_copy(tshared.at[idx2.at[2 * k]],
                                 rows.at[2 * k], sem))
            copies.append(
                pltpu.async_copy(tshared.at[idx2.at[2 * k + 1]],
                                 rows.at[2 * k + 1], sem))
        for k in range(DEPTH):
            copies[2 * k].wait()
            copies[2 * k + 1].wait()
            accs = [jnp.zeros((16,), jnp.float32) for _ in range(4)]
            for h in range(2):
                rref = rows.at[2 * k + h]
                for p in range(HALF // 2):
                    accs[p & 3] = accs[p & 3] + plsc.load_gather(
                        rref, [rowpat + (2 * p), colpat])
            acc = (accs[0] + accs[1]) + (accs[2] + accs[3])
            accsp[...] = acc
            folded = acc + plsc.load_gather(accsp, [foldpat])
            cntf = cnts[k].astype(jnp.float32)
            out_v = (folded - (float(LPAD) - cntf) * t0) / cntf + bias
            outbuf[pl.ds((s0 + k) * PADW, PADW)] = out_v
        return carry

    lax.fori_loop(0, SEQ_PER_W // DEPTH, iter_body, 0)
    pltpu.sync_copy(outbuf, out_hbm.at[pl.ds(base * PADW, SEQ_PER_W * PADW)])


def kernel(text_raw_indices, table, W, b):
    idx = jnp.pad(text_raw_indices.astype(jnp.int32),
                  ((0, 0), (0, LROW - L))).reshape(B * LROW)
    w_pad = jnp.zeros((RW, D), jnp.float32).at[:P].set(W)
    b_pad = jnp.zeros((PADW,), jnp.float32).at[:P].set(b)
    eye = jnp.eye(_PACK, dtype=jnp.float32)
    w_bd = (eye[:, None, :, None] * w_pad.T[None, :, None, :]
            ).reshape(_PACK * D, _PACK * RW)
    tproj = _project(table, w_bd)
    tproj_flat = tproj.reshape(_V_PAD, RW)
    out_flat = _sc_main(idx, tproj_flat, b_pad)
    return out_flat.reshape(B, PADW)[:, :P]

# --- scband reference (transcript-rebuilt; emitter-appended) ---
"""Pipeline reference for scband-context-avg-48541720379810 (READ-ONLY COPY).

The authoritative reference and input builder live on the scoring server;
editing this copy changes nothing except your own understanding.
"""

import jax, jax.numpy as jnp
import numpy as np

B, L, V, D, P = 4096, 200, 100000, 64, 3

def setup_inputs(seed: int = 0) -> dict:
    key = jax.random.key(seed)
    k1, k2, k3 = jax.random.split(key, 3)
    text_raw_indices = jax.random.randint(k1, (B, L), 0, V)
    table = jax.random.normal(k2, (V, D), dtype=jnp.float32) * 0.02
    W = jax.random.normal(k3, (P, D), dtype=jnp.float32) * 0.02
    b = jnp.zeros((P,), dtype=jnp.float32)
    return {"text_raw_indices": text_raw_indices, "table": table, "W": W, "b": b}

def reference(text_raw_indices, table, W, b):
    # encoder: embedding lookup
    x = jnp.take(table, text_raw_indices, axis=0)  # [B, L, D]
    # x_len = number of non-zero (non-pad) tokens per row
    x_len = jnp.sum(text_raw_indices != 0, axis=-1)  # [B]
    # SqueezeEmbedding: pack/pad zeroes out positions >= x_len per sequence
    pos = jnp.arange(text_raw_indices.shape[1])
    mask = (pos[None, :] < x_len[:, None]).astype(x.dtype)  # [B, L]
    emb = x * mask[:, :, None]
    # mean over valid positions
    output = jnp.sum(emb, axis=1) / x_len[:, None].astype(x.dtype)  # [B, D]
    output = output.reshape(output.shape[0], -1)
    # dropout is identity at inference
    output = output @ W.T + b  # dense: [B, P]
    # args.softmax = False, so no softmax
    return output

if __name__ == "__main__":
    import jax
    _d = setup_inputs()
    print(jax.jit(kernel)(*tuple(_d.values())))

</pallas_src>

<mosaic_0001>
#map = affine_map<(d0, d1) -> (0)>
#map1 = affine_map<(d0, d1) -> (0, 0)>
module attributes {stable_mosaic.version = 14 : i64} {
  func.func @_sc_main(%arg0: i32, %arg1: i32, %arg2: memref<1048576xi32, #tpu.memory_space<hbm>>, %arg3: memref<106496x8xf32, #tpu.memory_space<hbm>>, %arg4: memref<16xf32, #tpu.memory_space<hbm>>, %arg5: memref<65536xf32, #tpu.memory_space<hbm>>, %arg6: memref<32768xi32, #tpu.memory_space<vmem>>, %arg7: memref<4x112xi32, #tpu.memory_space<vmem>>, %arg8: memref<4x112x8xf32, #tpu.memory_space<vmem>>, %arg9: memref<8x8xf32, #tpu.memory_space<vmem>>, %arg10: memref<16xf32, #tpu.memory_space<vmem>>, %arg11: memref<16xf32, #tpu.memory_space<vmem>>, %arg12: memref<2048xf32, #tpu.memory_space<vmem>>, %arg13: memref<100000x8xf32, #tpu.memory_space<vmem_shared>>, %arg14: memref<!tpu.dma_semaphore, #tpu.memory_space<semaphore_mem>>) attributes {dimension_semantics = [#tpu.dimension_semantics<core_parallel>, #tpu.dimension_semantics<subcore_parallel>], iteration_bounds = array<i64: 2, 16>, scalar_prefetch = 0 : i64, scratch_operands = 9 : i64, tpu.core_type = #tpu.core_type<sc_vector_subcore>, window_params = [{transform_indices = #map}, {transform_indices = #map1}, {transform_indices = #map}, {transform_indices = #map}]} {
    %mul3A = arith.constant 2 : i32
    %mul3A_0 = arith.muli %arg1, %mul3A : i32
    %add3A = arith.addi %mul3A_0, %arg0 : i32
    %mul3A_1 = arith.constant 128 : i32
    %mul3A_2 = arith.muli %add3A, %mul3A_1 : i32
    %mul3A_3 = arith.constant 6250 : i32
    %mul3A_4 = arith.muli %arg1, %mul3A_3 : i32
    %mul3A_5 = arith.constant 6250 : i32
    %mul3A_6 = arith.muli %arg1, %mul3A_5 : i32
    "tpu.region"() ({
      %run_scoped3A = tpu.sem_alloc : memref<!tpu.dma_semaphore, #tpu.memory_space<semaphore_mem>>
      %dma_start3A = arith.constant 0 : i32
      %dma_start3A_25 = tpu.memref_slice %arg13[%mul3A_6, %dma_start3A] : memref<100000x8xf32, #tpu.memory_space<vmem_shared>> -> memref<6250x8xf32, #tpu.memory_space<vmem_shared>>
      %dma_start3A_26 = arith.constant 0 : i32
      %dma_start3A_27 = tpu.memref_slice %arg3[%mul3A_4, %dma_start3A_26] : memref<106496x8xf32, #tpu.memory_space<hbm>> -> memref<6250x8xf32, #tpu.memory_space<hbm>>
      tpu.enqueue_dma source(%dma_start3A_27 : memref<6250x8xf32, #tpu.memory_space<hbm>>) target(%dma_start3A_25 : memref<6250x8xf32, #tpu.memory_space<vmem_shared>>) target_semaphore(%run_scoped3A : memref<!tpu.dma_semaphore, #tpu.memory_space<semaphore_mem>>)
      %dma_wait3A = arith.constant 0 : i32
      %dma_wait3A_28 = tpu.memref_slice %arg13[%mul3A_6, %dma_wait3A] : memref<100000x8xf32, #tpu.memory_space<vmem_shared>> -> memref<6250x8xf32, #tpu.memory_space<vmem_shared>>
      %dma_wait3A_29 = arith.constant 0 : i32
      %dma_wait3A_30 = tpu.memref_slice %arg3[%mul3A_4, %dma_wait3A_29] : memref<106496x8xf32, #tpu.memory_space<hbm>> -> memref<6250x8xf32, #tpu.memory_space<hbm>>
      tpu.wait_dma2 semaphore(%run_scoped3A : memref<!tpu.dma_semaphore, #tpu.memory_space<semaphore_mem>>) src(%dma_wait3A_30 : memref<6250x8xf32, #tpu.memory_space<hbm>>) dst(%dma_wait3A_28 : memref<6250x8xf32, #tpu.memory_space<vmem_shared>>)
      tpu.yield
    }) : () -> ()
    "tpu.region"() ({
      %run_scoped3A = tpu.sem_alloc : memref<!tpu.dma_semaphore, #tpu.memory_space<semaphore_mem>>
      tpu.enqueue_dma source(%arg4 : memref<16xf32, #tpu.memory_space<hbm>>) target(%arg10 : memref<16xf32, #tpu.memory_space<vmem>>) target_semaphore(%run_scoped3A : memref<!tpu.dma_semaphore, #tpu.memory_space<semaphore_mem>>)
      tpu.wait_dma2 semaphore(%run_scoped3A : memref<!tpu.dma_semaphore, #tpu.memory_space<semaphore_mem>>) src(%arg4 : memref<16xf32, #tpu.memory_space<hbm>>) dst(%arg10 : memref<16xf32, #tpu.memory_space<vmem>>)
      tpu.yield
    }) : () -> ()
    "tpu.region"() ({
      %run_scoped3A = tpu.sem_alloc : memref<!tpu.dma_semaphore, #tpu.memory_space<semaphore_mem>>
      %dma_start3A = arith.constant 0 : i32
      %dma_start3A_25 = arith.constant 0 : i32
      %dma_start3A_26 = tpu.memref_slice %arg3[%dma_start3A, %dma_start3A_25] : memref<106496x8xf32, #tpu.memory_space<hbm>> -> memref<8x8xf32, #tpu.memory_space<hbm>>
      %dma_start3A_27 = arith.constant 0 : i32
      %dma_start3A_28 = arith.constant 0 : i32
      %dma_start3A_29 = tpu.memref_slice %arg3[%dma_start3A_27, %dma_start3A_28] : memref<106496x8xf32, #tpu.memory_space<hbm>> -> memref<8x8xf32, #tpu.memory_space<hbm>>
      tpu.enqueue_dma source(%dma_start3A_29 : memref<8x8xf32, #tpu.memory_space<hbm>>) target(%arg9 : memref<8x8xf32, #tpu.memory_space<vmem>>) target_semaphore(%run_scoped3A : memref<!tpu.dma_semaphore, #tpu.memory_space<semaphore_mem>>)
      %dma_wait3A = arith.constant 0 : i32
      %dma_wait3A_30 = arith.constant 0 : i32
      %dma_wait3A_31 = tpu.memref_slice %arg3[%dma_wait3A, %dma_wait3A_30] : memref<106496x8xf32, #tpu.memory_space<hbm>> -> memref<8x8xf32, #tpu.memory_space<hbm>>
      %dma_wait3A_32 = arith.constant 0 : i32
      %dma_wait3A_33 = arith.constant 0 : i32
      %dma_wait3A_34 = tpu.memref_slice %arg3[%dma_wait3A_32, %dma_wait3A_33] : memref<106496x8xf32, #tpu.memory_space<hbm>> -> memref<8x8xf32, #tpu.memory_space<hbm>>
      tpu.wait_dma2 semaphore(%run_scoped3A : memref<!tpu.dma_semaphore, #tpu.memory_space<semaphore_mem>>) src(%dma_wait3A_34 : memref<8x8xf32, #tpu.memory_space<hbm>>) dst(%arg9 : memref<8x8xf32, #tpu.memory_space<vmem>>)
      tpu.yield
    }) : () -> ()
    %mul3A_7 = arith.constant 256 : i32
    %mul3A_8 = arith.muli %mul3A_2, %mul3A_7 : i32
    "tpu.region"() ({
      %run_scoped3A = tpu.sem_alloc : memref<!tpu.dma_semaphore, #tpu.memory_space<semaphore_mem>>
      %dma_start3A = tpu.memref_slice %arg2[%mul3A_8] : memref<1048576xi32, #tpu.memory_space<hbm>> -> memref<32768xi32, #tpu.memory_space<hbm>>
      %dma_start3A_25 = tpu.memref_slice %arg2[%mul3A_8] : memref<1048576xi32, #tpu.memory_space<hbm>> -> memref<32768xi32, #tpu.memory_space<hbm>>
      tpu.enqueue_dma source(%dma_start3A_25 : memref<32768xi32, #tpu.memory_space<hbm>>) target(%arg6 : memref<32768xi32, #tpu.memory_space<vmem>>) target_semaphore(%run_scoped3A : memref<!tpu.dma_semaphore, #tpu.memory_space<semaphore_mem>>)
      %dma_wait3A = tpu.memref_slice %arg2[%mul3A_8] : memref<1048576xi32, #tpu.memory_space<hbm>> -> memref<32768xi32, #tpu.memory_space<hbm>>
      %dma_wait3A_26 = tpu.memref_slice %arg2[%mul3A_8] : memref<1048576xi32, #tpu.memory_space<hbm>> -> memref<32768xi32, #tpu.memory_space<hbm>>
      tpu.wait_dma2 semaphore(%run_scoped3A : memref<!tpu.dma_semaphore, #tpu.memory_space<semaphore_mem>>) src(%dma_wait3A_26 : memref<32768xi32, #tpu.memory_space<hbm>>) dst(%arg6 : memref<32768xi32, #tpu.memory_space<vmem>>)
      tpu.yield
    }) : () -> ()
    %get3A = arith.constant 0 : index
    %get3A_9 = tpu.vector_load %arg10[%get3A] {strides = array<i32>} : memref<16xf32, #tpu.memory_space<vmem>>, vector<16xf32>,
    %iota3A = tpu.iota {dimensions = array<i32: 0>} : vector<16xi32>
    %and3A = arith.constant 7 : i32
    %and3A_10 = vector.broadcast %and3A : i32 to vector<16xi32>
    %and3A_11 = arith.andi %iota3A, %and3A_10 : vector<16xi32>
    %shift_right_logical3A = arith.constant 3 : i32
    %shift_right_logical3A_12 = vector.broadcast %shift_right_logical3A : i32 to vector<16xi32>
    %shift_right_logical3A_13 = arith.shrui %iota3A, %shift_right_logical3A_12 : vector<16xi32>
    %add3A_14 = arith.constant 8 : i32
    %add3A_15 = vector.broadcast %add3A_14 : i32 to vector<16xi32>
    %add3A_16 = arith.addi %and3A_11, %add3A_15 : vector<16xi32>
    %broadcast_in_dim3A = arith.constant 0 : i32
    %broadcast_in_dim3A_17 = vector.broadcast %broadcast_in_dim3A : i32 to vector<16xi32>
    %gather3A = tpu.vector_load_idx %arg9[%broadcast_in_dim3A_17, %and3A_11] : memref<8x8xf32, #tpu.memory_space<vmem>>[vector<16xi32>, vector<16xi32>], vector<16xf32>,
    %barrier3A = arith.constant 0 : index
    tpu.barrier barrier_id(%barrier3A)
    %scan3A = arith.constant 0 : i32
    %scan3A_18 = arith.constant 0 : i32
    %scan3A_19 = arith.constant 64 : i32
    %scan3A_20 = arith.addi %scan3A_18, %scan3A_19 : i32
    %scan3A_21 = arith.constant 1 : i32
    scf.for %scan3A_25 = %scan3A_18 to %scan3A_20 step %scan3A_21  : i32 {
      %mul3A_26 = arith.constant 2 : i32
      %mul3A_27 = arith.muli %scan3A_25, %mul3A_26 : i32
      %add3A_28 = arith.constant 0 : i32
      %add3A_29 = arith.addi %mul3A_27, %add3A_28 : i32
      %mul3A_30 = arith.constant 256 : i32
      %mul3A_31 = arith.muli %add3A_29, %mul3A_30 : i32
      %broadcast_in_dim3A_32 = arith.constant 0 : i32
      %broadcast_in_dim3A_33 = vector.broadcast %broadcast_in_dim3A_32 : i32 to vector<16xi32>
      %add3A_34 = arith.constant 0 : i32
      %add3A_35 = arith.addi %mul3A_31, %add3A_34 : i32
      %get3A_36 = arith.index_cast %add3A_35 : i32 to index
      %get3A_37 = tpu.vector_load %arg6[%get3A_36] {strides = array<i32>} : memref<32768xi32, #tpu.memory_space<vmem>>, vector<16xi32>,
      %ne3A = arith.constant 0 : i32
      %ne3A_38 = vector.broadcast %ne3A : i32 to vector<16xi32>
      %ne3A_39 = arith.cmpi ne, %get3A_37, %ne3A_38 : vector<16xi32>
      %all_reduce_population_count3A = tpu.all_reduce %ne3A_39 {dim = 0 : i64, kind = #tpu.reduction_kind<sum>} : vector<16xi1> -> vector<16xi32>
      %add3A_40 = arith.addi %broadcast_in_dim3A_33, %all_reduce_population_count3A : vector<16xi32>
      %add3A_41 = arith.constant 16 : i32
      %add3A_42 = arith.addi %mul3A_31, %add3A_41 : i32
      %get3A_43 = arith.index_cast %add3A_42 : i32 to index
      %get3A_44 = tpu.vector_load %arg6[%get3A_43] {strides = array<i32>} : memref<32768xi32, #tpu.memory_space<vmem>>, vector<16xi32>,
      %ne3A_45 = arith.constant 0 : i32
      %ne3A_46 = vector.broadcast %ne3A_45 : i32 to vector<16xi32>
      %ne3A_47 = arith.cmpi ne, %get3A_44, %ne3A_46 : vector<16xi32>
      %all_reduce_population_count3A_48 = tpu.all_reduce %ne3A_47 {dim = 0 : i64, kind = #tpu.reduction_kind<sum>} : vector<16xi1> -> vector<16xi32>
      %add3A_49 = arith.addi %add3A_40, %all_reduce_population_count3A_48 : vector<16xi32>
      %add3A_50 = arith.constant 32 : i32
      %add3A_51 = arith.addi %mul3A_31, %add3A_50 : i32
      %get3A_52 = arith.index_cast %add3A_51 : i32 to index
      %get3A_53 = tpu.vector_load %arg6[%get3A_52] {strides = array<i32>} : memref<32768xi32, #tpu.memory_space<vmem>>, vector<16xi32>,
      %ne3A_54 = arith.constant 0 : i32
      %ne3A_55 = vector.broadcast %ne3A_54 : i32 to vector<16xi32>
      %ne3A_56 = arith.cmpi ne, %get3A_53, %ne3A_55 : vector<16xi32>
      %all_reduce_population_count3A_57 = tpu.all_reduce %ne3A_56 {dim = 0 : i64, kind = #tpu.reduction_kind<sum>} : vector<16xi1> -> vector<16xi32>
      %add3A_58 = arith.addi %add3A_49, %all_reduce_population_count3A_57 : vector<16xi32>
      %add3A_59 = arith.constant 48 : i32
      %add3A_60 = arith.addi %mul3A_31, %add3A_59 : i32
      %get3A_61 = arith.index_cast %add3A_60 : i32 to index
      %get3A_62 = tpu.vector_load %arg6[%get3A_61] {strides = array<i32>} : memref<32768xi32, #tpu.memory_space<vmem>>, vector<16xi32>,
      %ne3A_63 = arith.constant 0 : i32
      %ne3A_64 = vector.broadcast %ne3A_63 : i32 to vector<16xi32>
      %ne3A_65 = arith.cmpi ne, %get3A_62, %ne3A_64 : vector<16xi32>
      %all_reduce_population_count3A_66 = tpu.all_reduce %ne3A_65 {dim = 0 : i64, kind = #tpu.reduction_kind<sum>} : vector<16xi1> -> vector<16xi32>
      %add3A_67 = arith.addi %add3A_58, %all_reduce_population_count3A_66 : vector<16xi32>
      %add3A_68 = arith.constant 64 : i32
      %add3A_69 = arith.addi %mul3A_31, %add3A_68 : i32
      %get3A_70 = arith.index_cast %add3A_69 : i32 to index
      %get3A_71 = tpu.vector_load %arg6[%get3A_70] {strides = array<i32>} : memref<32768xi32, #tpu.memory_space<vmem>>, vector<16xi32>,
      %ne3A_72 = arith.constant 0 : i32
      %ne3A_73 = vector.broadcast %ne3A_72 : i32 to vector<16xi32>
      %ne3A_74 = arith.cmpi ne, %get3A_71, %ne3A_73 : vector<16xi32>
      %all_reduce_population_count3A_75 = tpu.all_reduce %ne3A_74 {dim = 0 : i64, kind = #tpu.reduction_kind<sum>} : vector<16xi1> -> vector<16xi32>
      %add3A_76 = arith.addi %add3A_67, %all_reduce_population_count3A_75 : vector<16xi32>
      %add3A_77 = arith.constant 80 : i32
      %add3A_78 = arith.addi %mul3A_31, %add3A_77 : i32
      %get3A_79 = arith.index_cast %add3A_78 : i32 to index
      %get3A_80 = tpu.vector_load %arg6[%get3A_79] {strides = array<i32>} : memref<32768xi32, #tpu.memory_space<vmem>>, vector<16xi32>,
      %ne3A_81 = arith.constant 0 : i32
      %ne3A_82 = vector.broadcast %ne3A_81 : i32 to vector<16xi32>
      %ne3A_83 = arith.cmpi ne, %get3A_80, %ne3A_82 : vector<16xi32>
      %all_reduce_population_count3A_84 = tpu.all_reduce %ne3A_83 {dim = 0 : i64, kind = #tpu.reduction_kind<sum>} : vector<16xi1> -> vector<16xi32>
      %add3A_85 = arith.addi %add3A_76, %all_reduce_population_count3A_84 : vector<16xi32>
      %add3A_86 = arith.constant 96 : i32
      %add3A_87 = arith.addi %mul3A_31, %add3A_86 : i32
      %get3A_88 = arith.index_cast %add3A_87 : i32 to index
      %get3A_89 = tpu.vector_load %arg6[%get3A_88] {strides = array<i32>} : memref<32768xi32, #tpu.memory_space<vmem>>, vector<16xi32>,
      %ne3A_90 = arith.constant 0 : i32
      %ne3A_91 = vector.broadcast %ne3A_90 : i32 to vector<16xi32>
      %ne3A_92 = arith.cmpi ne, %get3A_89, %ne3A_91 : vector<16xi32>
      %all_reduce_population_count3A_93 = tpu.all_reduce %ne3A_92 {dim = 0 : i64, kind = #tpu.reduction_kind<sum>} : vector<16xi1> -> vector<16xi32>
      %add3A_94 = arith.addi %add3A_85, %all_reduce_population_count3A_93 : vector<16xi32>
      %add3A_95 = arith.constant 112 : i32
      %add3A_96 = arith.addi %mul3A_31, %add3A_95 : i32
      %get3A_97 = arith.index_cast %add3A_96 : i32 to index
      %get3A_98 = tpu.vector_load %arg6[%get3A_97] {strides = array<i32>} : memref<32768xi32, #tpu.memory_space<vmem>>, vector<16xi32>,
      %ne3A_99 = arith.constant 0 : i32
      %ne3A_100 = vector.broadcast %ne3A_99 : i32 to vector<16xi32>
      %ne3A_101 = arith.cmpi ne, %get3A_98, %ne3A_100 : vector<16xi32>
      %all_reduce_population_count3A_102 = tpu.all_reduce %ne3A_101 {dim = 0 : i64, kind = #tpu.reduction_kind<sum>} : vector<16xi1> -> vector<16xi32>
      %add3A_103 = arith.addi %add3A_94, %all_reduce_population_count3A_102 : vector<16xi32>
      %add3A_104 = arith.constant 128 : i32
      %add3A_105 = arith.addi %mul3A_31, %add3A_104 : i32
      %get3A_106 = arith.index_cast %add3A_105 : i32 to index
      %get3A_107 = tpu.vector_load %arg6[%get3A_106] {strides = array<i32>} : memref<32768xi32, #tpu.memory_space<vmem>>, vector<16xi32>,
      %ne3A_108 = arith.constant 0 : i32
      %ne3A_109 = vector.broadcast %ne3A_108 : i32 to vector<16xi32>
      %ne3A_110 = arith.cmpi ne, %get3A_107, %ne3A_109 : vector<16xi32>
      %all_reduce_population_count3A_111 = tpu.all_reduce %ne3A_110 {dim = 0 : i64, kind = #tpu.reduction_kind<sum>} : vector<16xi1> -> vector<16xi32>
      %add3A_112 = arith.addi %add3A_103, %all_reduce_population_count3A_111 : vector<16xi32>
      %add3A_113 = arith.constant 144 : i32
      %add3A_114 = arith.addi %mul3A_31, %add3A_113 : i32
      %get3A_115 = arith.index_cast %add3A_114 : i32 to index
      %get3A_116 = tpu.vector_load %arg6[%get3A_115] {strides = array<i32>} : memref<32768xi32, #tpu.memory_space<vmem>>, vector<16xi32>,
      %ne3A_117 = arith.constant 0 : i32
      %ne3A_118 = vector.broadcast %ne3A_117 : i32 to vector<16xi32>
      %ne3A_119 = arith.cmpi ne, %get3A_116, %ne3A_118 : vector<16xi32>
      %all_reduce_population_count3A_120 = tpu.all_reduce %ne3A_119 {dim = 0 : i64, kind = #tpu.reduction_kind<sum>} : vector<16xi1> -> vector<16xi32>
      %add3A_121 = arith.addi %add3A_112, %all_reduce_population_count3A_120 : vector<16xi32>
      %add3A_122 = arith.constant 160 : i32
      %add3A_123 = arith.addi %mul3A_31, %add3A_122 : i32
      %get3A_124 = arith.index_cast %add3A_123 : i32 to index
      %get3A_125 = tpu.vector_load %arg6[%get3A_124] {strides = array<i32>} : memref<32768xi32, #tpu.memory_space<vmem>>, vector<16xi32>,
      %ne3A_126 = arith.constant 0 : i32
      %ne3A_127 = vector.broadcast %ne3A_126 : i32 to vector<16xi32>
      %ne3A_128 = arith.cmpi ne, %get3A_125, %ne3A_127 : vector<16xi32>
      %all_reduce_population_count3A_129 = tpu.all_reduce %ne3A_128 {dim = 0 : i64, kind = #tpu.reduction_kind<sum>} : vector<16xi1> -> vector<16xi32>
      %add3A_130 = arith.addi %add3A_121, %all_reduce_population_count3A_129 : vector<16xi32>
      %add3A_131 = arith.constant 176 : i32
      %add3A_132 = arith.addi %mul3A_31, %add3A_131 : i32
      %get3A_133 = arith.index_cast %add3A_132 : i32 to index
      %get3A_134 = tpu.vector_load %arg6[%get3A_133] {strides = array<i32>} : memref<32768xi32, #tpu.memory_space<vmem>>, vector<16xi32>,
      %ne3A_135 = arith.constant 0 : i32
      %ne3A_136 = vector.broadcast %ne3A_135 : i32 to vector<16xi32>
      %ne3A_137 = arith.cmpi ne, %get3A_134, %ne3A_136 : vector<16xi32>
      %all_reduce_population_count3A_138 = tpu.all_reduce %ne3A_137 {dim = 0 : i64, kind = #tpu.reduction_kind<sum>} : vector<16xi1> -> vector<16xi32>
      %add3A_139 = arith.addi %add3A_130, %all_reduce_population_count3A_138 : vector<16xi32>
      %add3A_140 = arith.constant 192 : i32
      %add3A_141 = arith.addi %mul3A_31, %add3A_140 : i32
      %get3A_142 = arith.index_cast %add3A_141 : i32 to index
      %get3A_143 = tpu.vector_load %arg6[%get3A_142] {strides = array<i32>} : memref<32768xi32, #tpu.memory_space<vmem>>, vector<16xi32>,
      %ne3A_144 = arith.constant 0 : i32
      %ne3A_145 = vector.broadcast %ne3A_144 : i32 to vector<16xi32>
      %ne3A_146 = arith.cmpi ne, %get3A_143, %ne3A_145 : vector<16xi32>
      %all_reduce_population_count3A_147 = tpu.all_reduce %ne3A_146 {dim = 0 : i64, kind = #tpu.reduction_kind<sum>} : vector<16xi1> -> vector<16xi32>
      %add3A_148 = arith.addi %add3A_139, %all_reduce_population_count3A_147 : vector<16xi32>
      %add3A_149 = arith.constant 208 : i32
      %add3A_150 = arith.addi %mul3A_31, %add3A_149 : i32
      %get3A_151 = arith.index_cast %add3A_150 : i32 to index
      %get3A_152 = tpu.vector_load %arg6[%get3A_151] {strides = array<i32>} : memref<32768xi32, #tpu.memory_space<vmem>>, vector<16xi32>,
      %ne3A_153 = arith.constant 0 : i32
      %ne3A_154 = vector.broadcast %ne3A_153 : i32 to vector<16xi32>
      %ne3A_155 = arith.cmpi ne, %get3A_152, %ne3A_154 : vector<16xi32>
      %all_reduce_population_count3A_156 = tpu.all_reduce %ne3A_155 {dim = 0 : i64, kind = #tpu.reduction_kind<sum>} : vector<16xi1> -> vector<16xi32>
      %add3A_157 = arith.addi %add3A_148, %all_reduce_population_count3A_156 : vector<16xi32>
      %add3A_158 = arith.constant 0 : i32
      %add3A_159 = vector.broadcast %add3A_158 : i32 to vector<16xi32>
      %add3A_160 = arith.addi %iota3A, %add3A_159 : vector<16xi32>
      %lt3A = arith.cmpi slt, %add3A_160, %add3A_157 : vector<16xi32>
      %jit3A = arith.constant 0 : i32
      %broadcast_in_dim3A_161 = vector.broadcast %jit3A : i32 to vector<16xi32>
      %select_n3A = arith.select %lt3A, %get3A_37, %broadcast_in_dim3A_161 : vector<16xi1>, vector<16xi32>
      %swap3A = arith.constant 0 : i32
      %swap3A_162 = arith.index_cast %swap3A : i32 to index
      %swap3A_163 = arith.constant 0 : index
      %swap3A_164 = tpu.vector_load %arg7[%swap3A_162, %swap3A_163] {strides = array<i32>} : memref<4x112xi32, #tpu.memory_space<vmem>>, vector<16xi32>,
      tpu.vector_store %arg7[%swap3A_162, %swap3A_163], %select_n3A {strides = array<i32>} : memref<4x112xi32, #tpu.memory_space<vmem>>, vector<16xi32>,
      %add3A_165 = arith.constant 16 : i32
      %add3A_166 = vector.broadcast %add3A_165 : i32 to vector<16xi32>
      %add3A_167 = arith.addi %iota3A, %add3A_166 : vector<16xi32>
      %lt3A_168 = arith.cmpi slt, %add3A_167, %add3A_157 : vector<16xi32>
      %jit3A_169 = arith.constant 0 : i32
      %broadcast_in_dim3A_170 = vector.broadcast %jit3A_169 : i32 to vector<16xi32>
      %select_n3A_171 = arith.select %lt3A_168, %get3A_44, %broadcast_in_dim3A_170 : vector<16xi1>, vector<16xi32>
      %swap3A_172 = arith.constant 0 : i32
      %swap3A_173 = arith.index_cast %swap3A_172 : i32 to index
      %swap3A_174 = arith.constant 16 : index
      %swap3A_175 = tpu.vector_load %arg7[%swap3A_173, %swap3A_174] {strides = array<i32>} : memref<4x112xi32, #tpu.memory_space<vmem>>, vector<16xi32>,
      tpu.vector_store %arg7[%swap3A_173, %swap3A_174], %select_n3A_171 {strides = array<i32>} : memref<4x112xi32, #tpu.memory_space<vmem>>, vector<16xi32>,
      %add3A_176 = arith.constant 32 : i32
      %add3A_177 = vector.broadcast %add3A_176 : i32 to vector<16xi32>
      %add3A_178 = arith.addi %iota3A, %add3A_177 : vector<16xi32>
      %lt3A_179 = arith.cmpi slt, %add3A_178, %add3A_157 : vector<16xi32>
      %jit3A_180 = arith.constant 0 : i32
      %broadcast_in_dim3A_181 = vector.broadcast %jit3A_180 : i32 to vector<16xi32>
      %select_n3A_182 = arith.select %lt3A_179, %get3A_53, %broadcast_in_dim3A_181 : vector<16xi1>, vector<16xi32>
      %swap3A_183 = arith.constant 0 : i32
      %swap3A_184 = arith.index_cast %swap3A_183 : i32 to index
      %swap3A_185 = arith.constant 32 : index
      %swap3A_186 = tpu.vector_load %arg7[%swap3A_184, %swap3A_185] {strides = array<i32>} : memref<4x112xi32, #tpu.memory_space<vmem>>, vector<16xi32>,
      tpu.vector_store %arg7[%swap3A_184, %swap3A_185], %select_n3A_182 {strides = array<i32>} : memref<4x112xi32, #tpu.memory_space<vmem>>, vector<16xi32>,
      %add3A_187 = arith.constant 48 : i32
      %add3A_188 = vector.broadcast %add3A_187 : i32 to vector<16xi32>
      %add3A_189 = arith.addi %iota3A, %add3A_188 : vector<16xi32>
      %lt3A_190 = arith.cmpi slt, %add3A_189, %add3A_157 : vector<16xi32>
      %jit3A_191 = arith.constant 0 : i32
      %broadcast_in_dim3A_192 = vector.broadcast %jit3A_191 : i32 to vector<16xi32>
      %select_n3A_193 = arith.select %lt3A_190, %get3A_62, %broadcast_in_dim3A_192 : vector<16xi1>, vector<16xi32>
      %swap3A_194 = arith.constant 0 : i32
      %swap3A_195 = arith.index_cast %swap3A_194 : i32 to index
      %swap3A_196 = arith.constant 48 : index
      %swap3A_197 = tpu.vector_load %arg7[%swap3A_195, %swap3A_196] {strides = array<i32>} : memref<4x112xi32, #tpu.memory_space<vmem>>, vector<16xi32>,
      tpu.vector_store %arg7[%swap3A_195, %swap3A_196], %select_n3A_193 {strides = array<i32>} : memref<4x112xi32, #tpu.memory_space<vmem>>, vector<16xi32>,
      %add3A_198 = arith.constant 64 : i32
      %add3A_199 = vector.broadcast %add3A_198 : i32 to vector<16xi32>
      %add3A_200 = arith.addi %iota3A, %add3A_199 : vector<16xi32>
      %lt3A_201 = arith.cmpi slt, %add3A_200, %add3A_157 : vector<16xi32>
      %jit3A_202 = arith.constant 0 : i32
      %broadcast_in_dim3A_203 = vector.broadcast %jit3A_202 : i32 to vector<16xi32>
      %select_n3A_204 = arith.select %lt3A_201, %get3A_71, %broadcast_in_dim3A_203 : vector<16xi1>, vector<16xi32>
      %swap3A_205 = arith.constant 0 : i32
      %swap3A_206 = arith.index_cast %swap3A_205 : i32 to index
      %swap3A_207 = arith.constant 64 : index
      %swap3A_208 = tpu.vector_load %arg7[%swap3A_206, %swap3A_207] {strides = array<i32>} : memref<4x112xi32, #tpu.memory_space<vmem>>, vector<16xi32>,
      tpu.vector_store %arg7[%swap3A_206, %swap3A_207], %select_n3A_204 {strides = array<i32>} : memref<4x112xi32, #tpu.memory_space<vmem>>, vector<16xi32>,
      %add3A_209 = arith.constant 80 : i32
      %add3A_210 = vector.broadcast %add3A_209 : i32 to vector<16xi32>
      %add3A_211 = arith.addi %iota3A, %add3A_210 : vector<16xi32>
      %lt3A_212 = arith.cmpi slt, %add3A_211, %add3A_157 : vector<16xi32>
      %jit3A_213 = arith.constant 0 : i32
      %broadcast_in_dim3A_214 = vector.broadcast %jit3A_213 : i32 to vector<16xi32>
      %select_n3A_215 = arith.select %lt3A_212, %get3A_80, %broadcast_in_dim3A_214 : vector<16xi1>, vector<16xi32>
      %swap3A_216 = arith.constant 0 : i32
      %swap3A_217 = arith.index_cast %swap3A_216 : i32 to index
      %swap3A_218 = arith.constant 80 : index
      %swap3A_219 = tpu.vector_load %arg7[%swap3A_217, %swap3A_218] {strides = array<i32>} : memref<4x112xi32, #tpu.memory_space<vmem>>, vector<16xi32>,
      tpu.vector_store %arg7[%swap3A_217, %swap3A_218], %select_n3A_215 {strides = array<i32>} : memref<4x112xi32, #tpu.memory_space<vmem>>, vector<16xi32>,
      %add3A_220 = arith.constant 96 : i32
      %add3A_221 = vector.broadcast %add3A_220 : i32 to vector<16xi32>
      %add3A_222 = arith.addi %iota3A, %add3A_221 : vector<16xi32>
      %lt3A_223 = arith.cmpi slt, %add3A_222, %add3A_157 : vector<16xi32>
      %jit3A_224 = arith.constant 0 : i32
      %broadcast_in_dim3A_225 = vector.broadcast %jit3A_224 : i32 to vector<16xi32>
      %select_n3A_226 = arith.select %lt3A_223, %get3A_89, %broadcast_in_dim3A_225 : vector<16xi1>, vector<16xi32>
      %swap3A_227 = arith.constant 0 : i32
      %swap3A_228 = arith.index_cast %swap3A_227 : i32 to index
      %swap3A_229 = arith.constant 96 : index
      %swap3A_230 = tpu.vector_load %arg7[%swap3A_228, %swap3A_229] {strides = array<i32>} : memref<4x112xi32, #tpu.memory_space<vmem>>, vector<16xi32>,
      tpu.vector_store %arg7[%swap3A_228, %swap3A_229], %select_n3A_226 {strides = array<i32>} : memref<4x112xi32, #tpu.memory_space<vmem>>, vector<16xi32>,
      %add3A_231 = arith.constant 112 : i32
      %add3A_232 = vector.broadcast %add3A_231 : i32 to vector<16xi32>
      %add3A_233 = arith.addi %iota3A, %add3A_232 : vector<16xi32>
      %lt3A_234 = arith.cmpi slt, %add3A_233, %add3A_157 : vector<16xi32>
      %jit3A_235 = arith.constant 0 : i32
      %broadcast_in_dim3A_236 = vector.broadcast %jit3A_235 : i32 to vector<16xi32>
      %select_n3A_237 = arith.select %lt3A_234, %get3A_98, %broadcast_in_dim3A_236 : vector<16xi1>, vector<16xi32>
      %swap3A_238 = arith.constant 1 : i32
      %swap3A_239 = arith.index_cast %swap3A_238 : i32 to index
      %swap3A_240 = arith.constant 0 : index
      %swap3A_241 = tpu.vector_load %arg7[%swap3A_239, %swap3A_240] {strides = array<i32>} : memref<4x112xi32, #tpu.memory_space<vmem>>, vector<16xi32>,
      tpu.vector_store %arg7[%swap3A_239, %swap3A_240], %select_n3A_237 {strides = array<i32>} : memref<4x112xi32, #tpu.memory_space<vmem>>, vector<16xi32>,
      %add3A_242 = arith.constant 128 : i32
      %add3A_243 = vector.broadcast %add3A_242 : i32 to vector<16xi32>
      %add3A_244 = arith.addi %iota3A, %add3A_243 : vector<16xi32>
      %lt3A_245 = arith.cmpi slt, %add3A_244, %add3A_157 : vector<16xi32>
      %jit3A_246 = arith.constant 0 : i32
      %broadcast_in_dim3A_247 = vector.broadcast %jit3A_246 : i32 to vector<16xi32>
      %select_n3A_248 = arith.select %lt3A_245, %get3A_107, %broadcast_in_dim3A_247 : vector<16xi1>, vector<16xi32>
      %swap3A_249 = arith.constant 1 : i32
      %swap3A_250 = arith.index_cast %swap3A_249 : i32 to index
      %swap3A_251 = arith.constant 16 : index
      %swap3A_252 = tpu.vector_load %arg7[%swap3A_250, %swap3A_251] {strides = array<i32>} : memref<4x112xi32, #tpu.memory_space<vmem>>, vector<16xi32>,
      tpu.vector_store %arg7[%swap3A_250, %swap3A_251], %select_n3A_248 {strides = array<i32>} : memref<4x112xi32, #tpu.memory_space<vmem>>, vector<16xi32>,
      %add3A_253 = arith.constant 144 : i32
      %add3A_254 = vector.broadcast %add3A_253 : i32 to vector<16xi32>
      %add3A_255 = arith.addi %iota3A, %add3A_254 : vector<16xi32>
      %lt3A_256 = arith.cmpi slt, %add3A_255, %add3A_157 : vector<16xi32>
      %jit3A_257 = arith.constant 0 : i32
      %broadcast_in_dim3A_258 = vector.broadcast %jit3A_257 : i32 to vector<16xi32>
      %select_n3A_259 = arith.select %lt3A_256, %get3A_116, %broadcast_in_dim3A_258 : vector<16xi1>, vector<16xi32>
      %swap3A_260 = arith.constant 1 : i32
      %swap3A_261 = arith.index_cast %swap3A_260 : i32 to index
      %swap3A_262 = arith.constant 32 : index
      %swap3A_263 = tpu.vector_load %arg7[%swap3A_261, %swap3A_262] {strides = array<i32>} : memref<4x112xi32, #tpu.memory_space<vmem>>, vector<16xi32>,
      tpu.vector_store %arg7[%swap3A_261, %swap3A_262], %select_n3A_259 {strides = array<i32>} : memref<4x112xi32, #tpu.memory_space<vmem>>, vector<16xi32>,
      %add3A_264 = arith.constant 160 : i32
      %add3A_265 = vector.broadcast %add3A_264 : i32 to vector<16xi32>
      %add3A_266 = arith.addi %iota3A, %add3A_265 : vector<16xi32>
      %lt3A_267 = arith.cmpi slt, %add3A_266, %add3A_157 : vector<16xi32>
      %jit3A_268 = arith.constant 0 : i32
      %broadcast_in_dim3A_269 = vector.broadcast %jit3A_268 : i32 to vector<16xi32>
      %select_n3A_270 = arith.select %lt3A_267, %get3A_125, %broadcast_in_dim3A_269 : vector<16xi1>, vector<16xi32>
      %swap3A_271 = arith.constant 1 : i32
      %swap3A_272 = arith.index_cast %swap3A_271 : i32 to index
      %swap3A_273 = arith.constant 48 : index
      %swap3A_274 = tpu.vector_load %arg7[%swap3A_272, %swap3A_273] {strides = array<i32>} : memref<4x112xi32, #tpu.memory_space<vmem>>, vector<16xi32>,
      tpu.vector_store %arg7[%swap3A_272, %swap3A_273], %select_n3A_270 {strides = array<i32>} : memref<4x112xi32, #tpu.memory_space<vmem>>, vector<16xi32>,
      %add3A_275 = arith.constant 176 : i32
      %add3A_276 = vector.broadcast %add3A_275 : i32 to vector<16xi32>
      %add3A_277 = arith.addi %iota3A, %add3A_276 : vector<16xi32>
      %lt3A_278 = arith.cmpi slt, %add3A_277, %add3A_157 : vector<16xi32>
      %jit3A_279 = arith.constant 0 : i32
      %broadcast_in_dim3A_280 = vector.broadcast %jit3A_279 : i32 to vector<16xi32>
      %select_n3A_281 = arith.select %lt3A_278, %get3A_134, %broadcast_in_dim3A_280 : vector<16xi1>, vector<16xi32>
      %swap3A_282 = arith.constant 1 : i32
      %swap3A_283 = arith.index_cast %swap3A_282 : i32 to index
      %swap3A_284 = arith.constant 64 : index
      %swap3A_285 = tpu.vector_load %arg7[%swap3A_283, %swap3A_284] {strides = array<i32>} : memref<4x112xi32, #tpu.memory_space<vmem>>, vector<16xi32>,
      tpu.vector_store %arg7[%swap3A_283, %swap3A_284], %select_n3A_281 {strides = array<i32>} : memref<4x112xi32, #tpu.memory_space<vmem>>, vector<16xi32>,
      %add3A_286 = arith.constant 192 : i32
      %add3A_287 = vector.broadcast %add3A_286 : i32 to vector<16xi32>
      %add3A_288 = arith.addi %iota3A, %add3A_287 : vector<16xi32>
      %lt3A_289 = arith.cmpi slt, %add3A_288, %add3A_157 : vector<16xi32>
      %jit3A_290 = arith.constant 0 : i32
      %broadcast_in_dim3A_291 = vector.broadcast %jit3A_290 : i32 to vector<16xi32>
      %select_n3A_292 = arith.select %lt3A_289, %get3A_143, %broadcast_in_dim3A_291 : vector<16xi1>, vector<16xi32>
      %swap3A_293 = arith.constant 1 : i32
      %swap3A_294 = arith.index_cast %swap3A_293 : i32 to index
      %swap3A_295 = arith.constant 80 : index
      %swap3A_296 = tpu.vector_load %arg7[%swap3A_294, %swap3A_295] {strides = array<i32>} : memref<4x112xi32, #tpu.memory_space<vmem>>, vector<16xi32>,
      tpu.vector_store %arg7[%swap3A_294, %swap3A_295], %select_n3A_292 {strides = array<i32>} : memref<4x112xi32, #tpu.memory_space<vmem>>, vector<16xi32>,
      %add3A_297 = arith.constant 208 : i32
      %add3A_298 = vector.broadcast %add3A_297 : i32 to vector<16xi32>
      %add3A_299 = arith.addi %iota3A, %add3A_298 : vector<16xi32>
      %lt3A_300 = arith.cmpi slt, %add3A_299, %add3A_157 : vector<16xi32>
      %jit3A_301 = arith.constant 0 : i32
      %broadcast_in_dim3A_302 = vector.broadcast %jit3A_301 : i32 to vector<16xi32>
      %select_n3A_303 = arith.select %lt3A_300, %get3A_152, %broadcast_in_dim3A_302 : vector<16xi1>, vector<16xi32>
      %swap3A_304 = arith.constant 1 : i32
      %swap3A_305 = arith.index_cast %swap3A_304 : i32 to index
      %swap3A_306 = arith.constant 96 : index
      %swap3A_307 = tpu.vector_load %arg7[%swap3A_305, %swap3A_306] {strides = array<i32>} : memref<4x112xi32, #tpu.memory_space<vmem>>, vector<16xi32>,
      tpu.vector_store %arg7[%swap3A_305, %swap3A_306], %select_n3A_303 {strides = array<i32>} : memref<4x112xi32, #tpu.memory_space<vmem>>, vector<16xi32>,
      %dma_start3A = arith.constant 0 : i32
      %dma_start3A_308 = arith.constant 0 : i32
      %dma_start3A_309 = arith.constant 0 : i32
      %dma_start3A_310 = arith.constant 0 : i32
      %dma_start3A_311 = tpu.memref_slice %arg8[%dma_start3A_308, %dma_start3A_309, %dma_start3A_310] : memref<4x112x8xf32, #tpu.memory_space<vmem>> -> memref<1x112x8xf32, #tpu.memory_space<vmem>>
      %dma_start3A_312 = tpu.memref_squeeze %dma_start3A_311 : memref<1x112x8xf32, #tpu.memory_space<vmem>> -> memref<112x8xf32, #tpu.memory_space<vmem>>
      %dma_start3A_313 = arith.constant 0 : i32
      %dma_start3A_314 = tpu.memref_slice %arg7[%dma_start3A, %dma_start3A_313] : memref<4x112xi32, #tpu.memory_space<vmem>> -> memref<1x112xi32, #tpu.memory_space<vmem>>
      %dma_start3A_315 = tpu.memref_squeeze %dma_start3A_314 : memref<1x112xi32, #tpu.memory_space<vmem>> -> memref<112xi32, #tpu.memory_space<vmem>>
      %dma_start3A_316 = arith.constant 0 : i32
      %dma_start3A_317 = arith.constant 0 : i32
      %dma_start3A_318 = tpu.memref_slice %arg13[%dma_start3A_316, %dma_start3A_317] : memref<100000x8xf32, #tpu.memory_space<vmem_shared>> -> memref<100000x8xf32, #tpu.memory_space<vmem_shared>>
      tpu.enqueue_indirect_dma source(%dma_start3A_318 : memref<100000x8xf32, #tpu.memory_space<vmem_shared>>) target(%dma_start3A_312 : memref<112x8xf32, #tpu.memory_space<vmem>>) offsets(%dma_start3A_315 : memref<112xi32, #tpu.memory_space<vmem>>) semaphore(%arg14 : memref<!tpu.dma_semaphore, #tpu.memory_space<semaphore_mem>>)
      %dma_start3A_319 = arith.constant 1 : i32
      %dma_start3A_320 = arith.constant 1 : i32
      %dma_start3A_321 = arith.constant 0 : i32
      %dma_start3A_322 = arith.constant 0 : i32
      %dma_start3A_323 = tpu.memref_slice %arg8[%dma_start3A_320, %dma_start3A_321, %dma_start3A_322] : memref<4x112x8xf32, #tpu.memory_space<vmem>> -> memref<1x112x8xf32, #tpu.memory_space<vmem>>
      %dma_start3A_324 = tpu.memref_squeeze %dma_start3A_323 : memref<1x112x8xf32, #tpu.memory_space<vmem>> -> memref<112x8xf32, #tpu.memory_space<vmem>>
      %dma_start3A_325 = arith.constant 0 : i32
      %dma_start3A_326 = tpu.memref_slice %arg7[%dma_start3A_319, %dma_start3A_325] : memref<4x112xi32, #tpu.memory_space<vmem>> -> memref<1x112xi32, #tpu.memory_space<vmem>>
      %dma_start3A_327 = tpu.memref_squeeze %dma_start3A_326 : memref<1x112xi32, #tpu.memory_space<vmem>> -> memref<112xi32, #tpu.memory_space<vmem>>
      %dma_start3A_328 = arith.constant 0 : i32
      %dma_start3A_329 = arith.constant 0 : i32
      %dma_start3A_330 = tpu.memref_slice %arg13[%dma_start3A_328, %dma_start3A_329] : memref<100000x8xf32, #tpu.memory_space<vmem_shared>> -> memref<100000x8xf32, #tpu.memory_space<vmem_shared>>
      tpu.enqueue_indirect_dma source(%dma_start3A_330 : memref<100000x8xf32, #tpu.memory_space<vmem_shared>>) target(%dma_start3A_324 : memref<112x8xf32, #tpu.memory_space<vmem>>) offsets(%dma_start3A_327 : memref<112xi32, #tpu.memory_space<vmem>>) semaphore(%arg14 : memref<!tpu.dma_semaphore, #tpu.memory_space<semaphore_mem>>)
      %add3A_331 = arith.constant 1 : i32
      %add3A_332 = arith.addi %mul3A_27, %add3A_331 : i32
      %mul3A_333 = arith.constant 256 : i32
      %mul3A_334 = arith.muli %add3A_332, %mul3A_333 : i32
      %broadcast_in_dim3A_335 = arith.constant 0 : i32
      %broadcast_in_dim3A_336 = vector.broadcast %broadcast_in_dim3A_335 : i32 to vector<16xi32>
      %add3A_337 = arith.constant 0 : i32
      %add3A_338 = arith.addi %mul3A_334, %add3A_337 : i32
      %get3A_339 = arith.index_cast %add3A_338 : i32 to index
      %get3A_340 = tpu.vector_load %arg6[%get3A_339] {strides = array<i32>} : memref<32768xi32, #tpu.memory_space<vmem>>, vector<16xi32>,
      %ne3A_341 = arith.constant 0 : i32
      %ne3A_342 = vector.broadcast %ne3A_341 : i32 to vector<16xi32>
      %ne3A_343 = arith.cmpi ne, %get3A_340, %ne3A_342 : vector<16xi32>
      %all_reduce_population_count3A_344 = tpu.all_reduce %ne3A_343 {dim = 0 : i64, kind = #tpu.reduction_kind<sum>} : vector<16xi1> -> vector<16xi32>
      %add3A_345 = arith.addi %broadcast_in_dim3A_336, %all_reduce_population_count3A_344 : vector<16xi32>
      %add3A_346 = arith.constant 16 : i32
      %add3A_347 = arith.addi %mul3A_334, %add3A_346 : i32
      %get3A_348 = arith.index_cast %add3A_347 : i32 to index
      %get3A_349 = tpu.vector_load %arg6[%get3A_348] {strides = array<i32>} : memref<32768xi32, #tpu.memory_space<vmem>>, vector<16xi32>,
      %ne3A_350 = arith.constant 0 : i32
      %ne3A_351 = vector.broadcast %ne3A_350 : i32 to vector<16xi32>
      %ne3A_352 = arith.cmpi ne, %get3A_349, %ne3A_351 : vector<16xi32>
      %all_reduce_population_count3A_353 = tpu.all_reduce %ne3A_352 {dim = 0 : i64, kind = #tpu.reduction_kind<sum>} : vector<16xi1> -> vector<16xi32>
      %add3A_354 = arith.addi %add3A_345, %all_reduce_population_count3A_353 : vector<16xi32>
      %add3A_355 = arith.constant 32 : i32
      %add3A_356 = arith.addi %mul3A_334, %add3A_355 : i32
      %get3A_357 = arith.index_cast %add3A_356 : i32 to index
      %get3A_358 = tpu.vector_load %arg6[%get3A_357] {strides = array<i32>} : memref<32768xi32, #tpu.memory_space<vmem>>, vector<16xi32>,
      %ne3A_359 = arith.constant 0 : i32
      %ne3A_360 = vector.broadcast %ne3A_359 : i32 to vector<16xi32>
      %ne3A_361 = arith.cmpi ne, %get3A_358, %ne3A_360 : vector<16xi32>
      %all_reduce_population_count3A_362 = tpu.all_reduce %ne3A_361 {dim = 0 : i64, kind = #tpu.reduction_kind<sum>} : vector<16xi1> -> vector<16xi32>
      %add3A_363 = arith.addi %add3A_354, %all_reduce_population_count3A_362 : vector<16xi32>
      %add3A_364 = arith.constant 48 : i32
      %add3A_365 = arith.addi %mul3A_334, %add3A_364 : i32
      %get3A_366 = arith.index_cast %add3A_365 : i32 to index
      %get3A_367 = tpu.vector_load %arg6[%get3A_366] {strides = array<i32>} : memref<32768xi32, #tpu.memory_space<vmem>>, vector<16xi32>,
      %ne3A_368 = arith.constant 0 : i32
      %ne3A_369 = vector.broadcast %ne3A_368 : i32 to vector<16xi32>
      %ne3A_370 = arith.cmpi ne, %get3A_367, %ne3A_369 : vector<16xi32>
      %all_reduce_population_count3A_371 = tpu.all_reduce %ne3A_370 {dim = 0 : i64, kind = #tpu.reduction_kind<sum>} : vector<16xi1> -> vector<16xi32>
      %add3A_372 = arith.addi %add3A_363, %all_reduce_population_count3A_371 : vector<16xi32>
      %add3A_373 = arith.constant 64 : i32
      %add3A_374 = arith.addi %mul3A_334, %add3A_373 : i32
      %get3A_375 = arith.index_cast %add3A_374 : i32 to index
      %get3A_376 = tpu.vector_load %arg6[%get3A_375] {strides = array<i32>} : memref<32768xi32, #tpu.memory_space<vmem>>, vector<16xi32>,
      %ne3A_377 = arith.constant 0 : i32
      %ne3A_378 = vector.broadcast %ne3A_377 : i32 to vector<16xi32>
      %ne3A_379 = arith.cmpi ne, %get3A_376, %ne3A_378 : vector<16xi32>
      %all_reduce_population_count3A_380 = tpu.all_reduce %ne3A_379 {dim = 0 : i64, kind = #tpu.reduction_kind<sum>} : vector<16xi1> -> vector<16xi32>
      %add3A_381 = arith.addi %add3A_372, %all_reduce_population_count3A_380 : vector<16xi32>
      %add3A_382 = arith.constant 80 : i32
      %add3A_383 = arith.addi %mul3A_334, %add3A_382 : i32
      %get3A_384 = arith.index_cast %add3A_383 : i32 to index
      %get3A_385 = tpu.vector_load %arg6[%get3A_384] {strides = array<i32>} : memref<32768xi32, #tpu.memory_space<vmem>>, vector<16xi32>,
      %ne3A_386 = arith.constant 0 : i32
      %ne3A_387 = vector.broadcast %ne3A_386 : i32 to vector<16xi32>
      %ne3A_388 = arith.cmpi ne, %get3A_385, %ne3A_387 : vector<16xi32>
      %all_reduce_population_count3A_389 = tpu.all_reduce %ne3A_388 {dim = 0 : i64, kind = #tpu.reduction_kind<sum>} : vector<16xi1> -> vector<16xi32>
      %add3A_390 = arith.addi %add3A_381, %all_reduce_population_count3A_389 : vector<16xi32>
      %add3A_391 = arith.constant 96 : i32
      %add3A_392 = arith.addi %mul3A_334, %add3A_391 : i32
      %get3A_393 = arith.index_cast %add3A_392 : i32 to index
      %get3A_394 = tpu.vector_load %arg6[%get3A_393] {strides = array<i32>} : memref<32768xi32, #tpu.memory_space<vmem>>, vector<16xi32>,
      %ne3A_395 = arith.constant 0 : i32
      %ne3A_396 = vector.broadcast %ne3A_395 : i32 to vector<16xi32>
      %ne3A_397 = arith.cmpi ne, %get3A_394, %ne3A_396 : vector<16xi32>
      %all_reduce_population_count3A_398 = tpu.all_reduce %ne3A_397 {dim = 0 : i64, kind = #tpu.reduction_kind<sum>} : vector<16xi1> -> vector<16xi32>
      %add3A_399 = arith.addi %add3A_390, %all_reduce_population_count3A_398 : vector<16xi32>
      %add3A_400 = arith.constant 112 : i32
      %add3A_401 = arith.addi %mul3A_334, %add3A_400 : i32
      %get3A_402 = arith.index_cast %add3A_401 : i32 to index
      %get3A_403 = tpu.vector_load %arg6[%get3A_402] {strides = array<i32>} : memref<32768xi32, #tpu.memory_space<vmem>>, vector<16xi32>,
      %ne3A_404 = arith.constant 0 : i32
      %ne3A_405 = vector.broadcast %ne3A_404 : i32 to vector<16xi32>
      %ne3A_406 = arith.cmpi ne, %get3A_403, %ne3A_405 : vector<16xi32>
      %all_reduce_population_count3A_407 = tpu.all_reduce %ne3A_406 {dim = 0 : i64, kind = #tpu.reduction_kind<sum>} : vector<16xi1> -> vector<16xi32>
      %add3A_408 = arith.addi %add3A_399, %all_reduce_population_count3A_407 : vector<16xi32>
      %add3A_409 = arith.constant 128 : i32
      %add3A_410 = arith.addi %mul3A_334, %add3A_409 : i32
      %get3A_411 = arith.index_cast %add3A_410 : i32 to index
      %get3A_412 = tpu.vector_load %arg6[%get3A_411] {strides = array<i32>} : memref<32768xi32, #tpu.memory_space<vmem>>, vector<16xi32>,
      %ne3A_413 = arith.constant 0 : i32
      %ne3A_414 = vector.broadcast %ne3A_413 : i32 to vector<16xi32>
      %ne3A_415 = arith.cmpi ne, %get3A_412, %ne3A_414 : vector<16xi32>
      %all_reduce_population_count3A_416 = tpu.all_reduce %ne3A_415 {dim = 0 : i64, kind = #tpu.reduction_kind<sum>} : vector<16xi1> -> vector<16xi32>
      %add3A_417 = arith.addi %add3A_408, %all_reduce_population_count3A_416 : vector<16xi32>
      %add3A_418 = arith.constant 144 : i32
      %add3A_419 = arith.addi %mul3A_334, %add3A_418 : i32
      %get3A_420 = arith.index_cast %add3A_419 : i32 to index
      %get3A_421 = tpu.vector_load %arg6[%get3A_420] {strides = array<i32>} : memref<32768xi32, #tpu.memory_space<vmem>>, vector<16xi32>,
      %ne3A_422 = arith.constant 0 : i32
      %ne3A_423 = vector.broadcast %ne3A_422 : i32 to vector<16xi32>
      %ne3A_424 = arith.cmpi ne, %get3A_421, %ne3A_423 : vector<16xi32>
      %all_reduce_population_count3A_425 = tpu.all_reduce %ne3A_424 {dim = 0 : i64, kind = #tpu.reduction_kind<sum>} : vector<16xi1> -> vector<16xi32>
      %add3A_426 = arith.addi %add3A_417, %all_reduce_population_count3A_425 : vector<16xi32>
      %add3A_427 = arith.constant 160 : i32
      %add3A_428 = arith.addi %mul3A_334, %add3A_427 : i32
      %get3A_429 = arith.index_cast %add3A_428 : i32 to index
      %get3A_430 = tpu.vector_load %arg6[%get3A_429] {strides = array<i32>} : memref<32768xi32, #tpu.memory_space<vmem>>, vector<16xi32>,
      %ne3A_431 = arith.constant 0 : i32
      %ne3A_432 = vector.broadcast %ne3A_431 : i32 to vector<16xi32>
      %ne3A_433 = arith.cmpi ne, %get3A_430, %ne3A_432 : vector<16xi32>
      %all_reduce_population_count3A_434 = tpu.all_reduce %ne3A_433 {dim = 0 : i64, kind = #tpu.reduction_kind<sum>} : vector<16xi1> -> vector<16xi32>
      %add3A_435 = arith.addi %add3A_426, %all_reduce_population_count3A_434 : vector<16xi32>
      %add3A_436 = arith.constant 176 : i32
      %add3A_437 = arith.addi %mul3A_334, %add3A_436 : i32
      %get3A_438 = arith.index_cast %add3A_437 : i32 to index
      %get3A_439 = tpu.vector_load %arg6[%get3A_438] {strides = array<i32>} : memref<32768xi32, #tpu.memory_space<vmem>>, vector<16xi32>,
      %ne3A_440 = arith.constant 0 : i32
      %ne3A_441 = vector.broadcast %ne3A_440 : i32 to vector<16xi32>
      %ne3A_442 = arith.cmpi ne, %get3A_439, %ne3A_441 : vector<16xi32>
      %all_reduce_population_count3A_443 = tpu.all_reduce %ne3A_442 {dim = 0 : i64, kind = #tpu.reduction_kind<sum>} : vector<16xi1> -> vector<16xi32>
      %add3A_444 = arith.addi %add3A_435, %all_reduce_population_count3A_443 : vector<16xi32>
      %add3A_445 = arith.constant 192 : i32
      %add3A_446 = arith.addi %mul3A_334, %add3A_445 : i32
      %get3A_447 = arith.index_cast %add3A_446 : i32 to index
      %get3A_448 = tpu.vector_load %arg6[%get3A_447] {strides = array<i32>} : memref<32768xi32, #tpu.memory_space<vmem>>, vector<16xi32>,
      %ne3A_449 = arith.constant 0 : i32
      %ne3A_450 = vector.broadcast %ne3A_449 : i32 to vector<16xi32>
      %ne3A_451 = arith.cmpi ne, %get3A_448, %ne3A_450 : vector<16xi32>
      %all_reduce_population_count3A_452 = tpu.all_reduce %ne3A_451 {dim = 0 : i64, kind = #tpu.reduction_kind<sum>} : vector<16xi1> -> vector<16xi32>
      %add3A_453 = arith.addi %add3A_444, %all_reduce_population_count3A_452 : vector<16xi32>
      %add3A_454 = arith.constant 208 : i32
      %add3A_455 = arith.addi %mul3A_334, %add3A_454 : i32
      %get3A_456 = arith.index_cast %add3A_455 : i32 to index
      %get3A_457 = tpu.vector_load %arg6[%get3A_456] {strides = array<i32>} : memref<32768xi32, #tpu.memory_space<vmem>>, vector<16xi32>,
      %ne3A_458 = arith.constant 0 : i32
      %ne3A_459 = vector.broadcast %ne3A_458 : i32 to vector<16xi32>
      %ne3A_460 = arith.cmpi ne, %get3A_457, %ne3A_459 : vector<16xi32>
      %all_reduce_population_count3A_461 = tpu.all_reduce %ne3A_460 {dim = 0 : i64, kind = #tpu.reduction_kind<sum>} : vector<16xi1> -> vector<16xi32>
      %add3A_462 = arith.addi %add3A_453, %all_reduce_population_count3A_461 : vector<16xi32>
      %add3A_463 = arith.constant 0 : i32
      %add3A_464 = vector.broadcast %add3A_463 : i32 to vector<16xi32>
      %add3A_465 = arith.addi %iota3A, %add3A_464 : vector<16xi32>
      %lt3A_466 = arith.cmpi slt, %add3A_465, %add3A_462 : vector<16xi32>
      %jit3A_467 = arith.constant 0 : i32
      %broadcast_in_dim3A_468 = vector.broadcast %jit3A_467 : i32 to vector<16xi32>
      %select_n3A_469 = arith.select %lt3A_466, %get3A_340, %broadcast_in_dim3A_468 : vector<16xi1>, vector<16xi32>
      %swap3A_470 = arith.constant 2 : i32
      %swap3A_471 = arith.index_cast %swap3A_470 : i32 to index
      %swap3A_472 = arith.constant 0 : index
      %swap3A_473 = tpu.vector_load %arg7[%swap3A_471, %swap3A_472] {strides = array<i32>} : memref<4x112xi32, #tpu.memory_space<vmem>>, vector<16xi32>,
      tpu.vector_store %arg7[%swap3A_471, %swap3A_472], %select_n3A_469 {strides = array<i32>} : memref<4x112xi32, #tpu.memory_space<vmem>>, vector<16xi32>,
      %add3A_474 = arith.constant 16 : i32
      %add3A_475 = vector.broadcast %add3A_474 : i32 to vector<16xi32>
      %add3A_476 = arith.addi %iota3A, %add3A_475 : vector<16xi32>
      %lt3A_477 = arith.cmpi slt, %add3A_476, %add3A_462 : vector<16xi32>
      %jit3A_478 = arith.constant 0 : i32
      %broadcast_in_dim3A_479 = vector.broadcast %jit3A_478 : i32 to vector<16xi32>
      %select_n3A_480 = arith.select %lt3A_477, %get3A_349, %broadcast_in_dim3A_479 : vector<16xi1>, vector<16xi32>
      %swap3A_481 = arith.constant 2 : i32
      %swap3A_482 = arith.index_cast %swap3A_481 : i32 to index
      %swap3A_483 = arith.constant 16 : index
      %swap3A_484 = tpu.vector_load %arg7[%swap3A_482, %swap3A_483] {strides = array<i32>} : memref<4x112xi32, #tpu.memory_space<vmem>>, vector<16xi32>,
      tpu.vector_store %arg7[%swap3A_482, %swap3A_483], %select_n3A_480 {strides = array<i32>} : memref<4x112xi32, #tpu.memory_space<vmem>>, vector<16xi32>,
      %add3A_485 = arith.constant 32 : i32
      %add3A_486 = vector.broadcast %add3A_485 : i32 to vector<16xi32>
      %add3A_487 = arith.addi %iota3A, %add3A_486 : vector<16xi32>
      %lt3A_488 = arith.cmpi slt, %add3A_487, %add3A_462 : vector<16xi32>
      %jit3A_489 = arith.constant 0 : i32
      %broadcast_in_dim3A_490 = vector.broadcast %jit3A_489 : i32 to vector<16xi32>
      %select_n3A_491 = arith.select %lt3A_488, %get3A_358, %broadcast_in_dim3A_490 : vector<16xi1>, vector<16xi32>
      %swap3A_492 = arith.constant 2 : i32
      %swap3A_493 = arith.index_cast %swap3A_492 : i32 to index
      %swap3A_494 = arith.constant 32 : index
      %swap3A_495 = tpu.vector_load %arg7[%swap3A_493, %swap3A_494] {strides = array<i32>} : memref<4x112xi32, #tpu.memory_space<vmem>>, vector<16xi32>,
      tpu.vector_store %arg7[%swap3A_493, %swap3A_494], %select_n3A_491 {strides = array<i32>} : memref<4x112xi32, #tpu.memory_space<vmem>>, vector<16xi32>,
      %add3A_496 = arith.constant 48 : i32
      %add3A_497 = vector.broadcast %add3A_496 : i32 to vector<16xi32>
      %add3A_498 = arith.addi %iota3A, %add3A_497 : vector<16xi32>
      %lt3A_499 = arith.cmpi slt, %add3A_498, %add3A_462 : vector<16xi32>
      %jit3A_500 = arith.constant 0 : i32
      %broadcast_in_dim3A_501 = vector.broadcast %jit3A_500 : i32 to vector<16xi32>
      %select_n3A_502 = arith.select %lt3A_499, %get3A_367, %broadcast_in_dim3A_501 : vector<16xi1>, vector<16xi32>
      %swap3A_503 = arith.constant 2 : i32
      %swap3A_504 = arith.index_cast %swap3A_503 : i32 to index
      %swap3A_505 = arith.constant 48 : index
      %swap3A_506 = tpu.vector_load %arg7[%swap3A_504, %swap3A_505] {strides = array<i32>} : memref<4x112xi32, #tpu.memory_space<vmem>>, vector<16xi32>,
      tpu.vector_store %arg7[%swap3A_504, %swap3A_505], %select_n3A_502 {strides = array<i32>} : memref<4x112xi32, #tpu.memory_space<vmem>>, vector<16xi32>,
      %add3A_507 = arith.constant 64 : i32
      %add3A_508 = vector.broadcast %add3A_507 : i32 to vector<16xi32>
      %add3A_509 = arith.addi %iota3A, %add3A_508 : vector<16xi32>
      %lt3A_510 = arith.cmpi slt, %add3A_509, %add3A_462 : vector<16xi32>
      %jit3A_511 = arith.constant 0 : i32
      %broadcast_in_dim3A_512 = vector.broadcast %jit3A_511 : i32 to vector<16xi32>
      %select_n3A_513 = arith.select %lt3A_510, %get3A_376, %broadcast_in_dim3A_512 : vector<16xi1>, vector<16xi32>
      %swap3A_514 = arith.constant 2 : i32
      %swap3A_515 = arith.index_cast %swap3A_514 : i32 to index
      %swap3A_516 = arith.constant 64 : index
      %swap3A_517 = tpu.vector_load %arg7[%swap3A_515, %swap3A_516] {strides = array<i32>} : memref<4x112xi32, #tpu.memory_space<vmem>>, vector<16xi32>,
      tpu.vector_store %arg7[%swap3A_515, %swap3A_516], %select_n3A_513 {strides = array<i32>} : memref<4x112xi32, #tpu.memory_space<vmem>>, vector<16xi32>,
      %add3A_518 = arith.constant 80 : i32
      %add3A_519 = vector.broadcast %add3A_518 : i32 to vector<16xi32>
      %add3A_520 = arith.addi %iota3A, %add3A_519 : vector<16xi32>
      %lt3A_521 = arith.cmpi slt, %add3A_520, %add3A_462 : vector<16xi32>
      %jit3A_522 = arith.constant 0 : i32
      %broadcast_in_dim3A_523 = vector.broadcast %jit3A_522 : i32 to vector<16xi32>
      %select_n3A_524 = arith.select %lt3A_521, %get3A_385, %broadcast_in_dim3A_523 : vector<16xi1>, vector<16xi32>
      %swap3A_525 = arith.constant 2 : i32
      %swap3A_526 = arith.index_cast %swap3A_525 : i32 to index
      %swap3A_527 = arith.constant 80 : index
      %swap3A_528 = tpu.vector_load %arg7[%swap3A_526, %swap3A_527] {strides = array<i32>} : memref<4x112xi32, #tpu.memory_space<vmem>>, vector<16xi32>,
      tpu.vector_store %arg7[%swap3A_526, %swap3A_527], %select_n3A_524 {strides = array<i32>} : memref<4x112xi32, #tpu.memory_space<vmem>>, vector<16xi32>,
      %add3A_529 = arith.constant 96 : i32
      %add3A_530 = vector.broadcast %add3A_529 : i32 to vector<16xi32>
      %add3A_531 = arith.addi %iota3A, %add3A_530 : vector<16xi32>
      %lt3A_532 = arith.cmpi slt, %add3A_531, %add3A_462 : vector<16xi32>
      %jit3A_533 = arith.constant 0 : i32
      %broadcast_in_dim3A_534 = vector.broadcast %jit3A_533 : i32 to vector<16xi32>
      %select_n3A_535 = arith.select %lt3A_532, %get3A_394, %broadcast_in_dim3A_534 : vector<16xi1>, vector<16xi32>
      %swap3A_536 = arith.constant 2 : i32
      %swap3A_537 = arith.index_cast %swap3A_536 : i32 to index
      %swap3A_538 = arith.constant 96 : index
      %swap3A_539 = tpu.vector_load %arg7[%swap3A_537, %swap3A_538] {strides = array<i32>} : memref<4x112xi32, #tpu.memory_space<vmem>>, vector<16xi32>,
      tpu.vector_store %arg7[%swap3A_537, %swap3A_538], %select_n3A_535 {strides = array<i32>} : memref<4x112xi32, #tpu.memory_space<vmem>>, vector<16xi32>,
      %add3A_540 = arith.constant 112 : i32
      %add3A_541 = vector.broadcast %add3A_540 : i32 to vector<16xi32>
      %add3A_542 = arith.addi %iota3A, %add3A_541 : vector<16xi32>
      %lt3A_543 = arith.cmpi slt, %add3A_542, %add3A_462 : vector<16xi32>
      %jit3A_544 = arith.constant 0 : i32
      %broadcast_in_dim3A_545 = vector.broadcast %jit3A_544 : i32 to vector<16xi32>
      %select_n3A_546 = arith.select %lt3A_543, %get3A_403, %broadcast_in_dim3A_545 : vector<16xi1>, vector<16xi32>
      %swap3A_547 = arith.constant 3 : i32
      %swap3A_548 = arith.index_cast %swap3A_547 : i32 to index
      %swap3A_549 = arith.constant 0 : index
      %swap3A_550 = tpu.vector_load %arg7[%swap3A_548, %swap3A_549] {strides = array<i32>} : memref<4x112xi32, #tpu.memory_space<vmem>>, vector<16xi32>,
      tpu.vector_store %arg7[%swap3A_548, %swap3A_549], %select_n3A_546 {strides = array<i32>} : memref<4x112xi32, #tpu.memory_space<vmem>>, vector<16xi32>,
      %add3A_551 = arith.constant 128 : i32
      %add3A_552 = vector.broadcast %add3A_551 : i32 to vector<16xi32>
      %add3A_553 = arith.addi %iota3A, %add3A_552 : vector<16xi32>
      %lt3A_554 = arith.cmpi slt, %add3A_553, %add3A_462 : vector<16xi32>
      %jit3A_555 = arith.constant 0 : i32
      %broadcast_in_dim3A_556 = vector.broadcast %jit3A_555 : i32 to vector<16xi32>
      %select_n3A_557 = arith.select %lt3A_554, %get3A_412, %broadcast_in_dim3A_556 : vector<16xi1>, vector<16xi32>
      %swap3A_558 = arith.constant 3 : i32
      %swap3A_559 = arith.index_cast %swap3A_558 : i32 to index
      %swap3A_560 = arith.constant 16 : index
      %swap3A_561 = tpu.vector_load %arg7[%swap3A_559, %swap3A_560] {strides = array<i32>} : memref<4x112xi32, #tpu.memory_space<vmem>>, vector<16xi32>,
      tpu.vector_store %arg7[%swap3A_559, %swap3A_560], %select_n3A_557 {strides = array<i32>} : memref<4x112xi32, #tpu.memory_space<vmem>>, vector<16xi32>,
      %add3A_562 = arith.constant 144 : i32
      %add3A_563 = vector.broadcast %add3A_562 : i32 to vector<16xi32>
      %add3A_564 = arith.addi %iota3A, %add3A_563 : vector<16xi32>
      %lt3A_565 = arith.cmpi slt, %add3A_564, %add3A_462 : vector<16xi32>
      %jit3A_566 = arith.constant 0 : i32
      %broadcast_in_dim3A_567 = vector.broadcast %jit3A_566 : i32 to vector<16xi32>
      %select_n3A_568 = arith.select %lt3A_565, %get3A_421, %broadcast_in_dim3A_567 : vector<16xi1>, vector<16xi32>
      %swap3A_569 = arith.constant 3 : i32
      %swap3A_570 = arith.index_cast %swap3A_569 : i32 to index
      %swap3A_571 = arith.constant 32 : index
      %swap3A_572 = tpu.vector_load %arg7[%swap3A_570, %swap3A_571] {strides = array<i32>} : memref<4x112xi32, #tpu.memory_space<vmem>>, vector<16xi32>,
      tpu.vector_store %arg7[%swap3A_570, %swap3A_571], %select_n3A_568 {strides = array<i32>} : memref<4x112xi32, #tpu.memory_space<vmem>>, vector<16xi32>,
      %add3A_573 = arith.constant 160 : i32
      %add3A_574 = vector.broadcast %add3A_573 : i32 to vector<16xi32>
      %add3A_575 = arith.addi %iota3A, %add3A_574 : vector<16xi32>
      %lt3A_576 = arith.cmpi slt, %add3A_575, %add3A_462 : vector<16xi32>
      %jit3A_577 = arith.constant 0 : i32
      %broadcast_in_dim3A_578 = vector.broadcast %jit3A_577 : i32 to vector<16xi32>
      %select_n3A_579 = arith.select %lt3A_576, %get3A_430, %broadcast_in_dim3A_578 : vector<16xi1>, vector<16xi32>
      %swap3A_580 = arith.constant 3 : i32
      %swap3A_581 = arith.index_cast %swap3A_580 : i32 to index
      %swap3A_582 = arith.constant 48 : index
      %swap3A_583 = tpu.vector_load %arg7[%swap3A_581, %swap3A_582] {strides = array<i32>} : memref<4x112xi32, #tpu.memory_space<vmem>>, vector<16xi32>,
      tpu.vector_store %arg7[%swap3A_581, %swap3A_582], %select_n3A_579 {strides = array<i32>} : memref<4x112xi32, #tpu.memory_space<vmem>>, vector<16xi32>,
      %add3A_584 = arith.constant 176 : i32
      %add3A_585 = vector.broadcast %add3A_584 : i32 to vector<16xi32>
      %add3A_586 = arith.addi %iota3A, %add3A_585 : vector<16xi32>
      %lt3A_587 = arith.cmpi slt, %add3A_586, %add3A_462 : vector<16xi32>
      %jit3A_588 = arith.constant 0 : i32
      %broadcast_in_dim3A_589 = vector.broadcast %jit3A_588 : i32 to vector<16xi32>
      %select_n3A_590 = arith.select %lt3A_587, %get3A_439, %broadcast_in_dim3A_589 : vector<16xi1>, vector<16xi32>
      %swap3A_591 = arith.constant 3 : i32
      %swap3A_592 = arith.index_cast %swap3A_591 : i32 to index
      %swap3A_593 = arith.constant 64 : index
      %swap3A_594 = tpu.vector_load %arg7[%swap3A_592, %swap3A_593] {strides = array<i32>} : memref<4x112xi32, #tpu.memory_space<vmem>>, vector<16xi32>,
      tpu.vector_store %arg7[%swap3A_592, %swap3A_593], %select_n3A_590 {strides = array<i32>} : memref<4x112xi32, #tpu.memory_space<vmem>>, vector<16xi32>,
      %add3A_595 = arith.constant 192 : i32
      %add3A_596 = vector.broadcast %add3A_595 : i32 to vector<16xi32>
      %add3A_597 = arith.addi %iota3A, %add3A_596 : vector<16xi32>
      %lt3A_598 = arith.cmpi slt, %add3A_597, %add3A_462 : vector<16xi32>
      %jit3A_599 = arith.constant 0 : i32
      %broadcast_in_dim3A_600 = vector.broadcast %jit3A_599 : i32 to vector<16xi32>
      %select_n3A_601 = arith.select %lt3A_598, %get3A_448, %broadcast_in_dim3A_600 : vector<16xi1>, vector<16xi32>
      %swap3A_602 = arith.constant 3 : i32
      %swap3A_603 = arith.index_cast %swap3A_602 : i32 to index
      %swap3A_604 = arith.constant 80 : index
      %swap3A_605 = tpu.vector_load %arg7[%swap3A_603, %swap3A_604] {strides = array<i32>} : memref<4x112xi32, #tpu.memory_space<vmem>>, vector<16xi32>,
      tpu.vector_store %arg7[%swap3A_603, %swap3A_604], %select_n3A_601 {strides = array<i32>} : memref<4x112xi32, #tpu.memory_space<vmem>>, vector<16xi32>,
      %add3A_606 = arith.constant 208 : i32
      %add3A_607 = vector.broadcast %add3A_606 : i32 to vector<16xi32>
      %add3A_608 = arith.addi %iota3A, %add3A_607 : vector<16xi32>
      %lt3A_609 = arith.cmpi slt, %add3A_608, %add3A_462 : vector<16xi32>
      %jit3A_610 = arith.constant 0 : i32
      %broadcast_in_dim3A_611 = vector.broadcast %jit3A_610 : i32 to vector<16xi32>
      %select_n3A_612 = arith.select %lt3A_609, %get3A_457, %broadcast_in_dim3A_611 : vector<16xi1>, vector<16xi32>
      %swap3A_613 = arith.constant 3 : i32
      %swap3A_614 = arith.index_cast %swap3A_613 : i32 to index
      %swap3A_615 = arith.constant 96 : index
      %swap3A_616 = tpu.vector_load %arg7[%swap3A_614, %swap3A_615] {strides = array<i32>} : memref<4x112xi32, #tpu.memory_space<vmem>>, vector<16xi32>,
      tpu.vector_store %arg7[%swap3A_614, %swap3A_615], %select_n3A_612 {strides = array<i32>} : memref<4x112xi32, #tpu.memory_space<vmem>>, vector<16xi32>,
      %dma_start3A_617 = arith.constant 2 : i32
      %dma_start3A_618 = arith.constant 2 : i32
      %dma_start3A_619 = arith.constant 0 : i32
      %dma_start3A_620 = arith.constant 0 : i32
      %dma_start3A_621 = tpu.memref_slice %arg8[%dma_start3A_618, %dma_start3A_619, %dma_start3A_620] : memref<4x112x8xf32, #tpu.memory_space<vmem>> -> memref<1x112x8xf32, #tpu.memory_space<vmem>>
      %dma_start3A_622 = tpu.memref_squeeze %dma_start3A_621 : memref<1x112x8xf32, #tpu.memory_space<vmem>> -> memref<112x8xf32, #tpu.memory_space<vmem>>
      %dma_start3A_623 = arith.constant 0 : i32
      %dma_start3A_624 = tpu.memref_slice %arg7[%dma_start3A_617, %dma_start3A_623] : memref<4x112xi32, #tpu.memory_space<vmem>> -> memref<1x112xi32, #tpu.memory_space<vmem>>
      %dma_start3A_625 = tpu.memref_squeeze %dma_start3A_624 : memref<1x112xi32, #tpu.memory_space<vmem>> -> memref<112xi32, #tpu.memory_space<vmem>>
      %dma_start3A_626 = arith.constant 0 : i32
      %dma_start3A_627 = arith.constant 0 : i32
      %dma_start3A_628 = tpu.memref_slice %arg13[%dma_start3A_626, %dma_start3A_627] : memref<100000x8xf32, #tpu.memory_space<vmem_shared>> -> memref<100000x8xf32, #tpu.memory_space<vmem_shared>>
      tpu.enqueue_indirect_dma source(%dma_start3A_628 : memref<100000x8xf32, #tpu.memory_space<vmem_shared>>) target(%dma_start3A_622 : memref<112x8xf32, #tpu.memory_space<vmem>>) offsets(%dma_start3A_625 : memref<112xi32, #tpu.memory_space<vmem>>) semaphore(%arg14 : memref<!tpu.dma_semaphore, #tpu.memory_space<semaphore_mem>>)
      %dma_start3A_629 = arith.constant 3 : i32
      %dma_start3A_630 = arith.constant 3 : i32
      %dma_start3A_631 = arith.constant 0 : i32
      %dma_start3A_632 = arith.constant 0 : i32
      %dma_start3A_633 = tpu.memref_slice %arg8[%dma_start3A_630, %dma_start3A_631, %dma_start3A_632] : memref<4x112x8xf32, #tpu.memory_space<vmem>> -> memref<1x112x8xf32, #tpu.memory_space<vmem>>
      %dma_start3A_634 = tpu.memref_squeeze %dma_start3A_633 : memref<1x112x8xf32, #tpu.memory_space<vmem>> -> memref<112x8xf32, #tpu.memory_space<vmem>>
      %dma_start3A_635 = arith.constant 0 : i32
      %dma_start3A_636 = tpu.memref_slice %arg7[%dma_start3A_629, %dma_start3A_635] : memref<4x112xi32, #tpu.memory_space<vmem>> -> memref<1x112xi32, #tpu.memory_space<vmem>>
      %dma_start3A_637 = tpu.memref_squeeze %dma_start3A_636 : memref<1x112xi32, #tpu.memory_space<vmem>> -> memref<112xi32, #tpu.memory_space<vmem>>
      %dma_start3A_638 = arith.constant 0 : i32
      %dma_start3A_639 = arith.constant 0 : i32
      %dma_start3A_640 = tpu.memref_slice %arg13[%dma_start3A_638, %dma_start3A_639] : memref<100000x8xf32, #tpu.memory_space<vmem_shared>> -> memref<100000x8xf32, #tpu.memory_space<vmem_shared>>
      tpu.enqueue_indirect_dma source(%dma_start3A_640 : memref<100000x8xf32, #tpu.memory_space<vmem_shared>>) target(%dma_start3A_634 : memref<112x8xf32, #tpu.memory_space<vmem>>) offsets(%dma_start3A_637 : memref<112xi32, #tpu.memory_space<vmem>>) semaphore(%arg14 : memref<!tpu.dma_semaphore, #tpu.memory_space<semaphore_mem>>)
      %dma_wait3A = arith.constant 0 : i32
      %dma_wait3A_641 = arith.constant 0 : i32
      %dma_wait3A_642 = arith.constant 0 : i32
      %dma_wait3A_643 = arith.constant 0 : i32
      %dma_wait3A_644 = tpu.memref_slice %arg8[%dma_wait3A_641, %dma_wait3A_642, %dma_wait3A_643] : memref<4x112x8xf32, #tpu.memory_space<vmem>> -> memref<1x112x8xf32, #tpu.memory_space<vmem>>
      %dma_wait3A_645 = tpu.memref_squeeze %dma_wait3A_644 : memref<1x112x8xf32, #tpu.memory_space<vmem>> -> memref<112x8xf32, #tpu.memory_space<vmem>>
      %dma_wait3A_646 = arith.constant 0 : i32
      %dma_wait3A_647 = tpu.memref_slice %arg7[%dma_wait3A, %dma_wait3A_646] : memref<4x112xi32, #tpu.memory_space<vmem>> -> memref<1x112xi32, #tpu.memory_space<vmem>>
      %dma_wait3A_648 = tpu.memref_squeeze %dma_wait3A_647 : memref<1x112xi32, #tpu.memory_space<vmem>> -> memref<112xi32, #tpu.memory_space<vmem>>
      %dma_wait3A_649 = arith.constant 0 : i32
      %dma_wait3A_650 = arith.constant 0 : i32
      %dma_wait3A_651 = tpu.memref_slice %arg13[%dma_wait3A_649, %dma_wait3A_650] : memref<100000x8xf32, #tpu.memory_space<vmem_shared>> -> memref<100000x8xf32, #tpu.memory_space<vmem_shared>>
      tpu.wait_indirect_dma semaphore(%arg14 : memref<!tpu.dma_semaphore, #tpu.memory_space<semaphore_mem>>) src(%dma_wait3A_651 : memref<100000x8xf32, #tpu.memory_space<vmem_shared>>) dst(%dma_wait3A_645 : memref<112x8xf32, #tpu.memory_space<vmem>>)
      %dma_wait3A_652 = arith.constant 1 : i32
      %dma_wait3A_653 = arith.constant 1 : i32
      %dma_wait3A_654 = arith.constant 0 : i32
      %dma_wait3A_655 = arith.constant 0 : i32
      %dma_wait3A_656 = tpu.memref_slice %arg8[%dma_wait3A_653, %dma_wait3A_654, %dma_wait3A_655] : memref<4x112x8xf32, #tpu.memory_space<vmem>> -> memref<1x112x8xf32, #tpu.memory_space<vmem>>
      %dma_wait3A_657 = tpu.memref_squeeze %dma_wait3A_656 : memref<1x112x8xf32, #tpu.memory_space<vmem>> -> memref<112x8xf32, #tpu.memory_space<vmem>>
      %dma_wait3A_658 = arith.constant 0 : i32
      %dma_wait3A_659 = tpu.memref_slice %arg7[%dma_wait3A_652, %dma_wait3A_658] : memref<4x112xi32, #tpu.memory_space<vmem>> -> memref<1x112xi32, #tpu.memory_space<vmem>>
      %dma_wait3A_660 = tpu.memref_squeeze %dma_wait3A_659 : memref<1x112xi32, #tpu.memory_space<vmem>> -> memref<112xi32, #tpu.memory_space<vmem>>
      %dma_wait3A_661 = arith.constant 0 : i32
      %dma_wait3A_662 = arith.constant 0 : i32
      %dma_wait3A_663 = tpu.memref_slice %arg13[%dma_wait3A_661, %dma_wait3A_662] : memref<100000x8xf32, #tpu.memory_space<vmem_shared>> -> memref<100000x8xf32, #tpu.memory_space<vmem_shared>>
      tpu.wait_indirect_dma semaphore(%arg14 : memref<!tpu.dma_semaphore, #tpu.memory_space<semaphore_mem>>) src(%dma_wait3A_663 : memref<100000x8xf32, #tpu.memory_space<vmem_shared>>) dst(%dma_wait3A_657 : memref<112x8xf32, #tpu.memory_space<vmem>>)
      %broadcast_in_dim3A_664 = arith.constant 0.000000e+00 : f32
      %broadcast_in_dim3A_665 = vector.broadcast %broadcast_in_dim3A_664 : f32 to vector<16xf32>
      %broadcast_in_dim3A_666 = arith.constant 0.000000e+00 : f32
      %broadcast_in_dim3A_667 = vector.broadcast %broadcast_in_dim3A_666 : f32 to vector<16xf32>
      %broadcast_in_dim3A_668 = arith.constant 0.000000e+00 : f32
      %broadcast_in_dim3A_669 = vector.broadcast %broadcast_in_dim3A_668 : f32 to vector<16xf32>
      %broadcast_in_dim3A_670 = arith.constant 0.000000e+00 : f32
      %broadcast_in_dim3A_671 = vector.broadcast %broadcast_in_dim3A_670 : f32 to vector<16xf32>
      %add3A_672 = arith.constant 0 : i32
      %add3A_673 = vector.broadcast %add3A_672 : i32 to vector<16xi32>
      %add3A_674 = arith.addi %shift_right_logical3A_13, %add3A_673 : vector<16xi32>
      %gather3A_675 = arith.constant 0 : i32
      %gather3A_676 = arith.constant 0 : i32
      %gather3A_677 = arith.constant 0 : i32
      %gather3A_678 = tpu.memref_slice %arg8[%gather3A_675, %gather3A_676, %gather3A_677] : memref<4x112x8xf32, #tpu.memory_space<vmem>> -> memref<1x112x8xf32, #tpu.memory_space<vmem>>
      %gather3A_679 = tpu.memref_squeeze %gather3A_678 : memref<1x112x8xf32, #tpu.memory_space<vmem>> -> memref<112x8xf32, #tpu.memory_space<vmem>>
      %gather3A_680 = tpu.vector_load_idx %gather3A_679[%add3A_674, %and3A_11] : memref<112x8xf32, #tpu.memory_space<vmem>>[vector<16xi32>, vector<16xi32>], vector<16xf32>,
      %add3A_681 = arith.addf %broadcast_in_dim3A_665, %gather3A_680 : vector<16xf32>
      %add3A_682 = arith.constant 2 : i32
      %add3A_683 = vector.broadcast %add3A_682 : i32 to vector<16xi32>
      %add3A_684 = arith.addi %shift_right_logical3A_13, %add3A_683 : vector<16xi32>
      %gather3A_685 = arith.constant 0 : i32
      %gather3A_686 = arith.constant 0 : i32
      %gather3A_687 = arith.constant 0 : i32
      %gather3A_688 = tpu.memref_slice %arg8[%gather3A_685, %gather3A_686, %gather3A_687] : memref<4x112x8xf32, #tpu.memory_space<vmem>> -> memref<1x112x8xf32, #tpu.memory_space<vmem>>
      %gather3A_689 = tpu.memref_squeeze %gather3A_688 : memref<1x112x8xf32, #tpu.memory_space<vmem>> -> memref<112x8xf32, #tpu.memory_space<vmem>>
      %gather3A_690 = tpu.vector_load_idx %gather3A_689[%add3A_684, %and3A_11] : memref<112x8xf32, #tpu.memory_space<vmem>>[vector<16xi32>, vector<16xi32>], vector<16xf32>,
      %add3A_691 = arith.addf %broadcast_in_dim3A_667, %gather3A_690 : vector<16xf32>
      %add3A_692 = arith.constant 4 : i32
      %add3A_693 = vector.broadcast %add3A_692 : i32 to vector<16xi32>
      %add3A_694 = arith.addi %shift_right_logical3A_13, %add3A_693 : vector<16xi32>
      %gather3A_695 = arith.constant 0 : i32
      %gather3A_696 = arith.constant 0 : i32
      %gather3A_697 = arith.constant 0 : i32
      %gather3A_698 = tpu.memref_slice %arg8[%gather3A_695, %gather3A_696, %gather3A_697] : memref<4x112x8xf32, #tpu.memory_space<vmem>> -> memref<1x112x8xf32, #tpu.memory_space<vmem>>
      %gather3A_699 = tpu.memref_squeeze %gather3A_698 : memref<1x112x8xf32, #tpu.memory_space<vmem>> -> memref<112x8xf32, #tpu.memory_space<vmem>>
      %gather3A_700 = tpu.vector_load_idx %gather3A_699[%add3A_694, %and3A_11] : memref<112x8xf32, #tpu.memory_space<vmem>>[vector<16xi32>, vector<16xi32>], vector<16xf32>,
      %add3A_701 = arith.addf %broadcast_in_dim3A_669, %gather3A_700 : vector<16xf32>
      %add3A_702 = arith.constant 6 : i32
      %add3A_703 = vector.broadcast %add3A_702 : i32 to vector<16xi32>
      %add3A_704 = arith.addi %shift_right_logical3A_13, %add3A_703 : vector<16xi32>
      %gather3A_705 = arith.constant 0 : i32
      %gather3A_706 = arith.constant 0 : i32
      %gather3A_707 = arith.constant 0 : i32
      %gather3A_708 = tpu.memref_slice %arg8[%gather3A_705, %gather3A_706, %gather3A_707] : memref<4x112x8xf32, #tpu.memory_space<vmem>> -> memref<1x112x8xf32, #tpu.memory_space<vmem>>
      %gather3A_709 = tpu.memref_squeeze %gather3A_708 : memref<1x112x8xf32, #tpu.memory_space<vmem>> -> memref<112x8xf32, #tpu.memory_space<vmem>>
      %gather3A_710 = tpu.vector_load_idx %gather3A_709[%add3A_704, %and3A_11] : memref<112x8xf32, #tpu.memory_space<vmem>>[vector<16xi32>, vector<16xi32>], vector<16xf32>,
      %add3A_711 = arith.addf %broadcast_in_dim3A_671, %gather3A_710 : vector<16xf32>
      %add3A_712 = arith.constant 8 : i32
      %add3A_713 = vector.broadcast %add3A_712 : i32 to vector<16xi32>
      %add3A_714 = arith.addi %shift_right_logical3A_13, %add3A_713 : vector<16xi32>
      %gather3A_715 = arith.constant 0 : i32
      %gather3A_716 = arith.constant 0 : i32
      %gather3A_717 = arith.constant 0 : i32
      %gather3A_718 = tpu.memref_slice %arg8[%gather3A_715, %gather3A_716, %gather3A_717] : memref<4x112x8xf32, #tpu.memory_space<vmem>> -> memref<1x112x8xf32, #tpu.memory_space<vmem>>
      %gather3A_719 = tpu.memref_squeeze %gather3A_718 : memref<1x112x8xf32, #tpu.memory_space<vmem>> -> memref<112x8xf32, #tpu.memory_space<vmem>>
      %gather3A_720 = tpu.vector_load_idx %gather3A_719[%add3A_714, %and3A_11] : memref<112x8xf32, #tpu.memory_space<vmem>>[vector<16xi32>, vector<16xi32>], vector<16xf32>,
      %add3A_721 = arith.addf %add3A_681, %gather3A_720 : vector<16xf32>
      %add3A_722 = arith.constant 10 : i32
      %add3A_723 = vector.broadcast %add3A_722 : i32 to vector<16xi32>
      %add3A_724 = arith.addi %shift_right_logical3A_13, %add3A_723 : vector<16xi32>
      %gather3A_725 = arith.constant 0 : i32
      %gather3A_726 = arith.constant 0 : i32
      %gather3A_727 = arith.constant 0 : i32
      %gather3A_728 = tpu.memref_slice %arg8[%gather3A_725, %gather3A_726, %gather3A_727] : memref<4x112x8xf32, #tpu.memory_space<vmem>> -> memref<1x112x8xf32, #tpu.memory_space<vmem>>
      %gather3A_729 = tpu.memref_squeeze %gather3A_728 : memref<1x112x8xf32, #tpu.memory_space<vmem>> -> memref<112x8xf32, #tpu.memory_space<vmem>>
      %gather3A_730 = tpu.vector_load_idx %gather3A_729[%add3A_724, %and3A_11] : memref<112x8xf32, #tpu.memory_space<vmem>>[vector<16xi32>, vector<16xi32>], vector<16xf32>,
      %add3A_731 = arith.addf %add3A_691, %gather3A_730 : vector<16xf32>
      %add3A_732 = arith.constant 12 : i32
      %add3A_733 = vector.broadcast %add3A_732 : i32 to vector<16xi32>
      %add3A_734 = arith.addi %shift_right_logical3A_13, %add3A_733 : vector<16xi32>
      %gather3A_735 = arith.constant 0 : i32
      %gather3A_736 = arith.constant 0 : i32
      %gather3A_737 = arith.constant 0 : i32
      %gather3A_738 = tpu.memref_slice %arg8[%gather3A_735, %gather3A_736, %gather3A_737] : memref<4x112x8xf32, #tpu.memory_space<vmem>> -> memref<1x112x8xf32, #tpu.memory_space<vmem>>
      %gather3A_739 = tpu.memref_squeeze %gather3A_738 : memref<1x112x8xf32, #tpu.memory_space<vmem>> -> memref<112x8xf32, #tpu.memory_space<vmem>>
      %gather3A_740 = tpu.vector_load_idx %gather3A_739[%add3A_734, %and3A_11] : memref<112x8xf32, #tpu.memory_space<vmem>>[vector<16xi32>, vector<16xi32>], vector<16xf32>,
      %add3A_741 = arith.addf %add3A_701, %gather3A_740 : vector<16xf32>
      %add3A_742 = arith.constant 14 : i32
      %add3A_743 = vector.broadcast %add3A_742 : i32 to vector<16xi32>
      %add3A_744 = arith.addi %shift_right_logical3A_13, %add3A_743 : vector<16xi32>
      %gather3A_745 = arith.constant 0 : i32
      %gather3A_746 = arith.constant 0 : i32
      %gather3A_747 = arith.constant 0 : i32
      %gather3A_748 = tpu.memref_slice %arg8[%gather3A_745, %gather3A_746, %gather3A_747] : memref<4x112x8xf32, #tpu.memory_space<vmem>> -> memref<1x112x8xf32, #tpu.memory_space<vmem>>
      %gather3A_749 = tpu.memref_squeeze %gather3A_748 : memref<1x112x8xf32, #tpu.memory_space<vmem>> -> memref<112x8xf32, #tpu.memory_space<vmem>>
      %gather3A_750 = tpu.vector_load_idx %gather3A_749[%add3A_744, %and3A_11] : memref<112x8xf32, #tpu.memory_space<vmem>>[vector<16xi32>, vector<16xi32>], vector<16xf32>,
      %add3A_751 = arith.addf %add3A_711, %gather3A_750 : vector<16xf32>
      %add3A_752 = arith.constant 16 : i32
      %add3A_753 = vector.broadcast %add3A_752 : i32 to vector<16xi32>
      %add3A_754 = arith.addi %shift_right_logical3A_13, %add3A_753 : vector<16xi32>
      %gather3A_755 = arith.constant 0 : i32
      %gather3A_756 = arith.constant 0 : i32
      %gather3A_757 = arith.constant 0 : i32
      %gather3A_758 = tpu.memref_slice %arg8[%gather3A_755, %gather3A_756, %gather3A_757] : memref<4x112x8xf32, #tpu.memory_space<vmem>> -> memref<1x112x8xf32, #tpu.memory_space<vmem>>
      %gather3A_759 = tpu.memref_squeeze %gather3A_758 : memref<1x112x8xf32, #tpu.memory_space<vmem>> -> memref<112x8xf32, #tpu.memory_space<vmem>>
      %gather3A_760 = tpu.vector_load_idx %gather3A_759[%add3A_754, %and3A_11] : memref<112x8xf32, #tpu.memory_space<vmem>>[vector<16xi32>, vector<16xi32>], vector<16xf32>,
      %add3A_761 = arith.addf %add3A_721, %gather3A_760 : vector<16xf32>
      %add3A_762 = arith.constant 18 : i32
      %add3A_763 = vector.broadcast %add3A_762 : i32 to vector<16xi32>
      %add3A_764 = arith.addi %shift_right_logical3A_13, %add3A_763 : vector<16xi32>
      %gather3A_765 = arith.constant 0 : i32
      %gather3A_766 = arith.constant 0 : i32
      %gather3A_767 = arith.constant 0 : i32
      %gather3A_768 = tpu.memref_slice %arg8[%gather3A_765, %gather3A_766, %gather3A_767] : memref<4x112x8xf32, #tpu.memory_space<vmem>> -> memref<1x112x8xf32, #tpu.memory_space<vmem>>
      %gather3A_769 = tpu.memref_squeeze %gather3A_768 : memref<1x112x8xf32, #tpu.memory_space<vmem>> -> memref<112x8xf32, #tpu.memory_space<vmem>>
      %gather3A_770 = tpu.vector_load_idx %gather3A_769[%add3A_764, %and3A_11] : memref<112x8xf32, #tpu.memory_space<vmem>>[vector<16xi32>, vector<16xi32>], vector<16xf32>,
      %add3A_771 = arith.addf %add3A_731, %gather3A_770 : vector<16xf32>
      %add3A_772 = arith.constant 20 : i32
      %add3A_773 = vector.broadcast %add3A_772 : i32 to vector<16xi32>
      %add3A_774 = arith.addi %shift_right_logical3A_13, %add3A_773 : vector<16xi32>
      %gather3A_775 = arith.constant 0 : i32
      %gather3A_776 = arith.constant 0 : i32
      %gather3A_777 = arith.constant 0 : i32
      %gather3A_778 = tpu.memref_slice %arg8[%gather3A_775, %gather3A_776, %gather3A_777] : memref<4x112x8xf32, #tpu.memory_space<vmem>> -> memref<1x112x8xf32, #tpu.memory_space<vmem>>
      %gather3A_779 = tpu.memref_squeeze %gather3A_778 : memref<1x112x8xf32, #tpu.memory_space<vmem>> -> memref<112x8xf32, #tpu.memory_space<vmem>>
      %gather3A_780 = tpu.vector_load_idx %gather3A_779[%add3A_774, %and3A_11] : memref<112x8xf32, #tpu.memory_space<vmem>>[vector<16xi32>, vector<16xi32>], vector<16xf32>,
      %add3A_781 = arith.addf %add3A_741, %gather3A_780 : vector<16xf32>
      %add3A_782 = arith.constant 22 : i32
      %add3A_783 = vector.broadcast %add3A_782 : i32 to vector<16xi32>
      %add3A_784 = arith.addi %shift_right_logical3A_13, %add3A_783 : vector<16xi32>
      %gather3A_785 = arith.constant 0 : i32
      %gather3A_786 = arith.constant 0 : i32
      %gather3A_787 = arith.constant 0 : i32
      %gather3A_788 = tpu.memref_slice %arg8[%gather3A_785, %gather3A_786, %gather3A_787] : memref<4x112x8xf32, #tpu.memory_space<vmem>> -> memref<1x112x8xf32, #tpu.memory_space<vmem>>
      %gather3A_789 = tpu.memref_squeeze %gather3A_788 : memref<1x112x8xf32, #tpu.memory_space<vmem>> -> memref<112x8xf32, #tpu.memory_space<vmem>>
      %gather3A_790 = tpu.vector_load_idx %gather3A_789[%add3A_784, %and3A_11] : memref<112x8xf32, #tpu.memory_space<vmem>>[vector<16xi32>, vector<16xi32>], vector<16xf32>,
      %add3A_791 = arith.addf %add3A_751, %gather3A_790 : vector<16xf32>
      %add3A_792 = arith.constant 24 : i32
      %add3A_793 = vector.broadcast %add3A_792 : i32 to vector<16xi32>
      %add3A_794 = arith.addi %shift_right_logical3A_13, %add3A_793 : vector<16xi32>
      %gather3A_795 = arith.constant 0 : i32
      %gather3A_796 = arith.constant 0 : i32
      %gather3A_797 = arith.constant 0 : i32
      %gather3A_798 = tpu.memref_slice %arg8[%gather3A_795, %gather3A_796, %gather3A_797] : memref<4x112x8xf32, #tpu.memory_space<vmem>> -> memref<1x112x8xf32, #tpu.memory_space<vmem>>
      %gather3A_799 = tpu.memref_squeeze %gather3A_798 : memref<1x112x8xf32, #tpu.memory_space<vmem>> -> memref<112x8xf32, #tpu.memory_space<vmem>>
      %gather3A_800 = tpu.vector_load_idx %gather3A_799[%add3A_794, %and3A_11] : memref<112x8xf32, #tpu.memory_space<vmem>>[vector<16xi32>, vector<16xi32>], vector<16xf32>,
      %add3A_801 = arith.addf %add3A_761, %gather3A_800 : vector<16xf32>
      %add3A_802 = arith.constant 26 : i32
      %add3A_803 = vector.broadcast %add3A_802 : i32 to vector<16xi32>
      %add3A_804 = arith.addi %shift_right_logical3A_13, %add3A_803 : vector<16xi32>
      %gather3A_805 = arith.constant 0 : i32
      %gather3A_806 = arith.constant 0 : i32
      %gather3A_807 = arith.constant 0 : i32
      %gather3A_808 = tpu.memref_slice %arg8[%gather3A_805, %gather3A_806, %gather3A_807] : memref<4x112x8xf32, #tpu.memory_space<vmem>> -> memref<1x112x8xf32, #tpu.memory_space<vmem>>
      %gather3A_809 = tpu.memref_squeeze %gather3A_808 : memref<1x112x8xf32, #tpu.memory_space<vmem>> -> memref<112x8xf32, #tpu.memory_space<vmem>>
      %gather3A_810 = tpu.vector_load_idx %gather3A_809[%add3A_804, %and3A_11] : memref<112x8xf32, #tpu.memory_space<vmem>>[vector<16xi32>, vector<16xi32>], vector<16xf32>,
      %add3A_811 = arith.addf %add3A_771, %gather3A_810 : vector<16xf32>
      %add3A_812 = arith.constant 28 : i32
      %add3A_813 = vector.broadcast %add3A_812 : i32 to vector<16xi32>
      %add3A_814 = arith.addi %shift_right_logical3A_13, %add3A_813 : vector<16xi32>
      %gather3A_815 = arith.constant 0 : i32
      %gather3A_816 = arith.constant 0 : i32
      %gather3A_817 = arith.constant 0 : i32
      %gather3A_818 = tpu.memref_slice %arg8[%gather3A_815, %gather3A_816, %gather3A_817] : memref<4x112x8xf32, #tpu.memory_space<vmem>> -> memref<1x112x8xf32, #tpu.memory_space<vmem>>
      %gather3A_819 = tpu.memref_squeeze %gather3A_818 : memref<1x112x8xf32, #tpu.memory_space<vmem>> -> memref<112x8xf32, #tpu.memory_space<vmem>>
      %gather3A_820 = tpu.vector_load_idx %gather3A_819[%add3A_814, %and3A_11] : memref<112x8xf32, #tpu.memory_space<vmem>>[vector<16xi32>, vector<16xi32>], vector<16xf32>,
      %add3A_821 = arith.addf %add3A_781, %gather3A_820 : vector<16xf32>
      %add3A_822 = arith.constant 30 : i32
      %add3A_823 = vector.broadcast %add3A_822 : i32 to vector<16xi32>
      %add3A_824 = arith.addi %shift_right_logical3A_13, %add3A_823 : vector<16xi32>
      %gather3A_825 = arith.constant 0 : i32
      %gather3A_826 = arith.constant 0 : i32
      %gather3A_827 = arith.constant 0 : i32
      %gather3A_828 = tpu.memref_slice %arg8[%gather3A_825, %gather3A_826, %gather3A_827] : memref<4x112x8xf32, #tpu.memory_space<vmem>> -> memref<1x112x8xf32, #tpu.memory_space<vmem>>
      %gather3A_829 = tpu.memref_squeeze %gather3A_828 : memref<1x112x8xf32, #tpu.memory_space<vmem>> -> memref<112x8xf32, #tpu.memory_space<vmem>>
      %gather3A_830 = tpu.vector_load_idx %gather3A_829[%add3A_824, %and3A_11] : memref<112x8xf32, #tpu.memory_space<vmem>>[vector<16xi32>, vector<16xi32>], vector<16xf32>,
      %add3A_831 = arith.addf %add3A_791, %gather3A_830 : vector<16xf32>
      %add3A_832 = arith.constant 32 : i32
      %add3A_833 = vector.broadcast %add3A_832 : i32 to vector<16xi32>
      %add3A_834 = arith.addi %shift_right_logical3A_13, %add3A_833 : vector<16xi32>
      %gather3A_835 = arith.constant 0 : i32
      %gather3A_836 = arith.constant 0 : i32
      %gather3A_837 = arith.constant 0 : i32
      %gather3A_838 = tpu.memref_slice %arg8[%gather3A_835, %gather3A_836, %gather3A_837] : memref<4x112x8xf32, #tpu.memory_space<vmem>> -> memref<1x112x8xf32, #tpu.memory_space<vmem>>
      %gather3A_839 = tpu.memref_squeeze %gather3A_838 : memref<1x112x8xf32, #tpu.memory_space<vmem>> -> memref<112x8xf32, #tpu.memory_space<vmem>>
      %gather3A_840 = tpu.vector_load_idx %gather3A_839[%add3A_834, %and3A_11] : memref<112x8xf32, #tpu.memory_space<vmem>>[vector<16xi32>, vector<16xi32>], vector<16xf32>,
      %add3A_841 = arith.addf %add3A_801, %gather3A_840 : vector<16xf32>
      %add3A_842 = arith.constant 34 : i32
      %add3A_843 = vector.broadcast %add3A_842 : i32 to vector<16xi32>
      %add3A_844 = arith.addi %shift_right_logical3A_13, %add3A_843 : vector<16xi32>
      %gather3A_845 = arith.constant 0 : i32
      %gather3A_846 = arith.constant 0 : i32
      %gather3A_847 = arith.constant 0 : i32
      %gather3A_848 = tpu.memref_slice %arg8[%gather3A_845, %gather3A_846, %gather3A_847] : memref<4x112x8xf32, #tpu.memory_space<vmem>> -> memref<1x112x8xf32, #tpu.memory_space<vmem>>
      %gather3A_849 = tpu.memref_squeeze %gather3A_848 : memref<1x112x8xf32, #tpu.memory_space<vmem>> -> memref<112x8xf32, #tpu.memory_space<vmem>>
      %gather3A_850 = tpu.vector_load_idx %gather3A_849[%add3A_844, %and3A_11] : memref<112x8xf32, #tpu.memory_space<vmem>>[vector<16xi32>, vector<16xi32>], vector<16xf32>,
      %add3A_851 = arith.addf %add3A_811, %gather3A_850 : vector<16xf32>
      %add3A_852 = arith.constant 36 : i32
      %add3A_853 = vector.broadcast %add3A_852 : i32 to vector<16xi32>
      %add3A_854 = arith.addi %shift_right_logical3A_13, %add3A_853 : vector<16xi32>
      %gather3A_855 = arith.constant 0 : i32
      %gather3A_856 = arith.constant 0 : i32
      %gather3A_857 = arith.constant 0 : i32
      %gather3A_858 = tpu.memref_slice %arg8[%gather3A_855, %gather3A_856, %gather3A_857] : memref<4x112x8xf32, #tpu.memory_space<vmem>> -> memref<1x112x8xf32, #tpu.memory_space<vmem>>
      %gather3A_859 = tpu.memref_squeeze %gather3A_858 : memref<1x112x8xf32, #tpu.memory_space<vmem>> -> memref<112x8xf32, #tpu.memory_space<vmem>>
      %gather3A_860 = tpu.vector_load_idx %gather3A_859[%add3A_854, %and3A_11] : memref<112x8xf32, #tpu.memory_space<vmem>>[vector<16xi32>, vector<16xi32>], vector<16xf32>,
      %add3A_861 = arith.addf %add3A_821, %gather3A_860 : vector<16xf32>
      %add3A_862 = arith.constant 38 : i32
      %add3A_863 = vector.broadcast %add3A_862 : i32 to vector<16xi32>
      %add3A_864 = arith.addi %shift_right_logical3A_13, %add3A_863 : vector<16xi32>
      %gather3A_865 = arith.constant 0 : i32
      %gather3A_866 = arith.constant 0 : i32
      %gather3A_867 = arith.constant 0 : i32
      %gather3A_868 = tpu.memref_slice %arg8[%gather3A_865, %gather3A_866, %gather3A_867] : memref<4x112x8xf32, #tpu.memory_space<vmem>> -> memref<1x112x8xf32, #tpu.memory_space<vmem>>
      %gather3A_869 = tpu.memref_squeeze %gather3A_868 : memref<1x112x8xf32, #tpu.memory_space<vmem>> -> memref<112x8xf32, #tpu.memory_space<vmem>>
      %gather3A_870 = tpu.vector_load_idx %gather3A_869[%add3A_864, %and3A_11] : memref<112x8xf32, #tpu.memory_space<vmem>>[vector<16xi32>, vector<16xi32>], vector<16xf32>,
      %add3A_871 = arith.addf %add3A_831, %gather3A_870 : vector<16xf32>
      %add3A_872 = arith.constant 40 : i32
      %add3A_873 = vector.broadcast %add3A_872 : i32 to vector<16xi32>
      %add3A_874 = arith.addi %shift_right_logical3A_13, %add3A_873 : vector<16xi32>
      %gather3A_875 = arith.constant 0 : i32
      %gather3A_876 = arith.constant 0 : i32
      %gather3A_877 = arith.constant 0 : i32
      %gather3A_878 = tpu.memref_slice %arg8[%gather3A_875, %gather3A_876, %gather3A_877] : memref<4x112x8xf32, #tpu.memory_space<vmem>> -> memref<1x112x8xf32, #tpu.memory_space<vmem>>
      %gather3A_879 = tpu.memref_squeeze %gather3A_878 : memref<1x112x8xf32, #tpu.memory_space<vmem>> -> memref<112x8xf32, #tpu.memory_space<vmem>>
      %gather3A_880 = tpu.vector_load_idx %gather3A_879[%add3A_874, %and3A_11] : memref<112x8xf32, #tpu.memory_space<vmem>>[vector<16xi32>, vector<16xi32>], vector<16xf32>,
      %add3A_881 = arith.addf %add3A_841, %gather3A_880 : vector<16xf32>
      %add3A_882 = arith.constant 42 : i32
      %add3A_883 = vector.broadcast %add3A_882 : i32 to vector<16xi32>
      %add3A_884 = arith.addi %shift_right_logical3A_13, %add3A_883 : vector<16xi32>
      %gather3A_885 = arith.constant 0 : i32
      %gather3A_886 = arith.constant 0 : i32
      %gather3A_887 = arith.constant 0 : i32
      %gather3A_888 = tpu.memref_slice %arg8[%gather3A_885, %gather3A_886, %gather3A_887] : memref<4x112x8xf32, #tpu.memory_space<vmem>> -> memref<1x112x8xf32, #tpu.memory_space<vmem>>
      %gather3A_889 = tpu.memref_squeeze %gather3A_888 : memref<1x112x8xf32, #tpu.memory_space<vmem>> -> memref<112x8xf32, #tpu.memory_space<vmem>>
      %gather3A_890 = tpu.vector_load_idx %gather3A_889[%add3A_884, %and3A_11] : memref<112x8xf32, #tpu.memory_space<vmem>>[vector<16xi32>, vector<16xi32>], vector<16xf32>,
      %add3A_891 = arith.addf %add3A_851, %gather3A_890 : vector<16xf32>
      %add3A_892 = arith.constant 44 : i32
      %add3A_893 = vector.broadcast %add3A_892 : i32 to vector<16xi32>
      %add3A_894 = arith.addi %shift_right_logical3A_13, %add3A_893 : vector<16xi32>
      %gather3A_895 = arith.constant 0 : i32
      %gather3A_896 = arith.constant 0 : i32
      %gather3A_897 = arith.constant 0 : i32
      %gather3A_898 = tpu.memref_slice %arg8[%gather3A_895, %gather3A_896, %gather3A_897] : memref<4x112x8xf32, #tpu.memory_space<vmem>> -> memref<1x112x8xf32, #tpu.memory_space<vmem>>
      %gather3A_899 = tpu.memref_squeeze %gather3A_898 : memref<1x112x8xf32, #tpu.memory_space<vmem>> -> memref<112x8xf32, #tpu.memory_space<vmem>>
      %gather3A_900 = tpu.vector_load_idx %gather3A_899[%add3A_894, %and3A_11] : memref<112x8xf32, #tpu.memory_space<vmem>>[vector<16xi32>, vector<16xi32>], vector<16xf32>,
      %add3A_901 = arith.addf %add3A_861, %gather3A_900 : vector<16xf32>
      %add3A_902 = arith.constant 46 : i32
      %add3A_903 = vector.broadcast %add3A_902 : i32 to vector<16xi32>
      %add3A_904 = arith.addi %shift_right_logical3A_13, %add3A_903 : vector<16xi32>
      %gather3A_905 = arith.constant 0 : i32
      %gather3A_906 = arith.constant 0 : i32
      %gather3A_907 = arith.constant 0 : i32
      %gather3A_908 = tpu.memref_slice %arg8[%gather3A_905, %gather3A_906, %gather3A_907] : memref<4x112x8xf32, #tpu.memory_space<vmem>> -> memref<1x112x8xf32, #tpu.memory_space<vmem>>
      %gather3A_909 = tpu.memref_squeeze %gather3A_908 : memref<1x112x8xf32, #tpu.memory_space<vmem>> -> memref<112x8xf32, #tpu.memory_space<vmem>>
      %gather3A_910 = tpu.vector_load_idx %gather3A_909[%add3A_904, %and3A_11] : memref<112x8xf32, #tpu.memory_space<vmem>>[vector<16xi32>, vector<16xi32>], vector<16xf32>,
      %add3A_911 = arith.addf %add3A_871, %gather3A_910 : vector<16xf32>
      %add3A_912 = arith.constant 48 : i32
      %add3A_913 = vector.broadcast %add3A_912 : i32 to vector<16xi32>
      %add3A_914 = arith.addi %shift_right_logical3A_13, %add3A_913 : vector<16xi32>
      %gather3A_915 = arith.constant 0 : i32
      %gather3A_916 = arith.constant 0 : i32
      %gather3A_917 = arith.constant 0 : i32
      %gather3A_918 = tpu.memref_slice %arg8[%gather3A_915, %gather3A_916, %gather3A_917] : memref<4x112x8xf32, #tpu.memory_space<vmem>> -> memref<1x112x8xf32, #tpu.memory_space<vmem>>
      %gather3A_919 = tpu.memref_squeeze %gather3A_918 : memref<1x112x8xf32, #tpu.memory_space<vmem>> -> memref<112x8xf32, #tpu.memory_space<vmem>>
      %gather3A_920 = tpu.vector_load_idx %gather3A_919[%add3A_914, %and3A_11] : memref<112x8xf32, #tpu.memory_space<vmem>>[vector<16xi32>, vector<16xi32>], vector<16xf32>,
      %add3A_921 = arith.addf %add3A_881, %gather3A_920 : vector<16xf32>
      %add3A_922 = arith.constant 50 : i32
      %add3A_923 = vector.broadcast %add3A_922 : i32 to vector<16xi32>
      %add3A_924 = arith.addi %shift_right_logical3A_13, %add3A_923 : vector<16xi32>
      %gather3A_925 = arith.constant 0 : i32
      %gather3A_926 = arith.constant 0 : i32
      %gather3A_927 = arith.constant 0 : i32
      %gather3A_928 = tpu.memref_slice %arg8[%gather3A_925, %gather3A_926, %gather3A_927] : memref<4x112x8xf32, #tpu.memory_space<vmem>> -> memref<1x112x8xf32, #tpu.memory_space<vmem>>
      %gather3A_929 = tpu.memref_squeeze %gather3A_928 : memref<1x112x8xf32, #tpu.memory_space<vmem>> -> memref<112x8xf32, #tpu.memory_space<vmem>>
      %gather3A_930 = tpu.vector_load_idx %gather3A_929[%add3A_924, %and3A_11] : memref<112x8xf32, #tpu.memory_space<vmem>>[vector<16xi32>, vector<16xi32>], vector<16xf32>,
      %add3A_931 = arith.addf %add3A_891, %gather3A_930 : vector<16xf32>
      %add3A_932 = arith.constant 52 : i32
      %add3A_933 = vector.broadcast %add3A_932 : i32 to vector<16xi32>
      %add3A_934 = arith.addi %shift_right_logical3A_13, %add3A_933 : vector<16xi32>
      %gather3A_935 = arith.constant 0 : i32
      %gather3A_936 = arith.constant 0 : i32
      %gather3A_937 = arith.constant 0 : i32
      %gather3A_938 = tpu.memref_slice %arg8[%gather3A_935, %gather3A_936, %gather3A_937] : memref<4x112x8xf32, #tpu.memory_space<vmem>> -> memref<1x112x8xf32, #tpu.memory_space<vmem>>
      %gather3A_939 = tpu.memref_squeeze %gather3A_938 : memref<1x112x8xf32, #tpu.memory_space<vmem>> -> memref<112x8xf32, #tpu.memory_space<vmem>>
      %gather3A_940 = tpu.vector_load_idx %gather3A_939[%add3A_934, %and3A_11] : memref<112x8xf32, #tpu.memory_space<vmem>>[vector<16xi32>, vector<16xi32>], vector<16xf32>,
      %add3A_941 = arith.addf %add3A_901, %gather3A_940 : vector<16xf32>
      %add3A_942 = arith.constant 54 : i32
      %add3A_943 = vector.broadcast %add3A_942 : i32 to vector<16xi32>
      %add3A_944 = arith.addi %shift_right_logical3A_13, %add3A_943 : vector<16xi32>
      %gather3A_945 = arith.constant 0 : i32
      %gather3A_946 = arith.constant 0 : i32
      %gather3A_947 = arith.constant 0 : i32
      %gather3A_948 = tpu.memref_slice %arg8[%gather3A_945, %gather3A_946, %gather3A_947] : memref<4x112x8xf32, #tpu.memory_space<vmem>> -> memref<1x112x8xf32, #tpu.memory_space<vmem>>
      %gather3A_949 = tpu.memref_squeeze %gather3A_948 : memref<1x112x8xf32, #tpu.memory_space<vmem>> -> memref<112x8xf32, #tpu.memory_space<vmem>>
      %gather3A_950 = tpu.vector_load_idx %gather3A_949[%add3A_944, %and3A_11] : memref<112x8xf32, #tpu.memory_space<vmem>>[vector<16xi32>, vector<16xi32>], vector<16xf32>,
      %add3A_951 = arith.addf %add3A_911, %gather3A_950 : vector<16xf32>
      %add3A_952 = arith.constant 56 : i32
      %add3A_953 = vector.broadcast %add3A_952 : i32 to vector<16xi32>
      %add3A_954 = arith.addi %shift_right_logical3A_13, %add3A_953 : vector<16xi32>
      %gather3A_955 = arith.constant 0 : i32
      %gather3A_956 = arith.constant 0 : i32
      %gather3A_957 = arith.constant 0 : i32
      %gather3A_958 = tpu.memref_slice %arg8[%gather3A_955, %gather3A_956, %gather3A_957] : memref<4x112x8xf32, #tpu.memory_space<vmem>> -> memref<1x112x8xf32, #tpu.memory_space<vmem>>
      %gather3A_959 = tpu.memref_squeeze %gather3A_958 : memref<1x112x8xf32, #tpu.memory_space<vmem>> -> memref<112x8xf32, #tpu.memory_space<vmem>>
      %gather3A_960 = tpu.vector_load_idx %gather3A_959[%add3A_954, %and3A_11] : memref<112x8xf32, #tpu.memory_space<vmem>>[vector<16xi32>, vector<16xi32>], vector<16xf32>,
      %add3A_961 = arith.addf %add3A_921, %gather3A_960 : vector<16xf32>
      %add3A_962 = arith.constant 58 : i32
      %add3A_963 = vector.broadcast %add3A_962 : i32 to vector<16xi32>
      %add3A_964 = arith.addi %shift_right_logical3A_13, %add3A_963 : vector<16xi32>
      %gather3A_965 = arith.constant 0 : i32
      %gather3A_966 = arith.constant 0 : i32
      %gather3A_967 = arith.constant 0 : i32
      %gather3A_968 = tpu.memref_slice %arg8[%gather3A_965, %gather3A_966, %gather3A_967] : memref<4x112x8xf32, #tpu.memory_space<vmem>> -> memref<1x112x8xf32, #tpu.memory_space<vmem>>
      %gather3A_969 = tpu.memref_squeeze %gather3A_968 : memref<1x112x8xf32, #tpu.memory_space<vmem>> -> memref<112x8xf32, #tpu.memory_space<vmem>>
      %gather3A_970 = tpu.vector_load_idx %gather3A_969[%add3A_964, %and3A_11] : memref<112x8xf32, #tpu.memory_space<vmem>>[vector<16xi32>, vector<16xi32>], vector<16xf32>,
      %add3A_971 = arith.addf %add3A_931, %gather3A_970 : vector<16xf32>
      %add3A_972 = arith.constant 60 : i32
      %add3A_973 = vector.broadcast %add3A_972 : i32 to vector<16xi32>
      %add3A_974 = arith.addi %shift_right_logical3A_13, %add3A_973 : vector<16xi32>
      %gather3A_975 = arith.constant 0 : i32
      %gather3A_976 = arith.constant 0 : i32
      %gather3A_977 = arith.constant 0 : i32
      %gather3A_978 = tpu.memref_slice %arg8[%gather3A_975, %gather3A_976, %gather3A_977] : memref<4x112x8xf32, #tpu.memory_space<vmem>> -> memref<1x112x8xf32, #tpu.memory_space<vmem>>
      %gather3A_979 = tpu.memref_squeeze %gather3A_978 : memref<1x112x8xf32, #tpu.memory_space<vmem>> -> memref<112x8xf32, #tpu.memory_space<vmem>>
      %gather3A_980 = tpu.vector_load_idx %gather3A_979[%add3A_974, %and3A_11] : memref<112x8xf32, #tpu.memory_space<vmem>>[vector<16xi32>, vector<16xi32>], vector<16xf32>,
      %add3A_981 = arith.addf %add3A_941, %gather3A_980 : vector<16xf32>
      %add3A_982 = arith.constant 62 : i32
      %add3A_983 = vector.broadcast %add3A_982 : i32 to vector<16xi32>
      %add3A_984 = arith.addi %shift_right_logical3A_13, %add3A_983 : vector<16xi32>
      %gather3A_985 = arith.constant 0 : i32
      %gather3A_986 = arith.constant 0 : i32
      %gather3A_987 = arith.constant 0 : i32
      %gather3A_988 = tpu.memref_slice %arg8[%gather3A_985, %gather3A_986, %gather3A_987] : memref<4x112x8xf32, #tpu.memory_space<vmem>> -> memref<1x112x8xf32, #tpu.memory_space<vmem>>
      %gather3A_989 = tpu.memref_squeeze %gather3A_988 : memref<1x112x8xf32, #tpu.memory_space<vmem>> -> memref<112x8xf32, #tpu.memory_space<vmem>>
      %gather3A_990 = tpu.vector_load_idx %gather3A_989[%add3A_984, %and3A_11] : memref<112x8xf32, #tpu.memory_space<vmem>>[vector<16xi32>, vector<16xi32>], vector<16xf32>,
      %add3A_991 = arith.addf %add3A_951, %gather3A_990 : vector<16xf32>
      %add3A_992 = arith.constant 64 : i32
      %add3A_993 = vector.broadcast %add3A_992 : i32 to vector<16xi32>
      %add3A_994 = arith.addi %shift_right_logical3A_13, %add3A_993 : vector<16xi32>
      %gather3A_995 = arith.constant 0 : i32
      %gather3A_996 = arith.constant 0 : i32
      %gather3A_997 = arith.constant 0 : i32
      %gather3A_998 = tpu.memref_slice %arg8[%gather3A_995, %gather3A_996, %gather3A_997] : memref<4x112x8xf32, #tpu.memory_space<vmem>> -> memref<1x112x8xf32, #tpu.memory_space<vmem>>
      %gather3A_999 = tpu.memref_squeeze %gather3A_998 : memref<1x112x8xf32, #tpu.memory_space<vmem>> -> memref<112x8xf32, #tpu.memory_space<vmem>>
      %gather3A_1000 = tpu.vector_load_idx %gather3A_999[%add3A_994, %and3A_11] : memref<112x8xf32, #tpu.memory_space<vmem>>[vector<16xi32>, vector<16xi32>], vector<16xf32>,
      %add3A_1001 = arith.addf %add3A_961, %gather3A_1000 : vector<16xf32>
      %add3A_1002 = arith.constant 66 : i32
      %add3A_1003 = vector.broadcast %add3A_1002 : i32 to vector<16xi32>
      %add3A_1004 = arith.addi %shift_right_logical3A_13, %add3A_1003 : vector<16xi32>
      %gather3A_1005 = arith.constant 0 : i32
      %gather3A_1006 = arith.constant 0 : i32
      %gather3A_1007 = arith.constant 0 : i32
      %gather3A_1008 = tpu.memref_slice %arg8[%gather3A_1005, %gather3A_1006, %gather3A_1007] : memref<4x112x8xf32, #tpu.memory_space<vmem>> -> memref<1x112x8xf32, #tpu.memory_space<vmem>>
      %gather3A_1009 = tpu.memref_squeeze %gather3A_1008 : memref<1x112x8xf32, #tpu.memory_space<vmem>> -> memref<112x8xf32, #tpu.memory_space<vmem>>
      %gather3A_1010 = tpu.vector_load_idx %gather3A_1009[%add3A_1004, %and3A_11] : memref<112x8xf32, #tpu.memory_space<vmem>>[vector<16xi32>, vector<16xi32>], vector<16xf32>,
      %add3A_1011 = arith.addf %add3A_971, %gather3A_1010 : vector<16xf32>
      %add3A_1012 = arith.constant 68 : i32
      %add3A_1013 = vector.broadcast %add3A_1012 : i32 to vector<16xi32>
      %add3A_1014 = arith.addi %shift_right_logical3A_13, %add3A_1013 : vector<16xi32>
      %gather3A_1015 = arith.constant 0 : i32
      %gather3A_1016 = arith.constant 0 : i32
      %gather3A_1017 = arith.constant 0 : i32
      %gather3A_1018 = tpu.memref_slice %arg8[%gather3A_1015, %gather3A_1016, %gather3A_1017] : memref<4x112x8xf32, #tpu.memory_space<vmem>> -> memref<1x112x8xf32, #tpu.memory_space<vmem>>
      %gather3A_1019 = tpu.memref_squeeze %gather3A_1018 : memref<1x112x8xf32, #tpu.memory_space<vmem>> -> memref<112x8xf32, #tpu.memory_space<vmem>>
      %gather3A_1020 = tpu.vector_load_idx %gather3A_1019[%add3A_1014, %and3A_11] : memref<112x8xf32, #tpu.memory_space<vmem>>[vector<16xi32>, vector<16xi32>], vector<16xf32>,
      %add3A_1021 = arith.addf %add3A_981, %gather3A_1020 : vector<16xf32>
      %add3A_1022 = arith.constant 70 : i32
      %add3A_1023 = vector.broadcast %add3A_1022 : i32 to vector<16xi32>
      %add3A_1024 = arith.addi %shift_right_logical3A_13, %add3A_1023 : vector<16xi32>
      %gather3A_1025 = arith.constant 0 : i32
      %gather3A_1026 = arith.constant 0 : i32
      %gather3A_1027 = arith.constant 0 : i32
      %gather3A_1028 = tpu.memref_slice %arg8[%gather3A_1025, %gather3A_1026, %gather3A_1027] : memref<4x112x8xf32, #tpu.memory_space<vmem>> -> memref<1x112x8xf32, #tpu.memory_space<vmem>>
      %gather3A_1029 = tpu.memref_squeeze %gather3A_1028 : memref<1x112x8xf32, #tpu.memory_space<vmem>> -> memref<112x8xf32, #tpu.memory_space<vmem>>
      %gather3A_1030 = tpu.vector_load_idx %gather3A_1029[%add3A_1024, %and3A_11] : memref<112x8xf32, #tpu.memory_space<vmem>>[vector<16xi32>, vector<16xi32>], vector<16xf32>,
      %add3A_1031 = arith.addf %add3A_991, %gather3A_1030 : vector<16xf32>
      %add3A_1032 = arith.constant 72 : i32
      %add3A_1033 = vector.broadcast %add3A_1032 : i32 to vector<16xi32>
      %add3A_1034 = arith.addi %shift_right_logical3A_13, %add3A_1033 : vector<16xi32>
      %gather3A_1035 = arith.constant 0 : i32
      %gather3A_1036 = arith.constant 0 : i32
      %gather3A_1037 = arith.constant 0 : i32
      %gather3A_1038 = tpu.memref_slice %arg8[%gather3A_1035, %gather3A_1036, %gather3A_1037] : memref<4x112x8xf32, #tpu.memory_space<vmem>> -> memref<1x112x8xf32, #tpu.memory_space<vmem>>
      %gather3A_1039 = tpu.memref_squeeze %gather3A_1038 : memref<1x112x8xf32, #tpu.memory_space<vmem>> -> memref<112x8xf32, #tpu.memory_space<vmem>>
      %gather3A_1040 = tpu.vector_load_idx %gather3A_1039[%add3A_1034, %and3A_11] : memref<112x8xf32, #tpu.memory_space<vmem>>[vector<16xi32>, vector<16xi32>], vector<16xf32>,
      %add3A_1041 = arith.addf %add3A_1001, %gather3A_1040 : vector<16xf32>
      %add3A_1042 = arith.constant 74 : i32
      %add3A_1043 = vector.broadcast %add3A_1042 : i32 to vector<16xi32>
      %add3A_1044 = arith.addi %shift_right_logical3A_13, %add3A_1043 : vector<16xi32>
      %gather3A_1045 = arith.constant 0 : i32
      %gather3A_1046 = arith.constant 0 : i32
      %gather3A_1047 = arith.constant 0 : i32
      %gather3A_1048 = tpu.memref_slice %arg8[%gather3A_1045, %gather3A_1046, %gather3A_1047] : memref<4x112x8xf32, #tpu.memory_space<vmem>> -> memref<1x112x8xf32, #tpu.memory_space<vmem>>
      %gather3A_1049 = tpu.memref_squeeze %gather3A_1048 : memref<1x112x8xf32, #tpu.memory_space<vmem>> -> memref<112x8xf32, #tpu.memory_space<vmem>>
      %gather3A_1050 = tpu.vector_load_idx %gather3A_1049[%add3A_1044, %and3A_11] : memref<112x8xf32, #tpu.memory_space<vmem>>[vector<16xi32>, vector<16xi32>], vector<16xf32>,
      %add3A_1051 = arith.addf %add3A_1011, %gather3A_1050 : vector<16xf32>
      %add3A_1052 = arith.constant 76 : i32
      %add3A_1053 = vector.broadcast %add3A_1052 : i32 to vector<16xi32>
      %add3A_1054 = arith.addi %shift_right_logical3A_13, %add3A_1053 : vector<16xi32>
      %gather3A_1055 = arith.constant 0 : i32
      %gather3A_1056 = arith.constant 0 : i32
      %gather3A_1057 = arith.constant 0 : i32
      %gather3A_1058 = tpu.memref_slice %arg8[%gather3A_1055, %gather3A_1056, %gather3A_1057] : memref<4x112x8xf32, #tpu.memory_space<vmem>> -> memref<1x112x8xf32, #tpu.memory_space<vmem>>
      %gather3A_1059 = tpu.memref_squeeze %gather3A_1058 : memref<1x112x8xf32, #tpu.memory_space<vmem>> -> memref<112x8xf32, #tpu.memory_space<vmem>>
      %gather3A_1060 = tpu.vector_load_idx %gather3A_1059[%add3A_1054, %and3A_11] : memref<112x8xf32, #tpu.memory_space<vmem>>[vector<16xi32>, vector<16xi32>], vector<16xf32>,
      %add3A_1061 = arith.addf %add3A_1021, %gather3A_1060 : vector<16xf32>
      %add3A_1062 = arith.constant 78 : i32
      %add3A_1063 = vector.broadcast %add3A_1062 : i32 to vector<16xi32>
      %add3A_1064 = arith.addi %shift_right_logical3A_13, %add3A_1063 : vector<16xi32>
      %gather3A_1065 = arith.constant 0 : i32
      %gather3A_1066 = arith.constant 0 : i32
      %gather3A_1067 = arith.constant 0 : i32
      %gather3A_1068 = tpu.memref_slice %arg8[%gather3A_1065, %gather3A_1066, %gather3A_1067] : memref<4x112x8xf32, #tpu.memory_space<vmem>> -> memref<1x112x8xf32, #tpu.memory_space<vmem>>
      %gather3A_1069 = tpu.memref_squeeze %gather3A_1068 : memref<1x112x8xf32, #tpu.memory_space<vmem>> -> memref<112x8xf32, #tpu.memory_space<vmem>>
      %gather3A_1070 = tpu.vector_load_idx %gather3A_1069[%add3A_1064, %and3A_11] : memref<112x8xf32, #tpu.memory_space<vmem>>[vector<16xi32>, vector<16xi32>], vector<16xf32>,
      %add3A_1071 = arith.addf %add3A_1031, %gather3A_1070 : vector<16xf32>
      %add3A_1072 = arith.constant 80 : i32
      %add3A_1073 = vector.broadcast %add3A_1072 : i32 to vector<16xi32>
      %add3A_1074 = arith.addi %shift_right_logical3A_13, %add3A_1073 : vector<16xi32>
      %gather3A_1075 = arith.constant 0 : i32
      %gather3A_1076 = arith.constant 0 : i32
      %gather3A_1077 = arith.constant 0 : i32
      %gather3A_1078 = tpu.memref_slice %arg8[%gather3A_1075, %gather3A_1076, %gather3A_1077] : memref<4x112x8xf32, #tpu.memory_space<vmem>> -> memref<1x112x8xf32, #tpu.memory_space<vmem>>
      %gather3A_1079 = tpu.memref_squeeze %gather3A_1078 : memref<1x112x8xf32, #tpu.memory_space<vmem>> -> memref<112x8xf32, #tpu.memory_space<vmem>>
      %gather3A_1080 = tpu.vector_load_idx %gather3A_1079[%add3A_1074, %and3A_11] : memref<112x8xf32, #tpu.memory_space<vmem>>[vector<16xi32>, vector<16xi32>], vector<16xf32>,
      %add3A_1081 = arith.addf %add3A_1041, %gather3A_1080 : vector<16xf32>
      %add3A_1082 = arith.constant 82 : i32
      %add3A_1083 = vector.broadcast %add3A_1082 : i32 to vector<16xi32>
      %add3A_1084 = arith.addi %shift_right_logical3A_13, %add3A_1083 : vector<16xi32>
      %gather3A_1085 = arith.constant 0 : i32
      %gather3A_1086 = arith.constant 0 : i32
      %gather3A_1087 = arith.constant 0 : i32
      %gather3A_1088 = tpu.memref_slice %arg8[%gather3A_1085, %gather3A_1086, %gather3A_1087] : memref<4x112x8xf32, #tpu.memory_space<vmem>> -> memref<1x112x8xf32, #tpu.memory_space<vmem>>
      %gather3A_1089 = tpu.memref_squeeze %gather3A_1088 : memref<1x112x8xf32, #tpu.memory_space<vmem>> -> memref<112x8xf32, #tpu.memory_space<vmem>>
      %gather3A_1090 = tpu.vector_load_idx %gather3A_1089[%add3A_1084, %and3A_11] : memref<112x8xf32, #tpu.memory_space<vmem>>[vector<16xi32>, vector<16xi32>], vector<16xf32>,
      %add3A_1091 = arith.addf %add3A_1051, %gather3A_1090 : vector<16xf32>
      %add3A_1092 = arith.constant 84 : i32
      %add3A_1093 = vector.broadcast %add3A_1092 : i32 to vector<16xi32>
      %add3A_1094 = arith.addi %shift_right_logical3A_13, %add3A_1093 : vector<16xi32>
      %gather3A_1095 = arith.constant 0 : i32
      %gather3A_1096 = arith.constant 0 : i32
      %gather3A_1097 = arith.constant 0 : i32
      %gather3A_1098 = tpu.memref_slice %arg8[%gather3A_1095, %gather3A_1096, %gather3A_1097] : memref<4x112x8xf32, #tpu.memory_space<vmem>> -> memref<1x112x8xf32, #tpu.memory_space<vmem>>
      %gather3A_1099 = tpu.memref_squeeze %gather3A_1098 : memref<1x112x8xf32, #tpu.memory_space<vmem>> -> memref<112x8xf32, #tpu.memory_space<vmem>>
      %gather3A_1100 = tpu.vector_load_idx %gather3A_1099[%add3A_1094, %and3A_11] : memref<112x8xf32, #tpu.memory_space<vmem>>[vector<16xi32>, vector<16xi32>], vector<16xf32>,
      %add3A_1101 = arith.addf %add3A_1061, %gather3A_1100 : vector<16xf32>
      %add3A_1102 = arith.constant 86 : i32
      %add3A_1103 = vector.broadcast %add3A_1102 : i32 to vector<16xi32>
      %add3A_1104 = arith.addi %shift_right_logical3A_13, %add3A_1103 : vector<16xi32>
      %gather3A_1105 = arith.constant 0 : i32
      %gather3A_1106 = arith.constant 0 : i32
      %gather3A_1107 = arith.constant 0 : i32
      %gather3A_1108 = tpu.memref_slice %arg8[%gather3A_1105, %gather3A_1106, %gather3A_1107] : memref<4x112x8xf32, #tpu.memory_space<vmem>> -> memref<1x112x8xf32, #tpu.memory_space<vmem>>
      %gather3A_1109 = tpu.memref_squeeze %gather3A_1108 : memref<1x112x8xf32, #tpu.memory_space<vmem>> -> memref<112x8xf32, #tpu.memory_space<vmem>>
      %gather3A_1110 = tpu.vector_load_idx %gather3A_1109[%add3A_1104, %and3A_11] : memref<112x8xf32, #tpu.memory_space<vmem>>[vector<16xi32>, vector<16xi32>], vector<16xf32>,
      %add3A_1111 = arith.addf %add3A_1071, %gather3A_1110 : vector<16xf32>
      %add3A_1112 = arith.constant 88 : i32
      %add3A_1113 = vector.broadcast %add3A_1112 : i32 to vector<16xi32>
      %add3A_1114 = arith.addi %shift_right_logical3A_13, %add3A_1113 : vector<16xi32>
      %gather3A_1115 = arith.constant 0 : i32
      %gather3A_1116 = arith.constant 0 : i32
      %gather3A_1117 = arith.constant 0 : i32
      %gather3A_1118 = tpu.memref_slice %arg8[%gather3A_1115, %gather3A_1116, %gather3A_1117] : memref<4x112x8xf32, #tpu.memory_space<vmem>> -> memref<1x112x8xf32, #tpu.memory_space<vmem>>
      %gather3A_1119 = tpu.memref_squeeze %gather3A_1118 : memref<1x112x8xf32, #tpu.memory_space<vmem>> -> memref<112x8xf32, #tpu.memory_space<vmem>>
      %gather3A_1120 = tpu.vector_load_idx %gather3A_1119[%add3A_1114, %and3A_11] : memref<112x8xf32, #tpu.memory_space<vmem>>[vector<16xi32>, vector<16xi32>], vector<16xf32>,
      %add3A_1121 = arith.addf %add3A_1081, %gather3A_1120 : vector<16xf32>
      %add3A_1122 = arith.constant 90 : i32
      %add3A_1123 = vector.broadcast %add3A_1122 : i32 to vector<16xi32>
      %add3A_1124 = arith.addi %shift_right_logical3A_13, %add3A_1123 : vector<16xi32>
      %gather3A_1125 = arith.constant 0 : i32
      %gather3A_1126 = arith.constant 0 : i32
      %gather3A_1127 = arith.constant 0 : i32
      %gather3A_1128 = tpu.memref_slice %arg8[%gather3A_1125, %gather3A_1126, %gather3A_1127] : memref<4x112x8xf32, #tpu.memory_space<vmem>> -> memref<1x112x8xf32, #tpu.memory_space<vmem>>
      %gather3A_1129 = tpu.memref_squeeze %gather3A_1128 : memref<1x112x8xf32, #tpu.memory_space<vmem>> -> memref<112x8xf32, #tpu.memory_space<vmem>>
      %gather3A_1130 = tpu.vector_load_idx %gather3A_1129[%add3A_1124, %and3A_11] : memref<112x8xf32, #tpu.memory_space<vmem>>[vector<16xi32>, vector<16xi32>], vector<16xf32>,
      %add3A_1131 = arith.addf %add3A_1091, %gather3A_1130 : vector<16xf32>
      %add3A_1132 = arith.constant 92 : i32
      %add3A_1133 = vector.broadcast %add3A_1132 : i32 to vector<16xi32>
      %add3A_1134 = arith.addi %shift_right_logical3A_13, %add3A_1133 : vector<16xi32>
      %gather3A_1135 = arith.constant 0 : i32
      %gather3A_1136 = arith.constant 0 : i32
      %gather3A_1137 = arith.constant 0 : i32
      %gather3A_1138 = tpu.memref_slice %arg8[%gather3A_1135, %gather3A_1136, %gather3A_1137] : memref<4x112x8xf32, #tpu.memory_space<vmem>> -> memref<1x112x8xf32, #tpu.memory_space<vmem>>
      %gather3A_1139 = tpu.memref_squeeze %gather3A_1138 : memref<1x112x8xf32, #tpu.memory_space<vmem>> -> memref<112x8xf32, #tpu.memory_space<vmem>>
      %gather3A_1140 = tpu.vector_load_idx %gather3A_1139[%add3A_1134, %and3A_11] : memref<112x8xf32, #tpu.memory_space<vmem>>[vector<16xi32>, vector<16xi32>], vector<16xf32>,
      %add3A_1141 = arith.addf %add3A_1101, %gather3A_1140 : vector<16xf32>
      %add3A_1142 = arith.constant 94 : i32
      %add3A_1143 = vector.broadcast %add3A_1142 : i32 to vector<16xi32>
      %add3A_1144 = arith.addi %shift_right_logical3A_13, %add3A_1143 : vector<16xi32>
      %gather3A_1145 = arith.constant 0 : i32
      %gather3A_1146 = arith.constant 0 : i32
      %gather3A_1147 = arith.constant 0 : i32
      %gather3A_1148 = tpu.memref_slice %arg8[%gather3A_1145, %gather3A_1146, %gather3A_1147] : memref<4x112x8xf32, #tpu.memory_space<vmem>> -> memref<1x112x8xf32, #tpu.memory_space<vmem>>
      %gather3A_1149 = tpu.memref_squeeze %gather3A_1148 : memref<1x112x8xf32, #tpu.memory_space<vmem>> -> memref<112x8xf32, #tpu.memory_space<vmem>>
      %gather3A_1150 = tpu.vector_load_idx %gather3A_1149[%add3A_1144, %and3A_11] : memref<112x8xf32, #tpu.memory_space<vmem>>[vector<16xi32>, vector<16xi32>], vector<16xf32>,
      %add3A_1151 = arith.addf %add3A_1111, %gather3A_1150 : vector<16xf32>
      %add3A_1152 = arith.constant 96 : i32
      %add3A_1153 = vector.broadcast %add3A_1152 : i32 to vector<16xi32>
      %add3A_1154 = arith.addi %shift_right_logical3A_13, %add3A_1153 : vector<16xi32>
      %gather3A_1155 = arith.constant 0 : i32
      %gather3A_1156 = arith.constant 0 : i32
      %gather3A_1157 = arith.constant 0 : i32
      %gather3A_1158 = tpu.memref_slice %arg8[%gather3A_1155, %gather3A_1156, %gather3A_1157] : memref<4x112x8xf32, #tpu.memory_space<vmem>> -> memref<1x112x8xf32, #tpu.memory_space<vmem>>
      %gather3A_1159 = tpu.memref_squeeze %gather3A_1158 : memref<1x112x8xf32, #tpu.memory_space<vmem>> -> memref<112x8xf32, #tpu.memory_space<vmem>>
      %gather3A_1160 = tpu.vector_load_idx %gather3A_1159[%add3A_1154, %and3A_11] : memref<112x8xf32, #tpu.memory_space<vmem>>[vector<16xi32>, vector<16xi32>], vector<16xf32>,
      %add3A_1161 = arith.addf %add3A_1121, %gather3A_1160 : vector<16xf32>
      %add3A_1162 = arith.constant 98 : i32
      %add3A_1163 = vector.broadcast %add3A_1162 : i32 to vector<16xi32>
      %add3A_1164 = arith.addi %shift_right_logical3A_13, %add3A_1163 : vector<16xi32>
      %gather3A_1165 = arith.constant 0 : i32
      %gather3A_1166 = arith.constant 0 : i32
      %gather3A_1167 = arith.constant 0 : i32
      %gather3A_1168 = tpu.memref_slice %arg8[%gather3A_1165, %gather3A_1166, %gather3A_1167] : memref<4x112x8xf32, #tpu.memory_space<vmem>> -> memref<1x112x8xf32, #tpu.memory_space<vmem>>
      %gather3A_1169 = tpu.memref_squeeze %gather3A_1168 : memref<1x112x8xf32, #tpu.memory_space<vmem>> -> memref<112x8xf32, #tpu.memory_space<vmem>>
      %gather3A_1170 = tpu.vector_load_idx %gather3A_1169[%add3A_1164, %and3A_11] : memref<112x8xf32, #tpu.memory_space<vmem>>[vector<16xi32>, vector<16xi32>], vector<16xf32>,
      %add3A_1171 = arith.addf %add3A_1131, %gather3A_1170 : vector<16xf32>
      %add3A_1172 = arith.constant 100 : i32
      %add3A_1173 = vector.broadcast %add3A_1172 : i32 to vector<16xi32>
      %add3A_1174 = arith.addi %shift_right_logical3A_13, %add3A_1173 : vector<16xi32>
      %gather3A_1175 = arith.constant 0 : i32
      %gather3A_1176 = arith.constant 0 : i32
      %gather3A_1177 = arith.constant 0 : i32
      %gather3A_1178 = tpu.memref_slice %arg8[%gather3A_1175, %gather3A_1176, %gather3A_1177] : memref<4x112x8xf32, #tpu.memory_space<vmem>> -> memref<1x112x8xf32, #tpu.memory_space<vmem>>
      %gather3A_1179 = tpu.memref_squeeze %gather3A_1178 : memref<1x112x8xf32, #tpu.memory_space<vmem>> -> memref<112x8xf32, #tpu.memory_space<vmem>>
      %gather3A_1180 = tpu.vector_load_idx %gather3A_1179[%add3A_1174, %and3A_11] : memref<112x8xf32, #tpu.memory_space<vmem>>[vector<16xi32>, vector<16xi32>], vector<16xf32>,
      %add3A_1181 = arith.addf %add3A_1141, %gather3A_1180 : vector<16xf32>
      %add3A_1182 = arith.constant 102 : i32
      %add3A_1183 = vector.broadcast %add3A_1182 : i32 to vector<16xi32>
      %add3A_1184 = arith.addi %shift_right_logical3A_13, %add3A_1183 : vector<16xi32>
      %gather3A_1185 = arith.constant 0 : i32
      %gather3A_1186 = arith.constant 0 : i32
      %gather3A_1187 = arith.constant 0 : i32
      %gather3A_1188 = tpu.memref_slice %arg8[%gather3A_1185, %gather3A_1186, %gather3A_1187] : memref<4x112x8xf32, #tpu.memory_space<vmem>> -> memref<1x112x8xf32, #tpu.memory_space<vmem>>
      %gather3A_1189 = tpu.memref_squeeze %gather3A_1188 : memref<1x112x8xf32, #tpu.memory_space<vmem>> -> memref<112x8xf32, #tpu.memory_space<vmem>>
      %gather3A_1190 = tpu.vector_load_idx %gather3A_1189[%add3A_1184, %and3A_11] : memref<112x8xf32, #tpu.memory_space<vmem>>[vector<16xi32>, vector<16xi32>], vector<16xf32>,
      %add3A_1191 = arith.addf %add3A_1151, %gather3A_1190 : vector<16xf32>
      %add3A_1192 = arith.constant 104 : i32
      %add3A_1193 = vector.broadcast %add3A_1192 : i32 to vector<16xi32>
      %add3A_1194 = arith.addi %shift_right_logical3A_13, %add3A_1193 : vector<16xi32>
      %gather3A_1195 = arith.constant 0 : i32
      %gather3A_1196 = arith.constant 0 : i32
      %gather3A_1197 = arith.constant 0 : i32
      %gather3A_1198 = tpu.memref_slice %arg8[%gather3A_1195, %gather3A_1196, %gather3A_1197] : memref<4x112x8xf32, #tpu.memory_space<vmem>> -> memref<1x112x8xf32, #tpu.memory_space<vmem>>
      %gather3A_1199 = tpu.memref_squeeze %gather3A_1198 : memref<1x112x8xf32, #tpu.memory_space<vmem>> -> memref<112x8xf32, #tpu.memory_space<vmem>>
      %gather3A_1200 = tpu.vector_load_idx %gather3A_1199[%add3A_1194, %and3A_11] : memref<112x8xf32, #tpu.memory_space<vmem>>[vector<16xi32>, vector<16xi32>], vector<16xf32>,
      %add3A_1201 = arith.addf %add3A_1161, %gather3A_1200 : vector<16xf32>
      %add3A_1202 = arith.constant 106 : i32
      %add3A_1203 = vector.broadcast %add3A_1202 : i32 to vector<16xi32>
      %add3A_1204 = arith.addi %shift_right_logical3A_13, %add3A_1203 : vector<16xi32>
      %gather3A_1205 = arith.constant 0 : i32
      %gather3A_1206 = arith.constant 0 : i32
      %gather3A_1207 = arith.constant 0 : i32
      %gather3A_1208 = tpu.memref_slice %arg8[%gather3A_1205, %gather3A_1206, %gather3A_1207] : memref<4x112x8xf32, #tpu.memory_space<vmem>> -> memref<1x112x8xf32, #tpu.memory_space<vmem>>
      %gather3A_1209 = tpu.memref_squeeze %gather3A_1208 : memref<1x112x8xf32, #tpu.memory_space<vmem>> -> memref<112x8xf32, #tpu.memory_space<vmem>>
      %gather3A_1210 = tpu.vector_load_idx %gather3A_1209[%add3A_1204, %and3A_11] : memref<112x8xf32, #tpu.memory_space<vmem>>[vector<16xi32>, vector<16xi32>], vector<16xf32>,
      %add3A_1211 = arith.addf %add3A_1171, %gather3A_1210 : vector<16xf32>
      %add3A_1212 = arith.constant 108 : i32
      %add3A_1213 = vector.broadcast %add3A_1212 : i32 to vector<16xi32>
      %add3A_1214 = arith.addi %shift_right_logical3A_13, %add3A_1213 : vector<16xi32>
      %gather3A_1215 = arith.constant 0 : i32
      %gather3A_1216 = arith.constant 0 : i32
      %gather3A_1217 = arith.constant 0 : i32
      %gather3A_1218 = tpu.memref_slice %arg8[%gather3A_1215, %gather3A_1216, %gather3A_1217] : memref<4x112x8xf32, #tpu.memory_space<vmem>> -> memref<1x112x8xf32, #tpu.memory_space<vmem>>
      %gather3A_1219 = tpu.memref_squeeze %gather3A_1218 : memref<1x112x8xf32, #tpu.memory_space<vmem>> -> memref<112x8xf32, #tpu.memory_space<vmem>>
      %gather3A_1220 = tpu.vector_load_idx %gather3A_1219[%add3A_1214, %and3A_11] : memref<112x8xf32, #tpu.memory_space<vmem>>[vector<16xi32>, vector<16xi32>], vector<16xf32>,
      %add3A_1221 = arith.addf %add3A_1181, %gather3A_1220 : vector<16xf32>
      %add3A_1222 = arith.constant 110 : i32
      %add3A_1223 = vector.broadcast %add3A_1222 : i32 to vector<16xi32>
      %add3A_1224 = arith.addi %shift_right_logical3A_13, %add3A_1223 : vector<16xi32>
      %gather3A_1225 = arith.constant 0 : i32
      %gather3A_1226 = arith.constant 0 : i32
      %gather3A_1227 = arith.constant 0 : i32
      %gather3A_1228 = tpu.memref_slice %arg8[%gather3A_1225, %gather3A_1226, %gather3A_1227] : memref<4x112x8xf32, #tpu.memory_space<vmem>> -> memref<1x112x8xf32, #tpu.memory_space<vmem>>
      %gather3A_1229 = tpu.memref_squeeze %gather3A_1228 : memref<1x112x8xf32, #tpu.memory_space<vmem>> -> memref<112x8xf32, #tpu.memory_space<vmem>>
      %gather3A_1230 = tpu.vector_load_idx %gather3A_1229[%add3A_1224, %and3A_11] : memref<112x8xf32, #tpu.memory_space<vmem>>[vector<16xi32>, vector<16xi32>], vector<16xf32>,
      %add3A_1231 = arith.addf %add3A_1191, %gather3A_1230 : vector<16xf32>
      %add3A_1232 = arith.constant 0 : i32
      %add3A_1233 = vector.broadcast %add3A_1232 : i32 to vector<16xi32>
      %add3A_1234 = arith.addi %shift_right_logical3A_13, %add3A_1233 : vector<16xi32>
      %gather3A_1235 = arith.constant 1 : i32
      %gather3A_1236 = arith.constant 0 : i32
      %gather3A_1237 = arith.constant 0 : i32
      %gather3A_1238 = tpu.memref_slice %arg8[%gather3A_1235, %gather3A_1236, %gather3A_1237] : memref<4x112x8xf32, #tpu.memory_space<vmem>> -> memref<1x112x8xf32, #tpu.memory_space<vmem>>
      %gather3A_1239 = tpu.memref_squeeze %gather3A_1238 : memref<1x112x8xf32, #tpu.memory_space<vmem>> -> memref<112x8xf32, #tpu.memory_space<vmem>>
      %gather3A_1240 = tpu.vector_load_idx %gather3A_1239[%add3A_1234, %and3A_11] : memref<112x8xf32, #tpu.memory_space<vmem>>[vector<16xi32>, vector<16xi32>], vector<16xf32>,
      %add3A_1241 = arith.addf %add3A_1201, %gather3A_1240 : vector<16xf32>
      %add3A_1242 = arith.constant 2 : i32
      %add3A_1243 = vector.broadcast %add3A_1242 : i32 to vector<16xi32>
      %add3A_1244 = arith.addi %shift_right_logical3A_13, %add3A_1243 : vector<16xi32>
      %gather3A_1245 = arith.constant 1 : i32
      %gather3A_1246 = arith.constant 0 : i32
      %gather3A_1247 = arith.constant 0 : i32
      %gather3A_1248 = tpu.memref_slice %arg8[%gather3A_1245, %gather3A_1246, %gather3A_1247] : memref<4x112x8xf32, #tpu.memory_space<vmem>> -> memref<1x112x8xf32, #tpu.memory_space<vmem>>
      %gather3A_1249 = tpu.memref_squeeze %gather3A_1248 : memref<1x112x8xf32, #tpu.memory_space<vmem>> -> memref<112x8xf32, #tpu.memory_space<vmem>>
      %gather3A_1250 = tpu.vector_load_idx %gather3A_1249[%add3A_1244, %and3A_11] : memref<112x8xf32, #tpu.memory_space<vmem>>[vector<16xi32>, vector<16xi32>], vector<16xf32>,
      %add3A_1251 = arith.addf %add3A_1211, %gather3A_1250 : vector<16xf32>
      %add3A_1252 = arith.constant 4 : i32
      %add3A_1253 = vector.broadcast %add3A_1252 : i32 to vector<16xi32>
      %add3A_1254 = arith.addi %shift_right_logical3A_13, %add3A_1253 : vector<16xi32>
      %gather3A_1255 = arith.constant 1 : i32
      %gather3A_1256 = arith.constant 0 : i32
      %gather3A_1257 = arith.constant 0 : i32
      %gather3A_1258 = tpu.memref_slice %arg8[%gather3A_1255, %gather3A_1256, %gather3A_1257] : memref<4x112x8xf32, #tpu.memory_space<vmem>> -> memref<1x112x8xf32, #tpu.memory_space<vmem>>
      %gather3A_1259 = tpu.memref_squeeze %gather3A_1258 : memref<1x112x8xf32, #tpu.memory_space<vmem>> -> memref<112x8xf32, #tpu.memory_space<vmem>>
      %gather3A_1260 = tpu.vector_load_idx %gather3A_1259[%add3A_1254, %and3A_11] : memref<112x8xf32, #tpu.memory_space<vmem>>[vector<16xi32>, vector<16xi32>], vector<16xf32>,
      %add3A_1261 = arith.addf %add3A_1221, %gather3A_1260 : vector<16xf32>
      %add3A_1262 = arith.constant 6 : i32
      %add3A_1263 = vector.broadcast %add3A_1262 : i32 to vector<16xi32>
      %add3A_1264 = arith.addi %shift_right_logical3A_13, %add3A_1263 : vector<16xi32>
      %gather3A_1265 = arith.constant 1 : i32
      %gather3A_1266 = arith.constant 0 : i32
      %gather3A_1267 = arith.constant 0 : i32
      %gather3A_1268 = tpu.memref_slice %arg8[%gather3A_1265, %gather3A_1266, %gather3A_1267] : memref<4x112x8xf32, #tpu.memory_space<vmem>> -> memref<1x112x8xf32, #tpu.memory_space<vmem>>
      %gather3A_1269 = tpu.memref_squeeze %gather3A_1268 : memref<1x112x8xf32, #tpu.memory_space<vmem>> -> memref<112x8xf32, #tpu.memory_space<vmem>>
      %gather3A_1270 = tpu.vector_load_idx %gather3A_1269[%add3A_1264, %and3A_11] : memref<112x8xf32, #tpu.memory_space<vmem>>[vector<16xi32>, vector<16xi32>], vector<16xf32>,
      %add3A_1271 = arith.addf %add3A_1231, %gather3A_1270 : vector<16xf32>
      %add3A_1272 = arith.constant 8 : i32
      %add3A_1273 = vector.broadcast %add3A_1272 : i32 to vector<16xi32>
      %add3A_1274 = arith.addi %shift_right_logical3A_13, %add3A_1273 : vector<16xi32>
      %gather3A_1275 = arith.constant 1 : i32
      %gather3A_1276 = arith.constant 0 : i32
      %gather3A_1277 = arith.constant 0 : i32
      %gather3A_1278 = tpu.memref_slice %arg8[%gather3A_1275, %gather3A_1276, %gather3A_1277] : memref<4x112x8xf32, #tpu.memory_space<vmem>> -> memref<1x112x8xf32, #tpu.memory_space<vmem>>
      %gather3A_1279 = tpu.memref_squeeze %gather3A_1278 : memref<1x112x8xf32, #tpu.memory_space<vmem>> -> memref<112x8xf32, #tpu.memory_space<vmem>>
      %gather3A_1280 = tpu.vector_load_idx %gather3A_1279[%add3A_1274, %and3A_11] : memref<112x8xf32, #tpu.memory_space<vmem>>[vector<16xi32>, vector<16xi32>], vector<16xf32>,
      %add3A_1281 = arith.addf %add3A_1241, %gather3A_1280 : vector<16xf32>
      %add3A_1282 = arith.constant 10 : i32
      %add3A_1283 = vector.broadcast %add3A_1282 : i32 to vector<16xi32>
      %add3A_1284 = arith.addi %shift_right_logical3A_13, %add3A_1283 : vector<16xi32>
      %gather3A_1285 = arith.constant 1 : i32
      %gather3A_1286 = arith.constant 0 : i32
      %gather3A_1287 = arith.constant 0 : i32
      %gather3A_1288 = tpu.memref_slice %arg8[%gather3A_1285, %gather3A_1286, %gather3A_1287] : memref<4x112x8xf32, #tpu.memory_space<vmem>> -> memref<1x112x8xf32, #tpu.memory_space<vmem>>
      %gather3A_1289 = tpu.memref_squeeze %gather3A_1288 : memref<1x112x8xf32, #tpu.memory_space<vmem>> -> memref<112x8xf32, #tpu.memory_space<vmem>>
      %gather3A_1290 = tpu.vector_load_idx %gather3A_1289[%add3A_1284, %and3A_11] : memref<112x8xf32, #tpu.memory_space<vmem>>[vector<16xi32>, vector<16xi32>], vector<16xf32>,
      %add3A_1291 = arith.addf %add3A_1251, %gather3A_1290 : vector<16xf32>
      %add3A_1292 = arith.constant 12 : i32
      %add3A_1293 = vector.broadcast %add3A_1292 : i32 to vector<16xi32>
      %add3A_1294 = arith.addi %shift_right_logical3A_13, %add3A_1293 : vector<16xi32>
      %gather3A_1295 = arith.constant 1 : i32
      %gather3A_1296 = arith.constant 0 : i32
      %gather3A_1297 = arith.constant 0 : i32
      %gather3A_1298 = tpu.memref_slice %arg8[%gather3A_1295, %gather3A_1296, %gather3A_1297] : memref<4x112x8xf32, #tpu.memory_space<vmem>> -> memref<1x112x8xf32, #tpu.memory_space<vmem>>
      %gather3A_1299 = tpu.memref_squeeze %gather3A_1298 : memref<1x112x8xf32, #tpu.memory_space<vmem>> -> memref<112x8xf32, #tpu.memory_space<vmem>>
      %gather3A_1300 = tpu.vector_load_idx %gather3A_1299[%add3A_1294, %and3A_11] : memref<112x8xf32, #tpu.memory_space<vmem>>[vector<16xi32>, vector<16xi32>], vector<16xf32>,
      %add3A_1301 = arith.addf %add3A_1261, %gather3A_1300 : vector<16xf32>
      %add3A_1302 = arith.constant 14 : i32
      %add3A_1303 = vector.broadcast %add3A_1302 : i32 to vector<16xi32>
      %add3A_1304 = arith.addi %shift_right_logical3A_13, %add3A_1303 : vector<16xi32>
      %gather3A_1305 = arith.constant 1 : i32
      %gather3A_1306 = arith.constant 0 : i32
      %gather3A_1307 = arith.constant 0 : i32
      %gather3A_1308 = tpu.memref_slice %arg8[%gather3A_1305, %gather3A_1306, %gather3A_1307] : memref<4x112x8xf32, #tpu.memory_space<vmem>> -> memref<1x112x8xf32, #tpu.memory_space<vmem>>
      %gather3A_1309 = tpu.memref_squeeze %gather3A_1308 : memref<1x112x8xf32, #tpu.memory_space<vmem>> -> memref<112x8xf32, #tpu.memory_space<vmem>>
      %gather3A_1310 = tpu.vector_load_idx %gather3A_1309[%add3A_1304, %and3A_11] : memref<112x8xf32, #tpu.memory_space<vmem>>[vector<16xi32>, vector<16xi32>], vector<16xf32>,
      %add3A_1311 = arith.addf %add3A_1271, %gather3A_1310 : vector<16xf32>
      %add3A_1312 = arith.constant 16 : i32
      %add3A_1313 = vector.broadcast %add3A_1312 : i32 to vector<16xi32>
      %add3A_1314 = arith.addi %shift_right_logical3A_13, %add3A_1313 : vector<16xi32>
      %gather3A_1315 = arith.constant 1 : i32
      %gather3A_1316 = arith.constant 0 : i32
      %gather3A_1317 = arith.constant 0 : i32
      %gather3A_1318 = tpu.memref_slice %arg8[%gather3A_1315, %gather3A_1316, %gather3A_1317] : memref<4x112x8xf32, #tpu.memory_space<vmem>> -> memref<1x112x8xf32, #tpu.memory_space<vmem>>
      %gather3A_1319 = tpu.memref_squeeze %gather3A_1318 : memref<1x112x8xf32, #tpu.memory_space<vmem>> -> memref<112x8xf32, #tpu.memory_space<vmem>>
      %gather3A_1320 = tpu.vector_load_idx %gather3A_1319[%add3A_1314, %and3A_11] : memref<112x8xf32, #tpu.memory_space<vmem>>[vector<16xi32>, vector<16xi32>], vector<16xf32>,
      %add3A_1321 = arith.addf %add3A_1281, %gather3A_1320 : vector<16xf32>
      %add3A_1322 = arith.constant 18 : i32
      %add3A_1323 = vector.broadcast %add3A_1322 : i32 to vector<16xi32>
      %add3A_1324 = arith.addi %shift_right_logical3A_13, %add3A_1323 : vector<16xi32>
      %gather3A_1325 = arith.constant 1 : i32
      %gather3A_1326 = arith.constant 0 : i32
      %gather3A_1327 = arith.constant 0 : i32
      %gather3A_1328 = tpu.memref_slice %arg8[%gather3A_1325, %gather3A_1326, %gather3A_1327] : memref<4x112x8xf32, #tpu.memory_space<vmem>> -> memref<1x112x8xf32, #tpu.memory_space<vmem>>
      %gather3A_1329 = tpu.memref_squeeze %gather3A_1328 : memref<1x112x8xf32, #tpu.memory_space<vmem>> -> memref<112x8xf32, #tpu.memory_space<vmem>>
      %gather3A_1330 = tpu.vector_load_idx %gather3A_1329[%add3A_1324, %and3A_11] : memref<112x8xf32, #tpu.memory_space<vmem>>[vector<16xi32>, vector<16xi32>], vector<16xf32>,
      %add3A_1331 = arith.addf %add3A_1291, %gather3A_1330 : vector<16xf32>
      %add3A_1332 = arith.constant 20 : i32
      %add3A_1333 = vector.broadcast %add3A_1332 : i32 to vector<16xi32>
      %add3A_1334 = arith.addi %shift_right_logical3A_13, %add3A_1333 : vector<16xi32>
      %gather3A_1335 = arith.constant 1 : i32
      %gather3A_1336 = arith.constant 0 : i32
      %gather3A_1337 = arith.constant 0 : i32
      %gather3A_1338 = tpu.memref_slice %arg8[%gather3A_1335, %gather3A_1336, %gather3A_1337] : memref<4x112x8xf32, #tpu.memory_space<vmem>> -> memref<1x112x8xf32, #tpu.memory_space<vmem>>
      %gather3A_1339 = tpu.memref_squeeze %gather3A_1338 : memref<1x112x8xf32, #tpu.memory_space<vmem>> -> memref<112x8xf32, #tpu.memory_space<vmem>>
      %gather3A_1340 = tpu.vector_load_idx %gather3A_1339[%add3A_1334, %and3A_11] : memref<112x8xf32, #tpu.memory_space<vmem>>[vector<16xi32>, vector<16xi32>], vector<16xf32>,
      %add3A_1341 = arith.addf %add3A_1301, %gather3A_1340 : vector<16xf32>
      %add3A_1342 = arith.constant 22 : i32
      %add3A_1343 = vector.broadcast %add3A_1342 : i32 to vector<16xi32>
      %add3A_1344 = arith.addi %shift_right_logical3A_13, %add3A_1343 : vector<16xi32>
      %gather3A_1345 = arith.constant 1 : i32
      %gather3A_1346 = arith.constant 0 : i32
      %gather3A_1347 = arith.constant 0 : i32
      %gather3A_1348 = tpu.memref_slice %arg8[%gather3A_1345, %gather3A_1346, %gather3A_1347] : memref<4x112x8xf32, #tpu.memory_space<vmem>> -> memref<1x112x8xf32, #tpu.memory_space<vmem>>
      %gather3A_1349 = tpu.memref_squeeze %gather3A_1348 : memref<1x112x8xf32, #tpu.memory_space<vmem>> -> memref<112x8xf32, #tpu.memory_space<vmem>>
      %gather3A_1350 = tpu.vector_load_idx %gather3A_1349[%add3A_1344, %and3A_11] : memref<112x8xf32, #tpu.memory_space<vmem>>[vector<16xi32>, vector<16xi32>], vector<16xf32>,
      %add3A_1351 = arith.addf %add3A_1311, %gather3A_1350 : vector<16xf32>
      %add3A_1352 = arith.constant 24 : i32
      %add3A_1353 = vector.broadcast %add3A_1352 : i32 to vector<16xi32>
      %add3A_1354 = arith.addi %shift_right_logical3A_13, %add3A_1353 : vector<16xi32>
      %gather3A_1355 = arith.constant 1 : i32
      %gather3A_1356 = arith.constant 0 : i32
      %gather3A_1357 = arith.constant 0 : i32
      %gather3A_1358 = tpu.memref_slice %arg8[%gather3A_1355, %gather3A_1356, %gather3A_1357] : memref<4x112x8xf32, #tpu.memory_space<vmem>> -> memref<1x112x8xf32, #tpu.memory_space<vmem>>
      %gather3A_1359 = tpu.memref_squeeze %gather3A_1358 : memref<1x112x8xf32, #tpu.memory_space<vmem>> -> memref<112x8xf32, #tpu.memory_space<vmem>>
      %gather3A_1360 = tpu.vector_load_idx %gather3A_1359[%add3A_1354, %and3A_11] : memref<112x8xf32, #tpu.memory_space<vmem>>[vector<16xi32>, vector<16xi32>], vector<16xf32>,
      %add3A_1361 = arith.addf %add3A_1321, %gather3A_1360 : vector<16xf32>
      %add3A_1362 = arith.constant 26 : i32
      %add3A_1363 = vector.broadcast %add3A_1362 : i32 to vector<16xi32>
      %add3A_1364 = arith.addi %shift_right_logical3A_13, %add3A_1363 : vector<16xi32>
      %gather3A_1365 = arith.constant 1 : i32
      %gather3A_1366 = arith.constant 0 : i32
      %gather3A_1367 = arith.constant 0 : i32
      %gather3A_1368 = tpu.memref_slice %arg8[%gather3A_1365, %gather3A_1366, %gather3A_1367] : memref<4x112x8xf32, #tpu.memory_space<vmem>> -> memref<1x112x8xf32, #tpu.memory_space<vmem>>
      %gather3A_1369 = tpu.memref_squeeze %gather3A_1368 : memref<1x112x8xf32, #tpu.memory_space<vmem>> -> memref<112x8xf32, #tpu.memory_space<vmem>>
      %gather3A_1370 = tpu.vector_load_idx %gather3A_1369[%add3A_1364, %and3A_11] : memref<112x8xf32, #tpu.memory_space<vmem>>[vector<16xi32>, vector<16xi32>], vector<16xf32>,
      %add3A_1371 = arith.addf %add3A_1331, %gather3A_1370 : vector<16xf32>
      %add3A_1372 = arith.constant 28 : i32
      %add3A_1373 = vector.broadcast %add3A_1372 : i32 to vector<16xi32>
      %add3A_1374 = arith.addi %shift_right_logical3A_13, %add3A_1373 : vector<16xi32>
      %gather3A_1375 = arith.constant 1 : i32
      %gather3A_1376 = arith.constant 0 : i32
      %gather3A_1377 = arith.constant 0 : i32
      %gather3A_1378 = tpu.memref_slice %arg8[%gather3A_1375, %gather3A_1376, %gather3A_1377] : memref<4x112x8xf32, #tpu.memory_space<vmem>> -> memref<1x112x8xf32, #tpu.memory_space<vmem>>
      %gather3A_1379 = tpu.memref_squeeze %gather3A_1378 : memref<1x112x8xf32, #tpu.memory_space<vmem>> -> memref<112x8xf32, #tpu.memory_space<vmem>>
      %gather3A_1380 = tpu.vector_load_idx %gather3A_1379[%add3A_1374, %and3A_11] : memref<112x8xf32, #tpu.memory_space<vmem>>[vector<16xi32>, vector<16xi32>], vector<16xf32>,
      %add3A_1381 = arith.addf %add3A_1341, %gather3A_1380 : vector<16xf32>
      %add3A_1382 = arith.constant 30 : i32
      %add3A_1383 = vector.broadcast %add3A_1382 : i32 to vector<16xi32>
      %add3A_1384 = arith.addi %shift_right_logical3A_13, %add3A_1383 : vector<16xi32>
      %gather3A_1385 = arith.constant 1 : i32
      %gather3A_1386 = arith.constant 0 : i32
      %gather3A_1387 = arith.constant 0 : i32
      %gather3A_1388 = tpu.memref_slice %arg8[%gather3A_1385, %gather3A_1386, %gather3A_1387] : memref<4x112x8xf32, #tpu.memory_space<vmem>> -> memref<1x112x8xf32, #tpu.memory_space<vmem>>
      %gather3A_1389 = tpu.memref_squeeze %gather3A_1388 : memref<1x112x8xf32, #tpu.memory_space<vmem>> -> memref<112x8xf32, #tpu.memory_space<vmem>>
      %gather3A_1390 = tpu.vector_load_idx %gather3A_1389[%add3A_1384, %and3A_11] : memref<112x8xf32, #tpu.memory_space<vmem>>[vector<16xi32>, vector<16xi32>], vector<16xf32>,
      %add3A_1391 = arith.addf %add3A_1351, %gather3A_1390 : vector<16xf32>
      %add3A_1392 = arith.constant 32 : i32
      %add3A_1393 = vector.broadcast %add3A_1392 : i32 to vector<16xi32>
      %add3A_1394 = arith.addi %shift_right_logical3A_13, %add3A_1393 : vector<16xi32>
      %gather3A_1395 = arith.constant 1 : i32
      %gather3A_1396 = arith.constant 0 : i32
      %gather3A_1397 = arith.constant 0 : i32
      %gather3A_1398 = tpu.memref_slice %arg8[%gather3A_1395, %gather3A_1396, %gather3A_1397] : memref<4x112x8xf32, #tpu.memory_space<vmem>> -> memref<1x112x8xf32, #tpu.memory_space<vmem>>
      %gather3A_1399 = tpu.memref_squeeze %gather3A_1398 : memref<1x112x8xf32, #tpu.memory_space<vmem>> -> memref<112x8xf32, #tpu.memory_space<vmem>>
      %gather3A_1400 = tpu.vector_load_idx %gather3A_1399[%add3A_1394, %and3A_11] : memref<112x8xf32, #tpu.memory_space<vmem>>[vector<16xi32>, vector<16xi32>], vector<16xf32>,
      %add3A_1401 = arith.addf %add3A_1361, %gather3A_1400 : vector<16xf32>
      %add3A_1402 = arith.constant 34 : i32
      %add3A_1403 = vector.broadcast %add3A_1402 : i32 to vector<16xi32>
      %add3A_1404 = arith.addi %shift_right_logical3A_13, %add3A_1403 : vector<16xi32>
      %gather3A_1405 = arith.constant 1 : i32
      %gather3A_1406 = arith.constant 0 : i32
      %gather3A_1407 = arith.constant 0 : i32
      %gather3A_1408 = tpu.memref_slice %arg8[%gather3A_1405, %gather3A_1406, %gather3A_1407] : memref<4x112x8xf32, #tpu.memory_space<vmem>> -> memref<1x112x8xf32, #tpu.memory_space<vmem>>
      %gather3A_1409 = tpu.memref_squeeze %gather3A_1408 : memref<1x112x8xf32, #tpu.memory_space<vmem>> -> memref<112x8xf32, #tpu.memory_space<vmem>>
      %gather3A_1410 = tpu.vector_load_idx %gather3A_1409[%add3A_1404, %and3A_11] : memref<112x8xf32, #tpu.memory_space<vmem>>[vector<16xi32>, vector<16xi32>], vector<16xf32>,
      %add3A_1411 = arith.addf %add3A_1371, %gather3A_1410 : vector<16xf32>
      %add3A_1412 = arith.constant 36 : i32
      %add3A_1413 = vector.broadcast %add3A_1412 : i32 to vector<16xi32>
      %add3A_1414 = arith.addi %shift_right_logical3A_13, %add3A_1413 : vector<16xi32>
      %gather3A_1415 = arith.constant 1 : i32
      %gather3A_1416 = arith.constant 0 : i32
      %gather3A_1417 = arith.constant 0 : i32
      %gather3A_1418 = tpu.memref_slice %arg8[%gather3A_1415, %gather3A_1416, %gather3A_1417] : memref<4x112x8xf32, #tpu.memory_space<vmem>> -> memref<1x112x8xf32, #tpu.memory_space<vmem>>
      %gather3A_1419 = tpu.memref_squeeze %gather3A_1418 : memref<1x112x8xf32, #tpu.memory_space<vmem>> -> memref<112x8xf32, #tpu.memory_space<vmem>>
      %gather3A_1420 = tpu.vector_load_idx %gather3A_1419[%add3A_1414, %and3A_11] : memref<112x8xf32, #tpu.memory_space<vmem>>[vector<16xi32>, vector<16xi32>], vector<16xf32>,
      %add3A_1421 = arith.addf %add3A_1381, %gather3A_1420 : vector<16xf32>
      %add3A_1422 = arith.constant 38 : i32
      %add3A_1423 = vector.broadcast %add3A_1422 : i32 to vector<16xi32>
      %add3A_1424 = arith.addi %shift_right_logical3A_13, %add3A_1423 : vector<16xi32>
      %gather3A_1425 = arith.constant 1 : i32
      %gather3A_1426 = arith.constant 0 : i32
      %gather3A_1427 = arith.constant 0 : i32
      %gather3A_1428 = tpu.memref_slice %arg8[%gather3A_1425, %gather3A_1426, %gather3A_1427] : memref<4x112x8xf32, #tpu.memory_space<vmem>> -> memref<1x112x8xf32, #tpu.memory_space<vmem>>
      %gather3A_1429 = tpu.memref_squeeze %gather3A_1428 : memref<1x112x8xf32, #tpu.memory_space<vmem>> -> memref<112x8xf32, #tpu.memory_space<vmem>>
      %gather3A_1430 = tpu.vector_load_idx %gather3A_1429[%add3A_1424, %and3A_11] : memref<112x8xf32, #tpu.memory_space<vmem>>[vector<16xi32>, vector<16xi32>], vector<16xf32>,
      %add3A_1431 = arith.addf %add3A_1391, %gather3A_1430 : vector<16xf32>
      %add3A_1432 = arith.constant 40 : i32
      %add3A_1433 = vector.broadcast %add3A_1432 : i32 to vector<16xi32>
      %add3A_1434 = arith.addi %shift_right_logical3A_13, %add3A_1433 : vector<16xi32>
      %gather3A_1435 = arith.constant 1 : i32
      %gather3A_1436 = arith.constant 0 : i32
      %gather3A_1437 = arith.constant 0 : i32
      %gather3A_1438 = tpu.memref_slice %arg8[%gather3A_1435, %gather3A_1436, %gather3A_1437] : memref<4x112x8xf32, #tpu.memory_space<vmem>> -> memref<1x112x8xf32, #tpu.memory_space<vmem>>
      %gather3A_1439 = tpu.memref_squeeze %gather3A_1438 : memref<1x112x8xf32, #tpu.memory_space<vmem>> -> memref<112x8xf32, #tpu.memory_space<vmem>>
      %gather3A_1440 = tpu.vector_load_idx %gather3A_1439[%add3A_1434, %and3A_11] : memref<112x8xf32, #tpu.memory_space<vmem>>[vector<16xi32>, vector<16xi32>], vector<16xf32>,
      %add3A_1441 = arith.addf %add3A_1401, %gather3A_1440 : vector<16xf32>
      %add3A_1442 = arith.constant 42 : i32
      %add3A_1443 = vector.broadcast %add3A_1442 : i32 to vector<16xi32>
      %add3A_1444 = arith.addi %shift_right_logical3A_13, %add3A_1443 : vector<16xi32>
      %gather3A_1445 = arith.constant 1 : i32
      %gather3A_1446 = arith.constant 0 : i32
      %gather3A_1447 = arith.constant 0 : i32
      %gather3A_1448 = tpu.memref_slice %arg8[%gather3A_1445, %gather3A_1446, %gather3A_1447] : memref<4x112x8xf32, #tpu.memory_space<vmem>> -> memref<1x112x8xf32, #tpu.memory_space<vmem>>
      %gather3A_1449 = tpu.memref_squeeze %gather3A_1448 : memref<1x112x8xf32, #tpu.memory_space<vmem>> -> memref<112x8xf32, #tpu.memory_space<vmem>>
      %gather3A_1450 = tpu.vector_load_idx %gather3A_1449[%add3A_1444, %and3A_11] : memref<112x8xf32, #tpu.memory_space<vmem>>[vector<16xi32>, vector<16xi32>], vector<16xf32>,
      %add3A_1451 = arith.addf %add3A_1411, %gather3A_1450 : vector<16xf32>
      %add3A_1452 = arith.constant 44 : i32
      %add3A_1453 = vector.broadcast %add3A_1452 : i32 to vector<16xi32>
      %add3A_1454 = arith.addi %shift_right_logical3A_13, %add3A_1453 : vector<16xi32>
      %gather3A_1455 = arith.constant 1 : i32
      %gather3A_1456 = arith.constant 0 : i32
      %gather3A_1457 = arith.constant 0 : i32
      %gather3A_1458 = tpu.memref_slice %arg8[%gather3A_1455, %gather3A_1456, %gather3A_1457] : memref<4x112x8xf32, #tpu.memory_space<vmem>> -> memref<1x112x8xf32, #tpu.memory_space<vmem>>
      %gather3A_1459 = tpu.memref_squeeze %gather3A_1458 : memref<1x112x8xf32, #tpu.memory_space<vmem>> -> memref<112x8xf32, #tpu.memory_space<vmem>>
      %gather3A_1460 = tpu.vector_load_idx %gather3A_1459[%add3A_1454, %and3A_11] : memref<112x8xf32, #tpu.memory_space<vmem>>[vector<16xi32>, vector<16xi32>], vector<16xf32>,
      %add3A_1461 = arith.addf %add3A_1421, %gather3A_1460 : vector<16xf32>
      %add3A_1462 = arith.constant 46 : i32
      %add3A_1463 = vector.broadcast %add3A_1462 : i32 to vector<16xi32>
      %add3A_1464 = arith.addi %shift_right_logical3A_13, %add3A_1463 : vector<16xi32>
      %gather3A_1465 = arith.constant 1 : i32
      %gather3A_1466 = arith.constant 0 : i32
      %gather3A_1467 = arith.constant 0 : i32
      %gather3A_1468 = tpu.memref_slice %arg8[%gather3A_1465, %gather3A_1466, %gather3A_1467] : memref<4x112x8xf32, #tpu.memory_space<vmem>> -> memref<1x112x8xf32, #tpu.memory_space<vmem>>
      %gather3A_1469 = tpu.memref_squeeze %gather3A_1468 : memref<1x112x8xf32, #tpu.memory_space<vmem>> -> memref<112x8xf32, #tpu.memory_space<vmem>>
      %gather3A_1470 = tpu.vector_load_idx %gather3A_1469[%add3A_1464, %and3A_11] : memref<112x8xf32, #tpu.memory_space<vmem>>[vector<16xi32>, vector<16xi32>], vector<16xf32>,
      %add3A_1471 = arith.addf %add3A_1431, %gather3A_1470 : vector<16xf32>
      %add3A_1472 = arith.constant 48 : i32
      %add3A_1473 = vector.broadcast %add3A_1472 : i32 to vector<16xi32>
      %add3A_1474 = arith.addi %shift_right_logical3A_13, %add3A_1473 : vector<16xi32>
      %gather3A_1475 = arith.constant 1 : i32
      %gather3A_1476 = arith.constant 0 : i32
      %gather3A_1477 = arith.constant 0 : i32
      %gather3A_1478 = tpu.memref_slice %arg8[%gather3A_1475, %gather3A_1476, %gather3A_1477] : memref<4x112x8xf32, #tpu.memory_space<vmem>> -> memref<1x112x8xf32, #tpu.memory_space<vmem>>
      %gather3A_1479 = tpu.memref_squeeze %gather3A_1478 : memref<1x112x8xf32, #tpu.memory_space<vmem>> -> memref<112x8xf32, #tpu.memory_space<vmem>>
      %gather3A_1480 = tpu.vector_load_idx %gather3A_1479[%add3A_1474, %and3A_11] : memref<112x8xf32, #tpu.memory_space<vmem>>[vector<16xi32>, vector<16xi32>], vector<16xf32>,
      %add3A_1481 = arith.addf %add3A_1441, %gather3A_1480 : vector<16xf32>
      %add3A_1482 = arith.constant 50 : i32
      %add3A_1483 = vector.broadcast %add3A_1482 : i32 to vector<16xi32>
      %add3A_1484 = arith.addi %shift_right_logical3A_13, %add3A_1483 : vector<16xi32>
      %gather3A_1485 = arith.constant 1 : i32
      %gather3A_1486 = arith.constant 0 : i32
      %gather3A_1487 = arith.constant 0 : i32
      %gather3A_1488 = tpu.memref_slice %arg8[%gather3A_1485, %gather3A_1486, %gather3A_1487] : memref<4x112x8xf32, #tpu.memory_space<vmem>> -> memref<1x112x8xf32, #tpu.memory_space<vmem>>
      %gather3A_1489 = tpu.memref_squeeze %gather3A_1488 : memref<1x112x8xf32, #tpu.memory_space<vmem>> -> memref<112x8xf32, #tpu.memory_space<vmem>>
      %gather3A_1490 = tpu.vector_load_idx %gather3A_1489[%add3A_1484, %and3A_11] : memref<112x8xf32, #tpu.memory_space<vmem>>[vector<16xi32>, vector<16xi32>], vector<16xf32>,
      %add3A_1491 = arith.addf %add3A_1451, %gather3A_1490 : vector<16xf32>
      %add3A_1492 = arith.constant 52 : i32
      %add3A_1493 = vector.broadcast %add3A_1492 : i32 to vector<16xi32>
      %add3A_1494 = arith.addi %shift_right_logical3A_13, %add3A_1493 : vector<16xi32>
      %gather3A_1495 = arith.constant 1 : i32
      %gather3A_1496 = arith.constant 0 : i32
      %gather3A_1497 = arith.constant 0 : i32
      %gather3A_1498 = tpu.memref_slice %arg8[%gather3A_1495, %gather3A_1496, %gather3A_1497] : memref<4x112x8xf32, #tpu.memory_space<vmem>> -> memref<1x112x8xf32, #tpu.memory_space<vmem>>
      %gather3A_1499 = tpu.memref_squeeze %gather3A_1498 : memref<1x112x8xf32, #tpu.memory_space<vmem>> -> memref<112x8xf32, #tpu.memory_space<vmem>>
      %gather3A_1500 = tpu.vector_load_idx %gather3A_1499[%add3A_1494, %and3A_11] : memref<112x8xf32, #tpu.memory_space<vmem>>[vector<16xi32>, vector<16xi32>], vector<16xf32>,
      %add3A_1501 = arith.addf %add3A_1461, %gather3A_1500 : vector<16xf32>
      %add3A_1502 = arith.constant 54 : i32
      %add3A_1503 = vector.broadcast %add3A_1502 : i32 to vector<16xi32>
      %add3A_1504 = arith.addi %shift_right_logical3A_13, %add3A_1503 : vector<16xi32>
      %gather3A_1505 = arith.constant 1 : i32
      %gather3A_1506 = arith.constant 0 : i32
      %gather3A_1507 = arith.constant 0 : i32
      %gather3A_1508 = tpu.memref_slice %arg8[%gather3A_1505, %gather3A_1506, %gather3A_1507] : memref<4x112x8xf32, #tpu.memory_space<vmem>> -> memref<1x112x8xf32, #tpu.memory_space<vmem>>
      %gather3A_1509 = tpu.memref_squeeze %gather3A_1508 : memref<1x112x8xf32, #tpu.memory_space<vmem>> -> memref<112x8xf32, #tpu.memory_space<vmem>>
      %gather3A_1510 = tpu.vector_load_idx %gather3A_1509[%add3A_1504, %and3A_11] : memref<112x8xf32, #tpu.memory_space<vmem>>[vector<16xi32>, vector<16xi32>], vector<16xf32>,
      %add3A_1511 = arith.addf %add3A_1471, %gather3A_1510 : vector<16xf32>
      %add3A_1512 = arith.constant 56 : i32
      %add3A_1513 = vector.broadcast %add3A_1512 : i32 to vector<16xi32>
      %add3A_1514 = arith.addi %shift_right_logical3A_13, %add3A_1513 : vector<16xi32>
      %gather3A_1515 = arith.constant 1 : i32
      %gather3A_1516 = arith.constant 0 : i32
      %gather3A_1517 = arith.constant 0 : i32
      %gather3A_1518 = tpu.memref_slice %arg8[%gather3A_1515, %gather3A_1516, %gather3A_1517] : memref<4x112x8xf32, #tpu.memory_space<vmem>> -> memref<1x112x8xf32, #tpu.memory_space<vmem>>
      %gather3A_1519 = tpu.memref_squeeze %gather3A_1518 : memref<1x112x8xf32, #tpu.memory_space<vmem>> -> memref<112x8xf32, #tpu.memory_space<vmem>>
      %gather3A_1520 = tpu.vector_load_idx %gather3A_1519[%add3A_1514, %and3A_11] : memref<112x8xf32, #tpu.memory_space<vmem>>[vector<16xi32>, vector<16xi32>], vector<16xf32>,
      %add3A_1521 = arith.addf %add3A_1481, %gather3A_1520 : vector<16xf32>
      %add3A_1522 = arith.constant 58 : i32
      %add3A_1523 = vector.broadcast %add3A_1522 : i32 to vector<16xi32>
      %add3A_1524 = arith.addi %shift_right_logical3A_13, %add3A_1523 : vector<16xi32>
      %gather3A_1525 = arith.constant 1 : i32
      %gather3A_1526 = arith.constant 0 : i32
      %gather3A_1527 = arith.constant 0 : i32
      %gather3A_1528 = tpu.memref_slice %arg8[%gather3A_1525, %gather3A_1526, %gather3A_1527] : memref<4x112x8xf32, #tpu.memory_space<vmem>> -> memref<1x112x8xf32, #tpu.memory_space<vmem>>
      %gather3A_1529 = tpu.memref_squeeze %gather3A_1528 : memref<1x112x8xf32, #tpu.memory_space<vmem>> -> memref<112x8xf32, #tpu.memory_space<vmem>>
      %gather3A_1530 = tpu.vector_load_idx %gather3A_1529[%add3A_1524, %and3A_11] : memref<112x8xf32, #tpu.memory_space<vmem>>[vector<16xi32>, vector<16xi32>], vector<16xf32>,
      %add3A_1531 = arith.addf %add3A_1491, %gather3A_1530 : vector<16xf32>
      %add3A_1532 = arith.constant 60 : i32
      %add3A_1533 = vector.broadcast %add3A_1532 : i32 to vector<16xi32>
      %add3A_1534 = arith.addi %shift_right_logical3A_13, %add3A_1533 : vector<16xi32>
      %gather3A_1535 = arith.constant 1 : i32
      %gather3A_1536 = arith.constant 0 : i32
      %gather3A_1537 = arith.constant 0 : i32
      %gather3A_1538 = tpu.memref_slice %arg8[%gather3A_1535, %gather3A_1536, %gather3A_1537] : memref<4x112x8xf32, #tpu.memory_space<vmem>> -> memref<1x112x8xf32, #tpu.memory_space<vmem>>
      %gather3A_1539 = tpu.memref_squeeze %gather3A_1538 : memref<1x112x8xf32, #tpu.memory_space<vmem>> -> memref<112x8xf32, #tpu.memory_space<vmem>>
      %gather3A_1540 = tpu.vector_load_idx %gather3A_1539[%add3A_1534, %and3A_11] : memref<112x8xf32, #tpu.memory_space<vmem>>[vector<16xi32>, vector<16xi32>], vector<16xf32>,
      %add3A_1541 = arith.addf %add3A_1501, %gather3A_1540 : vector<16xf32>
      %add3A_1542 = arith.constant 62 : i32
      %add3A_1543 = vector.broadcast %add3A_1542 : i32 to vector<16xi32>
      %add3A_1544 = arith.addi %shift_right_logical3A_13, %add3A_1543 : vector<16xi32>
      %gather3A_1545 = arith.constant 1 : i32
      %gather3A_1546 = arith.constant 0 : i32
      %gather3A_1547 = arith.constant 0 : i32
      %gather3A_1548 = tpu.memref_slice %arg8[%gather3A_1545, %gather3A_1546, %gather3A_1547] : memref<4x112x8xf32, #tpu.memory_space<vmem>> -> memref<1x112x8xf32, #tpu.memory_space<vmem>>
      %gather3A_1549 = tpu.memref_squeeze %gather3A_1548 : memref<1x112x8xf32, #tpu.memory_space<vmem>> -> memref<112x8xf32, #tpu.memory_space<vmem>>
      %gather3A_1550 = tpu.vector_load_idx %gather3A_1549[%add3A_1544, %and3A_11] : memref<112x8xf32, #tpu.memory_space<vmem>>[vector<16xi32>, vector<16xi32>], vector<16xf32>,
      %add3A_1551 = arith.addf %add3A_1511, %gather3A_1550 : vector<16xf32>
      %add3A_1552 = arith.constant 64 : i32
      %add3A_1553 = vector.broadcast %add3A_1552 : i32 to vector<16xi32>
      %add3A_1554 = arith.addi %shift_right_logical3A_13, %add3A_1553 : vector<16xi32>
      %gather3A_1555 = arith.constant 1 : i32
      %gather3A_1556 = arith.constant 0 : i32
      %gather3A_1557 = arith.constant 0 : i32
      %gather3A_1558 = tpu.memref_slice %arg8[%gather3A_1555, %gather3A_1556, %gather3A_1557] : memref<4x112x8xf32, #tpu.memory_space<vmem>> -> memref<1x112x8xf32, #tpu.memory_space<vmem>>
      %gather3A_1559 = tpu.memref_squeeze %gather3A_1558 : memref<1x112x8xf32, #tpu.memory_space<vmem>> -> memref<112x8xf32, #tpu.memory_space<vmem>>
      %gather3A_1560 = tpu.vector_load_idx %gather3A_1559[%add3A_1554, %and3A_11] : memref<112x8xf32, #tpu.memory_space<vmem>>[vector<16xi32>, vector<16xi32>], vector<16xf32>,
      %add3A_1561 = arith.addf %add3A_1521, %gather3A_1560 : vector<16xf32>
      %add3A_1562 = arith.constant 66 : i32
      %add3A_1563 = vector.broadcast %add3A_1562 : i32 to vector<16xi32>
      %add3A_1564 = arith.addi %shift_right_logical3A_13, %add3A_1563 : vector<16xi32>
      %gather3A_1565 = arith.constant 1 : i32
      %gather3A_1566 = arith.constant 0 : i32
      %gather3A_1567 = arith.constant 0 : i32
      %gather3A_1568 = tpu.memref_slice %arg8[%gather3A_1565, %gather3A_1566, %gather3A_1567] : memref<4x112x8xf32, #tpu.memory_space<vmem>> -> memref<1x112x8xf32, #tpu.memory_space<vmem>>
      %gather3A_1569 = tpu.memref_squeeze %gather3A_1568 : memref<1x112x8xf32, #tpu.memory_space<vmem>> -> memref<112x8xf32, #tpu.memory_space<vmem>>
      %gather3A_1570 = tpu.vector_load_idx %gather3A_1569[%add3A_1564, %and3A_11] : memref<112x8xf32, #tpu.memory_space<vmem>>[vector<16xi32>, vector<16xi32>], vector<16xf32>,
      %add3A_1571 = arith.addf %add3A_1531, %gather3A_1570 : vector<16xf32>
      %add3A_1572 = arith.constant 68 : i32
      %add3A_1573 = vector.broadcast %add3A_1572 : i32 to vector<16xi32>
      %add3A_1574 = arith.addi %shift_right_logical3A_13, %add3A_1573 : vector<16xi32>
      %gather3A_1575 = arith.constant 1 : i32
      %gather3A_1576 = arith.constant 0 : i32
      %gather3A_1577 = arith.constant 0 : i32
      %gather3A_1578 = tpu.memref_slice %arg8[%gather3A_1575, %gather3A_1576, %gather3A_1577] : memref<4x112x8xf32, #tpu.memory_space<vmem>> -> memref<1x112x8xf32, #tpu.memory_space<vmem>>
      %gather3A_1579 = tpu.memref_squeeze %gather3A_1578 : memref<1x112x8xf32, #tpu.memory_space<vmem>> -> memref<112x8xf32, #tpu.memory_space<vmem>>
      %gather3A_1580 = tpu.vector_load_idx %gather3A_1579[%add3A_1574, %and3A_11] : memref<112x8xf32, #tpu.memory_space<vmem>>[vector<16xi32>, vector<16xi32>], vector<16xf32>,
      %add3A_1581 = arith.addf %add3A_1541, %gather3A_1580 : vector<16xf32>
      %add3A_1582 = arith.constant 70 : i32
      %add3A_1583 = vector.broadcast %add3A_1582 : i32 to vector<16xi32>
      %add3A_1584 = arith.addi %shift_right_logical3A_13, %add3A_1583 : vector<16xi32>
      %gather3A_1585 = arith.constant 1 : i32
      %gather3A_1586 = arith.constant 0 : i32
      %gather3A_1587 = arith.constant 0 : i32
      %gather3A_1588 = tpu.memref_slice %arg8[%gather3A_1585, %gather3A_1586, %gather3A_1587] : memref<4x112x8xf32, #tpu.memory_space<vmem>> -> memref<1x112x8xf32, #tpu.memory_space<vmem>>
      %gather3A_1589 = tpu.memref_squeeze %gather3A_1588 : memref<1x112x8xf32, #tpu.memory_space<vmem>> -> memref<112x8xf32, #tpu.memory_space<vmem>>
      %gather3A_1590 = tpu.vector_load_idx %gather3A_1589[%add3A_1584, %and3A_11] : memref<112x8xf32, #tpu.memory_space<vmem>>[vector<16xi32>, vector<16xi32>], vector<16xf32>,
      %add3A_1591 = arith.addf %add3A_1551, %gather3A_1590 : vector<16xf32>
      %add3A_1592 = arith.constant 72 : i32
      %add3A_1593 = vector.broadcast %add3A_1592 : i32 to vector<16xi32>
      %add3A_1594 = arith.addi %shift_right_logical3A_13, %add3A_1593 : vector<16xi32>
      %gather3A_1595 = arith.constant 1 : i32
      %gather3A_1596 = arith.constant 0 : i32
      %gather3A_1597 = arith.constant 0 : i32
      %gather3A_1598 = tpu.memref_slice %arg8[%gather3A_1595, %gather3A_1596, %gather3A_1597] : memref<4x112x8xf32, #tpu.memory_space<vmem>> -> memref<1x112x8xf32, #tpu.memory_space<vmem>>
      %gather3A_1599 = tpu.memref_squeeze %gather3A_1598 : memref<1x112x8xf32, #tpu.memory_space<vmem>> -> memref<112x8xf32, #tpu.memory_space<vmem>>
      %gather3A_1600 = tpu.vector_load_idx %gather3A_1599[%add3A_1594, %and3A_11] : memref<112x8xf32, #tpu.memory_space<vmem>>[vector<16xi32>, vector<16xi32>], vector<16xf32>,
      %add3A_1601 = arith.addf %add3A_1561, %gather3A_1600 : vector<16xf32>
      %add3A_1602 = arith.constant 74 : i32
      %add3A_1603 = vector.broadcast %add3A_1602 : i32 to vector<16xi32>
      %add3A_1604 = arith.addi %shift_right_logical3A_13, %add3A_1603 : vector<16xi32>
      %gather3A_1605 = arith.constant 1 : i32
      %gather3A_1606 = arith.constant 0 : i32
      %gather3A_1607 = arith.constant 0 : i32
      %gather3A_1608 = tpu.memref_slice %arg8[%gather3A_1605, %gather3A_1606, %gather3A_1607] : memref<4x112x8xf32, #tpu.memory_space<vmem>> -> memref<1x112x8xf32, #tpu.memory_space<vmem>>
      %gather3A_1609 = tpu.memref_squeeze %gather3A_1608 : memref<1x112x8xf32, #tpu.memory_space<vmem>> -> memref<112x8xf32, #tpu.memory_space<vmem>>
      %gather3A_1610 = tpu.vector_load_idx %gather3A_1609[%add3A_1604, %and3A_11] : memref<112x8xf32, #tpu.memory_space<vmem>>[vector<16xi32>, vector<16xi32>], vector<16xf32>,
      %add3A_1611 = arith.addf %add3A_1571, %gather3A_1610 : vector<16xf32>
      %add3A_1612 = arith.constant 76 : i32
      %add3A_1613 = vector.broadcast %add3A_1612 : i32 to vector<16xi32>
      %add3A_1614 = arith.addi %shift_right_logical3A_13, %add3A_1613 : vector<16xi32>
      %gather3A_1615 = arith.constant 1 : i32
      %gather3A_1616 = arith.constant 0 : i32
      %gather3A_1617 = arith.constant 0 : i32
      %gather3A_1618 = tpu.memref_slice %arg8[%gather3A_1615, %gather3A_1616, %gather3A_1617] : memref<4x112x8xf32, #tpu.memory_space<vmem>> -> memref<1x112x8xf32, #tpu.memory_space<vmem>>
      %gather3A_1619 = tpu.memref_squeeze %gather3A_1618 : memref<1x112x8xf32, #tpu.memory_space<vmem>> -> memref<112x8xf32, #tpu.memory_space<vmem>>
      %gather3A_1620 = tpu.vector_load_idx %gather3A_1619[%add3A_1614, %and3A_11] : memref<112x8xf32, #tpu.memory_space<vmem>>[vector<16xi32>, vector<16xi32>], vector<16xf32>,
      %add3A_1621 = arith.addf %add3A_1581, %gather3A_1620 : vector<16xf32>
      %add3A_1622 = arith.constant 78 : i32
      %add3A_1623 = vector.broadcast %add3A_1622 : i32 to vector<16xi32>
      %add3A_1624 = arith.addi %shift_right_logical3A_13, %add3A_1623 : vector<16xi32>
      %gather3A_1625 = arith.constant 1 : i32
      %gather3A_1626 = arith.constant 0 : i32
      %gather3A_1627 = arith.constant 0 : i32
      %gather3A_1628 = tpu.memref_slice %arg8[%gather3A_1625, %gather3A_1626, %gather3A_1627] : memref<4x112x8xf32, #tpu.memory_space<vmem>> -> memref<1x112x8xf32, #tpu.memory_space<vmem>>
      %gather3A_1629 = tpu.memref_squeeze %gather3A_1628 : memref<1x112x8xf32, #tpu.memory_space<vmem>> -> memref<112x8xf32, #tpu.memory_space<vmem>>
      %gather3A_1630 = tpu.vector_load_idx %gather3A_1629[%add3A_1624, %and3A_11] : memref<112x8xf32, #tpu.memory_space<vmem>>[vector<16xi32>, vector<16xi32>], vector<16xf32>,
      %add3A_1631 = arith.addf %add3A_1591, %gather3A_1630 : vector<16xf32>
      %add3A_1632 = arith.constant 80 : i32
      %add3A_1633 = vector.broadcast %add3A_1632 : i32 to vector<16xi32>
      %add3A_1634 = arith.addi %shift_right_logical3A_13, %add3A_1633 : vector<16xi32>
      %gather3A_1635 = arith.constant 1 : i32
      %gather3A_1636 = arith.constant 0 : i32
      %gather3A_1637 = arith.constant 0 : i32
      %gather3A_1638 = tpu.memref_slice %arg8[%gather3A_1635, %gather3A_1636, %gather3A_1637] : memref<4x112x8xf32, #tpu.memory_space<vmem>> -> memref<1x112x8xf32, #tpu.memory_space<vmem>>
      %gather3A_1639 = tpu.memref_squeeze %gather3A_1638 : memref<1x112x8xf32, #tpu.memory_space<vmem>> -> memref<112x8xf32, #tpu.memory_space<vmem>>
      %gather3A_1640 = tpu.vector_load_idx %gather3A_1639[%add3A_1634, %and3A_11] : memref<112x8xf32, #tpu.memory_space<vmem>>[vector<16xi32>, vector<16xi32>], vector<16xf32>,
      %add3A_1641 = arith.addf %add3A_1601, %gather3A_1640 : vector<16xf32>
      %add3A_1642 = arith.constant 82 : i32
      %add3A_1643 = vector.broadcast %add3A_1642 : i32 to vector<16xi32>
      %add3A_1644 = arith.addi %shift_right_logical3A_13, %add3A_1643 : vector<16xi32>
      %gather3A_1645 = arith.constant 1 : i32
      %gather3A_1646 = arith.constant 0 : i32
      %gather3A_1647 = arith.constant 0 : i32
      %gather3A_1648 = tpu.memref_slice %arg8[%gather3A_1645, %gather3A_1646, %gather3A_1647] : memref<4x112x8xf32, #tpu.memory_space<vmem>> -> memref<1x112x8xf32, #tpu.memory_space<vmem>>
      %gather3A_1649 = tpu.memref_squeeze %gather3A_1648 : memref<1x112x8xf32, #tpu.memory_space<vmem>> -> memref<112x8xf32, #tpu.memory_space<vmem>>
      %gather3A_1650 = tpu.vector_load_idx %gather3A_1649[%add3A_1644, %and3A_11] : memref<112x8xf32, #tpu.memory_space<vmem>>[vector<16xi32>, vector<16xi32>], vector<16xf32>,
      %add3A_1651 = arith.addf %add3A_1611, %gather3A_1650 : vector<16xf32>
      %add3A_1652 = arith.constant 84 : i32
      %add3A_1653 = vector.broadcast %add3A_1652 : i32 to vector<16xi32>
      %add3A_1654 = arith.addi %shift_right_logical3A_13, %add3A_1653 : vector<16xi32>
      %gather3A_1655 = arith.constant 1 : i32
      %gather3A_1656 = arith.constant 0 : i32
      %gather3A_1657 = arith.constant 0 : i32
      %gather3A_1658 = tpu.memref_slice %arg8[%gather3A_1655, %gather3A_1656, %gather3A_1657] : memref<4x112x8xf32, #tpu.memory_space<vmem>> -> memref<1x112x8xf32, #tpu.memory_space<vmem>>
      %gather3A_1659 = tpu.memref_squeeze %gather3A_1658 : memref<1x112x8xf32, #tpu.memory_space<vmem>> -> memref<112x8xf32, #tpu.memory_space<vmem>>
      %gather3A_1660 = tpu.vector_load_idx %gather3A_1659[%add3A_1654, %and3A_11] : memref<112x8xf32, #tpu.memory_space<vmem>>[vector<16xi32>, vector<16xi32>], vector<16xf32>,
      %add3A_1661 = arith.addf %add3A_1621, %gather3A_1660 : vector<16xf32>
      %add3A_1662 = arith.constant 86 : i32
      %add3A_1663 = vector.broadcast %add3A_1662 : i32 to vector<16xi32>
      %add3A_1664 = arith.addi %shift_right_logical3A_13, %add3A_1663 : vector<16xi32>
      %gather3A_1665 = arith.constant 1 : i32
      %gather3A_1666 = arith.constant 0 : i32
      %gather3A_1667 = arith.constant 0 : i32
      %gather3A_1668 = tpu.memref_slice %arg8[%gather3A_1665, %gather3A_1666, %gather3A_1667] : memref<4x112x8xf32, #tpu.memory_space<vmem>> -> memref<1x112x8xf32, #tpu.memory_space<vmem>>
      %gather3A_1669 = tpu.memref_squeeze %gather3A_1668 : memref<1x112x8xf32, #tpu.memory_space<vmem>> -> memref<112x8xf32, #tpu.memory_space<vmem>>
      %gather3A_1670 = tpu.vector_load_idx %gather3A_1669[%add3A_1664, %and3A_11] : memref<112x8xf32, #tpu.memory_space<vmem>>[vector<16xi32>, vector<16xi32>], vector<16xf32>,
      %add3A_1671 = arith.addf %add3A_1631, %gather3A_1670 : vector<16xf32>
      %add3A_1672 = arith.constant 88 : i32
      %add3A_1673 = vector.broadcast %add3A_1672 : i32 to vector<16xi32>
      %add3A_1674 = arith.addi %shift_right_logical3A_13, %add3A_1673 : vector<16xi32>
      %gather3A_1675 = arith.constant 1 : i32
      %gather3A_1676 = arith.constant 0 : i32
      %gather3A_1677 = arith.constant 0 : i32
      %gather3A_1678 = tpu.memref_slice %arg8[%gather3A_1675, %gather3A_1676, %gather3A_1677] : memref<4x112x8xf32, #tpu.memory_space<vmem>> -> memref<1x112x8xf32, #tpu.memory_space<vmem>>
      %gather3A_1679 = tpu.memref_squeeze %gather3A_1678 : memref<1x112x8xf32, #tpu.memory_space<vmem>> -> memref<112x8xf32, #tpu.memory_space<vmem>>
      %gather3A_1680 = tpu.vector_load_idx %gather3A_1679[%add3A_1674, %and3A_11] : memref<112x8xf32, #tpu.memory_space<vmem>>[vector<16xi32>, vector<16xi32>], vector<16xf32>,
      %add3A_1681 = arith.addf %add3A_1641, %gather3A_1680 : vector<16xf32>
      %add3A_1682 = arith.constant 90 : i32
      %add3A_1683 = vector.broadcast %add3A_1682 : i32 to vector<16xi32>
      %add3A_1684 = arith.addi %shift_right_logical3A_13, %add3A_1683 : vector<16xi32>
      %gather3A_1685 = arith.constant 1 : i32
      %gather3A_1686 = arith.constant 0 : i32
      %gather3A_1687 = arith.constant 0 : i32
      %gather3A_1688 = tpu.memref_slice %arg8[%gather3A_1685, %gather3A_1686, %gather3A_1687] : memref<4x112x8xf32, #tpu.memory_space<vmem>> -> memref<1x112x8xf32, #tpu.memory_space<vmem>>
      %gather3A_1689 = tpu.memref_squeeze %gather3A_1688 : memref<1x112x8xf32, #tpu.memory_space<vmem>> -> memref<112x8xf32, #tpu.memory_space<vmem>>
      %gather3A_1690 = tpu.vector_load_idx %gather3A_1689[%add3A_1684, %and3A_11] : memref<112x8xf32, #tpu.memory_space<vmem>>[vector<16xi32>, vector<16xi32>], vector<16xf32>,
      %add3A_1691 = arith.addf %add3A_1651, %gather3A_1690 : vector<16xf32>
      %add3A_1692 = arith.constant 92 : i32
      %add3A_1693 = vector.broadcast %add3A_1692 : i32 to vector<16xi32>
      %add3A_1694 = arith.addi %shift_right_logical3A_13, %add3A_1693 : vector<16xi32>
      %gather3A_1695 = arith.constant 1 : i32
      %gather3A_1696 = arith.constant 0 : i32
      %gather3A_1697 = arith.constant 0 : i32
      %gather3A_1698 = tpu.memref_slice %arg8[%gather3A_1695, %gather3A_1696, %gather3A_1697] : memref<4x112x8xf32, #tpu.memory_space<vmem>> -> memref<1x112x8xf32, #tpu.memory_space<vmem>>
      %gather3A_1699 = tpu.memref_squeeze %gather3A_1698 : memref<1x112x8xf32, #tpu.memory_space<vmem>> -> memref<112x8xf32, #tpu.memory_space<vmem>>
      %gather3A_1700 = tpu.vector_load_idx %gather3A_1699[%add3A_1694, %and3A_11] : memref<112x8xf32, #tpu.memory_space<vmem>>[vector<16xi32>, vector<16xi32>], vector<16xf32>,
      %add3A_1701 = arith.addf %add3A_1661, %gather3A_1700 : vector<16xf32>
      %add3A_1702 = arith.constant 94 : i32
      %add3A_1703 = vector.broadcast %add3A_1702 : i32 to vector<16xi32>
      %add3A_1704 = arith.addi %shift_right_logical3A_13, %add3A_1703 : vector<16xi32>
      %gather3A_1705 = arith.constant 1 : i32
      %gather3A_1706 = arith.constant 0 : i32
      %gather3A_1707 = arith.constant 0 : i32
      %gather3A_1708 = tpu.memref_slice %arg8[%gather3A_1705, %gather3A_1706, %gather3A_1707] : memref<4x112x8xf32, #tpu.memory_space<vmem>> -> memref<1x112x8xf32, #tpu.memory_space<vmem>>
      %gather3A_1709 = tpu.memref_squeeze %gather3A_1708 : memref<1x112x8xf32, #tpu.memory_space<vmem>> -> memref<112x8xf32, #tpu.memory_space<vmem>>
      %gather3A_1710 = tpu.vector_load_idx %gather3A_1709[%add3A_1704, %and3A_11] : memref<112x8xf32, #tpu.memory_space<vmem>>[vector<16xi32>, vector<16xi32>], vector<16xf32>,
      %add3A_1711 = arith.addf %add3A_1671, %gather3A_1710 : vector<16xf32>
      %add3A_1712 = arith.constant 96 : i32
      %add3A_1713 = vector.broadcast %add3A_1712 : i32 to vector<16xi32>
      %add3A_1714 = arith.addi %shift_right_logical3A_13, %add3A_1713 : vector<16xi32>
      %gather3A_1715 = arith.constant 1 : i32
      %gather3A_1716 = arith.constant 0 : i32
      %gather3A_1717 = arith.constant 0 : i32
      %gather3A_1718 = tpu.memref_slice %arg8[%gather3A_1715, %gather3A_1716, %gather3A_1717] : memref<4x112x8xf32, #tpu.memory_space<vmem>> -> memref<1x112x8xf32, #tpu.memory_space<vmem>>
      %gather3A_1719 = tpu.memref_squeeze %gather3A_1718 : memref<1x112x8xf32, #tpu.memory_space<vmem>> -> memref<112x8xf32, #tpu.memory_space<vmem>>
      %gather3A_1720 = tpu.vector_load_idx %gather3A_1719[%add3A_1714, %and3A_11] : memref<112x8xf32, #tpu.memory_space<vmem>>[vector<16xi32>, vector<16xi32>], vector<16xf32>,
      %add3A_1721 = arith.addf %add3A_1681, %gather3A_1720 : vector<16xf32>
      %add3A_1722 = arith.constant 98 : i32
      %add3A_1723 = vector.broadcast %add3A_1722 : i32 to vector<16xi32>
      %add3A_1724 = arith.addi %shift_right_logical3A_13, %add3A_1723 : vector<16xi32>
      %gather3A_1725 = arith.constant 1 : i32
      %gather3A_1726 = arith.constant 0 : i32
      %gather3A_1727 = arith.constant 0 : i32
      %gather3A_1728 = tpu.memref_slice %arg8[%gather3A_1725, %gather3A_1726, %gather3A_1727] : memref<4x112x8xf32, #tpu.memory_space<vmem>> -> memref<1x112x8xf32, #tpu.memory_space<vmem>>
      %gather3A_1729 = tpu.memref_squeeze %gather3A_1728 : memref<1x112x8xf32, #tpu.memory_space<vmem>> -> memref<112x8xf32, #tpu.memory_space<vmem>>
      %gather3A_1730 = tpu.vector_load_idx %gather3A_1729[%add3A_1724, %and3A_11] : memref<112x8xf32, #tpu.memory_space<vmem>>[vector<16xi32>, vector<16xi32>], vector<16xf32>,
      %add3A_1731 = arith.addf %add3A_1691, %gather3A_1730 : vector<16xf32>
      %add3A_1732 = arith.constant 100 : i32
      %add3A_1733 = vector.broadcast %add3A_1732 : i32 to vector<16xi32>
      %add3A_1734 = arith.addi %shift_right_logical3A_13, %add3A_1733 : vector<16xi32>
      %gather3A_1735 = arith.constant 1 : i32
      %gather3A_1736 = arith.constant 0 : i32
      %gather3A_1737 = arith.constant 0 : i32
      %gather3A_1738 = tpu.memref_slice %arg8[%gather3A_1735, %gather3A_1736, %gather3A_1737] : memref<4x112x8xf32, #tpu.memory_space<vmem>> -> memref<1x112x8xf32, #tpu.memory_space<vmem>>
      %gather3A_1739 = tpu.memref_squeeze %gather3A_1738 : memref<1x112x8xf32, #tpu.memory_space<vmem>> -> memref<112x8xf32, #tpu.memory_space<vmem>>
      %gather3A_1740 = tpu.vector_load_idx %gather3A_1739[%add3A_1734, %and3A_11] : memref<112x8xf32, #tpu.memory_space<vmem>>[vector<16xi32>, vector<16xi32>], vector<16xf32>,
      %add3A_1741 = arith.addf %add3A_1701, %gather3A_1740 : vector<16xf32>
      %add3A_1742 = arith.constant 102 : i32
      %add3A_1743 = vector.broadcast %add3A_1742 : i32 to vector<16xi32>
      %add3A_1744 = arith.addi %shift_right_logical3A_13, %add3A_1743 : vector<16xi32>
      %gather3A_1745 = arith.constant 1 : i32
      %gather3A_1746 = arith.constant 0 : i32
      %gather3A_1747 = arith.constant 0 : i32
      %gather3A_1748 = tpu.memref_slice %arg8[%gather3A_1745, %gather3A_1746, %gather3A_1747] : memref<4x112x8xf32, #tpu.memory_space<vmem>> -> memref<1x112x8xf32, #tpu.memory_space<vmem>>
      %gather3A_1749 = tpu.memref_squeeze %gather3A_1748 : memref<1x112x8xf32, #tpu.memory_space<vmem>> -> memref<112x8xf32, #tpu.memory_space<vmem>>
      %gather3A_1750 = tpu.vector_load_idx %gather3A_1749[%add3A_1744, %and3A_11] : memref<112x8xf32, #tpu.memory_space<vmem>>[vector<16xi32>, vector<16xi32>], vector<16xf32>,
      %add3A_1751 = arith.addf %add3A_1711, %gather3A_1750 : vector<16xf32>
      %add3A_1752 = arith.constant 104 : i32
      %add3A_1753 = vector.broadcast %add3A_1752 : i32 to vector<16xi32>
      %add3A_1754 = arith.addi %shift_right_logical3A_13, %add3A_1753 : vector<16xi32>
      %gather3A_1755 = arith.constant 1 : i32
      %gather3A_1756 = arith.constant 0 : i32
      %gather3A_1757 = arith.constant 0 : i32
      %gather3A_1758 = tpu.memref_slice %arg8[%gather3A_1755, %gather3A_1756, %gather3A_1757] : memref<4x112x8xf32, #tpu.memory_space<vmem>> -> memref<1x112x8xf32, #tpu.memory_space<vmem>>
      %gather3A_1759 = tpu.memref_squeeze %gather3A_1758 : memref<1x112x8xf32, #tpu.memory_space<vmem>> -> memref<112x8xf32, #tpu.memory_space<vmem>>
      %gather3A_1760 = tpu.vector_load_idx %gather3A_1759[%add3A_1754, %and3A_11] : memref<112x8xf32, #tpu.memory_space<vmem>>[vector<16xi32>, vector<16xi32>], vector<16xf32>,
      %add3A_1761 = arith.addf %add3A_1721, %gather3A_1760 : vector<16xf32>
      %add3A_1762 = arith.constant 106 : i32
      %add3A_1763 = vector.broadcast %add3A_1762 : i32 to vector<16xi32>
      %add3A_1764 = arith.addi %shift_right_logical3A_13, %add3A_1763 : vector<16xi32>
      %gather3A_1765 = arith.constant 1 : i32
      %gather3A_1766 = arith.constant 0 : i32
      %gather3A_1767 = arith.constant 0 : i32
      %gather3A_1768 = tpu.memref_slice %arg8[%gather3A_1765, %gather3A_1766, %gather3A_1767] : memref<4x112x8xf32, #tpu.memory_space<vmem>> -> memref<1x112x8xf32, #tpu.memory_space<vmem>>
      %gather3A_1769 = tpu.memref_squeeze %gather3A_1768 : memref<1x112x8xf32, #tpu.memory_space<vmem>> -> memref<112x8xf32, #tpu.memory_space<vmem>>
      %gather3A_1770 = tpu.vector_load_idx %gather3A_1769[%add3A_1764, %and3A_11] : memref<112x8xf32, #tpu.memory_space<vmem>>[vector<16xi32>, vector<16xi32>], vector<16xf32>,
      %add3A_1771 = arith.addf %add3A_1731, %gather3A_1770 : vector<16xf32>
      %add3A_1772 = arith.constant 108 : i32
      %add3A_1773 = vector.broadcast %add3A_1772 : i32 to vector<16xi32>
      %add3A_1774 = arith.addi %shift_right_logical3A_13, %add3A_1773 : vector<16xi32>
      %gather3A_1775 = arith.constant 1 : i32
      %gather3A_1776 = arith.constant 0 : i32
      %gather3A_1777 = arith.constant 0 : i32
      %gather3A_1778 = tpu.memref_slice %arg8[%gather3A_1775, %gather3A_1776, %gather3A_1777] : memref<4x112x8xf32, #tpu.memory_space<vmem>> -> memref<1x112x8xf32, #tpu.memory_space<vmem>>
      %gather3A_1779 = tpu.memref_squeeze %gather3A_1778 : memref<1x112x8xf32, #tpu.memory_space<vmem>> -> memref<112x8xf32, #tpu.memory_space<vmem>>
      %gather3A_1780 = tpu.vector_load_idx %gather3A_1779[%add3A_1774, %and3A_11] : memref<112x8xf32, #tpu.memory_space<vmem>>[vector<16xi32>, vector<16xi32>], vector<16xf32>,
      %add3A_1781 = arith.addf %add3A_1741, %gather3A_1780 : vector<16xf32>
      %add3A_1782 = arith.constant 110 : i32
      %add3A_1783 = vector.broadcast %add3A_1782 : i32 to vector<16xi32>
      %add3A_1784 = arith.addi %shift_right_logical3A_13, %add3A_1783 : vector<16xi32>
      %gather3A_1785 = arith.constant 1 : i32
      %gather3A_1786 = arith.constant 0 : i32
      %gather3A_1787 = arith.constant 0 : i32
      %gather3A_1788 = tpu.memref_slice %arg8[%gather3A_1785, %gather3A_1786, %gather3A_1787] : memref<4x112x8xf32, #tpu.memory_space<vmem>> -> memref<1x112x8xf32, #tpu.memory_space<vmem>>
      %gather3A_1789 = tpu.memref_squeeze %gather3A_1788 : memref<1x112x8xf32, #tpu.memory_space<vmem>> -> memref<112x8xf32, #tpu.memory_space<vmem>>
      %gather3A_1790 = tpu.vector_load_idx %gather3A_1789[%add3A_1784, %and3A_11] : memref<112x8xf32, #tpu.memory_space<vmem>>[vector<16xi32>, vector<16xi32>], vector<16xf32>,
      %add3A_1791 = arith.addf %add3A_1751, %gather3A_1790 : vector<16xf32>
      %add3A_1792 = arith.addf %add3A_1761, %add3A_1771 : vector<16xf32>
      %add3A_1793 = arith.addf %add3A_1781, %add3A_1791 : vector<16xf32>
      %add3A_1794 = arith.addf %add3A_1792, %add3A_1793 : vector<16xf32>
      %swap3A_1795 = arith.constant 0 : index
      %swap3A_1796 = tpu.vector_load %arg11[%swap3A_1795] {strides = array<i32>} : memref<16xf32, #tpu.memory_space<vmem>>, vector<16xf32>,
      tpu.vector_store %arg11[%swap3A_1795], %add3A_1794 {strides = array<i32>} : memref<16xf32, #tpu.memory_space<vmem>>, vector<16xf32>,
      %gather3A_1797 = tpu.vector_load_idx %arg11[%add3A_16] : memref<16xf32, #tpu.memory_space<vmem>>[vector<16xi32>], vector<16xf32>,
      %add3A_1798 = arith.addf %add3A_1794, %gather3A_1797 : vector<16xf32>
      %convert_element_type3A = arith.sitofp %add3A_157 : vector<16xi32> to vector<16xf32>
      %sub3A = arith.constant 2.240000e+02 : f32
      %sub3A_1799 = vector.broadcast %sub3A : f32 to vector<16xf32>
      %sub3A_1800 = arith.subf %sub3A_1799, %convert_element_type3A : vector<16xf32>
      %mul3A_1801 = arith.mulf %sub3A_1800, %gather3A : vector<16xf32>
      %sub3A_1802 = arith.subf %add3A_1798, %mul3A_1801 : vector<16xf32>
      %div3A = arith.divf %sub3A_1802, %convert_element_type3A : vector<16xf32>
      %add3A_1803 = arith.addf %div3A, %get3A_9 : vector<16xf32>
      %add3A_1804 = arith.constant 0 : i32
      %add3A_1805 = arith.addi %mul3A_27, %add3A_1804 : i32
      %mul3A_1806 = arith.constant 16 : i32
      %mul3A_1807 = arith.muli %add3A_1805, %mul3A_1806 : i32
      %swap3A_1808 = arith.index_cast %mul3A_1807 : i32 to index
      %swap3A_1809 = tpu.vector_load %arg12[%swap3A_1808] {strides = array<i32>} : memref<2048xf32, #tpu.memory_space<vmem>>, vector<16xf32>,
      tpu.vector_store %arg12[%swap3A_1808], %add3A_1803 {strides = array<i32>} : memref<2048xf32, #tpu.memory_space<vmem>>, vector<16xf32>,
      %dma_wait3A_1810 = arith.constant 2 : i32
      %dma_wait3A_1811 = arith.constant 2 : i32
      %dma_wait3A_1812 = arith.constant 0 : i32
      %dma_wait3A_1813 = arith.constant 0 : i32
      %dma_wait3A_1814 = tpu.memref_slice %arg8[%dma_wait3A_1811, %dma_wait3A_1812, %dma_wait3A_1813] : memref<4x112x8xf32, #tpu.memory_space<vmem>> -> memref<1x112x8xf32, #tpu.memory_space<vmem>>
      %dma_wait3A_1815 = tpu.memref_squeeze %dma_wait3A_1814 : memref<1x112x8xf32, #tpu.memory_space<vmem>> -> memref<112x8xf32, #tpu.memory_space<vmem>>
      %dma_wait3A_1816 = arith.constant 0 : i32
      %dma_wait3A_1817 = tpu.memref_slice %arg7[%dma_wait3A_1810, %dma_wait3A_1816] : memref<4x112xi32, #tpu.memory_space<vmem>> -> memref<1x112xi32, #tpu.memory_space<vmem>>
      %dma_wait3A_1818 = tpu.memref_squeeze %dma_wait3A_1817 : memref<1x112xi32, #tpu.memory_space<vmem>> -> memref<112xi32, #tpu.memory_space<vmem>>
      %dma_wait3A_1819 = arith.constant 0 : i32
      %dma_wait3A_1820 = arith.constant 0 : i32
      %dma_wait3A_1821 = tpu.memref_slice %arg13[%dma_wait3A_1819, %dma_wait3A_1820] : memref<100000x8xf32, #tpu.memory_space<vmem_shared>> -> memref<100000x8xf32, #tpu.memory_space<vmem_shared>>
      tpu.wait_indirect_dma semaphore(%arg14 : memref<!tpu.dma_semaphore, #tpu.memory_space<semaphore_mem>>) src(%dma_wait3A_1821 : memref<100000x8xf32, #tpu.memory_space<vmem_shared>>) dst(%dma_wait3A_1815 : memref<112x8xf32, #tpu.memory_space<vmem>>)
      %dma_wait3A_1822 = arith.constant 3 : i32
      %dma_wait3A_1823 = arith.constant 3 : i32
      %dma_wait3A_1824 = arith.constant 0 : i32
      %dma_wait3A_1825 = arith.constant 0 : i32
      %dma_wait3A_1826 = tpu.memref_slice %arg8[%dma_wait3A_1823, %dma_wait3A_1824, %dma_wait3A_1825] : memref<4x112x8xf32, #tpu.memory_space<vmem>> -> memref<1x112x8xf32, #tpu.memory_space<vmem>>
      %dma_wait3A_1827 = tpu.memref_squeeze %dma_wait3A_1826 : memref<1x112x8xf32, #tpu.memory_space<vmem>> -> memref<112x8xf32, #tpu.memory_space<vmem>>
      %dma_wait3A_1828 = arith.constant 0 : i32
      %dma_wait3A_1829 = tpu.memref_slice %arg7[%dma_wait3A_1822, %dma_wait3A_1828] : memref<4x112xi32, #tpu.memory_space<vmem>> -> memref<1x112xi32, #tpu.memory_space<vmem>>
      %dma_wait3A_1830 = tpu.memref_squeeze %dma_wait3A_1829 : memref<1x112xi32, #tpu.memory_space<vmem>> -> memref<112xi32, #tpu.memory_space<vmem>>
      %dma_wait3A_1831 = arith.constant 0 : i32
      %dma_wait3A_1832 = arith.constant 0 : i32
      %dma_wait3A_1833 = tpu.memref_slice %arg13[%dma_wait3A_1831, %dma_wait3A_1832] : memref<100000x8xf32, #tpu.memory_space<vmem_shared>> -> memref<100000x8xf32, #tpu.memory_space<vmem_shared>>
      tpu.wait_indirect_dma semaphore(%arg14 : memref<!tpu.dma_semaphore, #tpu.memory_space<semaphore_mem>>) src(%dma_wait3A_1833 : memref<100000x8xf32, #tpu.memory_space<vmem_shared>>) dst(%dma_wait3A_1827 : memref<112x8xf32, #tpu.memory_space<vmem>>)
      %broadcast_in_dim3A_1834 = arith.constant 0.000000e+00 : f32
      %broadcast_in_dim3A_1835 = vector.broadcast %broadcast_in_dim3A_1834 : f32 to vector<16xf32>
      %broadcast_in_dim3A_1836 = arith.constant 0.000000e+00 : f32
      %broadcast_in_dim3A_1837 = vector.broadcast %broadcast_in_dim3A_1836 : f32 to vector<16xf32>
      %broadcast_in_dim3A_1838 = arith.constant 0.000000e+00 : f32
      %broadcast_in_dim3A_1839 = vector.broadcast %broadcast_in_dim3A_1838 : f32 to vector<16xf32>
      %broadcast_in_dim3A_1840 = arith.constant 0.000000e+00 : f32
      %broadcast_in_dim3A_1841 = vector.broadcast %broadcast_in_dim3A_1840 : f32 to vector<16xf32>
      %add3A_1842 = arith.constant 0 : i32
      %add3A_1843 = vector.broadcast %add3A_1842 : i32 to vector<16xi32>
      %add3A_1844 = arith.addi %shift_right_logical3A_13, %add3A_1843 : vector<16xi32>
      %gather3A_1845 = arith.constant 2 : i32
      %gather3A_1846 = arith.constant 0 : i32
      %gather3A_1847 = arith.constant 0 : i32
      %gather3A_1848 = tpu.memref_slice %arg8[%gather3A_1845, %gather3A_1846, %gather3A_1847] : memref<4x112x8xf32, #tpu.memory_space<vmem>> -> memref<1x112x8xf32, #tpu.memory_space<vmem>>
      %gather3A_1849 = tpu.memref_squeeze %gather3A_1848 : memref<1x112x8xf32, #tpu.memory_space<vmem>> -> memref<112x8xf32, #tpu.memory_space<vmem>>
      %gather3A_1850 = tpu.vector_load_idx %gather3A_1849[%add3A_1844, %and3A_11] : memref<112x8xf32, #tpu.memory_space<vmem>>[vector<16xi32>, vector<16xi32>], vector<16xf32>,
      %add3A_1851 = arith.addf %broadcast_in_dim3A_1835, %gather3A_1850 : vector<16xf32>
      %add3A_1852 = arith.constant 2 : i32
      %add3A_1853 = vector.broadcast %add3A_1852 : i32 to vector<16xi32>
      %add3A_1854 = arith.addi %shift_right_logical3A_13, %add3A_1853 : vector<16xi32>
      %gather3A_1855 = arith.constant 2 : i32
      %gather3A_1856 = arith.constant 0 : i32
      %gather3A_1857 = arith.constant 0 : i32
      %gather3A_1858 = tpu.memref_slice %arg8[%gather3A_1855, %gather3A_1856, %gather3A_1857] : memref<4x112x8xf32, #tpu.memory_space<vmem>> -> memref<1x112x8xf32, #tpu.memory_space<vmem>>
      %gather3A_1859 = tpu.memref_squeeze %gather3A_1858 : memref<1x112x8xf32, #tpu.memory_space<vmem>> -> memref<112x8xf32, #tpu.memory_space<vmem>>
      %gather3A_1860 = tpu.vector_load_idx %gather3A_1859[%add3A_1854, %and3A_11] : memref<112x8xf32, #tpu.memory_space<vmem>>[vector<16xi32>, vector<16xi32>], vector<16xf32>,
      %add3A_1861 = arith.addf %broadcast_in_dim3A_1837, %gather3A_1860 : vector<16xf32>
      %add3A_1862 = arith.constant 4 : i32
      %add3A_1863 = vector.broadcast %add3A_1862 : i32 to vector<16xi32>
      %add3A_1864 = arith.addi %shift_right_logical3A_13, %add3A_1863 : vector<16xi32>
      %gather3A_1865 = arith.constant 2 : i32
      %gather3A_1866 = arith.constant 0 : i32
      %gather3A_1867 = arith.constant 0 : i32
      %gather3A_1868 = tpu.memref_slice %arg8[%gather3A_1865, %gather3A_1866, %gather3A_1867] : memref<4x112x8xf32, #tpu.memory_space<vmem>> -> memref<1x112x8xf32, #tpu.memory_space<vmem>>
      %gather3A_1869 = tpu.memref_squeeze %gather3A_1868 : memref<1x112x8xf32, #tpu.memory_space<vmem>> -> memref<112x8xf32, #tpu.memory_space<vmem>>
      %gather3A_1870 = tpu.vector_load_idx %gather3A_1869[%add3A_1864, %and3A_11] : memref<112x8xf32, #tpu.memory_space<vmem>>[vector<16xi32>, vector<16xi32>], vector<16xf32>,
      %add3A_1871 = arith.addf %broadcast_in_dim3A_1839, %gather3A_1870 : vector<16xf32>
      %add3A_1872 = arith.constant 6 : i32
      %add3A_1873 = vector.broadcast %add3A_1872 : i32 to vector<16xi32>
      %add3A_1874 = arith.addi %shift_right_logical3A_13, %add3A_1873 : vector<16xi32>
      %gather3A_1875 = arith.constant 2 : i32
      %gather3A_1876 = arith.constant 0 : i32
      %gather3A_1877 = arith.constant 0 : i32
      %gather3A_1878 = tpu.memref_slice %arg8[%gather3A_1875, %gather3A_1876, %gather3A_1877] : memref<4x112x8xf32, #tpu.memory_space<vmem>> -> memref<1x112x8xf32, #tpu.memory_space<vmem>>
      %gather3A_1879 = tpu.memref_squeeze %gather3A_1878 : memref<1x112x8xf32, #tpu.memory_space<vmem>> -> memref<112x8xf32, #tpu.memory_space<vmem>>
      %gather3A_1880 = tpu.vector_load_idx %gather3A_1879[%add3A_1874, %and3A_11] : memref<112x8xf32, #tpu.memory_space<vmem>>[vector<16xi32>, vector<16xi32>], vector<16xf32>,
      %add3A_1881 = arith.addf %broadcast_in_dim3A_1841, %gather3A_1880 : vector<16xf32>
      %add3A_1882 = arith.constant 8 : i32
      %add3A_1883 = vector.broadcast %add3A_1882 : i32 to vector<16xi32>
      %add3A_1884 = arith.addi %shift_right_logical3A_13, %add3A_1883 : vector<16xi32>
      %gather3A_1885 = arith.constant 2 : i32
      %gather3A_1886 = arith.constant 0 : i32
      %gather3A_1887 = arith.constant 0 : i32
      %gather3A_1888 = tpu.memref_slice %arg8[%gather3A_1885, %gather3A_1886, %gather3A_1887] : memref<4x112x8xf32, #tpu.memory_space<vmem>> -> memref<1x112x8xf32, #tpu.memory_space<vmem>>
      %gather3A_1889 = tpu.memref_squeeze %gather3A_1888 : memref<1x112x8xf32, #tpu.memory_space<vmem>> -> memref<112x8xf32, #tpu.memory_space<vmem>>
      %gather3A_1890 = tpu.vector_load_idx %gather3A_1889[%add3A_1884, %and3A_11] : memref<112x8xf32, #tpu.memory_space<vmem>>[vector<16xi32>, vector<16xi32>], vector<16xf32>,
      %add3A_1891 = arith.addf %add3A_1851, %gather3A_1890 : vector<16xf32>
      %add3A_1892 = arith.constant 10 : i32
      %add3A_1893 = vector.broadcast %add3A_1892 : i32 to vector<16xi32>
      %add3A_1894 = arith.addi %shift_right_logical3A_13, %add3A_1893 : vector<16xi32>
      %gather3A_1895 = arith.constant 2 : i32
      %gather3A_1896 = arith.constant 0 : i32
      %gather3A_1897 = arith.constant 0 : i32
      %gather3A_1898 = tpu.memref_slice %arg8[%gather3A_1895, %gather3A_1896, %gather3A_1897] : memref<4x112x8xf32, #tpu.memory_space<vmem>> -> memref<1x112x8xf32, #tpu.memory_space<vmem>>
      %gather3A_1899 = tpu.memref_squeeze %gather3A_1898 : memref<1x112x8xf32, #tpu.memory_space<vmem>> -> memref<112x8xf32, #tpu.memory_space<vmem>>
      %gather3A_1900 = tpu.vector_load_idx %gather3A_1899[%add3A_1894, %and3A_11] : memref<112x8xf32, #tpu.memory_space<vmem>>[vector<16xi32>, vector<16xi32>], vector<16xf32>,
      %add3A_1901 = arith.addf %add3A_1861, %gather3A_1900 : vector<16xf32>
      %add3A_1902 = arith.constant 12 : i32
      %add3A_1903 = vector.broadcast %add3A_1902 : i32 to vector<16xi32>
      %add3A_1904 = arith.addi %shift_right_logical3A_13, %add3A_1903 : vector<16xi32>
      %gather3A_1905 = arith.constant 2 : i32
      %gather3A_1906 = arith.constant 0 : i32
      %gather3A_1907 = arith.constant 0 : i32
      %gather3A_1908 = tpu.memref_slice %arg8[%gather3A_1905, %gather3A_1906, %gather3A_1907] : memref<4x112x8xf32, #tpu.memory_space<vmem>> -> memref<1x112x8xf32, #tpu.memory_space<vmem>>
      %gather3A_1909 = tpu.memref_squeeze %gather3A_1908 : memref<1x112x8xf32, #tpu.memory_space<vmem>> -> memref<112x8xf32, #tpu.memory_space<vmem>>
      %gather3A_1910 = tpu.vector_load_idx %gather3A_1909[%add3A_1904, %and3A_11] : memref<112x8xf32, #tpu.memory_space<vmem>>[vector<16xi32>, vector<16xi32>], vector<16xf32>,
      %add3A_1911 = arith.addf %add3A_1871, %gather3A_1910 : vector<16xf32>
      %add3A_1912 = arith.constant 14 : i32
      %add3A_1913 = vector.broadcast %add3A_1912 : i32 to vector<16xi32>
      %add3A_1914 = arith.addi %shift_right_logical3A_13, %add3A_1913 : vector<16xi32>
      %gather3A_1915 = arith.constant 2 : i32
      %gather3A_1916 = arith.constant 0 : i32
      %gather3A_1917 = arith.constant 0 : i32
      %gather3A_1918 = tpu.memref_slice %arg8[%gather3A_1915, %gather3A_1916, %gather3A_1917] : memref<4x112x8xf32, #tpu.memory_space<vmem>> -> memref<1x112x8xf32, #tpu.memory_space<vmem>>
      %gather3A_1919 = tpu.memref_squeeze %gather3A_1918 : memref<1x112x8xf32, #tpu.memory_space<vmem>> -> memref<112x8xf32, #tpu.memory_space<vmem>>
      %gather3A_1920 = tpu.vector_load_idx %gather3A_1919[%add3A_1914, %and3A_11] : memref<112x8xf32, #tpu.memory_space<vmem>>[vector<16xi32>, vector<16xi32>], vector<16xf32>,
      %add3A_1921 = arith.addf %add3A_1881, %gather3A_1920 : vector<16xf32>
      %add3A_1922 = arith.constant 16 : i32
      %add3A_1923 = vector.broadcast %add3A_1922 : i32 to vector<16xi32>
      %add3A_1924 = arith.addi %shift_right_logical3A_13, %add3A_1923 : vector<16xi32>
      %gather3A_1925 = arith.constant 2 : i32
      %gather3A_1926 = arith.constant 0 : i32
      %gather3A_1927 = arith.constant 0 : i32
      %gather3A_1928 = tpu.memref_slice %arg8[%gather3A_1925, %gather3A_1926, %gather3A_1927] : memref<4x112x8xf32, #tpu.memory_space<vmem>> -> memref<1x112x8xf32, #tpu.memory_space<vmem>>
      %gather3A_1929 = tpu.memref_squeeze %gather3A_1928 : memref<1x112x8xf32, #tpu.memory_space<vmem>> -> memref<112x8xf32, #tpu.memory_space<vmem>>
      %gather3A_1930 = tpu.vector_load_idx %gather3A_1929[%add3A_1924, %and3A_11] : memref<112x8xf32, #tpu.memory_space<vmem>>[vector<16xi32>, vector<16xi32>], vector<16xf32>,
      %add3A_1931 = arith.addf %add3A_1891, %gather3A_1930 : vector<16xf32>
      %add3A_1932 = arith.constant 18 : i32
      %add3A_1933 = vector.broadcast %add3A_1932 : i32 to vector<16xi32>
      %add3A_1934 = arith.addi %shift_right_logical3A_13, %add3A_1933 : vector<16xi32>
      %gather3A_1935 = arith.constant 2 : i32
      %gather3A_1936 = arith.constant 0 : i32
      %gather3A_1937 = arith.constant 0 : i32
      %gather3A_1938 = tpu.memref_slice %arg8[%gather3A_1935, %gather3A_1936, %gather3A_1937] : memref<4x112x8xf32, #tpu.memory_space<vmem>> -> memref<1x112x8xf32, #tpu.memory_space<vmem>>
      %gather3A_1939 = tpu.memref_squeeze %gather3A_1938 : memref<1x112x8xf32, #tpu.memory_space<vmem>> -> memref<112x8xf32, #tpu.memory_space<vmem>>
      %gather3A_1940 = tpu.vector_load_idx %gather3A_1939[%add3A_1934, %and3A_11] : memref<112x8xf32, #tpu.memory_space<vmem>>[vector<16xi32>, vector<16xi32>], vector<16xf32>,
      %add3A_1941 = arith.addf %add3A_1901, %gather3A_1940 : vector<16xf32>
      %add3A_1942 = arith.constant 20 : i32
      %add3A_1943 = vector.broadcast %add3A_1942 : i32 to vector<16xi32>
      %add3A_1944 = arith.addi %shift_right_logical3A_13, %add3A_1943 : vector<16xi32>
      %gather3A_1945 = arith.constant 2 : i32
      %gather3A_1946 = arith.constant 0 : i32
      %gather3A_1947 = arith.constant 0 : i32
      %gather3A_1948 = tpu.memref_slice %arg8[%gather3A_1945, %gather3A_1946, %gather3A_1947] : memref<4x112x8xf32, #tpu.memory_space<vmem>> -> memref<1x112x8xf32, #tpu.memory_space<vmem>>
      %gather3A_1949 = tpu.memref_squeeze %gather3A_1948 : memref<1x112x8xf32, #tpu.memory_space<vmem>> -> memref<112x8xf32, #tpu.memory_space<vmem>>
      %gather3A_1950 = tpu.vector_load_idx %gather3A_1949[%add3A_1944, %and3A_11] : memref<112x8xf32, #tpu.memory_space<vmem>>[vector<16xi32>, vector<16xi32>], vector<16xf32>,
      %add3A_1951 = arith.addf %add3A_1911, %gather3A_1950 : vector<16xf32>
      %add3A_1952 = arith.constant 22 : i32
      %add3A_1953 = vector.broadcast %add3A_1952 : i32 to vector<16xi32>
      %add3A_1954 = arith.addi %shift_right_logical3A_13, %add3A_1953 : vector<16xi32>
      %gather3A_1955 = arith.constant 2 : i32
      %gather3A_1956 = arith.constant 0 : i32
      %gather3A_1957 = arith.constant 0 : i32
      %gather3A_1958 = tpu.memref_slice %arg8[%gather3A_1955, %gather3A_1956, %gather3A_1957] : memref<4x112x8xf32, #tpu.memory_space<vmem>> -> memref<1x112x8xf32, #tpu.memory_space<vmem>>
      %gather3A_1959 = tpu.memref_squeeze %gather3A_1958 : memref<1x112x8xf32, #tpu.memory_space<vmem>> -> memref<112x8xf32, #tpu.memory_space<vmem>>
      %gather3A_1960 = tpu.vector_load_idx %gather3A_1959[%add3A_1954, %and3A_11] : memref<112x8xf32, #tpu.memory_space<vmem>>[vector<16xi32>, vector<16xi32>], vector<16xf32>,
      %add3A_1961 = arith.addf %add3A_1921, %gather3A_1960 : vector<16xf32>
      %add3A_1962 = arith.constant 24 : i32
      %add3A_1963 = vector.broadcast %add3A_1962 : i32 to vector<16xi32>
      %add3A_1964 = arith.addi %shift_right_logical3A_13, %add3A_1963 : vector<16xi32>
      %gather3A_1965 = arith.constant 2 : i32
      %gather3A_1966 = arith.constant 0 : i32
      %gather3A_1967 = arith.constant 0 : i32
      %gather3A_1968 = tpu.memref_slice %arg8[%gather3A_1965, %gather3A_1966, %gather3A_1967] : memref<4x112x8xf32, #tpu.memory_space<vmem>> -> memref<1x112x8xf32, #tpu.memory_space<vmem>>
      %gather3A_1969 = tpu.memref_squeeze %gather3A_1968 : memref<1x112x8xf32, #tpu.memory_space<vmem>> -> memref<112x8xf32, #tpu.memory_space<vmem>>
      %gather3A_1970 = tpu.vector_load_idx %gather3A_1969[%add3A_1964, %and3A_11] : memref<112x8xf32, #tpu.memory_space<vmem>>[vector<16xi32>, vector<16xi32>], vector<16xf32>,
      %add3A_1971 = arith.addf %add3A_1931, %gather3A_1970 : vector<16xf32>
      %add3A_1972 = arith.constant 26 : i32
      %add3A_1973 = vector.broadcast %add3A_1972 : i32 to vector<16xi32>
      %add3A_1974 = arith.addi %shift_right_logical3A_13, %add3A_1973 : vector<16xi32>
      %gather3A_1975 = arith.constant 2 : i32
      %gather3A_1976 = arith.constant 0 : i32
      %gather3A_1977 = arith.constant 0 : i32
      %gather3A_1978 = tpu.memref_slice %arg8[%gather3A_1975, %gather3A_1976, %gather3A_1977] : memref<4x112x8xf32, #tpu.memory_space<vmem>> -> memref<1x112x8xf32, #tpu.memory_space<vmem>>
      %gather3A_1979 = tpu.memref_squeeze %gather3A_1978 : memref<1x112x8xf32, #tpu.memory_space<vmem>> -> memref<112x8xf32, #tpu.memory_space<vmem>>
      %gather3A_1980 = tpu.vector_load_idx %gather3A_1979[%add3A_1974, %and3A_11] : memref<112x8xf32, #tpu.memory_space<vmem>>[vector<16xi32>, vector<16xi32>], vector<16xf32>,
      %add3A_1981 = arith.addf %add3A_1941, %gather3A_1980 : vector<16xf32>
      %add3A_1982 = arith.constant 28 : i32
      %add3A_1983 = vector.broadcast %add3A_1982 : i32 to vector<16xi32>
      %add3A_1984 = arith.addi %shift_right_logical3A_13, %add3A_1983 : vector<16xi32>
      %gather3A_1985 = arith.constant 2 : i32
      %gather3A_1986 = arith.constant 0 : i32
      %gather3A_1987 = arith.constant 0 : i32
      %gather3A_1988 = tpu.memref_slice %arg8[%gather3A_1985, %gather3A_1986, %gather3A_1987] : memref<4x112x8xf32, #tpu.memory_space<vmem>> -> memref<1x112x8xf32, #tpu.memory_space<vmem>>
      %gather3A_1989 = tpu.memref_squeeze %gather3A_1988 : memref<1x112x8xf32, #tpu.memory_space<vmem>> -> memref<112x8xf32, #tpu.memory_space<vmem>>
      %gather3A_1990 = tpu.vector_load_idx %gather3A_1989[%add3A_1984, %and3A_11] : memref<112x8xf32, #tpu.memory_space<vmem>>[vector<16xi32>, vector<16xi32>], vector<16xf32>,
      %add3A_1991 = arith.addf %add3A_1951, %gather3A_1990 : vector<16xf32>
      %add3A_1992 = arith.constant 30 : i32
      %add3A_1993 = vector.broadcast %add3A_1992 : i32 to vector<16xi32>
      %add3A_1994 = arith.addi %shift_right_logical3A_13, %add3A_1993 : vector<16xi32>
      %gather3A_1995 = arith.constant 2 : i32
      %gather3A_1996 = arith.constant 0 : i32
      %gather3A_1997 = arith.constant 0 : i32
      %gather3A_1998 = tpu.memref_slice %arg8[%gather3A_1995, %gather3A_1996, %gather3A_1997] : memref<4x112x8xf32, #tpu.memory_space<vmem>> -> memref<1x112x8xf32, #tpu.memory_space<vmem>>
      %gather3A_1999 = tpu.memref_squeeze %gather3A_1998 : memref<1x112x8xf32, #tpu.memory_space<vmem>> -> memref<112x8xf32, #tpu.memory_space<vmem>>
      %gather3A_2000 = tpu.vector_load_idx %gather3A_1999[%add3A_1994, %and3A_11] : memref<112x8xf32, #tpu.memory_space<vmem>>[vector<16xi32>, vector<16xi32>], vector<16xf32>,
      %add3A_2001 = arith.addf %add3A_1961, %gather3A_2000 : vector<16xf32>
      %add3A_2002 = arith.constant 32 : i32
      %add3A_2003 = vector.broadcast %add3A_2002 : i32 to vector<16xi32>
      %add3A_2004 = arith.addi %shift_right_logical3A_13, %add3A_2003 : vector<16xi32>
      %gather3A_2005 = arith.constant 2 : i32
      %gather3A_2006 = arith.constant 0 : i32
      %gather3A_2007 = arith.constant 0 : i32
      %gather3A_2008 = tpu.memref_slice %arg8[%gather3A_2005, %gather3A_2006, %gather3A_2007] : memref<4x112x8xf32, #tpu.memory_space<vmem>> -> memref<1x112x8xf32, #tpu.memory_space<vmem>>
      %gather3A_2009 = tpu.memref_squeeze %gather3A_2008 : memref<1x112x8xf32, #tpu.memory_space<vmem>> -> memref<112x8xf32, #tpu.memory_space<vmem>>
      %gather3A_2010 = tpu.vector_load_idx %gather3A_2009[%add3A_2004, %and3A_11] : memref<112x8xf32, #tpu.memory_space<vmem>>[vector<16xi32>, vector<16xi32>], vector<16xf32>,
      %add3A_2011 = arith.addf %add3A_1971, %gather3A_2010 : vector<16xf32>
      %add3A_2012 = arith.constant 34 : i32
      %add3A_2013 = vector.broadcast %add3A_2012 : i32 to vector<16xi32>
      %add3A_2014 = arith.addi %shift_right_logical3A_13, %add3A_2013 : vector<16xi32>
      %gather3A_2015 = arith.constant 2 : i32
      %gather3A_2016 = arith.constant 0 : i32
      %gather3A_2017 = arith.constant 0 : i32
      %gather3A_2018 = tpu.memref_slice %arg8[%gather3A_2015, %gather3A_2016, %gather3A_2017] : memref<4x112x8xf32, #tpu.memory_space<vmem>> -> memref<1x112x8xf32, #tpu.memory_space<vmem>>
      %gather3A_2019 = tpu.memref_squeeze %gather3A_2018 : memref<1x112x8xf32, #tpu.memory_space<vmem>> -> memref<112x8xf32, #tpu.memory_space<vmem>>
      %gather3A_2020 = tpu.vector_load_idx %gather3A_2019[%add3A_2014, %and3A_11] : memref<112x8xf32, #tpu.memory_space<vmem>>[vector<16xi32>, vector<16xi32>], vector<16xf32>,
      %add3A_2021 = arith.addf %add3A_1981, %gather3A_2020 : vector<16xf32>
      %add3A_2022 = arith.constant 36 : i32
      %add3A_2023 = vector.broadcast %add3A_2022 : i32 to vector<16xi32>
      %add3A_2024 = arith.addi %shift_right_logical3A_13, %add3A_2023 : vector<16xi32>
      %gather3A_2025 = arith.constant 2 : i32
      %gather3A_2026 = arith.constant 0 : i32
      %gather3A_2027 = arith.constant 0 : i32
      %gather3A_2028 = tpu.memref_slice %arg8[%gather3A_2025, %gather3A_2026, %gather3A_2027] : memref<4x112x8xf32, #tpu.memory_space<vmem>> -> memref<1x112x8xf32, #tpu.memory_space<vmem>>
      %gather3A_2029 = tpu.memref_squeeze %gather3A_2028 : memref<1x112x8xf32, #tpu.memory_space<vmem>> -> memref<112x8xf32, #tpu.memory_space<vmem>>
      %gather3A_2030 = tpu.vector_load_idx %gather3A_2029[%add3A_2024, %and3A_11] : memref<112x8xf32, #tpu.memory_space<vmem>>[vector<16xi32>, vector<16xi32>], vector<16xf32>,
      %add3A_2031 = arith.addf %add3A_1991, %gather3A_2030 : vector<16xf32>
      %add3A_2032 = arith.constant 38 : i32
      %add3A_2033 = vector.broadcast %add3A_2032 : i32 to vector<16xi32>
      %add3A_2034 = arith.addi %shift_right_logical3A_13, %add3A_2033 : vector<16xi32>
      %gather3A_2035 = arith.constant 2 : i32
      %gather3A_2036 = arith.constant 0 : i32
      %gather3A_2037 = arith.constant 0 : i32
      %gather3A_2038 = tpu.memref_slice %arg8[%gather3A_2035, %gather3A_2036, %gather3A_2037] : memref<4x112x8xf32, #tpu.memory_space<vmem>> -> memref<1x112x8xf32, #tpu.memory_space<vmem>>
      %gather3A_2039 = tpu.memref_squeeze %gather3A_2038 : memref<1x112x8xf32, #tpu.memory_space<vmem>> -> memref<112x8xf32, #tpu.memory_space<vmem>>
      %gather3A_2040 = tpu.vector_load_idx %gather3A_2039[%add3A_2034, %and3A_11] : memref<112x8xf32, #tpu.memory_space<vmem>>[vector<16xi32>, vector<16xi32>], vector<16xf32>,
      %add3A_2041 = arith.addf %add3A_2001, %gather3A_2040 : vector<16xf32>
      %add3A_2042 = arith.constant 40 : i32
      %add3A_2043 = vector.broadcast %add3A_2042 : i32 to vector<16xi32>
      %add3A_2044 = arith.addi %shift_right_logical3A_13, %add3A_2043 : vector<16xi32>
      %gather3A_2045 = arith.constant 2 : i32
      %gather3A_2046 = arith.constant 0 : i32
      %gather3A_2047 = arith.constant 0 : i32
      %gather3A_2048 = tpu.memref_slice %arg8[%gather3A_2045, %gather3A_2046, %gather3A_2047] : memref<4x112x8xf32, #tpu.memory_space<vmem>> -> memref<1x112x8xf32, #tpu.memory_space<vmem>>
      %gather3A_2049 = tpu.memref_squeeze %gather3A_2048 : memref<1x112x8xf32, #tpu.memory_space<vmem>> -> memref<112x8xf32, #tpu.memory_space<vmem>>
      %gather3A_2050 = tpu.vector_load_idx %gather3A_2049[%add3A_2044, %and3A_11] : memref<112x8xf32, #tpu.memory_space<vmem>>[vector<16xi32>, vector<16xi32>], vector<16xf32>,
      %add3A_2051 = arith.addf %add3A_2011, %gather3A_2050 : vector<16xf32>
      %add3A_2052 = arith.constant 42 : i32
      %add3A_2053 = vector.broadcast %add3A_2052 : i32 to vector<16xi32>
      %add3A_2054 = arith.addi %shift_right_logical3A_13, %add3A_2053 : vector<16xi32>
      %gather3A_2055 = arith.constant 2 : i32
      %gather3A_2056 = arith.constant 0 : i32
      %gather3A_2057 = arith.constant 0 : i32
      %gather3A_2058 = tpu.memref_slice %arg8[%gather3A_2055, %gather3A_2056, %gather3A_2057] : memref<4x112x8xf32, #tpu.memory_space<vmem>> -> memref<1x112x8xf32, #tpu.memory_space<vmem>>
      %gather3A_2059 = tpu.memref_squeeze %gather3A_2058 : memref<1x112x8xf32, #tpu.memory_space<vmem>> -> memref<112x8xf32, #tpu.memory_space<vmem>>
      %gather3A_2060 = tpu.vector_load_idx %gather3A_2059[%add3A_2054, %and3A_11] : memref<112x8xf32, #tpu.memory_space<vmem>>[vector<16xi32>, vector<16xi32>], vector<16xf32>,
      %add3A_2061 = arith.addf %add3A_2021, %gather3A_2060 : vector<16xf32>
      %add3A_2062 = arith.constant 44 : i32
      %add3A_2063 = vector.broadcast %add3A_2062 : i32 to vector<16xi32>
      %add3A_2064 = arith.addi %shift_right_logical3A_13, %add3A_2063 : vector<16xi32>
      %gather3A_2065 = arith.constant 2 : i32
      %gather3A_2066 = arith.constant 0 : i32
      %gather3A_2067 = arith.constant 0 : i32
      %gather3A_2068 = tpu.memref_slice %arg8[%gather3A_2065, %gather3A_2066, %gather3A_2067] : memref<4x112x8xf32, #tpu.memory_space<vmem>> -> memref<1x112x8xf32, #tpu.memory_space<vmem>>
      %gather3A_2069 = tpu.memref_squeeze %gather3A_2068 : memref<1x112x8xf32, #tpu.memory_space<vmem>> -> memref<112x8xf32, #tpu.memory_space<vmem>>
      %gather3A_2070 = tpu.vector_load_idx %gather3A_2069[%add3A_2064, %and3A_11] : memref<112x8xf32, #tpu.memory_space<vmem>>[vector<16xi32>, vector<16xi32>], vector<16xf32>,
      %add3A_2071 = arith.addf %add3A_2031, %gather3A_2070 : vector<16xf32>
      %add3A_2072 = arith.constant 46 : i32
      %add3A_2073 = vector.broadcast %add3A_2072 : i32 to vector<16xi32>
      %add3A_2074 = arith.addi %shift_right_logical3A_13, %add3A_2073 : vector<16xi32>
      %gather3A_2075 = arith.constant 2 : i32
      %gather3A_2076 = arith.constant 0 : i32
      %gather3A_2077 = arith.constant 0 : i32
      %gather3A_2078 = tpu.memref_slice %arg8[%gather3A_2075, %gather3A_2076, %gather3A_2077] : memref<4x112x8xf32, #tpu.memory_space<vmem>> -> memref<1x112x8xf32, #tpu.memory_space<vmem>>
      %gather3A_2079 = tpu.memref_squeeze %gather3A_2078 : memref<1x112x8xf32, #tpu.memory_space<vmem>> -> memref<112x8xf32, #tpu.memory_space<vmem>>
      %gather3A_2080 = tpu.vector_load_idx %gather3A_2079[%add3A_2074, %and3A_11] : memref<112x8xf32, #tpu.memory_space<vmem>>[vector<16xi32>, vector<16xi32>], vector<16xf32>,
      %add3A_2081 = arith.addf %add3A_2041, %gather3A_2080 : vector<16xf32>
      %add3A_2082 = arith.constant 48 : i32
      %add3A_2083 = vector.broadcast %add3A_2082 : i32 to vector<16xi32>
      %add3A_2084 = arith.addi %shift_right_logical3A_13, %add3A_2083 : vector<16xi32>
      %gather3A_2085 = arith.constant 2 : i32
      %gather3A_2086 = arith.constant 0 : i32
      %gather3A_2087 = arith.constant 0 : i32
      %gather3A_2088 = tpu.memref_slice %arg8[%gather3A_2085, %gather3A_2086, %gather3A_2087] : memref<4x112x8xf32, #tpu.memory_space<vmem>> -> memref<1x112x8xf32, #tpu.memory_space<vmem>>
      %gather3A_2089 = tpu.memref_squeeze %gather3A_2088 : memref<1x112x8xf32, #tpu.memory_space<vmem>> -> memref<112x8xf32, #tpu.memory_space<vmem>>
      %gather3A_2090 = tpu.vector_load_idx %gather3A_2089[%add3A_2084, %and3A_11] : memref<112x8xf32, #tpu.memory_space<vmem>>[vector<16xi32>, vector<16xi32>], vector<16xf32>,
      %add3A_2091 = arith.addf %add3A_2051, %gather3A_2090 : vector<16xf32>
      %add3A_2092 = arith.constant 50 : i32
      %add3A_2093 = vector.broadcast %add3A_2092 : i32 to vector<16xi32>
      %add3A_2094 = arith.addi %shift_right_logical3A_13, %add3A_2093 : vector<16xi32>
      %gather3A_2095 = arith.constant 2 : i32
      %gather3A_2096 = arith.constant 0 : i32
      %gather3A_2097 = arith.constant 0 : i32
      %gather3A_2098 = tpu.memref_slice %arg8[%gather3A_2095, %gather3A_2096, %gather3A_2097] : memref<4x112x8xf32, #tpu.memory_space<vmem>> -> memref<1x112x8xf32, #tpu.memory_space<vmem>>
      %gather3A_2099 = tpu.memref_squeeze %gather3A_2098 : memref<1x112x8xf32, #tpu.memory_space<vmem>> -> memref<112x8xf32, #tpu.memory_space<vmem>>
      %gather3A_2100 = tpu.vector_load_idx %gather3A_2099[%add3A_2094, %and3A_11] : memref<112x8xf32, #tpu.memory_space<vmem>>[vector<16xi32>, vector<16xi32>], vector<16xf32>,
      %add3A_2101 = arith.addf %add3A_2061, %gather3A_2100 : vector<16xf32>
      %add3A_2102 = arith.constant 52 : i32
      %add3A_2103 = vector.broadcast %add3A_2102 : i32 to vector<16xi32>
      %add3A_2104 = arith.addi %shift_right_logical3A_13, %add3A_2103 : vector<16xi32>
      %gather3A_2105 = arith.constant 2 : i32
      %gather3A_2106 = arith.constant 0 : i32
      %gather3A_2107 = arith.constant 0 : i32
      %gather3A_2108 = tpu.memref_slice %arg8[%gather3A_2105, %gather3A_2106, %gather3A_2107] : memref<4x112x8xf32, #tpu.memory_space<vmem>> -> memref<1x112x8xf32, #tpu.memory_space<vmem>>
      %gather3A_2109 = tpu.memref_squeeze %gather3A_2108 : memref<1x112x8xf32, #tpu.memory_space<vmem>> -> memref<112x8xf32, #tpu.memory_space<vmem>>
      %gather3A_2110 = tpu.vector_load_idx %gather3A_2109[%add3A_2104, %and3A_11] : memref<112x8xf32, #tpu.memory_space<vmem>>[vector<16xi32>, vector<16xi32>], vector<16xf32>,
      %add3A_2111 = arith.addf %add3A_2071, %gather3A_2110 : vector<16xf32>
      %add3A_2112 = arith.constant 54 : i32
      %add3A_2113 = vector.broadcast %add3A_2112 : i32 to vector<16xi32>
      %add3A_2114 = arith.addi %shift_right_logical3A_13, %add3A_2113 : vector<16xi32>
      %gather3A_2115 = arith.constant 2 : i32
      %gather3A_2116 = arith.constant 0 : i32
      %gather3A_2117 = arith.constant 0 : i32
      %gather3A_2118 = tpu.memref_slice %arg8[%gather3A_2115, %gather3A_2116, %gather3A_2117] : memref<4x112x8xf32, #tpu.memory_space<vmem>> -> memref<1x112x8xf32, #tpu.memory_space<vmem>>
      %gather3A_2119 = tpu.memref_squeeze %gather3A_2118 : memref<1x112x8xf32, #tpu.memory_space<vmem>> -> memref<112x8xf32, #tpu.memory_space<vmem>>
      %gather3A_2120 = tpu.vector_load_idx %gather3A_2119[%add3A_2114, %and3A_11] : memref<112x8xf32, #tpu.memory_space<vmem>>[vector<16xi32>, vector<16xi32>], vector<16xf32>,
      %add3A_2121 = arith.addf %add3A_2081, %gather3A_2120 : vector<16xf32>
      %add3A_2122 = arith.constant 56 : i32
      %add3A_2123 = vector.broadcast %add3A_2122 : i32 to vector<16xi32>
      %add3A_2124 = arith.addi %shift_right_logical3A_13, %add3A_2123 : vector<16xi32>
      %gather3A_2125 = arith.constant 2 : i32
      %gather3A_2126 = arith.constant 0 : i32
      %gather3A_2127 = arith.constant 0 : i32
      %gather3A_2128 = tpu.memref_slice %arg8[%gather3A_2125, %gather3A_2126, %gather3A_2127] : memref<4x112x8xf32, #tpu.memory_space<vmem>> -> memref<1x112x8xf32, #tpu.memory_space<vmem>>
      %gather3A_2129 = tpu.memref_squeeze %gather3A_2128 : memref<1x112x8xf32, #tpu.memory_space<vmem>> -> memref<112x8xf32, #tpu.memory_space<vmem>>
      %gather3A_2130 = tpu.vector_load_idx %gather3A_2129[%add3A_2124, %and3A_11] : memref<112x8xf32, #tpu.memory_space<vmem>>[vector<16xi32>, vector<16xi32>], vector<16xf32>,
      %add3A_2131 = arith.addf %add3A_2091, %gather3A_2130 : vector<16xf32>
      %add3A_2132 = arith.constant 58 : i32
      %add3A_2133 = vector.broadcast %add3A_2132 : i32 to vector<16xi32>
      %add3A_2134 = arith.addi %shift_right_logical3A_13, %add3A_2133 : vector<16xi32>
      %gather3A_2135 = arith.constant 2 : i32
      %gather3A_2136 = arith.constant 0 : i32
      %gather3A_2137 = arith.constant 0 : i32
      %gather3A_2138 = tpu.memref_slice %arg8[%gather3A_2135, %gather3A_2136, %gather3A_2137] : memref<4x112x8xf32, #tpu.memory_space<vmem>> -> memref<1x112x8xf32, #tpu.memory_space<vmem>>
      %gather3A_2139 = tpu.memref_squeeze %gather3A_2138 : memref<1x112x8xf32, #tpu.memory_space<vmem>> -> memref<112x8xf32, #tpu.memory_space<vmem>>
      %gather3A_2140 = tpu.vector_load_idx %gather3A_2139[%add3A_2134, %and3A_11] : memref<112x8xf32, #tpu.memory_space<vmem>>[vector<16xi32>, vector<16xi32>], vector<16xf32>,
      %add3A_2141 = arith.addf %add3A_2101, %gather3A_2140 : vector<16xf32>
      %add3A_2142 = arith.constant 60 : i32
      %add3A_2143 = vector.broadcast %add3A_2142 : i32 to vector<16xi32>
      %add3A_2144 = arith.addi %shift_right_logical3A_13, %add3A_2143 : vector<16xi32>
      %gather3A_2145 = arith.constant 2 : i32
      %gather3A_2146 = arith.constant 0 : i32
      %gather3A_2147 = arith.constant 0 : i32
      %gather3A_2148 = tpu.memref_slice %arg8[%gather3A_2145, %gather3A_2146, %gather3A_2147] : memref<4x112x8xf32, #tpu.memory_space<vmem>> -> memref<1x112x8xf32, #tpu.memory_space<vmem>>
      %gather3A_2149 = tpu.memref_squeeze %gather3A_2148 : memref<1x112x8xf32, #tpu.memory_space<vmem>> -> memref<112x8xf32, #tpu.memory_space<vmem>>
      %gather3A_2150 = tpu.vector_load_idx %gather3A_2149[%add3A_2144, %and3A_11] : memref<112x8xf32, #tpu.memory_space<vmem>>[vector<16xi32>, vector<16xi32>], vector<16xf32>,
      %add3A_2151 = arith.addf %add3A_2111, %gather3A_2150 : vector<16xf32>
      %add3A_2152 = arith.constant 62 : i32
      %add3A_2153 = vector.broadcast %add3A_2152 : i32 to vector<16xi32>
      %add3A_2154 = arith.addi %shift_right_logical3A_13, %add3A_2153 : vector<16xi32>
      %gather3A_2155 = arith.constant 2 : i32
      %gather3A_2156 = arith.constant 0 : i32
      %gather3A_2157 = arith.constant 0 : i32
      %gather3A_2158 = tpu.memref_slice %arg8[%gather3A_2155, %gather3A_2156, %gather3A_2157] : memref<4x112x8xf32, #tpu.memory_space<vmem>> -> memref<1x112x8xf32, #tpu.memory_space<vmem>>
      %gather3A_2159 = tpu.memref_squeeze %gather3A_2158 : memref<1x112x8xf32, #tpu.memory_space<vmem>> -> memref<112x8xf32, #tpu.memory_space<vmem>>
      %gather3A_2160 = tpu.vector_load_idx %gather3A_2159[%add3A_2154, %and3A_11] : memref<112x8xf32, #tpu.memory_space<vmem>>[vector<16xi32>, vector<16xi32>], vector<16xf32>,
      %add3A_2161 = arith.addf %add3A_2121, %gather3A_2160 : vector<16xf32>
      %add3A_2162 = arith.constant 64 : i32
      %add3A_2163 = vector.broadcast %add3A_2162 : i32 to vector<16xi32>
      %add3A_2164 = arith.addi %shift_right_logical3A_13, %add3A_2163 : vector<16xi32>
      %gather3A_2165 = arith.constant 2 : i32
      %gather3A_2166 = arith.constant 0 : i32
      %gather3A_2167 = arith.constant 0 : i32
      %gather3A_2168 = tpu.memref_slice %arg8[%gather3A_2165, %gather3A_2166, %gather3A_2167] : memref<4x112x8xf32, #tpu.memory_space<vmem>> -> memref<1x112x8xf32, #tpu.memory_space<vmem>>
      %gather3A_2169 = tpu.memref_squeeze %gather3A_2168 : memref<1x112x8xf32, #tpu.memory_space<vmem>> -> memref<112x8xf32, #tpu.memory_space<vmem>>
      %gather3A_2170 = tpu.vector_load_idx %gather3A_2169[%add3A_2164, %and3A_11] : memref<112x8xf32, #tpu.memory_space<vmem>>[vector<16xi32>, vector<16xi32>], vector<16xf32>,
      %add3A_2171 = arith.addf %add3A_2131, %gather3A_2170 : vector<16xf32>
      %add3A_2172 = arith.constant 66 : i32
      %add3A_2173 = vector.broadcast %add3A_2172 : i32 to vector<16xi32>
      %add3A_2174 = arith.addi %shift_right_logical3A_13, %add3A_2173 : vector<16xi32>
      %gather3A_2175 = arith.constant 2 : i32
      %gather3A_2176 = arith.constant 0 : i32
      %gather3A_2177 = arith.constant 0 : i32
      %gather3A_2178 = tpu.memref_slice %arg8[%gather3A_2175, %gather3A_2176, %gather3A_2177] : memref<4x112x8xf32, #tpu.memory_space<vmem>> -> memref<1x112x8xf32, #tpu.memory_space<vmem>>
      %gather3A_2179 = tpu.memref_squeeze %gather3A_2178 : memref<1x112x8xf32, #tpu.memory_space<vmem>> -> memref<112x8xf32, #tpu.memory_space<vmem>>
      %gather3A_2180 = tpu.vector_load_idx %gather3A_2179[%add3A_2174, %and3A_11] : memref<112x8xf32, #tpu.memory_space<vmem>>[vector<16xi32>, vector<16xi32>], vector<16xf32>,
      %add3A_2181 = arith.addf %add3A_2141, %gather3A_2180 : vector<16xf32>
      %add3A_2182 = arith.constant 68 : i32
      %add3A_2183 = vector.broadcast %add3A_2182 : i32 to vector<16xi32>
      %add3A_2184 = arith.addi %shift_right_logical3A_13, %add3A_2183 : vector<16xi32>
      %gather3A_2185 = arith.constant 2 : i32
      %gather3A_2186 = arith.constant 0 : i32
      %gather3A_2187 = arith.constant 0 : i32
      %gather3A_2188 = tpu.memref_slice %arg8[%gather3A_2185, %gather3A_2186, %gather3A_2187] : memref<4x112x8xf32, #tpu.memory_space<vmem>> -> memref<1x112x8xf32, #tpu.memory_space<vmem>>
      %gather3A_2189 = tpu.memref_squeeze %gather3A_2188 : memref<1x112x8xf32, #tpu.memory_space<vmem>> -> memref<112x8xf32, #tpu.memory_space<vmem>>
      %gather3A_2190 = tpu.vector_load_idx %gather3A_2189[%add3A_2184, %and3A_11] : memref<112x8xf32, #tpu.memory_space<vmem>>[vector<16xi32>, vector<16xi32>], vector<16xf32>,
      %add3A_2191 = arith.addf %add3A_2151, %gather3A_2190 : vector<16xf32>
      %add3A_2192 = arith.constant 70 : i32
      %add3A_2193 = vector.broadcast %add3A_2192 : i32 to vector<16xi32>
      %add3A_2194 = arith.addi %shift_right_logical3A_13, %add3A_2193 : vector<16xi32>
      %gather3A_2195 = arith.constant 2 : i32
      %gather3A_2196 = arith.constant 0 : i32
      %gather3A_2197 = arith.constant 0 : i32
      %gather3A_2198 = tpu.memref_slice %arg8[%gather3A_2195, %gather3A_2196, %gather3A_2197] : memref<4x112x8xf32, #tpu.memory_space<vmem>> -> memref<1x112x8xf32, #tpu.memory_space<vmem>>
      %gather3A_2199 = tpu.memref_squeeze %gather3A_2198 : memref<1x112x8xf32, #tpu.memory_space<vmem>> -> memref<112x8xf32, #tpu.memory_space<vmem>>
      %gather3A_2200 = tpu.vector_load_idx %gather3A_2199[%add3A_2194, %and3A_11] : memref<112x8xf32, #tpu.memory_space<vmem>>[vector<16xi32>, vector<16xi32>], vector<16xf32>,
      %add3A_2201 = arith.addf %add3A_2161, %gather3A_2200 : vector<16xf32>
      %add3A_2202 = arith.constant 72 : i32
      %add3A_2203 = vector.broadcast %add3A_2202 : i32 to vector<16xi32>
      %add3A_2204 = arith.addi %shift_right_logical3A_13, %add3A_2203 : vector<16xi32>
      %gather3A_2205 = arith.constant 2 : i32
      %gather3A_2206 = arith.constant 0 : i32
      %gather3A_2207 = arith.constant 0 : i32
      %gather3A_2208 = tpu.memref_slice %arg8[%gather3A_2205, %gather3A_2206, %gather3A_2207] : memref<4x112x8xf32, #tpu.memory_space<vmem>> -> memref<1x112x8xf32, #tpu.memory_space<vmem>>
      %gather3A_2209 = tpu.memref_squeeze %gather3A_2208 : memref<1x112x8xf32, #tpu.memory_space<vmem>> -> memref<112x8xf32, #tpu.memory_space<vmem>>
      %gather3A_2210 = tpu.vector_load_idx %gather3A_2209[%add3A_2204, %and3A_11] : memref<112x8xf32, #tpu.memory_space<vmem>>[vector<16xi32>, vector<16xi32>], vector<16xf32>,
      %add3A_2211 = arith.addf %add3A_2171, %gather3A_2210 : vector<16xf32>
      %add3A_2212 = arith.constant 74 : i32
      %add3A_2213 = vector.broadcast %add3A_2212 : i32 to vector<16xi32>
      %add3A_2214 = arith.addi %shift_right_logical3A_13, %add3A_2213 : vector<16xi32>
      %gather3A_2215 = arith.constant 2 : i32
      %gather3A_2216 = arith.constant 0 : i32
      %gather3A_2217 = arith.constant 0 : i32
      %gather3A_2218 = tpu.memref_slice %arg8[%gather3A_2215, %gather3A_2216, %gather3A_2217] : memref<4x112x8xf32, #tpu.memory_space<vmem>> -> memref<1x112x8xf32, #tpu.memory_space<vmem>>
      %gather3A_2219 = tpu.memref_squeeze %gather3A_2218 : memref<1x112x8xf32, #tpu.memory_space<vmem>> -> memref<112x8xf32, #tpu.memory_space<vmem>>
      %gather3A_2220 = tpu.vector_load_idx %gather3A_2219[%add3A_2214, %and3A_11] : memref<112x8xf32, #tpu.memory_space<vmem>>[vector<16xi32>, vector<16xi32>], vector<16xf32>,
      %add3A_2221 = arith.addf %add3A_2181, %gather3A_2220 : vector<16xf32>
      %add3A_2222 = arith.constant 76 : i32
      %add3A_2223 = vector.broadcast %add3A_2222 : i32 to vector<16xi32>
      %add3A_2224 = arith.addi %shift_right_logical3A_13, %add3A_2223 : vector<16xi32>
      %gather3A_2225 = arith.constant 2 : i32
      %gather3A_2226 = arith.constant 0 : i32
      %gather3A_2227 = arith.constant 0 : i32
      %gather3A_2228 = tpu.memref_slice %arg8[%gather3A_2225, %gather3A_2226, %gather3A_2227] : memref<4x112x8xf32, #tpu.memory_space<vmem>> -> memref<1x112x8xf32, #tpu.memory_space<vmem>>
      %gather3A_2229 = tpu.memref_squeeze %gather3A_2228 : memref<1x112x8xf32, #tpu.memory_space<vmem>> -> memref<112x8xf32, #tpu.memory_space<vmem>>
      %gather3A_2230 = tpu.vector_load_idx %gather3A_2229[%add3A_2224, %and3A_11] : memref<112x8xf32, #tpu.memory_space<vmem>>[vector<16xi32>, vector<16xi32>], vector<16xf32>,
      %add3A_2231 = arith.addf %add3A_2191, %gather3A_2230 : vector<16xf32>
      %add3A_2232 = arith.constant 78 : i32
      %add3A_2233 = vector.broadcast %add3A_2232 : i32 to vector<16xi32>
      %add3A_2234 = arith.addi %shift_right_logical3A_13, %add3A_2233 : vector<16xi32>
      %gather3A_2235 = arith.constant 2 : i32
      %gather3A_2236 = arith.constant 0 : i32
      %gather3A_2237 = arith.constant 0 : i32
      %gather3A_2238 = tpu.memref_slice %arg8[%gather3A_2235, %gather3A_2236, %gather3A_2237] : memref<4x112x8xf32, #tpu.memory_space<vmem>> -> memref<1x112x8xf32, #tpu.memory_space<vmem>>
      %gather3A_2239 = tpu.memref_squeeze %gather3A_2238 : memref<1x112x8xf32, #tpu.memory_space<vmem>> -> memref<112x8xf32, #tpu.memory_space<vmem>>
      %gather3A_2240 = tpu.vector_load_idx %gather3A_2239[%add3A_2234, %and3A_11] : memref<112x8xf32, #tpu.memory_space<vmem>>[vector<16xi32>, vector<16xi32>], vector<16xf32>,
      %add3A_2241 = arith.addf %add3A_2201, %gather3A_2240 : vector<16xf32>
      %add3A_2242 = arith.constant 80 : i32
      %add3A_2243 = vector.broadcast %add3A_2242 : i32 to vector<16xi32>
      %add3A_2244 = arith.addi %shift_right_logical3A_13, %add3A_2243 : vector<16xi32>
      %gather3A_2245 = arith.constant 2 : i32
      %gather3A_2246 = arith.constant 0 : i32
      %gather3A_2247 = arith.constant 0 : i32
      %gather3A_2248 = tpu.memref_slice %arg8[%gather3A_2245, %gather3A_2246, %gather3A_2247] : memref<4x112x8xf32, #tpu.memory_space<vmem>> -> memref<1x112x8xf32, #tpu.memory_space<vmem>>
      %gather3A_2249 = tpu.memref_squeeze %gather3A_2248 : memref<1x112x8xf32, #tpu.memory_space<vmem>> -> memref<112x8xf32, #tpu.memory_space<vmem>>
      %gather3A_2250 = tpu.vector_load_idx %gather3A_2249[%add3A_2244, %and3A_11] : memref<112x8xf32, #tpu.memory_space<vmem>>[vector<16xi32>, vector<16xi32>], vector<16xf32>,
      %add3A_2251 = arith.addf %add3A_2211, %gather3A_2250 : vector<16xf32>
      %add3A_2252 = arith.constant 82 : i32
      %add3A_2253 = vector.broadcast %add3A_2252 : i32 to vector<16xi32>
      %add3A_2254 = arith.addi %shift_right_logical3A_13, %add3A_2253 : vector<16xi32>
      %gather3A_2255 = arith.constant 2 : i32
      %gather3A_2256 = arith.constant 0 : i32
      %gather3A_2257 = arith.constant 0 : i32
      %gather3A_2258 = tpu.memref_slice %arg8[%gather3A_2255, %gather3A_2256, %gather3A_2257] : memref<4x112x8xf32, #tpu.memory_space<vmem>> -> memref<1x112x8xf32, #tpu.memory_space<vmem>>
      %gather3A_2259 = tpu.memref_squeeze %gather3A_2258 : memref<1x112x8xf32, #tpu.memory_space<vmem>> -> memref<112x8xf32, #tpu.memory_space<vmem>>
      %gather3A_2260 = tpu.vector_load_idx %gather3A_2259[%add3A_2254, %and3A_11] : memref<112x8xf32, #tpu.memory_space<vmem>>[vector<16xi32>, vector<16xi32>], vector<16xf32>,
      %add3A_2261 = arith.addf %add3A_2221, %gather3A_2260 : vector<16xf32>
      %add3A_2262 = arith.constant 84 : i32
      %add3A_2263 = vector.broadcast %add3A_2262 : i32 to vector<16xi32>
      %add3A_2264 = arith.addi %shift_right_logical3A_13, %add3A_2263 : vector<16xi32>
      %gather3A_2265 = arith.constant 2 : i32
      %gather3A_2266 = arith.constant 0 : i32
      %gather3A_2267 = arith.constant 0 : i32
      %gather3A_2268 = tpu.memref_slice %arg8[%gather3A_2265, %gather3A_2266, %gather3A_2267] : memref<4x112x8xf32, #tpu.memory_space<vmem>> -> memref<1x112x8xf32, #tpu.memory_space<vmem>>
      %gather3A_2269 = tpu.memref_squeeze %gather3A_2268 : memref<1x112x8xf32, #tpu.memory_space<vmem>> -> memref<112x8xf32, #tpu.memory_space<vmem>>
      %gather3A_2270 = tpu.vector_load_idx %gather3A_2269[%add3A_2264, %and3A_11] : memref<112x8xf32, #tpu.memory_space<vmem>>[vector<16xi32>, vector<16xi32>], vector<16xf32>,
      %add3A_2271 = arith.addf %add3A_2231, %gather3A_2270 : vector<16xf32>
      %add3A_2272 = arith.constant 86 : i32
      %add3A_2273 = vector.broadcast %add3A_2272 : i32 to vector<16xi32>
      %add3A_2274 = arith.addi %shift_right_logical3A_13, %add3A_2273 : vector<16xi32>
      %gather3A_2275 = arith.constant 2 : i32
      %gather3A_2276 = arith.constant 0 : i32
      %gather3A_2277 = arith.constant 0 : i32
      %gather3A_2278 = tpu.memref_slice %arg8[%gather3A_2275, %gather3A_2276, %gather3A_2277] : memref<4x112x8xf32, #tpu.memory_space<vmem>> -> memref<1x112x8xf32, #tpu.memory_space<vmem>>
      %gather3A_2279 = tpu.memref_squeeze %gather3A_2278 : memref<1x112x8xf32, #tpu.memory_space<vmem>> -> memref<112x8xf32, #tpu.memory_space<vmem>>
      %gather3A_2280 = tpu.vector_load_idx %gather3A_2279[%add3A_2274, %and3A_11] : memref<112x8xf32, #tpu.memory_space<vmem>>[vector<16xi32>, vector<16xi32>], vector<16xf32>,
      %add3A_2281 = arith.addf %add3A_2241, %gather3A_2280 : vector<16xf32>
      %add3A_2282 = arith.constant 88 : i32
      %add3A_2283 = vector.broadcast %add3A_2282 : i32 to vector<16xi32>
      %add3A_2284 = arith.addi %shift_right_logical3A_13, %add3A_2283 : vector<16xi32>
      %gather3A_2285 = arith.constant 2 : i32
      %gather3A_2286 = arith.constant 0 : i32
      %gather3A_2287 = arith.constant 0 : i32
      %gather3A_2288 = tpu.memref_slice %arg8[%gather3A_2285, %gather3A_2286, %gather3A_2287] : memref<4x112x8xf32, #tpu.memory_space<vmem>> -> memref<1x112x8xf32, #tpu.memory_space<vmem>>
      %gather3A_2289 = tpu.memref_squeeze %gather3A_2288 : memref<1x112x8xf32, #tpu.memory_space<vmem>> -> memref<112x8xf32, #tpu.memory_space<vmem>>
      %gather3A_2290 = tpu.vector_load_idx %gather3A_2289[%add3A_2284, %and3A_11] : memref<112x8xf32, #tpu.memory_space<vmem>>[vector<16xi32>, vector<16xi32>], vector<16xf32>,
      %add3A_2291 = arith.addf %add3A_2251, %gather3A_2290 : vector<16xf32>
      %add3A_2292 = arith.constant 90 : i32
      %add3A_2293 = vector.broadcast %add3A_2292 : i32 to vector<16xi32>
      %add3A_2294 = arith.addi %shift_right_logical3A_13, %add3A_2293 : vector<16xi32>
      %gather3A_2295 = arith.constant 2 : i32
      %gather3A_2296 = arith.constant 0 : i32
      %gather3A_2297 = arith.constant 0 : i32
      %gather3A_2298 = tpu.memref_slice %arg8[%gather3A_2295, %gather3A_2296, %gather3A_2297] : memref<4x112x8xf32, #tpu.memory_space<vmem>> -> memref<1x112x8xf32, #tpu.memory_space<vmem>>
      %gather3A_2299 = tpu.memref_squeeze %gather3A_2298 : memref<1x112x8xf32, #tpu.memory_space<vmem>> -> memref<112x8xf32, #tpu.memory_space<vmem>>
      %gather3A_2300 = tpu.vector_load_idx %gather3A_2299[%add3A_2294, %and3A_11] : memref<112x8xf32, #tpu.memory_space<vmem>>[vector<16xi32>, vector<16xi32>], vector<16xf32>,
      %add3A_2301 = arith.addf %add3A_2261, %gather3A_2300 : vector<16xf32>
      %add3A_2302 = arith.constant 92 : i32
      %add3A_2303 = vector.broadcast %add3A_2302 : i32 to vector<16xi32>
      %add3A_2304 = arith.addi %shift_right_logical3A_13, %add3A_2303 : vector<16xi32>
      %gather3A_2305 = arith.constant 2 : i32
      %gather3A_2306 = arith.constant 0 : i32
      %gather3A_2307 = arith.constant 0 : i32
      %gather3A_2308 = tpu.memref_slice %arg8[%gather3A_2305, %gather3A_2306, %gather3A_2307] : memref<4x112x8xf32, #tpu.memory_space<vmem>> -> memref<1x112x8xf32, #tpu.memory_space<vmem>>
      %gather3A_2309 = tpu.memref_squeeze %gather3A_2308 : memref<1x112x8xf32, #tpu.memory_space<vmem>> -> memref<112x8xf32, #tpu.memory_space<vmem>>
      %gather3A_2310 = tpu.vector_load_idx %gather3A_2309[%add3A_2304, %and3A_11] : memref<112x8xf32, #tpu.memory_space<vmem>>[vector<16xi32>, vector<16xi32>], vector<16xf32>,
      %add3A_2311 = arith.addf %add3A_2271, %gather3A_2310 : vector<16xf32>
      %add3A_2312 = arith.constant 94 : i32
      %add3A_2313 = vector.broadcast %add3A_2312 : i32 to vector<16xi32>
      %add3A_2314 = arith.addi %shift_right_logical3A_13, %add3A_2313 : vector<16xi32>
      %gather3A_2315 = arith.constant 2 : i32
      %gather3A_2316 = arith.constant 0 : i32
      %gather3A_2317 = arith.constant 0 : i32
      %gather3A_2318 = tpu.memref_slice %arg8[%gather3A_2315, %gather3A_2316, %gather3A_2317] : memref<4x112x8xf32, #tpu.memory_space<vmem>> -> memref<1x112x8xf32, #tpu.memory_space<vmem>>
      %gather3A_2319 = tpu.memref_squeeze %gather3A_2318 : memref<1x112x8xf32, #tpu.memory_space<vmem>> -> memref<112x8xf32, #tpu.memory_space<vmem>>
      %gather3A_2320 = tpu.vector_load_idx %gather3A_2319[%add3A_2314, %and3A_11] : memref<112x8xf32, #tpu.memory_space<vmem>>[vector<16xi32>, vector<16xi32>], vector<16xf32>,
      %add3A_2321 = arith.addf %add3A_2281, %gather3A_2320 : vector<16xf32>
      %add3A_2322 = arith.constant 96 : i32
      %add3A_2323 = vector.broadcast %add3A_2322 : i32 to vector<16xi32>
      %add3A_2324 = arith.addi %shift_right_logical3A_13, %add3A_2323 : vector<16xi32>
      %gather3A_2325 = arith.constant 2 : i32
      %gather3A_2326 = arith.constant 0 : i32
      %gather3A_2327 = arith.constant 0 : i32
      %gather3A_2328 = tpu.memref_slice %arg8[%gather3A_2325, %gather3A_2326, %gather3A_2327] : memref<4x112x8xf32, #tpu.memory_space<vmem>> -> memref<1x112x8xf32, #tpu.memory_space<vmem>>
      %gather3A_2329 = tpu.memref_squeeze %gather3A_2328 : memref<1x112x8xf32, #tpu.memory_space<vmem>> -> memref<112x8xf32, #tpu.memory_space<vmem>>
      %gather3A_2330 = tpu.vector_load_idx %gather3A_2329[%add3A_2324, %and3A_11] : memref<112x8xf32, #tpu.memory_space<vmem>>[vector<16xi32>, vector<16xi32>], vector<16xf32>,
      %add3A_2331 = arith.addf %add3A_2291, %gather3A_2330 : vector<16xf32>
      %add3A_2332 = arith.constant 98 : i32
      %add3A_2333 = vector.broadcast %add3A_2332 : i32 to vector<16xi32>
      %add3A_2334 = arith.addi %shift_right_logical3A_13, %add3A_2333 : vector<16xi32>
      %gather3A_2335 = arith.constant 2 : i32
      %gather3A_2336 = arith.constant 0 : i32
      %gather3A_2337 = arith.constant 0 : i32
      %gather3A_2338 = tpu.memref_slice %arg8[%gather3A_2335, %gather3A_2336, %gather3A_2337] : memref<4x112x8xf32, #tpu.memory_space<vmem>> -> memref<1x112x8xf32, #tpu.memory_space<vmem>>
      %gather3A_2339 = tpu.memref_squeeze %gather3A_2338 : memref<1x112x8xf32, #tpu.memory_space<vmem>> -> memref<112x8xf32, #tpu.memory_space<vmem>>
      %gather3A_2340 = tpu.vector_load_idx %gather3A_2339[%add3A_2334, %and3A_11] : memref<112x8xf32, #tpu.memory_space<vmem>>[vector<16xi32>, vector<16xi32>], vector<16xf32>,
      %add3A_2341 = arith.addf %add3A_2301, %gather3A_2340 : vector<16xf32>
      %add3A_2342 = arith.constant 100 : i32
      %add3A_2343 = vector.broadcast %add3A_2342 : i32 to vector<16xi32>
      %add3A_2344 = arith.addi %shift_right_logical3A_13, %add3A_2343 : vector<16xi32>
      %gather3A_2345 = arith.constant 2 : i32
      %gather3A_2346 = arith.constant 0 : i32
      %gather3A_2347 = arith.constant 0 : i32
      %gather3A_2348 = tpu.memref_slice %arg8[%gather3A_2345, %gather3A_2346, %gather3A_2347] : memref<4x112x8xf32, #tpu.memory_space<vmem>> -> memref<1x112x8xf32, #tpu.memory_space<vmem>>
      %gather3A_2349 = tpu.memref_squeeze %gather3A_2348 : memref<1x112x8xf32, #tpu.memory_space<vmem>> -> memref<112x8xf32, #tpu.memory_space<vmem>>
      %gather3A_2350 = tpu.vector_load_idx %gather3A_2349[%add3A_2344, %and3A_11] : memref<112x8xf32, #tpu.memory_space<vmem>>[vector<16xi32>, vector<16xi32>], vector<16xf32>,
      %add3A_2351 = arith.addf %add3A_2311, %gather3A_2350 : vector<16xf32>
      %add3A_2352 = arith.constant 102 : i32
      %add3A_2353 = vector.broadcast %add3A_2352 : i32 to vector<16xi32>
      %add3A_2354 = arith.addi %shift_right_logical3A_13, %add3A_2353 : vector<16xi32>
      %gather3A_2355 = arith.constant 2 : i32
      %gather3A_2356 = arith.constant 0 : i32
      %gather3A_2357 = arith.constant 0 : i32
      %gather3A_2358 = tpu.memref_slice %arg8[%gather3A_2355, %gather3A_2356, %gather3A_2357] : memref<4x112x8xf32, #tpu.memory_space<vmem>> -> memref<1x112x8xf32, #tpu.memory_space<vmem>>
      %gather3A_2359 = tpu.memref_squeeze %gather3A_2358 : memref<1x112x8xf32, #tpu.memory_space<vmem>> -> memref<112x8xf32, #tpu.memory_space<vmem>>
      %gather3A_2360 = tpu.vector_load_idx %gather3A_2359[%add3A_2354, %and3A_11] : memref<112x8xf32, #tpu.memory_space<vmem>>[vector<16xi32>, vector<16xi32>], vector<16xf32>,
      %add3A_2361 = arith.addf %add3A_2321, %gather3A_2360 : vector<16xf32>
      %add3A_2362 = arith.constant 104 : i32
      %add3A_2363 = vector.broadcast %add3A_2362 : i32 to vector<16xi32>
      %add3A_2364 = arith.addi %shift_right_logical3A_13, %add3A_2363 : vector<16xi32>
      %gather3A_2365 = arith.constant 2 : i32
      %gather3A_2366 = arith.constant 0 : i32
      %gather3A_2367 = arith.constant 0 : i32
      %gather3A_2368 = tpu.memref_slice %arg8[%gather3A_2365, %gather3A_2366, %gather3A_2367] : memref<4x112x8xf32, #tpu.memory_space<vmem>> -> memref<1x112x8xf32, #tpu.memory_space<vmem>>
      %gather3A_2369 = tpu.memref_squeeze %gather3A_2368 : memref<1x112x8xf32, #tpu.memory_space<vmem>> -> memref<112x8xf32, #tpu.memory_space<vmem>>
      %gather3A_2370 = tpu.vector_load_idx %gather3A_2369[%add3A_2364, %and3A_11] : memref<112x8xf32, #tpu.memory_space<vmem>>[vector<16xi32>, vector<16xi32>], vector<16xf32>,
      %add3A_2371 = arith.addf %add3A_2331, %gather3A_2370 : vector<16xf32>
      %add3A_2372 = arith.constant 106 : i32
      %add3A_2373 = vector.broadcast %add3A_2372 : i32 to vector<16xi32>
      %add3A_2374 = arith.addi %shift_right_logical3A_13, %add3A_2373 : vector<16xi32>
      %gather3A_2375 = arith.constant 2 : i32
      %gather3A_2376 = arith.constant 0 : i32
      %gather3A_2377 = arith.constant 0 : i32
      %gather3A_2378 = tpu.memref_slice %arg8[%gather3A_2375, %gather3A_2376, %gather3A_2377] : memref<4x112x8xf32, #tpu.memory_space<vmem>> -> memref<1x112x8xf32, #tpu.memory_space<vmem>>
      %gather3A_2379 = tpu.memref_squeeze %gather3A_2378 : memref<1x112x8xf32, #tpu.memory_space<vmem>> -> memref<112x8xf32, #tpu.memory_space<vmem>>
      %gather3A_2380 = tpu.vector_load_idx %gather3A_2379[%add3A_2374, %and3A_11] : memref<112x8xf32, #tpu.memory_space<vmem>>[vector<16xi32>, vector<16xi32>], vector<16xf32>,
      %add3A_2381 = arith.addf %add3A_2341, %gather3A_2380 : vector<16xf32>
      %add3A_2382 = arith.constant 108 : i32
      %add3A_2383 = vector.broadcast %add3A_2382 : i32 to vector<16xi32>
      %add3A_2384 = arith.addi %shift_right_logical3A_13, %add3A_2383 : vector<16xi32>
      %gather3A_2385 = arith.constant 2 : i32
      %gather3A_2386 = arith.constant 0 : i32
      %gather3A_2387 = arith.constant 0 : i32
      %gather3A_2388 = tpu.memref_slice %arg8[%gather3A_2385, %gather3A_2386, %gather3A_2387] : memref<4x112x8xf32, #tpu.memory_space<vmem>> -> memref<1x112x8xf32, #tpu.memory_space<vmem>>
      %gather3A_2389 = tpu.memref_squeeze %gather3A_2388 : memref<1x112x8xf32, #tpu.memory_space<vmem>> -> memref<112x8xf32, #tpu.memory_space<vmem>>
      %gather3A_2390 = tpu.vector_load_idx %gather3A_2389[%add3A_2384, %and3A_11] : memref<112x8xf32, #tpu.memory_space<vmem>>[vector<16xi32>, vector<16xi32>], vector<16xf32>,
      %add3A_2391 = arith.addf %add3A_2351, %gather3A_2390 : vector<16xf32>
      %add3A_2392 = arith.constant 110 : i32
      %add3A_2393 = vector.broadcast %add3A_2392 : i32 to vector<16xi32>
      %add3A_2394 = arith.addi %shift_right_logical3A_13, %add3A_2393 : vector<16xi32>
      %gather3A_2395 = arith.constant 2 : i32
      %gather3A_2396 = arith.constant 0 : i32
      %gather3A_2397 = arith.constant 0 : i32
      %gather3A_2398 = tpu.memref_slice %arg8[%gather3A_2395, %gather3A_2396, %gather3A_2397] : memref<4x112x8xf32, #tpu.memory_space<vmem>> -> memref<1x112x8xf32, #tpu.memory_space<vmem>>
      %gather3A_2399 = tpu.memref_squeeze %gather3A_2398 : memref<1x112x8xf32, #tpu.memory_space<vmem>> -> memref<112x8xf32, #tpu.memory_space<vmem>>
      %gather3A_2400 = tpu.vector_load_idx %gather3A_2399[%add3A_2394, %and3A_11] : memref<112x8xf32, #tpu.memory_space<vmem>>[vector<16xi32>, vector<16xi32>], vector<16xf32>,
      %add3A_2401 = arith.addf %add3A_2361, %gather3A_2400 : vector<16xf32>
      %add3A_2402 = arith.constant 0 : i32
      %add3A_2403 = vector.broadcast %add3A_2402 : i32 to vector<16xi32>
      %add3A_2404 = arith.addi %shift_right_logical3A_13, %add3A_2403 : vector<16xi32>
      %gather3A_2405 = arith.constant 3 : i32
      %gather3A_2406 = arith.constant 0 : i32
      %gather3A_2407 = arith.constant 0 : i32
      %gather3A_2408 = tpu.memref_slice %arg8[%gather3A_2405, %gather3A_2406, %gather3A_2407] : memref<4x112x8xf32, #tpu.memory_space<vmem>> -> memref<1x112x8xf32, #tpu.memory_space<vmem>>
      %gather3A_2409 = tpu.memref_squeeze %gather3A_2408 : memref<1x112x8xf32, #tpu.memory_space<vmem>> -> memref<112x8xf32, #tpu.memory_space<vmem>>
      %gather3A_2410 = tpu.vector_load_idx %gather3A_2409[%add3A_2404, %and3A_11] : memref<112x8xf32, #tpu.memory_space<vmem>>[vector<16xi32>, vector<16xi32>], vector<16xf32>,
      %add3A_2411 = arith.addf %add3A_2371, %gather3A_2410 : vector<16xf32>
      %add3A_2412 = arith.constant 2 : i32
      %add3A_2413 = vector.broadcast %add3A_2412 : i32 to vector<16xi32>
      %add3A_2414 = arith.addi %shift_right_logical3A_13, %add3A_2413 : vector<16xi32>
      %gather3A_2415 = arith.constant 3 : i32
      %gather3A_2416 = arith.constant 0 : i32
      %gather3A_2417 = arith.constant 0 : i32
      %gather3A_2418 = tpu.memref_slice %arg8[%gather3A_2415, %gather3A_2416, %gather3A_2417] : memref<4x112x8xf32, #tpu.memory_space<vmem>> -> memref<1x112x8xf32, #tpu.memory_space<vmem>>
      %gather3A_2419 = tpu.memref_squeeze %gather3A_2418 : memref<1x112x8xf32, #tpu.memory_space<vmem>> -> memref<112x8xf32, #tpu.memory_space<vmem>>
      %gather3A_2420 = tpu.vector_load_idx %gather3A_2419[%add3A_2414, %and3A_11] : memref<112x8xf32, #tpu.memory_space<vmem>>[vector<16xi32>, vector<16xi32>], vector<16xf32>,
      %add3A_2421 = arith.addf %add3A_2381, %gather3A_2420 : vector<16xf32>
      %add3A_2422 = arith.constant 4 : i32
      %add3A_2423 = vector.broadcast %add3A_2422 : i32 to vector<16xi32>
      %add3A_2424 = arith.addi %shift_right_logical3A_13, %add3A_2423 : vector<16xi32>
      %gather3A_2425 = arith.constant 3 : i32
      %gather3A_2426 = arith.constant 0 : i32
      %gather3A_2427 = arith.constant 0 : i32
      %gather3A_2428 = tpu.memref_slice %arg8[%gather3A_2425, %gather3A_2426, %gather3A_2427] : memref<4x112x8xf32, #tpu.memory_space<vmem>> -> memref<1x112x8xf32, #tpu.memory_space<vmem>>
      %gather3A_2429 = tpu.memref_squeeze %gather3A_2428 : memref<1x112x8xf32, #tpu.memory_space<vmem>> -> memref<112x8xf32, #tpu.memory_space<vmem>>
      %gather3A_2430 = tpu.vector_load_idx %gather3A_2429[%add3A_2424, %and3A_11] : memref<112x8xf32, #tpu.memory_space<vmem>>[vector<16xi32>, vector<16xi32>], vector<16xf32>,
      %add3A_2431 = arith.addf %add3A_2391, %gather3A_2430 : vector<16xf32>
      %add3A_2432 = arith.constant 6 : i32
      %add3A_2433 = vector.broadcast %add3A_2432 : i32 to vector<16xi32>
      %add3A_2434 = arith.addi %shift_right_logical3A_13, %add3A_2433 : vector<16xi32>
      %gather3A_2435 = arith.constant 3 : i32
      %gather3A_2436 = arith.constant 0 : i32
      %gather3A_2437 = arith.constant 0 : i32
      %gather3A_2438 = tpu.memref_slice %arg8[%gather3A_2435, %gather3A_2436, %gather3A_2437] : memref<4x112x8xf32, #tpu.memory_space<vmem>> -> memref<1x112x8xf32, #tpu.memory_space<vmem>>
      %gather3A_2439 = tpu.memref_squeeze %gather3A_2438 : memref<1x112x8xf32, #tpu.memory_space<vmem>> -> memref<112x8xf32, #tpu.memory_space<vmem>>
      %gather3A_2440 = tpu.vector_load_idx %gather3A_2439[%add3A_2434, %and3A_11] : memref<112x8xf32, #tpu.memory_space<vmem>>[vector<16xi32>, vector<16xi32>], vector<16xf32>,
      %add3A_2441 = arith.addf %add3A_2401, %gather3A_2440 : vector<16xf32>
      %add3A_2442 = arith.constant 8 : i32
      %add3A_2443 = vector.broadcast %add3A_2442 : i32 to vector<16xi32>
      %add3A_2444 = arith.addi %shift_right_logical3A_13, %add3A_2443 : vector<16xi32>
      %gather3A_2445 = arith.constant 3 : i32
      %gather3A_2446 = arith.constant 0 : i32
      %gather3A_2447 = arith.constant 0 : i32
      %gather3A_2448 = tpu.memref_slice %arg8[%gather3A_2445, %gather3A_2446, %gather3A_2447] : memref<4x112x8xf32, #tpu.memory_space<vmem>> -> memref<1x112x8xf32, #tpu.memory_space<vmem>>
      %gather3A_2449 = tpu.memref_squeeze %gather3A_2448 : memref<1x112x8xf32, #tpu.memory_space<vmem>> -> memref<112x8xf32, #tpu.memory_space<vmem>>
      %gather3A_2450 = tpu.vector_load_idx %gather3A_2449[%add3A_2444, %and3A_11] : memref<112x8xf32, #tpu.memory_space<vmem>>[vector<16xi32>, vector<16xi32>], vector<16xf32>,
      %add3A_2451 = arith.addf %add3A_2411, %gather3A_2450 : vector<16xf32>
      %add3A_2452 = arith.constant 10 : i32
      %add3A_2453 = vector.broadcast %add3A_2452 : i32 to vector<16xi32>
      %add3A_2454 = arith.addi %shift_right_logical3A_13, %add3A_2453 : vector<16xi32>
      %gather3A_2455 = arith.constant 3 : i32
      %gather3A_2456 = arith.constant 0 : i32
      %gather3A_2457 = arith.constant 0 : i32
      %gather3A_2458 = tpu.memref_slice %arg8[%gather3A_2455, %gather3A_2456, %gather3A_2457] : memref<4x112x8xf32, #tpu.memory_space<vmem>> -> memref<1x112x8xf32, #tpu.memory_space<vmem>>
      %gather3A_2459 = tpu.memref_squeeze %gather3A_2458 : memref<1x112x8xf32, #tpu.memory_space<vmem>> -> memref<112x8xf32, #tpu.memory_space<vmem>>
      %gather3A_2460 = tpu.vector_load_idx %gather3A_2459[%add3A_2454, %and3A_11] : memref<112x8xf32, #tpu.memory_space<vmem>>[vector<16xi32>, vector<16xi32>], vector<16xf32>,
      %add3A_2461 = arith.addf %add3A_2421, %gather3A_2460 : vector<16xf32>
      %add3A_2462 = arith.constant 12 : i32
      %add3A_2463 = vector.broadcast %add3A_2462 : i32 to vector<16xi32>
      %add3A_2464 = arith.addi %shift_right_logical3A_13, %add3A_2463 : vector<16xi32>
      %gather3A_2465 = arith.constant 3 : i32
      %gather3A_2466 = arith.constant 0 : i32
      %gather3A_2467 = arith.constant 0 : i32
      %gather3A_2468 = tpu.memref_slice %arg8[%gather3A_2465, %gather3A_2466, %gather3A_2467] : memref<4x112x8xf32, #tpu.memory_space<vmem>> -> memref<1x112x8xf32, #tpu.memory_space<vmem>>
      %gather3A_2469 = tpu.memref_squeeze %gather3A_2468 : memref<1x112x8xf32, #tpu.memory_space<vmem>> -> memref<112x8xf32, #tpu.memory_space<vmem>>
      %gather3A_2470 = tpu.vector_load_idx %gather3A_2469[%add3A_2464, %and3A_11] : memref<112x8xf32, #tpu.memory_space<vmem>>[vector<16xi32>, vector<16xi32>], vector<16xf32>,
      %add3A_2471 = arith.addf %add3A_2431, %gather3A_2470 : vector<16xf32>
      %add3A_2472 = arith.constant 14 : i32
      %add3A_2473 = vector.broadcast %add3A_2472 : i32 to vector<16xi32>
      %add3A_2474 = arith.addi %shift_right_logical3A_13, %add3A_2473 : vector<16xi32>
      %gather3A_2475 = arith.constant 3 : i32
      %gather3A_2476 = arith.constant 0 : i32
      %gather3A_2477 = arith.constant 0 : i32
      %gather3A_2478 = tpu.memref_slice %arg8[%gather3A_2475, %gather3A_2476, %gather3A_2477] : memref<4x112x8xf32, #tpu.memory_space<vmem>> -> memref<1x112x8xf32, #tpu.memory_space<vmem>>
      %gather3A_2479 = tpu.memref_squeeze %gather3A_2478 : memref<1x112x8xf32, #tpu.memory_space<vmem>> -> memref<112x8xf32, #tpu.memory_space<vmem>>
      %gather3A_2480 = tpu.vector_load_idx %gather3A_2479[%add3A_2474, %and3A_11] : memref<112x8xf32, #tpu.memory_space<vmem>>[vector<16xi32>, vector<16xi32>], vector<16xf32>,
      %add3A_2481 = arith.addf %add3A_2441, %gather3A_2480 : vector<16xf32>
      %add3A_2482 = arith.constant 16 : i32
      %add3A_2483 = vector.broadcast %add3A_2482 : i32 to vector<16xi32>
      %add3A_2484 = arith.addi %shift_right_logical3A_13, %add3A_2483 : vector<16xi32>
      %gather3A_2485 = arith.constant 3 : i32
      %gather3A_2486 = arith.constant 0 : i32
      %gather3A_2487 = arith.constant 0 : i32
      %gather3A_2488 = tpu.memref_slice %arg8[%gather3A_2485, %gather3A_2486, %gather3A_2487] : memref<4x112x8xf32, #tpu.memory_space<vmem>> -> memref<1x112x8xf32, #tpu.memory_space<vmem>>
      %gather3A_2489 = tpu.memref_squeeze %gather3A_2488 : memref<1x112x8xf32, #tpu.memory_space<vmem>> -> memref<112x8xf32, #tpu.memory_space<vmem>>
      %gather3A_2490 = tpu.vector_load_idx %gather3A_2489[%add3A_2484, %and3A_11] : memref<112x8xf32, #tpu.memory_space<vmem>>[vector<16xi32>, vector<16xi32>], vector<16xf32>,
      %add3A_2491 = arith.addf %add3A_2451, %gather3A_2490 : vector<16xf32>
      %add3A_2492 = arith.constant 18 : i32
      %add3A_2493 = vector.broadcast %add3A_2492 : i32 to vector<16xi32>
      %add3A_2494 = arith.addi %shift_right_logical3A_13, %add3A_2493 : vector<16xi32>
      %gather3A_2495 = arith.constant 3 : i32
      %gather3A_2496 = arith.constant 0 : i32
      %gather3A_2497 = arith.constant 0 : i32
      %gather3A_2498 = tpu.memref_slice %arg8[%gather3A_2495, %gather3A_2496, %gather3A_2497] : memref<4x112x8xf32, #tpu.memory_space<vmem>> -> memref<1x112x8xf32, #tpu.memory_space<vmem>>
      %gather3A_2499 = tpu.memref_squeeze %gather3A_2498 : memref<1x112x8xf32, #tpu.memory_space<vmem>> -> memref<112x8xf32, #tpu.memory_space<vmem>>
      %gather3A_2500 = tpu.vector_load_idx %gather3A_2499[%add3A_2494, %and3A_11] : memref<112x8xf32, #tpu.memory_space<vmem>>[vector<16xi32>, vector<16xi32>], vector<16xf32>,
      %add3A_2501 = arith.addf %add3A_2461, %gather3A_2500 : vector<16xf32>
      %add3A_2502 = arith.constant 20 : i32
      %add3A_2503 = vector.broadcast %add3A_2502 : i32 to vector<16xi32>
      %add3A_2504 = arith.addi %shift_right_logical3A_13, %add3A_2503 : vector<16xi32>
      %gather3A_2505 = arith.constant 3 : i32
      %gather3A_2506 = arith.constant 0 : i32
      %gather3A_2507 = arith.constant 0 : i32
      %gather3A_2508 = tpu.memref_slice %arg8[%gather3A_2505, %gather3A_2506, %gather3A_2507] : memref<4x112x8xf32, #tpu.memory_space<vmem>> -> memref<1x112x8xf32, #tpu.memory_space<vmem>>
      %gather3A_2509 = tpu.memref_squeeze %gather3A_2508 : memref<1x112x8xf32, #tpu.memory_space<vmem>> -> memref<112x8xf32, #tpu.memory_space<vmem>>
      %gather3A_2510 = tpu.vector_load_idx %gather3A_2509[%add3A_2504, %and3A_11] : memref<112x8xf32, #tpu.memory_space<vmem>>[vector<16xi32>, vector<16xi32>], vector<16xf32>,
      %add3A_2511 = arith.addf %add3A_2471, %gather3A_2510 : vector<16xf32>
      %add3A_2512 = arith.constant 22 : i32
      %add3A_2513 = vector.broadcast %add3A_2512 : i32 to vector<16xi32>
      %add3A_2514 = arith.addi %shift_right_logical3A_13, %add3A_2513 : vector<16xi32>
      %gather3A_2515 = arith.constant 3 : i32
      %gather3A_2516 = arith.constant 0 : i32
      %gather3A_2517 = arith.constant 0 : i32
      %gather3A_2518 = tpu.memref_slice %arg8[%gather3A_2515, %gather3A_2516, %gather3A_2517] : memref<4x112x8xf32, #tpu.memory_space<vmem>> -> memref<1x112x8xf32, #tpu.memory_space<vmem>>
      %gather3A_2519 = tpu.memref_squeeze %gather3A_2518 : memref<1x112x8xf32, #tpu.memory_space<vmem>> -> memref<112x8xf32, #tpu.memory_space<vmem>>
      %gather3A_2520 = tpu.vector_load_idx %gather3A_2519[%add3A_2514, %and3A_11] : memref<112x8xf32, #tpu.memory_space<vmem>>[vector<16xi32>, vector<16xi32>], vector<16xf32>,
      %add3A_2521 = arith.addf %add3A_2481, %gather3A_2520 : vector<16xf32>
      %add3A_2522 = arith.constant 24 : i32
      %add3A_2523 = vector.broadcast %add3A_2522 : i32 to vector<16xi32>
      %add3A_2524 = arith.addi %shift_right_logical3A_13, %add3A_2523 : vector<16xi32>
      %gather3A_2525 = arith.constant 3 : i32
      %gather3A_2526 = arith.constant 0 : i32
      %gather3A_2527 = arith.constant 0 : i32
      %gather3A_2528 = tpu.memref_slice %arg8[%gather3A_2525, %gather3A_2526, %gather3A_2527] : memref<4x112x8xf32, #tpu.memory_space<vmem>> -> memref<1x112x8xf32, #tpu.memory_space<vmem>>
      %gather3A_2529 = tpu.memref_squeeze %gather3A_2528 : memref<1x112x8xf32, #tpu.memory_space<vmem>> -> memref<112x8xf32, #tpu.memory_space<vmem>>
      %gather3A_2530 = tpu.vector_load_idx %gather3A_2529[%add3A_2524, %and3A_11] : memref<112x8xf32, #tpu.memory_space<vmem>>[vector<16xi32>, vector<16xi32>], vector<16xf32>,
      %add3A_2531 = arith.addf %add3A_2491, %gather3A_2530 : vector<16xf32>
      %add3A_2532 = arith.constant 26 : i32
      %add3A_2533 = vector.broadcast %add3A_2532 : i32 to vector<16xi32>
      %add3A_2534 = arith.addi %shift_right_logical3A_13, %add3A_2533 : vector<16xi32>
      %gather3A_2535 = arith.constant 3 : i32
      %gather3A_2536 = arith.constant 0 : i32
      %gather3A_2537 = arith.constant 0 : i32
      %gather3A_2538 = tpu.memref_slice %arg8[%gather3A_2535, %gather3A_2536, %gather3A_2537] : memref<4x112x8xf32, #tpu.memory_space<vmem>> -> memref<1x112x8xf32, #tpu.memory_space<vmem>>
      %gather3A_2539 = tpu.memref_squeeze %gather3A_2538 : memref<1x112x8xf32, #tpu.memory_space<vmem>> -> memref<112x8xf32, #tpu.memory_space<vmem>>
      %gather3A_2540 = tpu.vector_load_idx %gather3A_2539[%add3A_2534, %and3A_11] : memref<112x8xf32, #tpu.memory_space<vmem>>[vector<16xi32>, vector<16xi32>], vector<16xf32>,
      %add3A_2541 = arith.addf %add3A_2501, %gather3A_2540 : vector<16xf32>
      %add3A_2542 = arith.constant 28 : i32
      %add3A_2543 = vector.broadcast %add3A_2542 : i32 to vector<16xi32>
      %add3A_2544 = arith.addi %shift_right_logical3A_13, %add3A_2543 : vector<16xi32>
      %gather3A_2545 = arith.constant 3 : i32
      %gather3A_2546 = arith.constant 0 : i32
      %gather3A_2547 = arith.constant 0 : i32
      %gather3A_2548 = tpu.memref_slice %arg8[%gather3A_2545, %gather3A_2546, %gather3A_2547] : memref<4x112x8xf32, #tpu.memory_space<vmem>> -> memref<1x112x8xf32, #tpu.memory_space<vmem>>
      %gather3A_2549 = tpu.memref_squeeze %gather3A_2548 : memref<1x112x8xf32, #tpu.memory_space<vmem>> -> memref<112x8xf32, #tpu.memory_space<vmem>>
      %gather3A_2550 = tpu.vector_load_idx %gather3A_2549[%add3A_2544, %and3A_11] : memref<112x8xf32, #tpu.memory_space<vmem>>[vector<16xi32>, vector<16xi32>], vector<16xf32>,
      %add3A_2551 = arith.addf %add3A_2511, %gather3A_2550 : vector<16xf32>
      %add3A_2552 = arith.constant 30 : i32
      %add3A_2553 = vector.broadcast %add3A_2552 : i32 to vector<16xi32>
      %add3A_2554 = arith.addi %shift_right_logical3A_13, %add3A_2553 : vector<16xi32>
      %gather3A_2555 = arith.constant 3 : i32
      %gather3A_2556 = arith.constant 0 : i32
      %gather3A_2557 = arith.constant 0 : i32
      %gather3A_2558 = tpu.memref_slice %arg8[%gather3A_2555, %gather3A_2556, %gather3A_2557] : memref<4x112x8xf32, #tpu.memory_space<vmem>> -> memref<1x112x8xf32, #tpu.memory_space<vmem>>
      %gather3A_2559 = tpu.memref_squeeze %gather3A_2558 : memref<1x112x8xf32, #tpu.memory_space<vmem>> -> memref<112x8xf32, #tpu.memory_space<vmem>>
      %gather3A_2560 = tpu.vector_load_idx %gather3A_2559[%add3A_2554, %and3A_11] : memref<112x8xf32, #tpu.memory_space<vmem>>[vector<16xi32>, vector<16xi32>], vector<16xf32>,
      %add3A_2561 = arith.addf %add3A_2521, %gather3A_2560 : vector<16xf32>
      %add3A_2562 = arith.constant 32 : i32
      %add3A_2563 = vector.broadcast %add3A_2562 : i32 to vector<16xi32>
      %add3A_2564 = arith.addi %shift_right_logical3A_13, %add3A_2563 : vector<16xi32>
      %gather3A_2565 = arith.constant 3 : i32
      %gather3A_2566 = arith.constant 0 : i32
      %gather3A_2567 = arith.constant 0 : i32
      %gather3A_2568 = tpu.memref_slice %arg8[%gather3A_2565, %gather3A_2566, %gather3A_2567] : memref<4x112x8xf32, #tpu.memory_space<vmem>> -> memref<1x112x8xf32, #tpu.memory_space<vmem>>
      %gather3A_2569 = tpu.memref_squeeze %gather3A_2568 : memref<1x112x8xf32, #tpu.memory_space<vmem>> -> memref<112x8xf32, #tpu.memory_space<vmem>>
      %gather3A_2570 = tpu.vector_load_idx %gather3A_2569[%add3A_2564, %and3A_11] : memref<112x8xf32, #tpu.memory_space<vmem>>[vector<16xi32>, vector<16xi32>], vector<16xf32>,
      %add3A_2571 = arith.addf %add3A_2531, %gather3A_2570 : vector<16xf32>
      %add3A_2572 = arith.constant 34 : i32
      %add3A_2573 = vector.broadcast %add3A_2572 : i32 to vector<16xi32>
      %add3A_2574 = arith.addi %shift_right_logical3A_13, %add3A_2573 : vector<16xi32>
      %gather3A_2575 = arith.constant 3 : i32
      %gather3A_2576 = arith.constant 0 : i32
      %gather3A_2577 = arith.constant 0 : i32
      %gather3A_2578 = tpu.memref_slice %arg8[%gather3A_2575, %gather3A_2576, %gather3A_2577] : memref<4x112x8xf32, #tpu.memory_space<vmem>> -> memref<1x112x8xf32, #tpu.memory_space<vmem>>
      %gather3A_2579 = tpu.memref_squeeze %gather3A_2578 : memref<1x112x8xf32, #tpu.memory_space<vmem>> -> memref<112x8xf32, #tpu.memory_space<vmem>>
      %gather3A_2580 = tpu.vector_load_idx %gather3A_2579[%add3A_2574, %and3A_11] : memref<112x8xf32, #tpu.memory_space<vmem>>[vector<16xi32>, vector<16xi32>], vector<16xf32>,
      %add3A_2581 = arith.addf %add3A_2541, %gather3A_2580 : vector<16xf32>
      %add3A_2582 = arith.constant 36 : i32
      %add3A_2583 = vector.broadcast %add3A_2582 : i32 to vector<16xi32>
      %add3A_2584 = arith.addi %shift_right_logical3A_13, %add3A_2583 : vector<16xi32>
      %gather3A_2585 = arith.constant 3 : i32
      %gather3A_2586 = arith.constant 0 : i32
      %gather3A_2587 = arith.constant 0 : i32
      %gather3A_2588 = tpu.memref_slice %arg8[%gather3A_2585, %gather3A_2586, %gather3A_2587] : memref<4x112x8xf32, #tpu.memory_space<vmem>> -> memref<1x112x8xf32, #tpu.memory_space<vmem>>
      %gather3A_2589 = tpu.memref_squeeze %gather3A_2588 : memref<1x112x8xf32, #tpu.memory_space<vmem>> -> memref<112x8xf32, #tpu.memory_space<vmem>>
      %gather3A_2590 = tpu.vector_load_idx %gather3A_2589[%add3A_2584, %and3A_11] : memref<112x8xf32, #tpu.memory_space<vmem>>[vector<16xi32>, vector<16xi32>], vector<16xf32>,
      %add3A_2591 = arith.addf %add3A_2551, %gather3A_2590 : vector<16xf32>
      %add3A_2592 = arith.constant 38 : i32
      %add3A_2593 = vector.broadcast %add3A_2592 : i32 to vector<16xi32>
      %add3A_2594 = arith.addi %shift_right_logical3A_13, %add3A_2593 : vector<16xi32>
      %gather3A_2595 = arith.constant 3 : i32
      %gather3A_2596 = arith.constant 0 : i32
      %gather3A_2597 = arith.constant 0 : i32
      %gather3A_2598 = tpu.memref_slice %arg8[%gather3A_2595, %gather3A_2596, %gather3A_2597] : memref<4x112x8xf32, #tpu.memory_space<vmem>> -> memref<1x112x8xf32, #tpu.memory_space<vmem>>
      %gather3A_2599 = tpu.memref_squeeze %gather3A_2598 : memref<1x112x8xf32, #tpu.memory_space<vmem>> -> memref<112x8xf32, #tpu.memory_space<vmem>>
      %gather3A_2600 = tpu.vector_load_idx %gather3A_2599[%add3A_2594, %and3A_11] : memref<112x8xf32, #tpu.memory_space<vmem>>[vector<16xi32>, vector<16xi32>], vector<16xf32>,
      %add3A_2601 = arith.addf %add3A_2561, %gather3A_2600 : vector<16xf32>
      %add3A_2602 = arith.constant 40 : i32
      %add3A_2603 = vector.broadcast %add3A_2602 : i32 to vector<16xi32>
      %add3A_2604 = arith.addi %shift_right_logical3A_13, %add3A_2603 : vector<16xi32>
      %gather3A_2605 = arith.constant 3 : i32
      %gather3A_2606 = arith.constant 0 : i32
      %gather3A_2607 = arith.constant 0 : i32
      %gather3A_2608 = tpu.memref_slice %arg8[%gather3A_2605, %gather3A_2606, %gather3A_2607] : memref<4x112x8xf32, #tpu.memory_space<vmem>> -> memref<1x112x8xf32, #tpu.memory_space<vmem>>
      %gather3A_2609 = tpu.memref_squeeze %gather3A_2608 : memref<1x112x8xf32, #tpu.memory_space<vmem>> -> memref<112x8xf32, #tpu.memory_space<vmem>>
      %gather3A_2610 = tpu.vector_load_idx %gather3A_2609[%add3A_2604, %and3A_11] : memref<112x8xf32, #tpu.memory_space<vmem>>[vector<16xi32>, vector<16xi32>], vector<16xf32>,
      %add3A_2611 = arith.addf %add3A_2571, %gather3A_2610 : vector<16xf32>
      %add3A_2612 = arith.constant 42 : i32
      %add3A_2613 = vector.broadcast %add3A_2612 : i32 to vector<16xi32>
      %add3A_2614 = arith.addi %shift_right_logical3A_13, %add3A_2613 : vector<16xi32>
      %gather3A_2615 = arith.constant 3 : i32
      %gather3A_2616 = arith.constant 0 : i32
      %gather3A_2617 = arith.constant 0 : i32
      %gather3A_2618 = tpu.memref_slice %arg8[%gather3A_2615, %gather3A_2616, %gather3A_2617] : memref<4x112x8xf32, #tpu.memory_space<vmem>> -> memref<1x112x8xf32, #tpu.memory_space<vmem>>
      %gather3A_2619 = tpu.memref_squeeze %gather3A_2618 : memref<1x112x8xf32, #tpu.memory_space<vmem>> -> memref<112x8xf32, #tpu.memory_space<vmem>>
      %gather3A_2620 = tpu.vector_load_idx %gather3A_2619[%add3A_2614, %and3A_11] : memref<112x8xf32, #tpu.memory_space<vmem>>[vector<16xi32>, vector<16xi32>], vector<16xf32>,
      %add3A_2621 = arith.addf %add3A_2581, %gather3A_2620 : vector<16xf32>
      %add3A_2622 = arith.constant 44 : i32
      %add3A_2623 = vector.broadcast %add3A_2622 : i32 to vector<16xi32>
      %add3A_2624 = arith.addi %shift_right_logical3A_13, %add3A_2623 : vector<16xi32>
      %gather3A_2625 = arith.constant 3 : i32
      %gather3A_2626 = arith.constant 0 : i32
      %gather3A_2627 = arith.constant 0 : i32
      %gather3A_2628 = tpu.memref_slice %arg8[%gather3A_2625, %gather3A_2626, %gather3A_2627] : memref<4x112x8xf32, #tpu.memory_space<vmem>> -> memref<1x112x8xf32, #tpu.memory_space<vmem>>
      %gather3A_2629 = tpu.memref_squeeze %gather3A_2628 : memref<1x112x8xf32, #tpu.memory_space<vmem>> -> memref<112x8xf32, #tpu.memory_space<vmem>>
      %gather3A_2630 = tpu.vector_load_idx %gather3A_2629[%add3A_2624, %and3A_11] : memref<112x8xf32, #tpu.memory_space<vmem>>[vector<16xi32>, vector<16xi32>], vector<16xf32>,
      %add3A_2631 = arith.addf %add3A_2591, %gather3A_2630 : vector<16xf32>
      %add3A_2632 = arith.constant 46 : i32
      %add3A_2633 = vector.broadcast %add3A_2632 : i32 to vector<16xi32>
      %add3A_2634 = arith.addi %shift_right_logical3A_13, %add3A_2633 : vector<16xi32>
      %gather3A_2635 = arith.constant 3 : i32
      %gather3A_2636 = arith.constant 0 : i32
      %gather3A_2637 = arith.constant 0 : i32
      %gather3A_2638 = tpu.memref_slice %arg8[%gather3A_2635, %gather3A_2636, %gather3A_2637] : memref<4x112x8xf32, #tpu.memory_space<vmem>> -> memref<1x112x8xf32, #tpu.memory_space<vmem>>
      %gather3A_2639 = tpu.memref_squeeze %gather3A_2638 : memref<1x112x8xf32, #tpu.memory_space<vmem>> -> memref<112x8xf32, #tpu.memory_space<vmem>>
      %gather3A_2640 = tpu.vector_load_idx %gather3A_2639[%add3A_2634, %and3A_11] : memref<112x8xf32, #tpu.memory_space<vmem>>[vector<16xi32>, vector<16xi32>], vector<16xf32>,
      %add3A_2641 = arith.addf %add3A_2601, %gather3A_2640 : vector<16xf32>
      %add3A_2642 = arith.constant 48 : i32
      %add3A_2643 = vector.broadcast %add3A_2642 : i32 to vector<16xi32>
      %add3A_2644 = arith.addi %shift_right_logical3A_13, %add3A_2643 : vector<16xi32>
      %gather3A_2645 = arith.constant 3 : i32
      %gather3A_2646 = arith.constant 0 : i32
      %gather3A_2647 = arith.constant 0 : i32
      %gather3A_2648 = tpu.memref_slice %arg8[%gather3A_2645, %gather3A_2646, %gather3A_2647] : memref<4x112x8xf32, #tpu.memory_space<vmem>> -> memref<1x112x8xf32, #tpu.memory_space<vmem>>
      %gather3A_2649 = tpu.memref_squeeze %gather3A_2648 : memref<1x112x8xf32, #tpu.memory_space<vmem>> -> memref<112x8xf32, #tpu.memory_space<vmem>>
      %gather3A_2650 = tpu.vector_load_idx %gather3A_2649[%add3A_2644, %and3A_11] : memref<112x8xf32, #tpu.memory_space<vmem>>[vector<16xi32>, vector<16xi32>], vector<16xf32>,
      %add3A_2651 = arith.addf %add3A_2611, %gather3A_2650 : vector<16xf32>
      %add3A_2652 = arith.constant 50 : i32
      %add3A_2653 = vector.broadcast %add3A_2652 : i32 to vector<16xi32>
      %add3A_2654 = arith.addi %shift_right_logical3A_13, %add3A_2653 : vector<16xi32>
      %gather3A_2655 = arith.constant 3 : i32
      %gather3A_2656 = arith.constant 0 : i32
      %gather3A_2657 = arith.constant 0 : i32
      %gather3A_2658 = tpu.memref_slice %arg8[%gather3A_2655, %gather3A_2656, %gather3A_2657] : memref<4x112x8xf32, #tpu.memory_space<vmem>> -> memref<1x112x8xf32, #tpu.memory_space<vmem>>
      %gather3A_2659 = tpu.memref_squeeze %gather3A_2658 : memref<1x112x8xf32, #tpu.memory_space<vmem>> -> memref<112x8xf32, #tpu.memory_space<vmem>>
      %gather3A_2660 = tpu.vector_load_idx %gather3A_2659[%add3A_2654, %and3A_11] : memref<112x8xf32, #tpu.memory_space<vmem>>[vector<16xi32>, vector<16xi32>], vector<16xf32>,
      %add3A_2661 = arith.addf %add3A_2621, %gather3A_2660 : vector<16xf32>
      %add3A_2662 = arith.constant 52 : i32
      %add3A_2663 = vector.broadcast %add3A_2662 : i32 to vector<16xi32>
      %add3A_2664 = arith.addi %shift_right_logical3A_13, %add3A_2663 : vector<16xi32>
      %gather3A_2665 = arith.constant 3 : i32
      %gather3A_2666 = arith.constant 0 : i32
      %gather3A_2667 = arith.constant 0 : i32
      %gather3A_2668 = tpu.memref_slice %arg8[%gather3A_2665, %gather3A_2666, %gather3A_2667] : memref<4x112x8xf32, #tpu.memory_space<vmem>> -> memref<1x112x8xf32, #tpu.memory_space<vmem>>
      %gather3A_2669 = tpu.memref_squeeze %gather3A_2668 : memref<1x112x8xf32, #tpu.memory_space<vmem>> -> memref<112x8xf32, #tpu.memory_space<vmem>>
      %gather3A_2670 = tpu.vector_load_idx %gather3A_2669[%add3A_2664, %and3A_11] : memref<112x8xf32, #tpu.memory_space<vmem>>[vector<16xi32>, vector<16xi32>], vector<16xf32>,
      %add3A_2671 = arith.addf %add3A_2631, %gather3A_2670 : vector<16xf32>
      %add3A_2672 = arith.constant 54 : i32
      %add3A_2673 = vector.broadcast %add3A_2672 : i32 to vector<16xi32>
      %add3A_2674 = arith.addi %shift_right_logical3A_13, %add3A_2673 : vector<16xi32>
      %gather3A_2675 = arith.constant 3 : i32
      %gather3A_2676 = arith.constant 0 : i32
      %gather3A_2677 = arith.constant 0 : i32
      %gather3A_2678 = tpu.memref_slice %arg8[%gather3A_2675, %gather3A_2676, %gather3A_2677] : memref<4x112x8xf32, #tpu.memory_space<vmem>> -> memref<1x112x8xf32, #tpu.memory_space<vmem>>
      %gather3A_2679 = tpu.memref_squeeze %gather3A_2678 : memref<1x112x8xf32, #tpu.memory_space<vmem>> -> memref<112x8xf32, #tpu.memory_space<vmem>>
      %gather3A_2680 = tpu.vector_load_idx %gather3A_2679[%add3A_2674, %and3A_11] : memref<112x8xf32, #tpu.memory_space<vmem>>[vector<16xi32>, vector<16xi32>], vector<16xf32>,
      %add3A_2681 = arith.addf %add3A_2641, %gather3A_2680 : vector<16xf32>
      %add3A_2682 = arith.constant 56 : i32
      %add3A_2683 = vector.broadcast %add3A_2682 : i32 to vector<16xi32>
      %add3A_2684 = arith.addi %shift_right_logical3A_13, %add3A_2683 : vector<16xi32>
      %gather3A_2685 = arith.constant 3 : i32
      %gather3A_2686 = arith.constant 0 : i32
      %gather3A_2687 = arith.constant 0 : i32
      %gather3A_2688 = tpu.memref_slice %arg8[%gather3A_2685, %gather3A_2686, %gather3A_2687] : memref<4x112x8xf32, #tpu.memory_space<vmem>> -> memref<1x112x8xf32, #tpu.memory_space<vmem>>
      %gather3A_2689 = tpu.memref_squeeze %gather3A_2688 : memref<1x112x8xf32, #tpu.memory_space<vmem>> -> memref<112x8xf32, #tpu.memory_space<vmem>>
      %gather3A_2690 = tpu.vector_load_idx %gather3A_2689[%add3A_2684, %and3A_11] : memref<112x8xf32, #tpu.memory_space<vmem>>[vector<16xi32>, vector<16xi32>], vector<16xf32>,
      %add3A_2691 = arith.addf %add3A_2651, %gather3A_2690 : vector<16xf32>
      %add3A_2692 = arith.constant 58 : i32
      %add3A_2693 = vector.broadcast %add3A_2692 : i32 to vector<16xi32>
      %add3A_2694 = arith.addi %shift_right_logical3A_13, %add3A_2693 : vector<16xi32>
      %gather3A_2695 = arith.constant 3 : i32
      %gather3A_2696 = arith.constant 0 : i32
      %gather3A_2697 = arith.constant 0 : i32
      %gather3A_2698 = tpu.memref_slice %arg8[%gather3A_2695, %gather3A_2696, %gather3A_2697] : memref<4x112x8xf32, #tpu.memory_space<vmem>> -> memref<1x112x8xf32, #tpu.memory_space<vmem>>
      %gather3A_2699 = tpu.memref_squeeze %gather3A_2698 : memref<1x112x8xf32, #tpu.memory_space<vmem>> -> memref<112x8xf32, #tpu.memory_space<vmem>>
      %gather3A_2700 = tpu.vector_load_idx %gather3A_2699[%add3A_2694, %and3A_11] : memref<112x8xf32, #tpu.memory_space<vmem>>[vector<16xi32>, vector<16xi32>], vector<16xf32>,
      %add3A_2701 = arith.addf %add3A_2661, %gather3A_2700 : vector<16xf32>
      %add3A_2702 = arith.constant 60 : i32
      %add3A_2703 = vector.broadcast %add3A_2702 : i32 to vector<16xi32>
      %add3A_2704 = arith.addi %shift_right_logical3A_13, %add3A_2703 : vector<16xi32>
      %gather3A_2705 = arith.constant 3 : i32
      %gather3A_2706 = arith.constant 0 : i32
      %gather3A_2707 = arith.constant 0 : i32
      %gather3A_2708 = tpu.memref_slice %arg8[%gather3A_2705, %gather3A_2706, %gather3A_2707] : memref<4x112x8xf32, #tpu.memory_space<vmem>> -> memref<1x112x8xf32, #tpu.memory_space<vmem>>
      %gather3A_2709 = tpu.memref_squeeze %gather3A_2708 : memref<1x112x8xf32, #tpu.memory_space<vmem>> -> memref<112x8xf32, #tpu.memory_space<vmem>>
      %gather3A_2710 = tpu.vector_load_idx %gather3A_2709[%add3A_2704, %and3A_11] : memref<112x8xf32, #tpu.memory_space<vmem>>[vector<16xi32>, vector<16xi32>], vector<16xf32>,
      %add3A_2711 = arith.addf %add3A_2671, %gather3A_2710 : vector<16xf32>
      %add3A_2712 = arith.constant 62 : i32
      %add3A_2713 = vector.broadcast %add3A_2712 : i32 to vector<16xi32>
      %add3A_2714 = arith.addi %shift_right_logical3A_13, %add3A_2713 : vector<16xi32>
      %gather3A_2715 = arith.constant 3 : i32
      %gather3A_2716 = arith.constant 0 : i32
      %gather3A_2717 = arith.constant 0 : i32
      %gather3A_2718 = tpu.memref_slice %arg8[%gather3A_2715, %gather3A_2716, %gather3A_2717] : memref<4x112x8xf32, #tpu.memory_space<vmem>> -> memref<1x112x8xf32, #tpu.memory_space<vmem>>
      %gather3A_2719 = tpu.memref_squeeze %gather3A_2718 : memref<1x112x8xf32, #tpu.memory_space<vmem>> -> memref<112x8xf32, #tpu.memory_space<vmem>>
      %gather3A_2720 = tpu.vector_load_idx %gather3A_2719[%add3A_2714, %and3A_11] : memref<112x8xf32, #tpu.memory_space<vmem>>[vector<16xi32>, vector<16xi32>], vector<16xf32>,
      %add3A_2721 = arith.addf %add3A_2681, %gather3A_2720 : vector<16xf32>
      %add3A_2722 = arith.constant 64 : i32
      %add3A_2723 = vector.broadcast %add3A_2722 : i32 to vector<16xi32>
      %add3A_2724 = arith.addi %shift_right_logical3A_13, %add3A_2723 : vector<16xi32>
      %gather3A_2725 = arith.constant 3 : i32
      %gather3A_2726 = arith.constant 0 : i32
      %gather3A_2727 = arith.constant 0 : i32
      %gather3A_2728 = tpu.memref_slice %arg8[%gather3A_2725, %gather3A_2726, %gather3A_2727] : memref<4x112x8xf32, #tpu.memory_space<vmem>> -> memref<1x112x8xf32, #tpu.memory_space<vmem>>
      %gather3A_2729 = tpu.memref_squeeze %gather3A_2728 : memref<1x112x8xf32, #tpu.memory_space<vmem>> -> memref<112x8xf32, #tpu.memory_space<vmem>>
      %gather3A_2730 = tpu.vector_load_idx %gather3A_2729[%add3A_2724, %and3A_11] : memref<112x8xf32, #tpu.memory_space<vmem>>[vector<16xi32>, vector<16xi32>], vector<16xf32>,
      %add3A_2731 = arith.addf %add3A_2691, %gather3A_2730 : vector<16xf32>
      %add3A_2732 = arith.constant 66 : i32
      %add3A_2733 = vector.broadcast %add3A_2732 : i32 to vector<16xi32>
      %add3A_2734 = arith.addi %shift_right_logical3A_13, %add3A_2733 : vector<16xi32>
      %gather3A_2735 = arith.constant 3 : i32
      %gather3A_2736 = arith.constant 0 : i32
      %gather3A_2737 = arith.constant 0 : i32
      %gather3A_2738 = tpu.memref_slice %arg8[%gather3A_2735, %gather3A_2736, %gather3A_2737] : memref<4x112x8xf32, #tpu.memory_space<vmem>> -> memref<1x112x8xf32, #tpu.memory_space<vmem>>
      %gather3A_2739 = tpu.memref_squeeze %gather3A_2738 : memref<1x112x8xf32, #tpu.memory_space<vmem>> -> memref<112x8xf32, #tpu.memory_space<vmem>>
      %gather3A_2740 = tpu.vector_load_idx %gather3A_2739[%add3A_2734, %and3A_11] : memref<112x8xf32, #tpu.memory_space<vmem>>[vector<16xi32>, vector<16xi32>], vector<16xf32>,
      %add3A_2741 = arith.addf %add3A_2701, %gather3A_2740 : vector<16xf32>
      %add3A_2742 = arith.constant 68 : i32
      %add3A_2743 = vector.broadcast %add3A_2742 : i32 to vector<16xi32>
      %add3A_2744 = arith.addi %shift_right_logical3A_13, %add3A_2743 : vector<16xi32>
      %gather3A_2745 = arith.constant 3 : i32
      %gather3A_2746 = arith.constant 0 : i32
      %gather3A_2747 = arith.constant 0 : i32
      %gather3A_2748 = tpu.memref_slice %arg8[%gather3A_2745, %gather3A_2746, %gather3A_2747] : memref<4x112x8xf32, #tpu.memory_space<vmem>> -> memref<1x112x8xf32, #tpu.memory_space<vmem>>
      %gather3A_2749 = tpu.memref_squeeze %gather3A_2748 : memref<1x112x8xf32, #tpu.memory_space<vmem>> -> memref<112x8xf32, #tpu.memory_space<vmem>>
      %gather3A_2750 = tpu.vector_load_idx %gather3A_2749[%add3A_2744, %and3A_11] : memref<112x8xf32, #tpu.memory_space<vmem>>[vector<16xi32>, vector<16xi32>], vector<16xf32>,
      %add3A_2751 = arith.addf %add3A_2711, %gather3A_2750 : vector<16xf32>
      %add3A_2752 = arith.constant 70 : i32
      %add3A_2753 = vector.broadcast %add3A_2752 : i32 to vector<16xi32>
      %add3A_2754 = arith.addi %shift_right_logical3A_13, %add3A_2753 : vector<16xi32>
      %gather3A_2755 = arith.constant 3 : i32
      %gather3A_2756 = arith.constant 0 : i32
      %gather3A_2757 = arith.constant 0 : i32
      %gather3A_2758 = tpu.memref_slice %arg8[%gather3A_2755, %gather3A_2756, %gather3A_2757] : memref<4x112x8xf32, #tpu.memory_space<vmem>> -> memref<1x112x8xf32, #tpu.memory_space<vmem>>
      %gather3A_2759 = tpu.memref_squeeze %gather3A_2758 : memref<1x112x8xf32, #tpu.memory_space<vmem>> -> memref<112x8xf32, #tpu.memory_space<vmem>>
      %gather3A_2760 = tpu.vector_load_idx %gather3A_2759[%add3A_2754, %and3A_11] : memref<112x8xf32, #tpu.memory_space<vmem>>[vector<16xi32>, vector<16xi32>], vector<16xf32>,
      %add3A_2761 = arith.addf %add3A_2721, %gather3A_2760 : vector<16xf32>
      %add3A_2762 = arith.constant 72 : i32
      %add3A_2763 = vector.broadcast %add3A_2762 : i32 to vector<16xi32>
      %add3A_2764 = arith.addi %shift_right_logical3A_13, %add3A_2763 : vector<16xi32>
      %gather3A_2765 = arith.constant 3 : i32
      %gather3A_2766 = arith.constant 0 : i32
      %gather3A_2767 = arith.constant 0 : i32
      %gather3A_2768 = tpu.memref_slice %arg8[%gather3A_2765, %gather3A_2766, %gather3A_2767] : memref<4x112x8xf32, #tpu.memory_space<vmem>> -> memref<1x112x8xf32, #tpu.memory_space<vmem>>
      %gather3A_2769 = tpu.memref_squeeze %gather3A_2768 : memref<1x112x8xf32, #tpu.memory_space<vmem>> -> memref<112x8xf32, #tpu.memory_space<vmem>>
      %gather3A_2770 = tpu.vector_load_idx %gather3A_2769[%add3A_2764, %and3A_11] : memref<112x8xf32, #tpu.memory_space<vmem>>[vector<16xi32>, vector<16xi32>], vector<16xf32>,
      %add3A_2771 = arith.addf %add3A_2731, %gather3A_2770 : vector<16xf32>
      %add3A_2772 = arith.constant 74 : i32
      %add3A_2773 = vector.broadcast %add3A_2772 : i32 to vector<16xi32>
      %add3A_2774 = arith.addi %shift_right_logical3A_13, %add3A_2773 : vector<16xi32>
      %gather3A_2775 = arith.constant 3 : i32
      %gather3A_2776 = arith.constant 0 : i32
      %gather3A_2777 = arith.constant 0 : i32
      %gather3A_2778 = tpu.memref_slice %arg8[%gather3A_2775, %gather3A_2776, %gather3A_2777] : memref<4x112x8xf32, #tpu.memory_space<vmem>> -> memref<1x112x8xf32, #tpu.memory_space<vmem>>
      %gather3A_2779 = tpu.memref_squeeze %gather3A_2778 : memref<1x112x8xf32, #tpu.memory_space<vmem>> -> memref<112x8xf32, #tpu.memory_space<vmem>>
      %gather3A_2780 = tpu.vector_load_idx %gather3A_2779[%add3A_2774, %and3A_11] : memref<112x8xf32, #tpu.memory_space<vmem>>[vector<16xi32>, vector<16xi32>], vector<16xf32>,
      %add3A_2781 = arith.addf %add3A_2741, %gather3A_2780 : vector<16xf32>
      %add3A_2782 = arith.constant 76 : i32
      %add3A_2783 = vector.broadcast %add3A_2782 : i32 to vector<16xi32>
      %add3A_2784 = arith.addi %shift_right_logical3A_13, %add3A_2783 : vector<16xi32>
      %gather3A_2785 = arith.constant 3 : i32
      %gather3A_2786 = arith.constant 0 : i32
      %gather3A_2787 = arith.constant 0 : i32
      %gather3A_2788 = tpu.memref_slice %arg8[%gather3A_2785, %gather3A_2786, %gather3A_2787] : memref<4x112x8xf32, #tpu.memory_space<vmem>> -> memref<1x112x8xf32, #tpu.memory_space<vmem>>
      %gather3A_2789 = tpu.memref_squeeze %gather3A_2788 : memref<1x112x8xf32, #tpu.memory_space<vmem>> -> memref<112x8xf32, #tpu.memory_space<vmem>>
      %gather3A_2790 = tpu.vector_load_idx %gather3A_2789[%add3A_2784, %and3A_11] : memref<112x8xf32, #tpu.memory_space<vmem>>[vector<16xi32>, vector<16xi32>], vector<16xf32>,
      %add3A_2791 = arith.addf %add3A_2751, %gather3A_2790 : vector<16xf32>
      %add3A_2792 = arith.constant 78 : i32
      %add3A_2793 = vector.broadcast %add3A_2792 : i32 to vector<16xi32>
      %add3A_2794 = arith.addi %shift_right_logical3A_13, %add3A_2793 : vector<16xi32>
      %gather3A_2795 = arith.constant 3 : i32
      %gather3A_2796 = arith.constant 0 : i32
      %gather3A_2797 = arith.constant 0 : i32
      %gather3A_2798 = tpu.memref_slice %arg8[%gather3A_2795, %gather3A_2796, %gather3A_2797] : memref<4x112x8xf32, #tpu.memory_space<vmem>> -> memref<1x112x8xf32, #tpu.memory_space<vmem>>
      %gather3A_2799 = tpu.memref_squeeze %gather3A_2798 : memref<1x112x8xf32, #tpu.memory_space<vmem>> -> memref<112x8xf32, #tpu.memory_space<vmem>>
      %gather3A_2800 = tpu.vector_load_idx %gather3A_2799[%add3A_2794, %and3A_11] : memref<112x8xf32, #tpu.memory_space<vmem>>[vector<16xi32>, vector<16xi32>], vector<16xf32>,
      %add3A_2801 = arith.addf %add3A_2761, %gather3A_2800 : vector<16xf32>
      %add3A_2802 = arith.constant 80 : i32
      %add3A_2803 = vector.broadcast %add3A_2802 : i32 to vector<16xi32>
      %add3A_2804 = arith.addi %shift_right_logical3A_13, %add3A_2803 : vector<16xi32>
      %gather3A_2805 = arith.constant 3 : i32
      %gather3A_2806 = arith.constant 0 : i32
      %gather3A_2807 = arith.constant 0 : i32
      %gather3A_2808 = tpu.memref_slice %arg8[%gather3A_2805, %gather3A_2806, %gather3A_2807] : memref<4x112x8xf32, #tpu.memory_space<vmem>> -> memref<1x112x8xf32, #tpu.memory_space<vmem>>
      %gather3A_2809 = tpu.memref_squeeze %gather3A_2808 : memref<1x112x8xf32, #tpu.memory_space<vmem>> -> memref<112x8xf32, #tpu.memory_space<vmem>>
      %gather3A_2810 = tpu.vector_load_idx %gather3A_2809[%add3A_2804, %and3A_11] : memref<112x8xf32, #tpu.memory_space<vmem>>[vector<16xi32>, vector<16xi32>], vector<16xf32>,
      %add3A_2811 = arith.addf %add3A_2771, %gather3A_2810 : vector<16xf32>
      %add3A_2812 = arith.constant 82 : i32
      %add3A_2813 = vector.broadcast %add3A_2812 : i32 to vector<16xi32>
      %add3A_2814 = arith.addi %shift_right_logical3A_13, %add3A_2813 : vector<16xi32>
      %gather3A_2815 = arith.constant 3 : i32
      %gather3A_2816 = arith.constant 0 : i32
      %gather3A_2817 = arith.constant 0 : i32
      %gather3A_2818 = tpu.memref_slice %arg8[%gather3A_2815, %gather3A_2816, %gather3A_2817] : memref<4x112x8xf32, #tpu.memory_space<vmem>> -> memref<1x112x8xf32, #tpu.memory_space<vmem>>
      %gather3A_2819 = tpu.memref_squeeze %gather3A_2818 : memref<1x112x8xf32, #tpu.memory_space<vmem>> -> memref<112x8xf32, #tpu.memory_space<vmem>>
      %gather3A_2820 = tpu.vector_load_idx %gather3A_2819[%add3A_2814, %and3A_11] : memref<112x8xf32, #tpu.memory_space<vmem>>[vector<16xi32>, vector<16xi32>], vector<16xf32>,
      %add3A_2821 = arith.addf %add3A_2781, %gather3A_2820 : vector<16xf32>
      %add3A_2822 = arith.constant 84 : i32
      %add3A_2823 = vector.broadcast %add3A_2822 : i32 to vector<16xi32>
      %add3A_2824 = arith.addi %shift_right_logical3A_13, %add3A_2823 : vector<16xi32>
      %gather3A_2825 = arith.constant 3 : i32
      %gather3A_2826 = arith.constant 0 : i32
      %gather3A_2827 = arith.constant 0 : i32
      %gather3A_2828 = tpu.memref_slice %arg8[%gather3A_2825, %gather3A_2826, %gather3A_2827] : memref<4x112x8xf32, #tpu.memory_space<vmem>> -> memref<1x112x8xf32, #tpu.memory_space<vmem>>
      %gather3A_2829 = tpu.memref_squeeze %gather3A_2828 : memref<1x112x8xf32, #tpu.memory_space<vmem>> -> memref<112x8xf32, #tpu.memory_space<vmem>>
      %gather3A_2830 = tpu.vector_load_idx %gather3A_2829[%add3A_2824, %and3A_11] : memref<112x8xf32, #tpu.memory_space<vmem>>[vector<16xi32>, vector<16xi32>], vector<16xf32>,
      %add3A_2831 = arith.addf %add3A_2791, %gather3A_2830 : vector<16xf32>
      %add3A_2832 = arith.constant 86 : i32
      %add3A_2833 = vector.broadcast %add3A_2832 : i32 to vector<16xi32>
      %add3A_2834 = arith.addi %shift_right_logical3A_13, %add3A_2833 : vector<16xi32>
      %gather3A_2835 = arith.constant 3 : i32
      %gather3A_2836 = arith.constant 0 : i32
      %gather3A_2837 = arith.constant 0 : i32
      %gather3A_2838 = tpu.memref_slice %arg8[%gather3A_2835, %gather3A_2836, %gather3A_2837] : memref<4x112x8xf32, #tpu.memory_space<vmem>> -> memref<1x112x8xf32, #tpu.memory_space<vmem>>
      %gather3A_2839 = tpu.memref_squeeze %gather3A_2838 : memref<1x112x8xf32, #tpu.memory_space<vmem>> -> memref<112x8xf32, #tpu.memory_space<vmem>>
      %gather3A_2840 = tpu.vector_load_idx %gather3A_2839[%add3A_2834, %and3A_11] : memref<112x8xf32, #tpu.memory_space<vmem>>[vector<16xi32>, vector<16xi32>], vector<16xf32>,
      %add3A_2841 = arith.addf %add3A_2801, %gather3A_2840 : vector<16xf32>
      %add3A_2842 = arith.constant 88 : i32
      %add3A_2843 = vector.broadcast %add3A_2842 : i32 to vector<16xi32>
      %add3A_2844 = arith.addi %shift_right_logical3A_13, %add3A_2843 : vector<16xi32>
      %gather3A_2845 = arith.constant 3 : i32
      %gather3A_2846 = arith.constant 0 : i32
      %gather3A_2847 = arith.constant 0 : i32
      %gather3A_2848 = tpu.memref_slice %arg8[%gather3A_2845, %gather3A_2846, %gather3A_2847] : memref<4x112x8xf32, #tpu.memory_space<vmem>> -> memref<1x112x8xf32, #tpu.memory_space<vmem>>
      %gather3A_2849 = tpu.memref_squeeze %gather3A_2848 : memref<1x112x8xf32, #tpu.memory_space<vmem>> -> memref<112x8xf32, #tpu.memory_space<vmem>>
      %gather3A_2850 = tpu.vector_load_idx %gather3A_2849[%add3A_2844, %and3A_11] : memref<112x8xf32, #tpu.memory_space<vmem>>[vector<16xi32>, vector<16xi32>], vector<16xf32>,
      %add3A_2851 = arith.addf %add3A_2811, %gather3A_2850 : vector<16xf32>
      %add3A_2852 = arith.constant 90 : i32
      %add3A_2853 = vector.broadcast %add3A_2852 : i32 to vector<16xi32>
      %add3A_2854 = arith.addi %shift_right_logical3A_13, %add3A_2853 : vector<16xi32>
      %gather3A_2855 = arith.constant 3 : i32
      %gather3A_2856 = arith.constant 0 : i32
      %gather3A_2857 = arith.constant 0 : i32
      %gather3A_2858 = tpu.memref_slice %arg8[%gather3A_2855, %gather3A_2856, %gather3A_2857] : memref<4x112x8xf32, #tpu.memory_space<vmem>> -> memref<1x112x8xf32, #tpu.memory_space<vmem>>
      %gather3A_2859 = tpu.memref_squeeze %gather3A_2858 : memref<1x112x8xf32, #tpu.memory_space<vmem>> -> memref<112x8xf32, #tpu.memory_space<vmem>>
      %gather3A_2860 = tpu.vector_load_idx %gather3A_2859[%add3A_2854, %and3A_11] : memref<112x8xf32, #tpu.memory_space<vmem>>[vector<16xi32>, vector<16xi32>], vector<16xf32>,
      %add3A_2861 = arith.addf %add3A_2821, %gather3A_2860 : vector<16xf32>
      %add3A_2862 = arith.constant 92 : i32
      %add3A_2863 = vector.broadcast %add3A_2862 : i32 to vector<16xi32>
      %add3A_2864 = arith.addi %shift_right_logical3A_13, %add3A_2863 : vector<16xi32>
      %gather3A_2865 = arith.constant 3 : i32
      %gather3A_2866 = arith.constant 0 : i32
      %gather3A_2867 = arith.constant 0 : i32
      %gather3A_2868 = tpu.memref_slice %arg8[%gather3A_2865, %gather3A_2866, %gather3A_2867] : memref<4x112x8xf32, #tpu.memory_space<vmem>> -> memref<1x112x8xf32, #tpu.memory_space<vmem>>
      %gather3A_2869 = tpu.memref_squeeze %gather3A_2868 : memref<1x112x8xf32, #tpu.memory_space<vmem>> -> memref<112x8xf32, #tpu.memory_space<vmem>>
      %gather3A_2870 = tpu.vector_load_idx %gather3A_2869[%add3A_2864, %and3A_11] : memref<112x8xf32, #tpu.memory_space<vmem>>[vector<16xi32>, vector<16xi32>], vector<16xf32>,
      %add3A_2871 = arith.addf %add3A_2831, %gather3A_2870 : vector<16xf32>
      %add3A_2872 = arith.constant 94 : i32
      %add3A_2873 = vector.broadcast %add3A_2872 : i32 to vector<16xi32>
      %add3A_2874 = arith.addi %shift_right_logical3A_13, %add3A_2873 : vector<16xi32>
      %gather3A_2875 = arith.constant 3 : i32
      %gather3A_2876 = arith.constant 0 : i32
      %gather3A_2877 = arith.constant 0 : i32
      %gather3A_2878 = tpu.memref_slice %arg8[%gather3A_2875, %gather3A_2876, %gather3A_2877] : memref<4x112x8xf32, #tpu.memory_space<vmem>> -> memref<1x112x8xf32, #tpu.memory_space<vmem>>
      %gather3A_2879 = tpu.memref_squeeze %gather3A_2878 : memref<1x112x8xf32, #tpu.memory_space<vmem>> -> memref<112x8xf32, #tpu.memory_space<vmem>>
      %gather3A_2880 = tpu.vector_load_idx %gather3A_2879[%add3A_2874, %and3A_11] : memref<112x8xf32, #tpu.memory_space<vmem>>[vector<16xi32>, vector<16xi32>], vector<16xf32>,
      %add3A_2881 = arith.addf %add3A_2841, %gather3A_2880 : vector<16xf32>
      %add3A_2882 = arith.constant 96 : i32
      %add3A_2883 = vector.broadcast %add3A_2882 : i32 to vector<16xi32>
      %add3A_2884 = arith.addi %shift_right_logical3A_13, %add3A_2883 : vector<16xi32>
      %gather3A_2885 = arith.constant 3 : i32
      %gather3A_2886 = arith.constant 0 : i32
      %gather3A_2887 = arith.constant 0 : i32
      %gather3A_2888 = tpu.memref_slice %arg8[%gather3A_2885, %gather3A_2886, %gather3A_2887] : memref<4x112x8xf32, #tpu.memory_space<vmem>> -> memref<1x112x8xf32, #tpu.memory_space<vmem>>
      %gather3A_2889 = tpu.memref_squeeze %gather3A_2888 : memref<1x112x8xf32, #tpu.memory_space<vmem>> -> memref<112x8xf32, #tpu.memory_space<vmem>>
      %gather3A_2890 = tpu.vector_load_idx %gather3A_2889[%add3A_2884, %and3A_11] : memref<112x8xf32, #tpu.memory_space<vmem>>[vector<16xi32>, vector<16xi32>], vector<16xf32>,
      %add3A_2891 = arith.addf %add3A_2851, %gather3A_2890 : vector<16xf32>
      %add3A_2892 = arith.constant 98 : i32
      %add3A_2893 = vector.broadcast %add3A_2892 : i32 to vector<16xi32>
      %add3A_2894 = arith.addi %shift_right_logical3A_13, %add3A_2893 : vector<16xi32>
      %gather3A_2895 = arith.constant 3 : i32
      %gather3A_2896 = arith.constant 0 : i32
      %gather3A_2897 = arith.constant 0 : i32
      %gather3A_2898 = tpu.memref_slice %arg8[%gather3A_2895, %gather3A_2896, %gather3A_2897] : memref<4x112x8xf32, #tpu.memory_space<vmem>> -> memref<1x112x8xf32, #tpu.memory_space<vmem>>
      %gather3A_2899 = tpu.memref_squeeze %gather3A_2898 : memref<1x112x8xf32, #tpu.memory_space<vmem>> -> memref<112x8xf32, #tpu.memory_space<vmem>>
      %gather3A_2900 = tpu.vector_load_idx %gather3A_2899[%add3A_2894, %and3A_11] : memref<112x8xf32, #tpu.memory_space<vmem>>[vector<16xi32>, vector<16xi32>], vector<16xf32>,
      %add3A_2901 = arith.addf %add3A_2861, %gather3A_2900 : vector<16xf32>
      %add3A_2902 = arith.constant 100 : i32
      %add3A_2903 = vector.broadcast %add3A_2902 : i32 to vector<16xi32>
      %add3A_2904 = arith.addi %shift_right_logical3A_13, %add3A_2903 : vector<16xi32>
      %gather3A_2905 = arith.constant 3 : i32
      %gather3A_2906 = arith.constant 0 : i32
      %gather3A_2907 = arith.constant 0 : i32
      %gather3A_2908 = tpu.memref_slice %arg8[%gather3A_2905, %gather3A_2906, %gather3A_2907] : memref<4x112x8xf32, #tpu.memory_space<vmem>> -> memref<1x112x8xf32, #tpu.memory_space<vmem>>
      %gather3A_2909 = tpu.memref_squeeze %gather3A_2908 : memref<1x112x8xf32, #tpu.memory_space<vmem>> -> memref<112x8xf32, #tpu.memory_space<vmem>>
      %gather3A_2910 = tpu.vector_load_idx %gather3A_2909[%add3A_2904, %and3A_11] : memref<112x8xf32, #tpu.memory_space<vmem>>[vector<16xi32>, vector<16xi32>], vector<16xf32>,
      %add3A_2911 = arith.addf %add3A_2871, %gather3A_2910 : vector<16xf32>
      %add3A_2912 = arith.constant 102 : i32
      %add3A_2913 = vector.broadcast %add3A_2912 : i32 to vector<16xi32>
      %add3A_2914 = arith.addi %shift_right_logical3A_13, %add3A_2913 : vector<16xi32>
      %gather3A_2915 = arith.constant 3 : i32
      %gather3A_2916 = arith.constant 0 : i32
      %gather3A_2917 = arith.constant 0 : i32
      %gather3A_2918 = tpu.memref_slice %arg8[%gather3A_2915, %gather3A_2916, %gather3A_2917] : memref<4x112x8xf32, #tpu.memory_space<vmem>> -> memref<1x112x8xf32, #tpu.memory_space<vmem>>
      %gather3A_2919 = tpu.memref_squeeze %gather3A_2918 : memref<1x112x8xf32, #tpu.memory_space<vmem>> -> memref<112x8xf32, #tpu.memory_space<vmem>>
      %gather3A_2920 = tpu.vector_load_idx %gather3A_2919[%add3A_2914, %and3A_11] : memref<112x8xf32, #tpu.memory_space<vmem>>[vector<16xi32>, vector<16xi32>], vector<16xf32>,
      %add3A_2921 = arith.addf %add3A_2881, %gather3A_2920 : vector<16xf32>
      %add3A_2922 = arith.constant 104 : i32
      %add3A_2923 = vector.broadcast %add3A_2922 : i32 to vector<16xi32>
      %add3A_2924 = arith.addi %shift_right_logical3A_13, %add3A_2923 : vector<16xi32>
      %gather3A_2925 = arith.constant 3 : i32
      %gather3A_2926 = arith.constant 0 : i32
      %gather3A_2927 = arith.constant 0 : i32
      %gather3A_2928 = tpu.memref_slice %arg8[%gather3A_2925, %gather3A_2926, %gather3A_2927] : memref<4x112x8xf32, #tpu.memory_space<vmem>> -> memref<1x112x8xf32, #tpu.memory_space<vmem>>
      %gather3A_2929 = tpu.memref_squeeze %gather3A_2928 : memref<1x112x8xf32, #tpu.memory_space<vmem>> -> memref<112x8xf32, #tpu.memory_space<vmem>>
      %gather3A_2930 = tpu.vector_load_idx %gather3A_2929[%add3A_2924, %and3A_11] : memref<112x8xf32, #tpu.memory_space<vmem>>[vector<16xi32>, vector<16xi32>], vector<16xf32>,
      %add3A_2931 = arith.addf %add3A_2891, %gather3A_2930 : vector<16xf32>
      %add3A_2932 = arith.constant 106 : i32
      %add3A_2933 = vector.broadcast %add3A_2932 : i32 to vector<16xi32>
      %add3A_2934 = arith.addi %shift_right_logical3A_13, %add3A_2933 : vector<16xi32>
      %gather3A_2935 = arith.constant 3 : i32
      %gather3A_2936 = arith.constant 0 : i32
      %gather3A_2937 = arith.constant 0 : i32
      %gather3A_2938 = tpu.memref_slice %arg8[%gather3A_2935, %gather3A_2936, %gather3A_2937] : memref<4x112x8xf32, #tpu.memory_space<vmem>> -> memref<1x112x8xf32, #tpu.memory_space<vmem>>
      %gather3A_2939 = tpu.memref_squeeze %gather3A_2938 : memref<1x112x8xf32, #tpu.memory_space<vmem>> -> memref<112x8xf32, #tpu.memory_space<vmem>>
      %gather3A_2940 = tpu.vector_load_idx %gather3A_2939[%add3A_2934, %and3A_11] : memref<112x8xf32, #tpu.memory_space<vmem>>[vector<16xi32>, vector<16xi32>], vector<16xf32>,
      %add3A_2941 = arith.addf %add3A_2901, %gather3A_2940 : vector<16xf32>
      %add3A_2942 = arith.constant 108 : i32
      %add3A_2943 = vector.broadcast %add3A_2942 : i32 to vector<16xi32>
      %add3A_2944 = arith.addi %shift_right_logical3A_13, %add3A_2943 : vector<16xi32>
      %gather3A_2945 = arith.constant 3 : i32
      %gather3A_2946 = arith.constant 0 : i32
      %gather3A_2947 = arith.constant 0 : i32
      %gather3A_2948 = tpu.memref_slice %arg8[%gather3A_2945, %gather3A_2946, %gather3A_2947] : memref<4x112x8xf32, #tpu.memory_space<vmem>> -> memref<1x112x8xf32, #tpu.memory_space<vmem>>
      %gather3A_2949 = tpu.memref_squeeze %gather3A_2948 : memref<1x112x8xf32, #tpu.memory_space<vmem>> -> memref<112x8xf32, #tpu.memory_space<vmem>>
      %gather3A_2950 = tpu.vector_load_idx %gather3A_2949[%add3A_2944, %and3A_11] : memref<112x8xf32, #tpu.memory_space<vmem>>[vector<16xi32>, vector<16xi32>], vector<16xf32>,
      %add3A_2951 = arith.addf %add3A_2911, %gather3A_2950 : vector<16xf32>
      %add3A_2952 = arith.constant 110 : i32
      %add3A_2953 = vector.broadcast %add3A_2952 : i32 to vector<16xi32>
      %add3A_2954 = arith.addi %shift_right_logical3A_13, %add3A_2953 : vector<16xi32>
      %gather3A_2955 = arith.constant 3 : i32
      %gather3A_2956 = arith.constant 0 : i32
      %gather3A_2957 = arith.constant 0 : i32
      %gather3A_2958 = tpu.memref_slice %arg8[%gather3A_2955, %gather3A_2956, %gather3A_2957] : memref<4x112x8xf32, #tpu.memory_space<vmem>> -> memref<1x112x8xf32, #tpu.memory_space<vmem>>
      %gather3A_2959 = tpu.memref_squeeze %gather3A_2958 : memref<1x112x8xf32, #tpu.memory_space<vmem>> -> memref<112x8xf32, #tpu.memory_space<vmem>>
      %gather3A_2960 = tpu.vector_load_idx %gather3A_2959[%add3A_2954, %and3A_11] : memref<112x8xf32, #tpu.memory_space<vmem>>[vector<16xi32>, vector<16xi32>], vector<16xf32>,
      %add3A_2961 = arith.addf %add3A_2921, %gather3A_2960 : vector<16xf32>
      %add3A_2962 = arith.addf %add3A_2931, %add3A_2941 : vector<16xf32>
      %add3A_2963 = arith.addf %add3A_2951, %add3A_2961 : vector<16xf32>
      %add3A_2964 = arith.addf %add3A_2962, %add3A_2963 : vector<16xf32>
      %swap3A_2965 = arith.constant 0 : index
      %swap3A_2966 = tpu.vector_load %arg11[%swap3A_2965] {strides = array<i32>} : memref<16xf32, #tpu.memory_space<vmem>>, vector<16xf32>,
      tpu.vector_store %arg11[%swap3A_2965], %add3A_2964 {strides = array<i32>} : memref<16xf32, #tpu.memory_space<vmem>>, vector<16xf32>,
      %gather3A_2967 = tpu.vector_load_idx %arg11[%add3A_16] : memref<16xf32, #tpu.memory_space<vmem>>[vector<16xi32>], vector<16xf32>,
      %add3A_2968 = arith.addf %add3A_2964, %gather3A_2967 : vector<16xf32>
      %convert_element_type3A_2969 = arith.sitofp %add3A_462 : vector<16xi32> to vector<16xf32>
      %sub3A_2970 = arith.constant 2.240000e+02 : f32
      %sub3A_2971 = vector.broadcast %sub3A_2970 : f32 to vector<16xf32>
      %sub3A_2972 = arith.subf %sub3A_2971, %convert_element_type3A_2969 : vector<16xf32>
      %mul3A_2973 = arith.mulf %sub3A_2972, %gather3A : vector<16xf32>
      %sub3A_2974 = arith.subf %add3A_2968, %mul3A_2973 : vector<16xf32>
      %div3A_2975 = arith.divf %sub3A_2974, %convert_element_type3A_2969 : vector<16xf32>
      %add3A_2976 = arith.addf %div3A_2975, %get3A_9 : vector<16xf32>
      %add3A_2977 = arith.constant 1 : i32
      %add3A_2978 = arith.addi %mul3A_27, %add3A_2977 : i32
      %mul3A_2979 = arith.constant 16 : i32
      %mul3A_2980 = arith.muli %add3A_2978, %mul3A_2979 : i32
      %swap3A_2981 = arith.index_cast %mul3A_2980 : i32 to index
      %swap3A_2982 = tpu.vector_load %arg12[%swap3A_2981] {strides = array<i32>} : memref<2048xf32, #tpu.memory_space<vmem>>, vector<16xf32>,
      tpu.vector_store %arg12[%swap3A_2981], %add3A_2976 {strides = array<i32>} : memref<2048xf32, #tpu.memory_space<vmem>>, vector<16xf32>,
    }
    %scan3A_22 = arith.constant 64 : i32
    %mul3A_23 = arith.constant 16 : i32
    %mul3A_24 = arith.muli %mul3A_2, %mul3A_23 : i32
    "tpu.region"() ({
      %run_scoped3A = tpu.sem_alloc : memref<!tpu.dma_semaphore, #tpu.memory_space<semaphore_mem>>
      %dma_start3A = tpu.memref_slice %arg5[%mul3A_24] : memref<65536xf32, #tpu.memory_space<hbm>> -> memref<2048xf32, #tpu.memory_space<hbm>>
      %dma_start3A_25 = tpu.memref_slice %arg5[%mul3A_24] : memref<65536xf32, #tpu.memory_space<hbm>> -> memref<2048xf32, #tpu.memory_space<hbm>>
      tpu.enqueue_dma source(%arg12 : memref<2048xf32, #tpu.memory_space<vmem>>) target(%dma_start3A_25 : memref<2048xf32, #tpu.memory_space<hbm>>) target_semaphore(%run_scoped3A : memref<!tpu.dma_semaphore, #tpu.memory_space<semaphore_mem>>)
      %dma_wait3A = tpu.memref_slice %arg5[%mul3A_24] : memref<65536xf32, #tpu.memory_space<hbm>> -> memref<2048xf32, #tpu.memory_space<hbm>>
      %dma_wait3A_26 = tpu.memref_slice %arg5[%mul3A_24] : memref<65536xf32, #tpu.memory_space<hbm>> -> memref<2048xf32, #tpu.memory_space<hbm>>
      tpu.wait_dma2 semaphore(%run_scoped3A : memref<!tpu.dma_semaphore, #tpu.memory_space<semaphore_mem>>) src(%arg12 : memref<2048xf32, #tpu.memory_space<vmem>>) dst(%dma_wait3A_26 : memref<2048xf32, #tpu.memory_space<hbm>>)
      tpu.yield
    }) : () -> ()
    return
  }
}

module attributes {stable_mosaic.version = 14 : i64} {
  func.func @_proj_body(%arg0: i32, %arg1: memref<8192x64xf32, #tpu.memory_space<vmem>>, %arg2: memref<1024x128xf32, #tpu.memory_space<vmem>>, %arg3: memref<512x128xf32, #tpu.memory_space<vmem>>) attributes {dimension_semantics = [#tpu.dimension_semantics<arbitrary>], iteration_bounds = array<i64: 13>, scalar_prefetch = 0 : i64, scratch_operands = 0 : i64, tpu.core_type = #tpu.core_type<tc>, window_params = [{transform_indices = @transform_0, window_bounds = array<i64: 8192, 64>}, {pipeline_mode = #tpu.pipeline_mode<synchronous>, transform_indices = @transform_1, window_bounds = array<i64: 1024, 128>}, {transform_indices = @transform_2, window_bounds = array<i64: 512, 128>}]} {
    %get3A = arith.constant 0 : index
    %get3A_0 = arith.constant 0 : index
    %get3A_1 = vector.load %arg1[%get3A, %get3A_0] : memref<8192x64xf32, #tpu.memory_space<vmem>>, vector<8192x64xf32>
    %reshape3A = vector.shape_cast %get3A_1 : vector<8192x64xf32> to vector<512x16x64xf32>
    %slice3A = vector.extract_strided_slice %reshape3A {offsets = [0, 0, 0], sizes = [512, 1, 64], strides = [1, 1, 1]} : vector<512x16x64xf32> to vector<512x1x64xf32>
    %squeeze3A = vector.shape_cast %slice3A : vector<512x1x64xf32> to vector<512x64xf32>
    %get3A_2 = arith.constant 0 : index
    %get3A_3 = arith.constant 0 : index
    %get3A_4 = vector.load %arg2[%get3A_2, %get3A_3] : memref<1024x128xf32, #tpu.memory_space<vmem>>, vector<64x128xf32>
    %dot_general3A = arith.constant dense<0.000000e+00> : vector<512x128xf32>
    %dot_general3A_5 = tpu.matmul %squeeze3A, %get3A_4, %dot_general3A {dimension_numbers = #tpu.dot_dimension_numbers<[1], [0], [0], [1], [0, 0, 1, 1], [], []>, transpose_lhs_hint = false} : vector<512x64xf32>, vector<64x128xf32>, vector<512x128xf32> -> vector<512x128xf32>
    %slice3A_6 = vector.extract_strided_slice %reshape3A {offsets = [0, 1, 0], sizes = [512, 1, 64], strides = [1, 1, 1]} : vector<512x16x64xf32> to vector<512x1x64xf32>
    %squeeze3A_7 = vector.shape_cast %slice3A_6 : vector<512x1x64xf32> to vector<512x64xf32>
    %get3A_8 = arith.constant 64 : index
    %get3A_9 = arith.constant 0 : index
    %get3A_10 = vector.load %arg2[%get3A_8, %get3A_9] : memref<1024x128xf32, #tpu.memory_space<vmem>>, vector<64x128xf32>
    %dot_general3A_11 = arith.constant dense<0.000000e+00> : vector<512x128xf32>
    %dot_general3A_12 = tpu.matmul %squeeze3A_7, %get3A_10, %dot_general3A_11 {dimension_numbers = #tpu.dot_dimension_numbers<[1], [0], [0], [1], [0, 0, 1, 1], [], []>, transpose_lhs_hint = false} : vector<512x64xf32>, vector<64x128xf32>, vector<512x128xf32> -> vector<512x128xf32>
    %add3A = arith.addf %dot_general3A_5, %dot_general3A_12 : vector<512x128xf32>
    %slice3A_13 = vector.extract_strided_slice %reshape3A {offsets = [0, 2, 0], sizes = [512, 1, 64], strides = [1, 1, 1]} : vector<512x16x64xf32> to vector<512x1x64xf32>
    %squeeze3A_14 = vector.shape_cast %slice3A_13 : vector<512x1x64xf32> to vector<512x64xf32>
    %get3A_15 = arith.constant 128 : index
    %get3A_16 = arith.constant 0 : index
    %get3A_17 = vector.load %arg2[%get3A_15, %get3A_16] : memref<1024x128xf32, #tpu.memory_space<vmem>>, vector<64x128xf32>
    %dot_general3A_18 = arith.constant dense<0.000000e+00> : vector<512x128xf32>
    %dot_general3A_19 = tpu.matmul %squeeze3A_14, %get3A_17, %dot_general3A_18 {dimension_numbers = #tpu.dot_dimension_numbers<[1], [0], [0], [1], [0, 0, 1, 1], [], []>, transpose_lhs_hint = false} : vector<512x64xf32>, vector<64x128xf32>, vector<512x128xf32> -> vector<512x128xf32>
    %add3A_20 = arith.addf %add3A, %dot_general3A_19 : vector<512x128xf32>
    %slice3A_21 = vector.extract_strided_slice %reshape3A {offsets = [0, 3, 0], sizes = [512, 1, 64], strides = [1, 1, 1]} : vector<512x16x64xf32> to vector<512x1x64xf32>
    %squeeze3A_22 = vector.shape_cast %slice3A_21 : vector<512x1x64xf32> to vector<512x64xf32>
    %get3A_23 = arith.constant 192 : index
    %get3A_24 = arith.constant 0 : index
    %get3A_25 = vector.load %arg2[%get3A_23, %get3A_24] : memref<1024x128xf32, #tpu.memory_space<vmem>>, vector<64x128xf32>
    %dot_general3A_26 = arith.constant dense<0.000000e+00> : vector<512x128xf32>
    %dot_general3A_27 = tpu.matmul %squeeze3A_22, %get3A_25, %dot_general3A_26 {dimension_numbers = #tpu.dot_dimension_numbers<[1], [0], [0], [1], [0, 0, 1, 1], [], []>, transpose_lhs_hint = false} : vector<512x64xf32>, vector<64x128xf32>, vector<512x128xf32> -> vector<512x128xf32>
    %add3A_28 = arith.addf %add3A_20, %dot_general3A_27 : vector<512x128xf32>
    %slice3A_29 = vector.extract_strided_slice %reshape3A {offsets = [0, 4, 0], sizes = [512, 1, 64], strides = [1, 1, 1]} : vector<512x16x64xf32> to vector<512x1x64xf32>
    %squeeze3A_30 = vector.shape_cast %slice3A_29 : vector<512x1x64xf32> to vector<512x64xf32>
    %get3A_31 = arith.constant 256 : index
    %get3A_32 = arith.constant 0 : index
    %get3A_33 = vector.load %arg2[%get3A_31, %get3A_32] : memref<1024x128xf32, #tpu.memory_space<vmem>>, vector<64x128xf32>
    %dot_general3A_34 = arith.constant dense<0.000000e+00> : vector<512x128xf32>
    %dot_general3A_35 = tpu.matmul %squeeze3A_30, %get3A_33, %dot_general3A_34 {dimension_numbers = #tpu.dot_dimension_numbers<[1], [0], [0], [1], [0, 0, 1, 1], [], []>, transpose_lhs_hint = false} : vector<512x64xf32>, vector<64x128xf32>, vector<512x128xf32> -> vector<512x128xf32>
    %add3A_36 = arith.addf %add3A_28, %dot_general3A_35 : vector<512x128xf32>
    %slice3A_37 = vector.extract_strided_slice %reshape3A {offsets = [0, 5, 0], sizes = [512, 1, 64], strides = [1, 1, 1]} : vector<512x16x64xf32> to vector<512x1x64xf32>
    %squeeze3A_38 = vector.shape_cast %slice3A_37 : vector<512x1x64xf32> to vector<512x64xf32>
    %get3A_39 = arith.constant 320 : index
    %get3A_40 = arith.constant 0 : index
    %get3A_41 = vector.load %arg2[%get3A_39, %get3A_40] : memref<1024x128xf32, #tpu.memory_space<vmem>>, vector<64x128xf32>
    %dot_general3A_42 = arith.constant dense<0.000000e+00> : vector<512x128xf32>
    %dot_general3A_43 = tpu.matmul %squeeze3A_38, %get3A_41, %dot_general3A_42 {dimension_numbers = #tpu.dot_dimension_numbers<[1], [0], [0], [1], [0, 0, 1, 1], [], []>, transpose_lhs_hint = false} : vector<512x64xf32>, vector<64x128xf32>, vector<512x128xf32> -> vector<512x128xf32>
    %add3A_44 = arith.addf %add3A_36, %dot_general3A_43 : vector<512x128xf32>
    %slice3A_45 = vector.extract_strided_slice %reshape3A {offsets = [0, 6, 0], sizes = [512, 1, 64], strides = [1, 1, 1]} : vector<512x16x64xf32> to vector<512x1x64xf32>
    %squeeze3A_46 = vector.shape_cast %slice3A_45 : vector<512x1x64xf32> to vector<512x64xf32>
    %get3A_47 = arith.constant 384 : index
    %get3A_48 = arith.constant 0 : index
    %get3A_49 = vector.load %arg2[%get3A_47, %get3A_48] : memref<1024x128xf32, #tpu.memory_space<vmem>>, vector<64x128xf32>
    %dot_general3A_50 = arith.constant dense<0.000000e+00> : vector<512x128xf32>
    %dot_general3A_51 = tpu.matmul %squeeze3A_46, %get3A_49, %dot_general3A_50 {dimension_numbers = #tpu.dot_dimension_numbers<[1], [0], [0], [1], [0, 0, 1, 1], [], []>, transpose_lhs_hint = false} : vector<512x64xf32>, vector<64x128xf32>, vector<512x128xf32> -> vector<512x128xf32>
    %add3A_52 = arith.addf %add3A_44, %dot_general3A_51 : vector<512x128xf32>
    %slice3A_53 = vector.extract_strided_slice %reshape3A {offsets = [0, 7, 0], sizes = [512, 1, 64], strides = [1, 1, 1]} : vector<512x16x64xf32> to vector<512x1x64xf32>
    %squeeze3A_54 = vector.shape_cast %slice3A_53 : vector<512x1x64xf32> to vector<512x64xf32>
    %get3A_55 = arith.constant 448 : index
    %get3A_56 = arith.constant 0 : index
    %get3A_57 = vector.load %arg2[%get3A_55, %get3A_56] : memref<1024x128xf32, #tpu.memory_space<vmem>>, vector<64x128xf32>
    %dot_general3A_58 = arith.constant dense<0.000000e+00> : vector<512x128xf32>
    %dot_general3A_59 = tpu.matmul %squeeze3A_54, %get3A_57, %dot_general3A_58 {dimension_numbers = #tpu.dot_dimension_numbers<[1], [0], [0], [1], [0, 0, 1, 1], [], []>, transpose_lhs_hint = false} : vector<512x64xf32>, vector<64x128xf32>, vector<512x128xf32> -> vector<512x128xf32>
    %add3A_60 = arith.addf %add3A_52, %dot_general3A_59 : vector<512x128xf32>
    %slice3A_61 = vector.extract_strided_slice %reshape3A {offsets = [0, 8, 0], sizes = [512, 1, 64], strides = [1, 1, 1]} : vector<512x16x64xf32> to vector<512x1x64xf32>
    %squeeze3A_62 = vector.shape_cast %slice3A_61 : vector<512x1x64xf32> to vector<512x64xf32>
    %get3A_63 = arith.constant 512 : index
    %get3A_64 = arith.constant 0 : index
    %get3A_65 = vector.load %arg2[%get3A_63, %get3A_64] : memref<1024x128xf32, #tpu.memory_space<vmem>>, vector<64x128xf32>
    %dot_general3A_66 = arith.constant dense<0.000000e+00> : vector<512x128xf32>
    %dot_general3A_67 = tpu.matmul %squeeze3A_62, %get3A_65, %dot_general3A_66 {dimension_numbers = #tpu.dot_dimension_numbers<[1], [0], [0], [1], [0, 0, 1, 1], [], []>, transpose_lhs_hint = false} : vector<512x64xf32>, vector<64x128xf32>, vector<512x128xf32> -> vector<512x128xf32>
    %add3A_68 = arith.addf %add3A_60, %dot_general3A_67 : vector<512x128xf32>
    %slice3A_69 = vector.extract_strided_slice %reshape3A {offsets = [0, 9, 0], sizes = [512, 1, 64], strides = [1, 1, 1]} : vector<512x16x64xf32> to vector<512x1x64xf32>
    %squeeze3A_70 = vector.shape_cast %slice3A_69 : vector<512x1x64xf32> to vector<512x64xf32>
    %get3A_71 = arith.constant 576 : index
    %get3A_72 = arith.constant 0 : index
    %get3A_73 = vector.load %arg2[%get3A_71, %get3A_72] : memref<1024x128xf32, #tpu.memory_space<vmem>>, vector<64x128xf32>
    %dot_general3A_74 = arith.constant dense<0.000000e+00> : vector<512x128xf32>
    %dot_general3A_75 = tpu.matmul %squeeze3A_70, %get3A_73, %dot_general3A_74 {dimension_numbers = #tpu.dot_dimension_numbers<[1], [0], [0], [1], [0, 0, 1, 1], [], []>, transpose_lhs_hint = false} : vector<512x64xf32>, vector<64x128xf32>, vector<512x128xf32> -> vector<512x128xf32>
    %add3A_76 = arith.addf %add3A_68, %dot_general3A_75 : vector<512x128xf32>
    %slice3A_77 = vector.extract_strided_slice %reshape3A {offsets = [0, 10, 0], sizes = [512, 1, 64], strides = [1, 1, 1]} : vector<512x16x64xf32> to vector<512x1x64xf32>
    %squeeze3A_78 = vector.shape_cast %slice3A_77 : vector<512x1x64xf32> to vector<512x64xf32>
    %get3A_79 = arith.constant 640 : index
    %get3A_80 = arith.constant 0 : index
    %get3A_81 = vector.load %arg2[%get3A_79, %get3A_80] : memref<1024x128xf32, #tpu.memory_space<vmem>>, vector<64x128xf32>
    %dot_general3A_82 = arith.constant dense<0.000000e+00> : vector<512x128xf32>
    %dot_general3A_83 = tpu.matmul %squeeze3A_78, %get3A_81, %dot_general3A_82 {dimension_numbers = #tpu.dot_dimension_numbers<[1], [0], [0], [1], [0, 0, 1, 1], [], []>, transpose_lhs_hint = false} : vector<512x64xf32>, vector<64x128xf32>, vector<512x128xf32> -> vector<512x128xf32>
    %add3A_84 = arith.addf %add3A_76, %dot_general3A_83 : vector<512x128xf32>
    %slice3A_85 = vector.extract_strided_slice %reshape3A {offsets = [0, 11, 0], sizes = [512, 1, 64], strides = [1, 1, 1]} : vector<512x16x64xf32> to vector<512x1x64xf32>
    %squeeze3A_86 = vector.shape_cast %slice3A_85 : vector<512x1x64xf32> to vector<512x64xf32>
    %get3A_87 = arith.constant 704 : index
    %get3A_88 = arith.constant 0 : index
    %get3A_89 = vector.load %arg2[%get3A_87, %get3A_88] : memref<1024x128xf32, #tpu.memory_space<vmem>>, vector<64x128xf32>
    %dot_general3A_90 = arith.constant dense<0.000000e+00> : vector<512x128xf32>
    %dot_general3A_91 = tpu.matmul %squeeze3A_86, %get3A_89, %dot_general3A_90 {dimension_numbers = #tpu.dot_dimension_numbers<[1], [0], [0], [1], [0, 0, 1, 1], [], []>, transpose_lhs_hint = false} : vector<512x64xf32>, vector<64x128xf32>, vector<512x128xf32> -> vector<512x128xf32>
    %add3A_92 = arith.addf %add3A_84, %dot_general3A_91 : vector<512x128xf32>
    %slice3A_93 = vector.extract_strided_slice %reshape3A {offsets = [0, 12, 0], sizes = [512, 1, 64], strides = [1, 1, 1]} : vector<512x16x64xf32> to vector<512x1x64xf32>
    %squeeze3A_94 = vector.shape_cast %slice3A_93 : vector<512x1x64xf32> to vector<512x64xf32>
    %get3A_95 = arith.constant 768 : index
    %get3A_96 = arith.constant 0 : index
    %get3A_97 = vector.load %arg2[%get3A_95, %get3A_96] : memref<1024x128xf32, #tpu.memory_space<vmem>>, vector<64x128xf32>
    %dot_general3A_98 = arith.constant dense<0.000000e+00> : vector<512x128xf32>
    %dot_general3A_99 = tpu.matmul %squeeze3A_94, %get3A_97, %dot_general3A_98 {dimension_numbers = #tpu.dot_dimension_numbers<[1], [0], [0], [1], [0, 0, 1, 1], [], []>, transpose_lhs_hint = false} : vector<512x64xf32>, vector<64x128xf32>, vector<512x128xf32> -> vector<512x128xf32>
    %add3A_100 = arith.addf %add3A_92, %dot_general3A_99 : vector<512x128xf32>
    %slice3A_101 = vector.extract_strided_slice %reshape3A {offsets = [0, 13, 0], sizes = [512, 1, 64], strides = [1, 1, 1]} : vector<512x16x64xf32> to vector<512x1x64xf32>
    %squeeze3A_102 = vector.shape_cast %slice3A_101 : vector<512x1x64xf32> to vector<512x64xf32>
    %get3A_103 = arith.constant 832 : index
    %get3A_104 = arith.constant 0 : index
    %get3A_105 = vector.load %arg2[%get3A_103, %get3A_104] : memref<1024x128xf32, #tpu.memory_space<vmem>>, vector<64x128xf32>
    %dot_general3A_106 = arith.constant dense<0.000000e+00> : vector<512x128xf32>
    %dot_general3A_107 = tpu.matmul %squeeze3A_102, %get3A_105, %dot_general3A_106 {dimension_numbers = #tpu.dot_dimension_numbers<[1], [0], [0], [1], [0, 0, 1, 1], [], []>, transpose_lhs_hint = false} : vector<512x64xf32>, vector<64x128xf32>, vector<512x128xf32> -> vector<512x128xf32>
    %add3A_108 = arith.addf %add3A_100, %dot_general3A_107 : vector<512x128xf32>
    %slice3A_109 = vector.extract_strided_slice %reshape3A {offsets = [0, 14, 0], sizes = [512, 1, 64], strides = [1, 1, 1]} : vector<512x16x64xf32> to vector<512x1x64xf32>
    %squeeze3A_110 = vector.shape_cast %slice3A_109 : vector<512x1x64xf32> to vector<512x64xf32>
    %get3A_111 = arith.constant 896 : index
    %get3A_112 = arith.constant 0 : index
    %get3A_113 = vector.load %arg2[%get3A_111, %get3A_112] : memref<1024x128xf32, #tpu.memory_space<vmem>>, vector<64x128xf32>
    %dot_general3A_114 = arith.constant dense<0.000000e+00> : vector<512x128xf32>
    %dot_general3A_115 = tpu.matmul %squeeze3A_110, %get3A_113, %dot_general3A_114 {dimension_numbers = #tpu.dot_dimension_numbers<[1], [0], [0], [1], [0, 0, 1, 1], [], []>, transpose_lhs_hint = false} : vector<512x64xf32>, vector<64x128xf32>, vector<512x128xf32> -> vector<512x128xf32>
    %add3A_116 = arith.addf %add3A_108, %dot_general3A_115 : vector<512x128xf32>
    %slice3A_117 = vector.extract_strided_slice %reshape3A {offsets = [0, 15, 0], sizes = [512, 1, 64], strides = [1, 1, 1]} : vector<512x16x64xf32> to vector<512x1x64xf32>
    %squeeze3A_118 = vector.shape_cast %slice3A_117 : vector<512x1x64xf32> to vector<512x64xf32>
    %get3A_119 = arith.constant 960 : index
    %get3A_120 = arith.constant 0 : index
    %get3A_121 = vector.load %arg2[%get3A_119, %get3A_120] : memref<1024x128xf32, #tpu.memory_space<vmem>>, vector<64x128xf32>
    %dot_general3A_122 = arith.constant dense<0.000000e+00> : vector<512x128xf32>
    %dot_general3A_123 = tpu.matmul %squeeze3A_118, %get3A_121, %dot_general3A_122 {dimension_numbers = #tpu.dot_dimension_numbers<[1], [0], [0], [1], [0, 0, 1, 1], [], []>, transpose_lhs_hint = false} : vector<512x64xf32>, vector<64x128xf32>, vector<512x128xf32> -> vector<512x128xf32>
    %add3A_124 = arith.addf %add3A_116, %dot_general3A_123 : vector<512x128xf32>
    %swap3A = arith.constant 0 : index
    %swap3A_125 = arith.constant 0 : index
    %swap3A_126 = vector.load %arg3[%swap3A, %swap3A_125] : memref<512x128xf32, #tpu.memory_space<vmem>>, vector<512x128xf32>
    tpu.vector_store %arg3[%swap3A, %swap3A_125], %add3A_124 {strides = array<i32>} : memref<512x128xf32, #tpu.memory_space<vmem>>, vector<512x128xf32>,
    return
  }
  func.func @transform_0(%arg0: i32) -> (i32, i32) {
    %c0_i32 = arith.constant 0 : i32
    %c0_i32_0 = arith.constant 0 : i32
    return %arg0, %c0_i32 : i32, i32
  }
  func.func @transform_1(%arg0: i32) -> (i32, i32) {
    %c0_i32 = arith.constant 0 : i32
    %c0_i32_0 = arith.constant 0 : i32
    %c0_i32_1 = arith.constant 0 : i32
    return %c0_i32, %c0_i32_0 : i32, i32
  }
  func.func @transform_2(%arg0: i32) -> (i32, i32) {
    %c0_i32 = arith.constant 0 : i32
    %c0_i32_0 = arith.constant 0 : i32
    return %arg0, %c0_i32 : i32, i32
  }
}

</mosaic_0001>

<sc_bundles>
// kernel: kernel.4.cloned.1.call-start
scs
__scs_entry_jumppad:
0x0: {  	(pc) =	sbr.rel $0x88, $3  }
0x1: {  	(tag) =	ssettag $0x0;
	lr =	simm.s32 $0x1  }
0x2: {  	[smem:$0x3F9D] =	sst lr;
	_ =	strace $0xD0000000  }
0x3: {  	_ = 	snop  }
0x4: {  	_ = 	snop  }
0x5: {  	_ = 	snop  }
0x6: {  	_ = 	snop  }
0x7: {  	_ = 	snop  }
__scs_overlays_trampoline_lowered:
0x8: {  	[smem:$0x3FAC] =	sst s0  }
0x9: {  	[smem:$0x3FAD] =	sst s1  }
0xa: {  	[smem:$0x3FAE] =	sst s2  }
0xb: {  	[smem:$0x3FAF] =	sst s3  }
0xc: {  	[smem:$0x3FB0] =	sst s4  }
0xd: {  	[smem:$0x3FB1] =	sst s5  }
0xe: {  	[smem:$0x3FB2] =	sst s6  }
0xf: {  	[smem:$0x3FB3] =	sst s7  }
0x10: {  	[smem:$0x3FB4] =	sst s8  }
0x11: {  	[smem:$0x3FB5] =	sst s9;
	s0 =	simm.s32 @!p0 $0x0  }
0x12: {  	s1 =	sld [smem:$0x3F9B];
	s0 =	simm.s32 @p0 $0x1  }
0x13: {  	[smem:$0x3FB6] =	sst s0;
	s0 =	simm.s32 @!p1 $0x0  }
0x14: {  	s2 =	sld [smem:$0x3F9A];
	s0 =	simm.s32 @p1 $0x1  }
0x15: {  	[smem:$0x3FB7] =	sst s0;
	s0 =	simm.s32 @!p2 $0x0  }
0x16: {  	s3 =	sld [smem:$0x3FDB];
	s0 =	simm.s32 @p2 $0x1  }
0x17: {  	s4 =	simm.s32 $0x1BF5;
	[smem:$0x3FB9] =	sst s0  }
0x18: {  	s0 =	sld [smem:$0x3F9C];
	_ =	swait.ge [sflag:s4], $0x0  }
0x19: {  	s7 =	sld [smem:$0x3F9D]  }
0x1a: {  	s8 =	sadd.s32 $0xFFFFE003, lr  }
0x1b: {  	s9 =	sadd.s32 $0xFFFFFEF7, lr;
	s5 =	simm.s32 $0xFFFFFFFF;
	p2 =	slt.u32 s8, $0xFFFFF086  }
0x1c: {  	p1 =	slt.u32 s9, $0xF7A;
	s5 =	simm.s32 @!p2 $0x0  }
0x1d: {  	s5 =	simm.s32 @p1 $0x1;
	p0 =	seq.s32 s7, s2  }
0x1e: {  	s7 =	smul.u32 @!p0 $0xF7A, s2;
	p2 =	seq.s32 @!p0 s5, $0x0  }
0x1f: {  	s9 =	smul.u32 $0xF7A, s1;
	s8 =	simm.s32 @!p0 $0x1BF5;
	p2 =	por !p2, p0  }
0x20: {  	[sflag:s8] =	ssyncset.s32 @!p0 $0xFFFFF086;
	s6 =	sadd.s32 @!p0 s3, s7;
	s7 =	simm.s32 @!p0 $0x108  }
0x21: {  	s3 =	sadd.s32 s3, s9;
	s6 =	sadd.s32 @!p0 $0x88, s6;
	s7 =	simm.s32 @p2 $0x1082  }
0x22: {  	[simem:s7], [sflag:s8] =	dma.local @!p0 [hbm:s6], $0xF7A  }
0x23: {  	s9 =	sor.u32 $0xD0000000, s2;
	s6 =	simm.s32 $0x108;
	_ =	swait.ge @!p0 [sflag:s8], $0x0  }
0x24: {  	s3 =	sadd.s32 $0x88, s3;
	s6 =	simm.s32 @!p1 $0x1082;
	[sflag:s4] =	ssyncset.s32 $0xFFFFF086  }
0x25: {  	[simem:s6], [sflag:s4] =	dma.local [hbm:s3], $0xF7A  }
0x26: {  	[smem:$0x3F9D] =	sst s1;
	(tag) =	ssettag s2;
	_ =	strace s9  }
0x27: {  	s1 =	sld [smem:$0x3FAD]  }
0x28: {  	s2 =	sld [smem:$0x3FAE]  }
0x29: {  	s4 =	sld [smem:$0x3FB0]  }
0x2a: {  	p0 =	seq.s32 s5, $0x0;
	s5 =	sld [smem:$0x3FB1]  }
0x2b: {  	s6 =	sld [smem:$0x3FB2]  }
0x2c: {  	s7 =	sld [smem:$0x3FB3]  }
0x2d: {  	s3 =	simm.s32 $0x108;
	s8 =	sld [smem:$0x3FB4]  }
0x2e: {  	s3 =	simm.s32 @!p0 $0x1082;
	s9 =	sld [smem:$0x3FB5]  }
0x2f: {  	lr =	sadd.s32 s0, s3;
	s0 =	sld [smem:$0x3FAC]  }
0x30: {  	s3 =	sld [smem:$0x3FAF]  }
0x31: {  	[smem:$0x3FB8] =	sst s10  }
0x32: {  	s10 =	sld [smem:$0x3FB6];
	_ =	sdelay $0x3  }
0x33: {  	p0 =	seq.s32 s10, $0x1;
	s10 =	sld [smem:$0x3FB8];
	_ =	sdelay $0x3  }
0x34: {  	[smem:$0x3FB8] =	sst s10  }
0x35: {  	s10 =	sld [smem:$0x3FB7];
	_ =	sdelay $0x3  }
0x36: {  	p1 =	seq.s32 s10, $0x1;
	s10 =	sld [smem:$0x3FB8];
	_ =	sdelay $0x3  }
0x37: {  	[smem:$0x3FB8] =	sst s10  }
0x38: {  	s10 =	sld [smem:$0x3FB9]  }
0x39: {  	_ = 	snop;
	(pc) =	sbr.ind lr, $3  }
0x3a: {  	_ = 	snop  }
0x3b: {  	_ = 	snop  }
0x3c: {  	p2 =	seq.s32 s10, $0x1;
	s10 =	sld [smem:$0x3FB8]  }
0x3d: {  	_ =	shalt  }
0x3e: {  	_ =	shalt  }
0x3f: {  	_ =	shalt  }
0x40: {  	_ =	shalt  }
0x41: {  	_ =	shalt  }
0x42: {  	_ =	shalt  }
0x43: {  	_ =	shalt  }
0x44: {  	_ =	shalt  }
0x45: {  	_ =	shalt  }
0x46: {  	_ =	shalt  }
0x47: {  	_ =	shalt  }
0x48: {  	_ =	shalt  }
0x49: {  	_ =	shalt  }
0x4a: {  	_ =	shalt  }
0x4b: {  	_ =	shalt  }
0x4c: {  	_ =	shalt  }
0x4d: {  	_ =	shalt  }
0x4e: {  	_ =	shalt  }
0x4f: {  	_ =	shalt  }
0x50: {  	_ =	shalt  }
0x51: {  	_ =	shalt  }
0x52: {  	_ =	shalt  }
0x53: {  	_ =	shalt  }
0x54: {  	_ =	shalt  }
0x55: {  	_ =	shalt  }
0x56: {  	_ =	shalt  }
0x57: {  	_ =	shalt  }
0x58: {  	_ =	shalt  }
0x59: {  	_ =	shalt  }
0x5a: {  	_ =	shalt  }
0x5b: {  	_ =	shalt  }
0x5c: {  	_ =	shalt  }
0x5d: {  	_ =	shalt  }
0x5e: {  	_ =	shalt  }
0x5f: {  	_ =	shalt  }
0x60: {  	_ =	shalt  }
0x61: {  	_ =	shalt  }
0x62: {  	_ =	shalt  }
0x63: {  	_ =	shalt  }
0x64: {  	_ =	shalt  }
0x65: {  	_ =	shalt  }
0x66: {  	_ =	shalt  }
0x67: {  	_ =	shalt  }
0x68: {  	_ =	shalt  }
0x69: {  	_ =	shalt  }
0x6a: {  	_ =	shalt  }
0x6b: {  	_ =	shalt  }
0x6c: {  	_ =	shalt  }
0x6d: {  	_ =	shalt  }
0x6e: {  	_ =	shalt  }
0x6f: {  	_ =	shalt  }
0x70: {  	_ =	shalt  }
0x71: {  	_ =	shalt  }
0x72: {  	_ =	shalt  }
0x73: {  	_ =	shalt  }
0x74: {  	_ =	shalt  }
0x75: {  	_ =	shalt  }
0x76: {  	_ =	shalt  }
0x77: {  	_ =	shalt  }
0x78: {  	_ =	shalt  }
0x79: {  	_ =	shalt  }
0x7a: {  	_ =	shalt  }
0x7b: {  	_ =	shalt  }
0x7c: {  	_ =	shalt  }
0x7d: {  	_ =	shalt  }
0x7e: {  	_ =	shalt  }
0x7f: {  	_ =	shalt  }
0x80: {  	_ =	shalt  }
0x81: {  	_ =	shalt  }
0x82: {  	_ =	shalt  }
0x83: {  	_ =	shalt  }
0x84: {  	_ =	shalt  }
0x85: {  	_ =	shalt  }
0x86: {  	_ =	shalt  }
0x87: {  	_ =	shalt  }
.Lfunc_end0:
.L_simem_size_0:
called_computation_lowered:
.L_overlay_start_0:
0x88: {  	s2 =	sld [smem:$0x3FD9]  }
0x89: {  	s3 =	sld [smem:$0x3FFE];
	_ =	sdelay $0x1  }
0x8a: {  	s1 =	srdreg.scid  }
0x8b: {  	s0 =	sand.u32 $0x1, s1  }
0x8c: {  	s17 =	sshll.u32 s0, $0xA;
	s2 =	sadd.s32 s3, s2  }
0x8d: {  	s2 =	sadd.s32 s2, s17  }
0x8e: {  	[smem:$0x3FC4] =	sst s2  }
0x8f: {  	_ = 	snop  }
0x90: {  	s2 =	sld [smem:$0x3FD0];
	(tm) =	ssettm $0x1  }
0x91: {  	s18 =	sld [smem:$0x3FFB];
	_ =	sdelay $0x3  }
0x92: {  	_ =	strace s18  }
0x93: {  	s3 =	sld [smem:$0x3FFC];
	_ =	sdelay $0x3  }
0x94: {  	_ =	strace s3  }
0x95: {  	s3 =	sld [smem:$0x3FFD];
	_ =	sdelay $0x3  }
0x96: {  	_ =	strace s3  }
0x97: {  	_ =	strace $0x8FFFFFFF  }
0x98: {  	s19 =	sld [smem:$0x3FDB];
	_ =	sdelay $0x1  }
0x99: {  	s4 =	simm.s32 $_scs_section_size  }
0x9a: {  	s5 =	simm.s32 $_size__tile_overlayer_lowered;
	s6 =	simm.s32 $_tile_overlayer_lowered  }
0x9b: {  	s22 =	simm.s32 $0x1BFF;
	s21 =	sshll.u32 s6, $0x1;
	s3 =	sadd.s32 s4, s19  }
0x9c: {  	s7 =	simm.s32 $0x0;
	s20 =	sshll.u32 s5, $0x1;
	s5 =	sadd.s32 s21, s3  }
0x9d: {  	[timem:s7], [sflag:s22] =	dma.local [hbm:s5], s20  }
0x9e: {  	_ =	swait.ge [sflag:s22], s20  }
0x9f: {  	s4 =	ssub.s32 $0x0, s20;
	[sflag:s22] =	ssyncset.done $0x0  }
0xa0: {  	[sflag:s22] =	ssyncadd.s32 s4;
	_ =	sdelay $0x1  }
0xa1: {  	s23 =	simm.s32 $0x1B8B  }
0xa2: {  	_ =	swait.ge [sflag:s23], $0x1  }
0xa3: {  	[sflag:s23] =	ssyncset.done $0x0  }
0xa4: {  	s25 =	simm.s32 $0x1B8E;
	s24 =	sld [smem:$0x3FFE];
	[sflag:s23] =	ssyncadd.s32 $0xFFFFFFFF  }
0xa5: {  	s26 =	simm.s32 $execute0_lowered;
	[smem:$0x3FD2] =	sst s25  }
0xa6: {  	s5 =	sshll.u32 s26, $0x1;
	_ =	strace $0x80000046;
	[dreg:$0x1] =	wrdreg $0xFFFFFFFF  }
0xa7: {  	s28 =	simm.s32 $_size_execute0_lowered;
	s3 =	sadd.s32 s3, s5;
	[dreg:$0x0] =	wrdreg $0x0  }
0xa8: {  	s5 =	sshll.u32 s28, $0x1;
	[dreg:$0x2] =	wrdreg s3  }
0xa9: {  	[dreg:$0x3] =	wrdreg s5  }
0xaa: {  	[dreg:$0x4] =	wrdreg $0xC0  }
0xab: {  	_ =	task [dreg:s7], $0x5FFFF  }
0xac: {  	[dreg:$0x1] =	wrdreg $0xFFFFFFFF  }
0xad: {  	[dreg:$0x0] =	wrdreg $0x60  }
0xae: {  	[dreg:$0x2] =	wrdreg s24  }
0xaf: {  	[dreg:$0x3] =	wrdreg s2  }
0xb0: {  	[dreg:$0x4] =	wrdreg $0x98200  }
0xb1: {  	[dreg:$0x5] =	wrdreg $0x9  }
0xb2: {  	_ =	task.clear_ibuf [dreg:s7], $0x6FFFF;
	_ =	strace $0x90000046  }
0xb3: {  	s29 =	simm.s32 $0x9;
	_ =	strace $0x80000048  }
0xb4: {  	_ =	swait.ge [sflag:s29], $0x1  }
0xb5: {  	[sflag:s29] =	ssyncadd.s32 $0xFFFFFFFF  }
0xb6: {  	_ =	strace $0x90000048  }
0xb7: {  	_ =	sfence  }
0xb8: {  	s30 =	sld [smem:$0x0];
	_ =	sdelay $0x2  }
0xb9: {  	s31 =	sshll.u32 s1, $0xD;
	s1 =	sshrl.u32 s1, $0x2  }
0xba: {  	s3 =	sand.u32 $0x4000, s31;
	s1 =	sadd.s32 s1, s30  }
0xbb: {  	s0 =	sor.u32 s3, s0;
	s1 =	sshll.u32 s1, $0x11  }
0xbc: {  	s0 =	sor.u32 s1, s0  }
0xbd: {  	s0 =	sadd.s32 $0x8F2B, s0  }
0xbe: {  	[sflag:s0] =	ssyncadd.remote.s32 $0x1  }
0xbf: {  	_ =	sfence.sel $0xFFFF  }
0xc0: {  	[dreg:$0x0] =	wrdreg $0xFFFFFFFF;
	(pc) =	sbr.abs _section_cstart, $3  }
0xc1: {  	[dreg:$0x1] =	wrdreg $0xFFFFFFFF  }
0xc2: {  	_ =	task.clear_ibuf [dreg:s7], $0x2FFFF;
	_ =	strace $0x9FFFFFFF  }
0xc3: {  	(tm) =	ssettm $0x7FFFFFFF  }
tec
execute0_lowered:
.L_overlay_start_1:
0x0: {  	(tag) =	ssettag $0x1  }
0x1: {  	s6 =	rddreg [dreg:$0x0]  }
0x2: {  	v2 =	vlaneseq.u32;
	s0 =	rddreg [dreg:$0x1]  }
0x3: {  	s2 =	rddreg [dreg:$0x2];
	s4 =	simm.s32 $0x0;
	v0 =	vand.u32 $0x7, v2  }
0x4: {  	v3 =	vor.u32 $0x10, v2;
	[smem:$0x7FF] =	sst s4;
	[tilespmem:$0x1FC70] =	vst v0  }
0x5: {  	s1 =	rddreg [dreg:$0x3];
	v4 =	vor.u32 $0x20, v2;
	_ =	strace $0x80000047;
	[tilespmem:$0x1FC80] =	vst v3  }
0x6: {  	v5 =	vor.u32 $0x30, v2;
	[tilespmem:$0x1FC90] =	vst v4  }
0x7: {  	v6 =	vor.u32 $0x40, v2;
	[tilespmem:$0x1FCA0] =	vst v5  }
0x8: {  	v7 =	vor.u32 $0x50, v2;
	[tilespmem:$0x1FCB0] =	vst v6  }
0x9: {  	v8 =	vor.u32 $0x60, v2;
	[tilespmem:$0x1FCC0] =	vst v7  }
0xa: {  	v9 =	vor.u32 $0x70, v2;
	[tilespmem:$0x1FCD0] =	vst v8  }
0xb: {  	v10 =	vor.u32 $0x80, v2;
	[tilespmem:$0x1FCE0] =	vst v9  }
0xc: {  	v11 =	vor.u32 $0x90, v2;
	[tilespmem:$0x1FCF0] =	vst v10  }
0xd: {  	v12 =	vor.u32 $0xA0, v2;
	[tilespmem:$0x1FD00] =	vst v11  }
0xe: {  	v13 =	vor.u32 $0xB0, v2;
	[tilespmem:$0x1FD10] =	vst v12  }
0xf: {  	v14 =	vor.u32 $0xC0, v2;
	[tilespmem:$0x1FD20] =	vst v13  }
0x10: {  	v23 =	vor.u32 $0xD0, v2;
	[tilespmem:$0x1FD30] =	vst v14  }
0x11: {  	v25 =	vor.u32 $0xE0, v2;
	[tilespmem:$0x1FD40] =	vst v23  }
0x12: {  	v26 =	vor.u32 $0xF0, v2;
	[tilespmem:$0x1FD50] =	vst v25  }
0x13: {  	v27 =	vor.u32 $0x100, v2;
	[tilespmem:$0x1FD60] =	vst v26  }
0x14: {  	v28 =	vor.u32 $0x110, v2;
	[tilespmem:$0x1FD70] =	vst v27  }
0x15: {  	v29 =	vor.u32 $0x120, v2;
	[tilespmem:$0x1FD80] =	vst v28  }
0x16: {  	v30 =	vor.u32 $0x130, v2;
	[tilespmem:$0x1FD90] =	vst v29  }
0x17: {  	v31 =	vor.u32 $0x140, v2;
	[tilespmem:$0x1FDA0] =	vst v30  }
0x18: {  	v33 =	vor.u32 $0x150, v2;
	[tilespmem:$0x1FDB0] =	vst v31  }
0x19: {  	v34 =	vor.u32 $0x160, v2;
	[tilespmem:$0x1FDC0] =	vst v33  }
0x1a: {  	v35 =	vor.u32 $0x170, v2;
	[tilespmem:$0x1FDD0] =	vst v34  }
0x1b: {  	v36 =	vor.u32 $0x180, v2;
	[tilespmem:$0x1FDE0] =	vst v35  }
0x1c: {  	v37 =	vor.u32 $0x190, v2;
	[tilespmem:$0x1FDF0] =	vst v36  }
0x1d: {  	v38 =	vor.u32 $0x1A0, v2;
	[tilespmem:$0x1FE00] =	vst v37  }
0x1e: {  	v39 =	vor.u32 $0x1B0, v2;
	[tilespmem:$0x1FE10] =	vst v38  }
0x1f: {  	v40 =	vor.u32 $0x1C0, v2;
	[tilespmem:$0x1FE20] =	vst v39  }
0x20: {  	v41 =	vor.u32 $0x1D0, v2;
	[tilespmem:$0x1FE30] =	vst v40  }
0x21: {  	v42 =	vor.u32 $0x1E0, v2;
	[tilespmem:$0x1FE40] =	vst v41  }
0x22: {  	v43 =	vor.u32 $0x1F0, v2;
	[tilespmem:$0x1FE50] =	vst v42  }
0x23: {  	v44 =	vor.u32 $0x200, v2;
	[tilespmem:$0x1FE60] =	vst v43  }
0x24: {  	v45 =	vor.u32 $0x210, v2;
	[tilespmem:$0x1FE70] =	vst v44  }
0x25: {  	v46 =	vor.u32 $0x220, v2;
	[tilespmem:$0x1FE80] =	vst v45  }
0x26: {  	v47 =	vor.u32 $0x230, v2;
	[tilespmem:$0x1FE90] =	vst v46  }
0x27: {  	v48 =	vor.u32 $0x240, v2;
	[tilespmem:$0x1FEA0] =	vst v47  }
0x28: {  	v49 =	vor.u32 $0x250, v2;
	[tilespmem:$0x1FEB0] =	vst v48  }
0x29: {  	v50 =	vor.u32 $0x260, v2;
	[tilespmem:$0x1FEC0] =	vst v49  }
0x2a: {  	v51 =	vor.u32 $0x270, v2;
	[tilespmem:$0x1FED0] =	vst v50  }
0x2b: {  	v52 =	vor.u32 $0x280, v2;
	[tilespmem:$0x1FEE0] =	vst v51  }
0x2c: {  	v53 =	vor.u32 $0x290, v2;
	[tilespmem:$0x1FEF0] =	vst v52  }
0x2d: {  	v54 =	vor.u32 $0x2A0, v2;
	[tilespmem:$0x1FF00] =	vst v53  }
0x2e: {  	v55 =	vor.u32 $0x2B0, v2;
	[tilespmem:$0x1FF10] =	vst v54  }
0x2f: {  	v56 =	vor.u32 $0x2C0, v2;
	[tilespmem:$0x1FF20] =	vst v55  }
0x30: {  	s5 =	srdreg.scid;
	s3 =	stileid.u32;
	s14 =	simm.s32 $0x8FC0;
	v19 =	vor.u32 $0x2D0, v2;
	[tilespmem:$0x1FF30] =	vst v56  }
0x31: {  	s15 =	simm.s32 $0x70;
	s16 =	simm.s32 $0x8000;
	s17 =	simm.s32 $0x81C0;
	v20 =	vor.u32 $0x2E0, v2;
	[tilespmem:$0x1FF40] =	vst v19  }
0x32: {  	s18 =	simm.s32 $0x8070;
	s19 =	simm.s32 $0x8540;
	s20 =	simm.s32 $0x80E0;
	v21 =	vor.u32 $0x2F0, v2;
	[tilespmem:$0x1FF50] =	vst v20  }
0x33: {  	s21 =	simm.s32 $0x88C0;
	s22 =	simm.s32 $0x8150;
	s23 =	simm.s32 $0x8C40;
	v22 =	vor.u32 $0x300, v2;
	[tilespmem:$0x1FF60] =	vst v21  }
0x34: {  	s24 =	simm.s32 $0x1;
	s25 =	simm.s32 $0x9010;
	s26 =	simm.s32 $0x9020;
	v24 =	vor.u32 $0x310, v2;
	[tilespmem:$0x1FF70] =	vst v22  }
0x35: {  	s28 =	simm.s32 $0x0;
	s7 =	sand.u32 $0x1, s5;
	s29 =	sshll.u32 s3, $0x1;
	v32 =	vor.u32 $0x320, v2;
	[tilespmem:$0x1FF80] =	vst v24  }
0x36: {  	s11 =	smul.u32 $0xC350, s3;
	s30 =	sshll.u32 s3, $0x6;
	v57 =	vor.u32 $0x330, v2;
	s8 =	sor.u32 s7, s29;
	[tilespmem:$0x1FF90] =	vst v32  }
0x37: {  	v58 =	vor.u32 $0x340, v2;
	s7 =	ssub.s32 $0x2, s7;
	s5 =	sshll.u32 s8, $0xC;
	s8 =	sshll.u32 s8, $0x8;
	[tilespmem:$0x1FFA0] =	vst v57  }
0x38: {  	v59 =	vor.u32 $0x350, v2;
	s10 =	sshrl.u32 s7, $0x1;
	s13 =	sadd.s32 s11, s2;
	s31 =	sshrl.u32 s11, $0x3;
	[tilespmem:$0x1FFB0] =	vst v58  }
0x39: {  	v61 =	vor.u32 $0x360, v2;
	[tilespmem:$0x1FFC0] =	vst v59;
	s9 =	sadd.s32 s5, s6;
	s5 =	sadd.s32 $0xC00, s6;
	s12 =	sadd.s32 s8, s6  }
0x3a: {  	v62 =	vor.u32 $0x370, v2;
	[tilespmem:$0x1FFD0] =	vst v61;
	s10 =	ssub.s32 s7, s10;
	s6 =	sor.u32 $0x1C02, s30;
	s11 =	sshrl.u32 s13, $0x3  }
0x3b: {  	v15 =	vor.u32 $0x8, v2;
	[tilespmem:$0x1FFE0] =	vst v62;
	s13 =	simm.s32 $0x9000;
	s7 =	sadd.s32 s5, s31;
	s8 =	sadd.s32 $0x187600, s9  }
0x3c: {  	[tilespmem:$0x1FFF0] =	vst v15;
	s9 =	sadd.s32 $0x1AC00, s12;
	s10 =	smax.u32 s10, $0x1;
	s12 =	simm.s32 $0x2  }
.LBB2_1:
0x3d: {  	[spmem:s11], [sflag:s6] =	dma.local [hbm:s7], $0x186A  }
0x3e: {  	_ =	swait.ge [sflag:s12], $0x186A  }
0x3f: {  	[sflag:s12] =	ssyncset.done $0x0  }
0x40: {  	[sflag:s12] =	ssyncadd.s32 $0xFFFFE796  }
0x41: {  	[tilespmem:s13], [sflag:$0x2] =	stream.linear.gather [hbm4b:s0+s4], $0x10, $0x38;
	[tilespmem:$0x15B70] =	vst v63  }
0x42: {  	_ =	swait.ge [sflag:s12], $0x10  }
0x43: {  	[sflag:s12] =	ssyncset.done $0x0  }
0x44: {  	[sflag:s12] =	ssyncadd.s32 $0xFFFFFFF0  }
0x45: {  	[tilespmem:s14], [sflag:$0x2] =	stream.linear.gather [hbm4b:s5+s4], $0x40, $0x38;
	[tilespmem:$0x15B70] =	vst v63  }
0x46: {  	_ =	swait.ge [sflag:s12], $0x40  }
0x47: {  	[sflag:s12] =	ssyncset.done $0x0  }
0x48: {  	[sflag:s12] =	ssyncadd.s32 $0xFFFFFFC0  }
0x49: {  	[tilespmem:s4], [sflag:$0x2] =	stream.linear.gather [hbm4b:s8+s4], $0x8000, $0x38;
	[tilespmem:$0x15B70] =	vst v63  }
0x4a: {  	_ =	swait.ge [sflag:s12], $0x8000  }
0x4b: {  	[sflag:s12] =	ssyncset.done $0x0  }
0x4c: {  	[sflag:s12] =	ssyncadd.s32 $0xFFFF8000  }
0x4d: {  	v0 =	vld [tilespmem:$0x9000];
	_ =	sdelay $0x4  }
0x4e: {  	[tilespmem:$0x1FC50] =	vst v0;
	v0 =	vld [tilespmem:$0x1FC70];
	_ =	sdelay $0x7  }
0x4f: {  	v0 =	vld.idx.msk [tilespmem:v0+s14+$0x0], $0xffff;
	_ =	sdelay $0x4  }
0x50: {  	[tilespmem:$0x1FC60] =	vst v0  }
0x51: {  	s29 =	simm.s32 $0x100;
	s30 =	simm.s32 $0x0;
	[bflag:$0x0] =	sbarrier.arrive $0xFFFF  }
.LBB2_2:
0x52: {  	v60 =	vld [tilespmem:s29+$0xFFFFFF00]  }
0x53: {  	v62 =	vld [tilespmem:s29+$0xFFFFFF10]  }
0x54: {  	v63 =	vld [tilespmem:s29+$0xFFFFFF20]  }
0x55: {  	v1 =	vld [tilespmem:s29+$0xFFFFFF30]  }
0x56: {  	v57 =	vld [tilespmem:s29+$0xFFFFFF40]  }
0x57: {  	v58 =	vld [tilespmem:s29+$0xFFFFFF50]  }
0x58: {  	v59 =	vld [tilespmem:s29+$0xFFFFFF60];
	vm0 =	vne.s32 v60, $0x0;
	vm1 =	vne.s32 v62, $0x0  }
0x59: {  	v15 =	vld [tilespmem:s29+$0xFFFFFF70];
	vm10 =	vne.s32 v63, $0x0;
	v61 =	vmpcnt.ones.xlane vm0;
	v0 =	vmpcnt.ones.xlane vm1  }
0x5a: {  	v17 =	vld [tilespmem:s29+$0xFFFFFF80];
	vm11 =	vne.s32 v1, $0x0;
	v16 =	vmpcnt.ones.xlane vm10  }
0x5b: {  	v18 =	vld [tilespmem:s29+$0xFFFFFF90];
	vm12 =	vne.s32 v57, $0x0;
	v32 =	vmpcnt.ones.xlane vm11;
	v0 =	vadd.s32 v61, v0  }
0x5c: {  	v19 =	vld [tilespmem:s29+$0xFFFFFFA0];
	vm13 =	vne.s32 v58, $0x0;
	v0 =	vadd.s32 v16, v0;
	v16 =	vmpcnt.ones.xlane vm12  }
0x5d: {  	v20 =	vld [tilespmem:s29+$0xFFFFFFB0];
	vm14 =	vne.s32 v59, $0x0;
	v0 =	vadd.s32 v32, v0;
	v32 =	vmpcnt.ones.xlane vm13  }
0x5e: {  	v21 =	vld [tilespmem:s29+$0xFFFFFFC0];
	vm15 =	vne.s32 v15, $0x0;
	v0 =	vadd.s32 v16, v0;
	v16 =	vmpcnt.ones.xlane vm14  }
0x5f: {  	v22 =	vld [tilespmem:s29+$0xFFFFFFD0];
	vm4 =	vne.s32 v17, $0x0;
	v0 =	vadd.s32 v32, v0;
	v32 =	vmpcnt.ones.xlane vm15  }
0x60: {  	vm5 =	vne.s32 v18, $0x0;
	v0 =	vadd.s32 v16, v0;
	v16 =	vmpcnt.ones.xlane vm4  }
0x61: {  	vm6 =	vne.s32 v19, $0x0;
	v0 =	vadd.s32 v32, v0;
	v32 =	vmpcnt.ones.xlane vm5  }
0x62: {  	vm7 =	vne.s32 v20, $0x0;
	v0 =	vadd.s32 v16, v0;
	v16 =	vmpcnt.ones.xlane vm6  }
0x63: {  	vm8 =	vne.s32 v21, $0x0;
	v0 =	vadd.s32 v32, v0;
	v32 =	vmpcnt.ones.xlane vm7  }
0x64: {  	vm9 =	vne.s32 v22, $0x0;
	v0 =	vadd.s32 v16, v0;
	v16 =	vmpcnt.ones.xlane vm8  }
0x65: {  	v0 =	vadd.s32 v32, v0;
	v32 =	vmpcnt.ones.xlane vm9  }
0x66: {  	v0 =	vadd.s32 v16, v0  }
0x67: {  	v61 =	vadd.s32 v32, v0  }
0x68: {  	vm10 =	vgt.s32 v61, v2  }
0x69: {  	vm11 =	vgt.s32 v61, v3;
	v0 =	vnsel vm10, $0x0, v60  }
0x6a: {  	vm12 =	vgt.s32 v61, v4;
	[tilespmem:$0x8000] =	vst v0;
	v0 =	vnsel vm11, $0x0, v62  }
0x6b: {  	vm13 =	vgt.s32 v61, v5;
	[tilespmem:$0x8010] =	vst v0;
	v0 =	vnsel vm12, $0x0, v63  }
0x6c: {  	vm14 =	vgt.s32 v61, v6;
	[tilespmem:$0x8020] =	vst v0;
	v0 =	vnsel vm13, $0x0, v1  }
0x6d: {  	vm15 =	vgt.s32 v61, v7;
	[tilespmem:$0x8030] =	vst v0;
	v0 =	vnsel vm14, $0x0, v57  }
0x6e: {  	vm4 =	vgt.s32 v61, v8;
	[tilespmem:$0x8040] =	vst v0;
	v0 =	vnsel vm15, $0x0, v58  }
0x6f: {  	vm5 =	vgt.s32 v61, v9;
	[tilespmem:$0x8050] =	vst v0;
	v0 =	vnsel vm4, $0x0, v59  }
0x70: {  	vm6 =	vgt.s32 v61, v10;
	[tilespmem:$0x8060] =	vst v0;
	v0 =	vnsel vm5, $0x0, v15  }
0x71: {  	vm7 =	vgt.s32 v61, v11;
	[tilespmem:$0x8070] =	vst v0;
	v0 =	vnsel vm6, $0x0, v17  }
0x72: {  	vm8 =	vgt.s32 v61, v12;
	[tilespmem:$0x8080] =	vst v0;
	v0 =	vnsel vm7, $0x0, v18  }
0x73: {  	vm9 =	vgt.s32 v61, v13;
	[tilespmem:$0x8090] =	vst v0;
	v0 =	vnsel vm8, $0x0, v19  }
0x74: {  	vm10 =	vgt.s32 v61, v14;
	[tilespmem:$0x80A0] =	vst v0;
	v0 =	vnsel vm9, $0x0, v20  }
0x75: {  	vm11 =	vgt.s32 v61, v23;
	[tilespmem:$0x80B0] =	vst v0;
	v0 =	vnsel vm10, $0x0, v21  }
0x76: {  	[tilespmem:$0x80C0] =	vst v0;
	v0 =	vnsel vm11, $0x0, v22  }
0x77: {  	[tilespmem:$0x80D0] =	vst v0  }
0x78: {  	[tilespmem:s17], [sflag:$0x1] =	stream.indirect.gather [spmem:s2], $0x8, s16, s15, $0xb8;
	[tilespmem:$0x15B70] =	vst v63  }
0x79: {  	_ = 	snop  }
0x7a: {  	[tilespmem:s19], [sflag:$0x1] =	stream.indirect.gather [spmem:s2], $0x8, s18, s15, $0xb8;
	[tilespmem:$0x15B70] =	vst v63  }
0x7b: {  	v0 =	vld [tilespmem:s29+$0x0]  }
0x7c: {  	v1 =	vld [tilespmem:s29+$0x10]  }
0x7d: {  	v15 =	vld [tilespmem:s29+$0x20]  }
0x7e: {  	v16 =	vld [tilespmem:s29+$0x30]  }
0x7f: {  	v17 =	vld [tilespmem:s29+$0x40]  }
0x80: {  	v18 =	vld [tilespmem:s29+$0x50]  }
0x81: {  	v19 =	vld [tilespmem:s29+$0x60];
	vm12 =	vne.s32 v0, $0x0;
	vm13 =	vne.s32 v1, $0x0  }
0x82: {  	v22 =	vld [tilespmem:s29+$0x70];
	vm14 =	vne.s32 v15, $0x0;
	v20 =	vmpcnt.ones.xlane vm12;
	v21 =	vmpcnt.ones.xlane vm13  }
0x83: {  	v58 =	vld [tilespmem:s29+$0x80];
	vm15 =	vne.s32 v16, $0x0;
	v63 =	vmpcnt.ones.xlane vm14  }
0x84: {  	v59 =	vld [tilespmem:s29+$0x90];
	vm4 =	vne.s32 v17, $0x0;
	v20 =	vadd.s32 v20, v21;
	v21 =	vmpcnt.ones.xlane vm15  }
0x85: {  	v62 =	vld [tilespmem:s29+$0xA0];
	vm5 =	vne.s32 v18, $0x0;
	v32 =	vmpcnt.ones.xlane vm4;
	v20 =	vadd.s32 v63, v20  }
0x86: {  	vm6 =	vne.s32 v19, $0x0;
	v63 =	vld [tilespmem:s29+$0xB0];
	v20 =	vadd.s32 v21, v20;
	v21 =	vmpcnt.ones.xlane vm5  }
0x87: {  	v23 =	vld [tilespmem:s29+$0xC0];
	vm7 =	vne.s32 v22, $0x0;
	v60 =	vmpcnt.ones.xlane vm6;
	v20 =	vadd.s32 v32, v20  }
0x88: {  	v24 =	vld [tilespmem:s29+$0xD0];
	vm8 =	vne.s32 v58, $0x0;
	v20 =	vadd.s32 v21, v20;
	v21 =	vmpcnt.ones.xlane vm7  }
0x89: {  	vm9 =	vne.s32 v59, $0x0;
	v32 =	vmpcnt.ones.xlane vm8;
	v20 =	vadd.s32 v60, v20  }
0x8a: {  	vm10 =	vne.s32 v62, $0x0;
	v20 =	vadd.s32 v21, v20;
	v21 =	vmpcnt.ones.xlane vm9  }
0x8b: {  	v60 =	vmpcnt.ones.xlane vm10;
	vm11 =	vne.s32 v63, $0x0;
	v20 =	vadd.s32 v32, v20  }
0x8c: {  	vm12 =	vne.s32 v23, $0x0;
	v20 =	vadd.s32 v21, v20;
	v21 =	vmpcnt.ones.xlane vm11  }
0x8d: {  	vm13 =	vne.s32 v24, $0x0;
	v32 =	vmpcnt.ones.xlane vm12;
	v20 =	vadd.s32 v60, v20  }
0x8e: {  	v20 =	vadd.s32 v21, v20;
	v21 =	vmpcnt.ones.xlane vm13  }
0x8f: {  	v20 =	vadd.s32 v32, v20  }
0x90: {  	v60 =	vadd.s32 v21, v20  }
0x91: {  	vm14 =	vgt.s32 v60, v2  }
0x92: {  	vm15 =	vgt.s32 v60, v3;
	v0 =	vnsel vm14, $0x0, v0  }
0x93: {  	vm4 =	vgt.s32 v60, v4;
	[tilespmem:$0x80E0] =	vst v0;
	v0 =	vnsel vm15, $0x0, v1  }
0x94: {  	vm5 =	vgt.s32 v60, v5;
	[tilespmem:$0x80F0] =	vst v0;
	v0 =	vnsel vm4, $0x0, v15  }
0x95: {  	vm6 =	vgt.s32 v60, v6;
	[tilespmem:$0x8100] =	vst v0;
	v0 =	vnsel vm5, $0x0, v16  }
0x96: {  	vm7 =	vgt.s32 v60, v7;
	[tilespmem:$0x8110] =	vst v0;
	v0 =	vnsel vm6, $0x0, v17  }
0x97: {  	vm8 =	vgt.s32 v60, v8;
	[tilespmem:$0x8120] =	vst v0;
	v0 =	vnsel vm7, $0x0, v18  }
0x98: {  	vm9 =	vgt.s32 v60, v9;
	[tilespmem:$0x8130] =	vst v0;
	v0 =	vnsel vm8, $0x0, v19  }
0x99: {  	vm10 =	vgt.s32 v60, v10;
	v1 =	vld [tilespmem:$0x1FD40];
	[tilespmem:$0x8140] =	vst v0;
	v0 =	vnsel vm9, $0x0, v22  }
0x9a: {  	vm11 =	vgt.s32 v60, v11;
	[tilespmem:$0x8150] =	vst v0;
	v0 =	vnsel vm10, $0x0, v58  }
0x9b: {  	vm12 =	vgt.s32 v60, v12;
	[tilespmem:$0x8160] =	vst v0;
	v0 =	vnsel vm11, $0x0, v59  }
0x9c: {  	vm13 =	vgt.s32 v60, v13;
	[tilespmem:$0x8170] =	vst v0;
	v0 =	vnsel vm12, $0x0, v62  }
0x9d: {  	vm14 =	vgt.s32 v60, v14;
	[tilespmem:$0x8180] =	vst v0;
	v0 =	vnsel vm13, $0x0, v63  }
0x9e: {  	vm15 =	vgt.s32 v60, v1;
	[tilespmem:$0x8190] =	vst v0;
	v0 =	vnsel vm14, $0x0, v23  }
0x9f: {  	[tilespmem:$0x81A0] =	vst v0;
	v0 =	vnsel vm15, $0x0, v24  }
0xa0: {  	[tilespmem:$0x81B0] =	vst v0  }
0xa1: {  	[tilespmem:s21], [sflag:$0x1] =	stream.indirect.gather [spmem:s2], $0x8, s20, s15, $0xb8;
	[tilespmem:$0x15B70] =	vst v63  }
0xa2: {  	_ = 	snop  }
0xa3: {  	[tilespmem:s23], [sflag:$0x1] =	stream.indirect.gather [spmem:s2], $0x8, s22, s15, $0xb8;
	[tilespmem:$0x15B70] =	vst v63  }
0xa4: {  	_ =	swait.ge [sflag:s24], $0x380  }
0xa5: {  	[sflag:s24] =	ssyncset.done $0x0  }
0xa6: {  	[sflag:s24] =	ssyncadd.s32 $0xFFFFFC80  }
0xa7: {  	_ =	swait.ge [sflag:s24], $0x380  }
0xa8: {  	[sflag:s24] =	ssyncset.done $0x0  }
0xa9: {  	[sflag:s24] =	ssyncadd.s32 $0xFFFFFC80  }
0xaa: {  	v0 =	vld.idx.msk [tilespmem:v2+s17+$0x0], $0xffff  }
0xab: {  	v1 =	vld.idx.msk [tilespmem:v3+s17+$0x0], $0xffff  }
0xac: {  	v15 =	vld.idx.msk [tilespmem:v4+s17+$0x0], $0xffff  }
0xad: {  	v16 =	vld.idx.msk [tilespmem:v5+s17+$0x0], $0xffff  }
0xae: {  	v17 =	vld.idx.msk [tilespmem:v6+s17+$0x0], $0xffff  }
0xaf: {  	v18 =	vld.idx.msk [tilespmem:v7+s17+$0x0], $0xffff  }
0xb0: {  	v19 =	vld.idx.msk [tilespmem:v8+s17+$0x0], $0xffff  }
0xb1: {  	v20 =	vld.idx.msk [tilespmem:v9+s17+$0x0], $0xffff  }
0xb2: {  	v21 =	vld.idx.msk [tilespmem:v10+s17+$0x0], $0xffff  }
0xb3: {  	v22 =	vld.idx.msk [tilespmem:v11+s17+$0x0], $0xffff  }
0xb4: {  	v23 =	vld.idx.msk [tilespmem:v12+s17+$0x0], $0xffff  }
0xb5: {  	v24 =	vld.idx.msk [tilespmem:v13+s17+$0x0], $0xffff  }
0xb6: {  	v57 =	vld.idx.msk [tilespmem:v14+s17+$0x0], $0xffff  }
0xb7: {  	v2 =	vld [tilespmem:$0x1FD40]  }
0xb8: {  	v59 =	vld.idx.msk [tilespmem:v25+s17+$0x0], $0xffff  }
0xb9: {  	v62 =	vld.idx.msk [tilespmem:v26+s17+$0x0], $0xffff  }
0xba: {  	v63 =	vld.idx.msk [tilespmem:v27+s17+$0x0], $0xffff  }
0xbb: {  	v25 =	vld.idx.msk [tilespmem:v28+s17+$0x0], $0xffff  }
0xbc: {  	v26 =	vld.idx.msk [tilespmem:v29+s17+$0x0], $0xffff  }
0xbd: {  	v27 =	vld.idx.msk [tilespmem:v30+s17+$0x0], $0xffff  }
0xbe: {  	v28 =	vld.idx.msk [tilespmem:v31+s17+$0x0], $0xffff  }
0xbf: {  	v29 =	vld.idx.msk [tilespmem:v33+s17+$0x0], $0xffff  }
0xc0: {  	v30 =	vld.idx.msk [tilespmem:v34+s17+$0x0], $0xffff  }
0xc1: {  	v31 =	vld.idx.msk [tilespmem:v35+s17+$0x0], $0xffff  }
0xc2: {  	v32 =	vld.idx.msk [tilespmem:v36+s17+$0x0], $0xffff  }
0xc3: {  	v33 =	vld.idx.msk [tilespmem:v37+s17+$0x0], $0xffff  }
0xc4: {  	v34 =	vld.idx.msk [tilespmem:v38+s17+$0x0], $0xffff  }
0xc5: {  	v35 =	vld.idx.msk [tilespmem:v39+s17+$0x0], $0xffff  }
0xc6: {  	v36 =	vld.idx.msk [tilespmem:v40+s17+$0x0], $0xffff  }
0xc7: {  	v37 =	vld.idx.msk [tilespmem:v41+s17+$0x0], $0xffff  }
0xc8: {  	v38 =	vld.idx.msk [tilespmem:v42+s17+$0x0], $0xffff  }
0xc9: {  	v39 =	vld.idx.msk [tilespmem:v43+s17+$0x0], $0xffff  }
0xca: {  	v40 =	vld.idx.msk [tilespmem:v44+s17+$0x0], $0xffff  }
0xcb: {  	v41 =	vld.idx.msk [tilespmem:v45+s17+$0x0], $0xffff  }
0xcc: {  	v42 =	vld.idx.msk [tilespmem:v46+s17+$0x0], $0xffff  }
0xcd: {  	v43 =	vld.idx.msk [tilespmem:v47+s17+$0x0], $0xffff  }
0xce: {  	v44 =	vld.idx.msk [tilespmem:v48+s17+$0x0], $0xffff  }
0xcf: {  	v45 =	vld.idx.msk [tilespmem:v49+s17+$0x0], $0xffff  }
0xd0: {  	v46 =	vld.idx.msk [tilespmem:v50+s17+$0x0], $0xffff  }
0xd1: {  	v47 =	vld.idx.msk [tilespmem:v51+s17+$0x0], $0xffff  }
0xd2: {  	v48 =	vld.idx.msk [tilespmem:v52+s17+$0x0], $0xffff  }
0xd3: {  	v49 =	vld.idx.msk [tilespmem:v53+s17+$0x0], $0xffff  }
0xd4: {  	v50 =	vld.idx.msk [tilespmem:v54+s17+$0x0], $0xffff  }
0xd5: {  	v51 =	vld.idx.msk [tilespmem:v55+s17+$0x0], $0xffff  }
0xd6: {  	v52 =	vld.idx.msk [tilespmem:v56+s17+$0x0], $0xffff  }
0xd7: {  	v3 =	vld [tilespmem:$0x1FF90]  }
0xd8: {  	v4 =	vld [tilespmem:$0x1FFA0];
	v9 =	vlaneseq.u32  }
0xd9: {  	v5 =	vld [tilespmem:$0x1FFB0]  }
0xda: {  	v6 =	vld [tilespmem:$0x1FFC0]  }
0xdb: {  	v7 =	vld [tilespmem:$0x1FFD0]  }
0xdc: {  	v8 =	vld [tilespmem:$0x1FFE0]  }
0xdd: {  	v11 =	vld.idx.msk [tilespmem:v9+s19+$0x0], $0xffff;
	v0 =	vadd.f32 $0.0e+00, v0  }
0xde: {  	v9 =	vld [tilespmem:$0x1FC80];
	v1 =	vadd.f32 $0.0e+00, v1  }
0xdf: {  	v15 =	vadd.f32 $0.0e+00, v15;
	v0 =	vadd.f32 v17, v0;
	v17 =	vld [tilespmem:$0x1FCE0]  }
0xe0: {  	v16 =	vadd.f32 $0.0e+00, v16;
	v1 =	vadd.f32 v18, v1;
	v18 =	vld [tilespmem:$0x1FCF0]  }
0xe1: {  	v15 =	vadd.f32 v19, v15;
	v19 =	vld [tilespmem:$0x1FD00]  }
0xe2: {  	v16 =	vadd.f32 v20, v16;
	v20 =	vld [tilespmem:$0x1FD10]  }
0xe3: {  	v58 =	vld.idx.msk [tilespmem:v2+s17+$0x0], $0xffff  }
0xe4: {  	v2 =	vld [tilespmem:$0x1FF40]  }
0xe5: {  	v3 =	vld.idx.msk [tilespmem:v3+s17+$0x0], $0xffff  }
0xe6: {  	v4 =	vld.idx.msk [tilespmem:v4+s17+$0x0], $0xffff  }
0xe7: {  	v5 =	vld.idx.msk [tilespmem:v5+s17+$0x0], $0xffff  }
0xe8: {  	v6 =	vld.idx.msk [tilespmem:v6+s17+$0x0], $0xffff  }
0xe9: {  	v7 =	vld.idx.msk [tilespmem:v7+s17+$0x0], $0xffff  }
0xea: {  	v8 =	vld.idx.msk [tilespmem:v8+s17+$0x0], $0xffff  }
0xeb: {  	v0 =	vadd.f32 v21, v0;
	v21 =	vld [tilespmem:$0x1FD20]  }
0xec: {  	v1 =	vadd.f32 v22, v1;
	v22 =	vld [tilespmem:$0x1FD30]  }
0xed: {  	v15 =	vadd.f32 v23, v15;
	v23 =	vld [tilespmem:$0x1FD40]  }
0xee: {  	v16 =	vadd.f32 v24, v16;
	v24 =	vld [tilespmem:$0x1FD50]  }
0xef: {  	v0 =	vadd.f32 v57, v0;
	v57 =	vld [tilespmem:$0x1FE20]  }
0xf0: {  	v15 =	vadd.f32 v59, v15;
	v59 =	vld [tilespmem:$0x1FF00]  }
0xf1: {  	v16 =	vadd.f32 v62, v16;
	v62 =	vld [tilespmem:$0x1FF10]  }
0xf2: {  	v10 =	vld.idx.msk [tilespmem:v9+s19+$0x0], $0xffff  }
0xf3: {  	v9 =	vld [tilespmem:$0x1FC90]  }
0xf4: {  	v15 =	vadd.f32 v26, v15;
	v26 =	vld [tilespmem:$0x1FD70]  }
0xf5: {  	v16 =	vadd.f32 v27, v16;
	v27 =	vld [tilespmem:$0x1FD80]  }
0xf6: {  	v1 =	vadd.f32 v58, v1;
	v58 =	vld [tilespmem:$0x1FE30]  }
0xf7: {  	v0 =	vadd.f32 v63, v0;
	v63 =	vld [tilespmem:$0x1FF20]  }
0xf8: {  	v17 =	vld.idx.msk [tilespmem:v17+s19+$0x0], $0xffff  }
0xf9: {  	v18 =	vld.idx.msk [tilespmem:v18+s19+$0x0], $0xffff  }
0xfa: {  	v19 =	vld.idx.msk [tilespmem:v19+s19+$0x0], $0xffff  }
0xfb: {  	v20 =	vld.idx.msk [tilespmem:v20+s19+$0x0], $0xffff  }
0xfc: {  	v1 =	vadd.f32 v25, v1;
	v25 =	vld [tilespmem:$0x1FD60]  }
0xfd: {  	v0 =	vadd.f32 v28, v0;
	v28 =	vld [tilespmem:$0x1FD90]  }
0xfe: {  	v15 =	vadd.f32 v30, v15;
	v30 =	vld [tilespmem:$0x1FDB0]  }
0xff: {  	v16 =	vadd.f32 v31, v16;
	v31 =	vld [tilespmem:$0x1FDC0]  }
0x100: {  	v53 =	vld.idx.msk [tilespmem:v2+s17+$0x0], $0xffff  }
0x101: {  	v2 =	vld [tilespmem:$0x1FF50]  }
0x102: {  	v21 =	vld.idx.msk [tilespmem:v21+s19+$0x0], $0xffff  }
0x103: {  	v22 =	vld.idx.msk [tilespmem:v22+s19+$0x0], $0xffff  }
0x104: {  	v23 =	vld.idx.msk [tilespmem:v23+s19+$0x0], $0xffff  }
0x105: {  	v24 =	vld.idx.msk [tilespmem:v24+s19+$0x0], $0xffff  }
0x106: {  	v1 =	vadd.f32 v29, v1;
	v29 =	vld [tilespmem:$0x1FDA0]  }
0x107: {  	v16 =	vadd.f32 v35, v16;
	v13 =	vld.idx.msk [tilespmem:v9+s19+$0x0], $0xffff  }
0x108: {  	v9 =	vld [tilespmem:$0x1FCA0]  }
0x109: {  	v16 =	vadd.f32 v39, v16;
	v26 =	vld.idx.msk [tilespmem:v26+s19+$0x0], $0xffff  }
0x10a: {  	v1 =	vadd.f32 v33, v1;
	v27 =	vld.idx.msk [tilespmem:v27+s19+$0x0], $0xffff  }
0x10b: {  	v15 =	vadd.f32 v34, v15;
	v16 =	vadd.f32 v43, v16;
	v43 =	vld [tilespmem:$0x1FDD0]  }
0x10c: {  	v1 =	vadd.f32 v37, v1;
	v37 =	vld.idx.msk [tilespmem:v57+s19+$0x0], $0xffff  }
0x10d: {  	v15 =	vadd.f32 v38, v15;
	v38 =	vld.idx.msk [tilespmem:v58+s19+$0x0], $0xffff  }
0x10e: {  	v25 =	vld.idx.msk [tilespmem:v25+s19+$0x0], $0xffff  }
0x10f: {  	v28 =	vld.idx.msk [tilespmem:v28+s19+$0x0], $0xffff  }
0x110: {  	v30 =	vld.idx.msk [tilespmem:v30+s19+$0x0], $0xffff  }
0x111: {  	v31 =	vld.idx.msk [tilespmem:v31+s19+$0x0], $0xffff  }
0x112: {  	v16 =	vadd.f32 v47, v16;
	v47 =	vld [tilespmem:$0x1FDF0]  }
0x113: {  	v54 =	vld.idx.msk [tilespmem:v2+s17+$0x0], $0xffff  }
0x114: {  	v1 =	vadd.f32 v41, v1;
	v2 =	vld [tilespmem:$0x1FF60]  }
0x115: {  	v15 =	vadd.f32 v42, v15;
	v29 =	vld.idx.msk [tilespmem:v29+s19+$0x0], $0xffff  }
0x116: {  	v1 =	vadd.f32 v45, v1;
	v45 =	vld [tilespmem:$0x1FDE0]  }
0x117: {  	v15 =	vadd.f32 v46, v15;
	v16 =	vadd.f32 v51, v16;
	v51 =	vld [tilespmem:$0x1FE10]  }
0x118: {  	v1 =	vadd.f32 v49, v1;
	v49 =	vld [tilespmem:$0x1FE00]  }
0x119: {  	v15 =	vadd.f32 v50, v15;
	v12 =	vld.idx.msk [tilespmem:v9+s19+$0x0], $0xffff  }
0x11a: {  	v9 =	vld [tilespmem:$0x1FCB0]  }
0x11b: {  	v0 =	vadd.f32 v32, v0;
	v32 =	vld.idx.msk [tilespmem:v43+s19+$0x0], $0xffff;
	v15 =	vadd.f32 v54, v15  }
0x11c: {  	v34 =	vld.idx.msk [tilespmem:v47+s19+$0x0], $0xffff  }
0x11d: {  	v3 =	vadd.f32 v3, v15;
	v15 =	vld [tilespmem:$0x1FE50]  }
0x11e: {  	v55 =	vld.idx.msk [tilespmem:v2+s17+$0x0], $0xffff  }
0x11f: {  	v2 =	vld [tilespmem:$0x1FF70]  }
0x120: {  	v33 =	vld.idx.msk [tilespmem:v45+s19+$0x0], $0xffff  }
0x121: {  	v0 =	vadd.f32 v36, v0;
	v36 =	vld.idx.msk [tilespmem:v51+s19+$0x0], $0xffff  }
0x122: {  	v3 =	vadd.f32 v7, v3;
	v7 =	vld [tilespmem:$0x1FE80]  }
0x123: {  	v35 =	vld.idx.msk [tilespmem:v49+s19+$0x0], $0xffff  }
0x124: {  	v3 =	vadd.f32 v13, v3;
	v13 =	vld [tilespmem:$0x1FEE0]  }
0x125: {  	v9 =	vld.idx.msk [tilespmem:v9+s19+$0x0], $0xffff;
	v16 =	vadd.f32 v55, v16  }
0x126: {  	v0 =	vadd.f32 v40, v0;
	v15 =	vld.idx.msk [tilespmem:v15+s19+$0x0], $0xffff  }
0x127: {  	v4 =	vadd.f32 v4, v16;
	v16 =	vld.idx.msk [tilespmem:v59+s19+$0x0], $0xffff  }
0x128: {  	v0 =	vadd.f32 v44, v0;
	v56 =	vld.idx.msk [tilespmem:v2+s17+$0x0], $0xffff  }
0x129: {  	v2 =	vld [tilespmem:$0x1FF80]  }
0x12a: {  	v0 =	vadd.f32 v48, v0;
	v7 =	vld.idx.msk [tilespmem:v7+s19+$0x0], $0xffff  }
0x12b: {  	v4 =	vadd.f32 v8, v4;
	v8 =	vld [tilespmem:$0x1FE90]  }
0x12c: {  	v0 =	vadd.f32 v52, v0;
	[tilespmem:$0x1FC40] =	vst v9;
	v9 =	vld [tilespmem:$0x1FCC0]  }
0x12d: {  	v4 =	vadd.f32 v12, v4;
	v12 =	vld [tilespmem:$0x1FED0]  }
0x12e: {  	v13 =	vld.idx.msk [tilespmem:v13+s19+$0x0], $0xffff;
	v0 =	vadd.f32 v56, v0  }
0x12f: {  	v4 =	vadd.f32 v17, v4;
	v17 =	vld.idx.msk [tilespmem:v62+s19+$0x0], $0xffff  }
0x130: {  	v0 =	vadd.f32 v5, v0;
	v5 =	vld [tilespmem:$0x1FE60]  }
0x131: {  	v4 =	vadd.f32 v21, v4;
	v21 =	vld [tilespmem:$0x1FF50]  }
0x132: {  	v2 =	vld.idx.msk [tilespmem:v2+s17+$0x0], $0xffff  }
0x133: {  	v8 =	vld.idx.msk [tilespmem:v8+s19+$0x0], $0xffff  }
0x134: {  	v14 =	vld.idx.msk [tilespmem:v9+s19+$0x0], $0xffff  }
0x135: {  	v9 =	vld [tilespmem:$0x1FCD0]  }
0x136: {  	v1 =	vadd.f32 v53, v1;
	v0 =	vadd.f32 v11, v0;
	v11 =	vld [tilespmem:$0x1FEC0]  }
0x137: {  	v12 =	vld.idx.msk [tilespmem:v12+s19+$0x0], $0xffff  }
0x138: {  	v4 =	vadd.f32 v25, v4;
	v1 =	vadd.f32 v2, v1;
	v2 =	vld [tilespmem:$0x1FE40]  }
0x139: {  	v5 =	vld.idx.msk [tilespmem:v5+s19+$0x0], $0xffff  }
0x13a: {  	v4 =	vadd.f32 v29, v4;
	v1 =	vadd.f32 v6, v1;
	v6 =	vld [tilespmem:$0x1FE70]  }
0x13b: {  	v21 =	vld.idx.msk [tilespmem:v21+s19+$0x0], $0xffff  }
0x13c: {  	v4 =	vadd.f32 v33, v4;
	v1 =	vadd.f32 v10, v1;
	v10 =	vld [tilespmem:$0x1FC40]  }
0x13d: {  	v9 =	vld.idx.msk [tilespmem:v9+s19+$0x0], $0xffff  }
0x13e: {  	v4 =	vadd.f32 v37, v4;
	v11 =	vld.idx.msk [tilespmem:v11+s19+$0x0], $0xffff  }
0x13f: {  	v1 =	vadd.f32 v14, v1;
	v14 =	vld [tilespmem:$0x1FEF0]  }
0x140: {  	v4 =	vadd.f32 v5, v4;
	v5 =	vld [tilespmem:$0x1FF70]  }
0x141: {  	v0 =	vadd.f32 v10, v0;
	v10 =	vld [tilespmem:$0x1FEA0]  }
0x142: {  	v1 =	vadd.f32 v19, v1;
	v3 =	vadd.f32 v9, v3;
	v9 =	vld [tilespmem:$0x1FEB0]  }
0x143: {  	v2 =	vld.idx.msk [tilespmem:v2+s19+$0x0], $0xffff  }
0x144: {  	v6 =	vld.idx.msk [tilespmem:v6+s19+$0x0], $0xffff;
	v1 =	vadd.f32 v23, v1  }
0x145: {  	v0 =	vadd.f32 v18, v0;
	v3 =	vadd.f32 v20, v3;
	v20 =	vld [tilespmem:$0x1FF40]  }
0x146: {  	v18 =	vld.idx.msk [tilespmem:v63+s19+$0x0], $0xffff;
	v1 =	vadd.f32 v27, v1  }
0x147: {  	v0 =	vadd.f32 v22, v0;
	v3 =	vadd.f32 v24, v3;
	v14 =	vld.idx.msk [tilespmem:v14+s19+$0x0], $0xffff  }
0x148: {  	v1 =	vadd.f32 v31, v1;
	v5 =	vld.idx.msk [tilespmem:v5+s19+$0x0], $0xffff  }
0x149: {  	v0 =	vadd.f32 v26, v0;
	v3 =	vadd.f32 v28, v3;
	v10 =	vld.idx.msk [tilespmem:v10+s19+$0x0], $0xffff  }
0x14a: {  	v1 =	vadd.f32 v35, v1;
	v9 =	vld.idx.msk [tilespmem:v9+s19+$0x0], $0xffff  }
0x14b: {  	v0 =	vadd.f32 v30, v0;
	v3 =	vadd.f32 v32, v3;
	v32 =	vld [tilespmem:$0x1FF30]  }
0x14c: {  	v1 =	vadd.f32 v2, v1;
	v2 =	vld [tilespmem:$0x1FF60]  }
0x14d: {  	v0 =	vadd.f32 v34, v0;
	v20 =	vld.idx.msk [tilespmem:v20+s19+$0x0], $0xffff  }
0x14e: {  	v3 =	vadd.f32 v36, v3;
	v1 =	vadd.f32 v7, v1;
	v7 =	vld [tilespmem:$0x1FF90]  }
0x14f: {  	v0 =	vadd.f32 v38, v0;
	v4 =	vadd.f32 v10, v4;
	v10 =	vld [tilespmem:$0x1FFC0]  }
0x150: {  	v3 =	vadd.f32 v15, v3;
	v1 =	vadd.f32 v11, v1;
	v11 =	vld [tilespmem:$0x1FFD0]  }
0x151: {  	v0 =	vadd.f32 v6, v0;
	v6 =	vld [tilespmem:$0x1FF80]  }
0x152: {  	v3 =	vadd.f32 v8, v3;
	v8 =	vld [tilespmem:$0x1FFA0]  }
0x153: {  	v0 =	vadd.f32 v9, v0;
	v9 =	vld [tilespmem:$0x1FFB0]  }
0x154: {  	v19 =	vld.idx.msk [tilespmem:v32+s19+$0x0], $0xffff  }
0x155: {  	v3 =	vadd.f32 v12, v3;
	v12 =	vld [tilespmem:$0x1FFE0]  }
0x156: {  	v2 =	vld.idx.msk [tilespmem:v2+s19+$0x0], $0xffff  }
0x157: {  	v7 =	vld.idx.msk [tilespmem:v7+s19+$0x0], $0xffff  }
0x158: {  	v10 =	vld.idx.msk [tilespmem:v10+s19+$0x0], $0xffff  }
0x159: {  	v11 =	vld.idx.msk [tilespmem:v11+s19+$0x0], $0xffff  }
0x15a: {  	v4 =	vadd.f32 v13, v4;
	v6 =	vld.idx.msk [tilespmem:v6+s19+$0x0], $0xffff  }
0x15b: {  	v0 =	vadd.f32 v14, v0;
	v3 =	vadd.f32 v17, v3;
	v8 =	vld.idx.msk [tilespmem:v8+s19+$0x0], $0xffff  }
0x15c: {  	v1 =	vadd.f32 v16, v1;
	v4 =	vadd.f32 v18, v4;
	v9 =	vld.idx.msk [tilespmem:v9+s19+$0x0], $0xffff  }
0x15d: {  	v3 =	vadd.f32 v21, v3;
	v0 =	vadd.f32 v19, v0;
	v12 =	vld.idx.msk [tilespmem:v12+s19+$0x0], $0xffff  }
0x15e: {  	v1 =	vadd.f32 v20, v1;
	v2 =	vadd.f32 v2, v4  }
0x15f: {  	v0 =	vadd.f32 v5, v0;
	v3 =	vadd.f32 v7, v3  }
0x160: {  	v1 =	vadd.f32 v6, v1;
	v2 =	vadd.f32 v8, v2  }
0x161: {  	v3 =	vadd.f32 v11, v3;
	v0 =	vadd.f32 v9, v0  }
0x162: {  	v1 =	vadd.f32 v10, v1;
	v2 =	vadd.f32 v12, v2;
	_ =	sdelay $0x1  }
0x163: {  	v0 =	vadd.f32 v1, v0;
	v1 =	vadd.f32 v2, v3;
	v2 =	vld [tilespmem:$0x1FFF0];
	_ =	sdelay $0x4  }
0x164: {  	v0 =	vadd.f32 v1, v0;
	_ =	sdelay $0x1  }
0x165: {  	[tilespmem:$0x9010] =	vst v0  }
0x166: {  	v2 =	vld.idx.msk [tilespmem:v2+s25+$0x0], $0xffff;
	_ =	sdelay $0x2  }
0x167: {  	v1 =	vcvt.s32.f32 v61;
	_ =	sdelay $0x1  }
0x168: {  	(erf) = vrcp.f32 v1;
	v0 =	vadd.f32 v0, v2;
	v2 =	vld [tilespmem:$0x1FC60];
	_ =	sdelay $0x2  }
0x169: {  	v1 =	vsub.f32 $2.240000000e+02, v1;
	_ =	sdelay $0x1  }
0x16a: {  	v1 =	vmul.f32 v1, v2;
	_ =	sdelay $0x2  }
0x16b: {  	v0 =	vsub.f32 v0, v1  }
0x16c: {  	v1 =	vpop (erf)  }
0x16d: {  	v0 =	vmul.f32 v0, v1;
	v1 =	vld [tilespmem:$0x1FC50];
	_ =	sdelay $0x4  }
0x16e: {  	v0 =	vadd.f32 v0, v1  }
0x16f: {  	s31 =	sshra.s32 s30, $0x2  }
0x170: {  	[tilespmem:s31+$0x9020] =	vst v0  }
0x171: {  	_ =	swait.ge [sflag:s24], $0x380  }
0x172: {  	[sflag:s24] =	ssyncset.done $0x0  }
0x173: {  	[sflag:s24] =	ssyncadd.s32 $0xFFFFFC80  }
0x174: {  	_ =	swait.ge [sflag:s24], $0x380  }
0x175: {  	v1 =	vld [tilespmem:$0x1FC80]  }
0x176: {  	v2 =	vld [tilespmem:$0x1FC90]  }
0x177: {  	v3 =	vld [tilespmem:$0x1FCA0]  }
0x178: {  	v4 =	vld [tilespmem:$0x1FCB0]  }
0x179: {  	v5 =	vld [tilespmem:$0x1FCC0]  }
0x17a: {  	v6 =	vld [tilespmem:$0x1FCD0]  }
0x17b: {  	v7 =	vld [tilespmem:$0x1FCE0]  }
0x17c: {  	v8 =	vld [tilespmem:$0x1FCF0]  }
0x17d: {  	v9 =	vld [tilespmem:$0x1FD00]  }
0x17e: {  	v10 =	vld [tilespmem:$0x1FD10]  }
0x17f: {  	v11 =	vld [tilespmem:$0x1FD20]  }
0x180: {  	v12 =	vld [tilespmem:$0x1FD30]  }
0x181: {  	v13 =	vld [tilespmem:$0x1FD40]  }
0x182: {  	v14 =	vld [tilespmem:$0x1FD50]  }
0x183: {  	v15 =	vld [tilespmem:$0x1FD60]  }
0x184: {  	v33 =	vld [tilespmem:$0x1FD70]  }
0x185: {  	v34 =	vld [tilespmem:$0x1FD80]  }
0x186: {  	v35 =	vld [tilespmem:$0x1FD90]  }
0x187: {  	v36 =	vld [tilespmem:$0x1FDA0]  }
0x188: {  	v20 =	vld [tilespmem:$0x1FDB0]  }
0x189: {  	v21 =	vld [tilespmem:$0x1FDC0]  }
0x18a: {  	v22 =	vld [tilespmem:$0x1FDD0]  }
0x18b: {  	v23 =	vld [tilespmem:$0x1FDE0]  }
0x18c: {  	v24 =	vld [tilespmem:$0x1FDF0]  }
0x18d: {  	v25 =	vld [tilespmem:$0x1FE00]  }
0x18e: {  	v26 =	vld [tilespmem:$0x1FE10]  }
0x18f: {  	v27 =	vld [tilespmem:$0x1FE20]  }
0x190: {  	v28 =	vld [tilespmem:$0x1FE30]  }
0x191: {  	v29 =	vld [tilespmem:$0x1FE40]  }
0x192: {  	v30 =	vld [tilespmem:$0x1FE50]  }
0x193: {  	v31 =	vld [tilespmem:$0x1FE60]  }
0x194: {  	v37 =	vld [tilespmem:$0x1FE70]  }
0x195: {  	v38 =	vld [tilespmem:$0x1FE80]  }
0x196: {  	v39 =	vld [tilespmem:$0x1FE90]  }
0x197: {  	v40 =	vld [tilespmem:$0x1FEA0]  }
0x198: {  	v41 =	vld [tilespmem:$0x1FEB0]  }
0x199: {  	v42 =	vld [tilespmem:$0x1FEC0]  }
0x19a: {  	v43 =	vld [tilespmem:$0x1FED0]  }
0x19b: {  	v44 =	vld [tilespmem:$0x1FEE0]  }
0x19c: {  	v45 =	vld [tilespmem:$0x1FEF0]  }
0x19d: {  	v46 =	vld [tilespmem:$0x1FF00]  }
0x19e: {  	v47 =	vld [tilespmem:$0x1FF10]  }
0x19f: {  	v48 =	vld [tilespmem:$0x1FF20]  }
0x1a0: {  	v49 =	vld [tilespmem:$0x1FF30]  }
0x1a1: {  	v50 =	vld [tilespmem:$0x1FF40]  }
0x1a2: {  	v51 =	vld [tilespmem:$0x1FF50]  }
0x1a3: {  	v52 =	vld [tilespmem:$0x1FF60]  }
0x1a4: {  	v53 =	vld [tilespmem:$0x1FF70]  }
0x1a5: {  	v54 =	vld [tilespmem:$0x1FF80]  }
0x1a6: {  	v55 =	vld [tilespmem:$0x1FF90]  }
0x1a7: {  	v56 =	vld [tilespmem:$0x1FFA0]  }
0x1a8: {  	v0 =	vlaneseq.u32;
	v57 =	vld [tilespmem:$0x1FFB0]  }
0x1a9: {  	v58 =	vld [tilespmem:$0x1FFC0]  }
0x1aa: {  	v59 =	vld [tilespmem:$0x1FFD0]  }
0x1ab: {  	[sflag:s24] =	ssyncset.done $0x0;
	v61 =	vld [tilespmem:$0x1FFE0]  }
0x1ac: {  	v63 =	vld [tilespmem:$0x1FC80];
	[sflag:s24] =	ssyncadd.s32 $0xFFFFFC80  }
0x1ad: {  	v0 =	vld.idx.msk [tilespmem:v0+s21+$0x0], $0xffff  }
0x1ae: {  	v1 =	vld.idx.msk [tilespmem:v1+s21+$0x0], $0xffff  }
0x1af: {  	v2 =	vld.idx.msk [tilespmem:v2+s21+$0x0], $0xffff  }
0x1b0: {  	v3 =	vld.idx.msk [tilespmem:v3+s21+$0x0], $0xffff  }
0x1b1: {  	v4 =	vld.idx.msk [tilespmem:v4+s21+$0x0], $0xffff  }
0x1b2: {  	v5 =	vld.idx.msk [tilespmem:v5+s21+$0x0], $0xffff  }
0x1b3: {  	v6 =	vld.idx.msk [tilespmem:v6+s21+$0x0], $0xffff  }
0x1b4: {  	v7 =	vld.idx.msk [tilespmem:v7+s21+$0x0], $0xffff  }
0x1b5: {  	v8 =	vld.idx.msk [tilespmem:v8+s21+$0x0], $0xffff  }
0x1b6: {  	v9 =	vld.idx.msk [tilespmem:v9+s21+$0x0], $0xffff  }
0x1b7: {  	v10 =	vld.idx.msk [tilespmem:v10+s21+$0x0], $0xffff  }
0x1b8: {  	v11 =	vld.idx.msk [tilespmem:v11+s21+$0x0], $0xffff  }
0x1b9: {  	v12 =	vld.idx.msk [tilespmem:v12+s21+$0x0], $0xffff  }
0x1ba: {  	v13 =	vld.idx.msk [tilespmem:v13+s21+$0x0], $0xffff  }
0x1bb: {  	v14 =	vld.idx.msk [tilespmem:v14+s21+$0x0], $0xffff  }
0x1bc: {  	v15 =	vld.idx.msk [tilespmem:v15+s21+$0x0], $0xffff  }
0x1bd: {  	v16 =	vld.idx.msk [tilespmem:v33+s21+$0x0], $0xffff  }
0x1be: {  	v17 =	vld.idx.msk [tilespmem:v34+s21+$0x0], $0xffff  }
0x1bf: {  	v18 =	vld.idx.msk [tilespmem:v35+s21+$0x0], $0xffff  }
0x1c0: {  	v19 =	vld.idx.msk [tilespmem:v36+s21+$0x0], $0xffff  }
0x1c1: {  	v20 =	vld.idx.msk [tilespmem:v20+s21+$0x0], $0xffff  }
0x1c2: {  	v21 =	vld.idx.msk [tilespmem:v21+s21+$0x0], $0xffff  }
0x1c3: {  	v22 =	vld.idx.msk [tilespmem:v22+s21+$0x0], $0xffff  }
0x1c4: {  	v23 =	vld.idx.msk [tilespmem:v23+s21+$0x0], $0xffff  }
0x1c5: {  	v24 =	vld.idx.msk [tilespmem:v24+s21+$0x0], $0xffff  }
0x1c6: {  	v25 =	vld.idx.msk [tilespmem:v25+s21+$0x0], $0xffff  }
0x1c7: {  	v26 =	vld.idx.msk [tilespmem:v26+s21+$0x0], $0xffff  }
0x1c8: {  	v27 =	vld.idx.msk [tilespmem:v27+s21+$0x0], $0xffff  }
0x1c9: {  	v28 =	vld.idx.msk [tilespmem:v28+s21+$0x0], $0xffff  }
0x1ca: {  	v29 =	vld.idx.msk [tilespmem:v29+s21+$0x0], $0xffff  }
0x1cb: {  	v30 =	vld.idx.msk [tilespmem:v30+s21+$0x0], $0xffff  }
0x1cc: {  	v31 =	vld.idx.msk [tilespmem:v31+s21+$0x0], $0xffff  }
0x1cd: {  	v32 =	vld.idx.msk [tilespmem:v37+s21+$0x0], $0xffff  }
0x1ce: {  	v33 =	vld.idx.msk [tilespmem:v38+s21+$0x0], $0xffff  }
0x1cf: {  	v34 =	vld.idx.msk [tilespmem:v39+s21+$0x0], $0xffff  }
0x1d0: {  	v35 =	vld.idx.msk [tilespmem:v40+s21+$0x0], $0xffff  }
0x1d1: {  	v36 =	vld.idx.msk [tilespmem:v41+s21+$0x0], $0xffff  }
0x1d2: {  	v37 =	vld.idx.msk [tilespmem:v42+s21+$0x0], $0xffff  }
0x1d3: {  	v38 =	vld.idx.msk [tilespmem:v43+s21+$0x0], $0xffff  }
0x1d4: {  	v39 =	vld.idx.msk [tilespmem:v44+s21+$0x0], $0xffff  }
0x1d5: {  	v40 =	vld.idx.msk [tilespmem:v45+s21+$0x0], $0xffff  }
0x1d6: {  	v41 =	vld.idx.msk [tilespmem:v46+s21+$0x0], $0xffff  }
0x1d7: {  	v42 =	vld.idx.msk [tilespmem:v47+s21+$0x0], $0xffff  }
0x1d8: {  	v43 =	vld.idx.msk [tilespmem:v48+s21+$0x0], $0xffff  }
0x1d9: {  	v44 =	vld.idx.msk [tilespmem:v49+s21+$0x0], $0xffff  }
0x1da: {  	v45 =	vld.idx.msk [tilespmem:v50+s21+$0x0], $0xffff  }
0x1db: {  	v46 =	vld.idx.msk [tilespmem:v51+s21+$0x0], $0xffff  }
0x1dc: {  	v47 =	vld.idx.msk [tilespmem:v52+s21+$0x0], $0xffff  }
0x1dd: {  	v48 =	vld.idx.msk [tilespmem:v53+s21+$0x0], $0xffff  }
0x1de: {  	v49 =	vld.idx.msk [tilespmem:v54+s21+$0x0], $0xffff  }
0x1df: {  	v50 =	vld.idx.msk [tilespmem:v55+s21+$0x0], $0xffff  }
0x1e0: {  	v62 =	vlaneseq.u32;
	v51 =	vld.idx.msk [tilespmem:v56+s21+$0x0], $0xffff  }
0x1e1: {  	v52 =	vld.idx.msk [tilespmem:v57+s21+$0x0], $0xffff  }
0x1e2: {  	v53 =	vld.idx.msk [tilespmem:v58+s21+$0x0], $0xffff  }
0x1e3: {  	v54 =	vld.idx.msk [tilespmem:v59+s21+$0x0], $0xffff  }
0x1e4: {  	v55 =	vld.idx.msk [tilespmem:v61+s21+$0x0], $0xffff  }
0x1e5: {  	v56 =	vld.idx.msk [tilespmem:v62+s23+$0x0], $0xffff  }
0x1e6: {  	v57 =	vld.idx.msk [tilespmem:v63+s23+$0x0], $0xffff  }
0x1e7: {  	v61 =	vld [tilespmem:$0x1FC90]  }
0x1e8: {  	v0 =	vadd.f32 $0.0e+00, v0;
	v62 =	vld [tilespmem:$0x1FCA0]  }
0x1e9: {  	v63 =	vld [tilespmem:$0x1FCD0];
	v1 =	vadd.f32 $0.0e+00, v1  }
0x1ea: {  	v2 =	vadd.f32 $0.0e+00, v2;
	v0 =	vadd.f32 v4, v0;
	v4 =	vld [tilespmem:$0x1FCE0]  }
0x1eb: {  	v3 =	vadd.f32 $0.0e+00, v3;
	v1 =	vadd.f32 v5, v1;
	v5 =	vld [tilespmem:$0x1FCF0]  }
0x1ec: {  	v2 =	vadd.f32 v6, v2;
	v6 =	vld [tilespmem:$0x1FD00]  }
0x1ed: {  	v3 =	vadd.f32 v7, v3;
	v7 =	vld [tilespmem:$0x1FD10]  }
0x1ee: {  	v0 =	vadd.f32 v8, v0;
	v8 =	vld [tilespmem:$0x1FD20]  }
0x1ef: {  	v58 =	vld.idx.msk [tilespmem:v61+s23+$0x0], $0xffff  }
0x1f0: {  	v59 =	vld.idx.msk [tilespmem:v62+s23+$0x0], $0xffff  }
0x1f1: {  	v61 =	vld [tilespmem:$0x1FCB0]  }
0x1f2: {  	v62 =	vld [tilespmem:$0x1FCC0]  }
0x1f3: {  	v63 =	vld.idx.msk [tilespmem:v63+s23+$0x0], $0xffff  }
0x1f4: {  	v1 =	vadd.f32 v9, v1;
	v9 =	vld [tilespmem:$0x1FD30]  }
0x1f5: {  	v2 =	vadd.f32 v10, v2;
	v10 =	vld [tilespmem:$0x1FD40]  }
0x1f6: {  	v3 =	vadd.f32 v11, v3;
	v11 =	vld [tilespmem:$0x1FD50]  }
0x1f7: {  	v0 =	vadd.f32 v12, v0;
	v12 =	vld [tilespmem:$0x1FD60]  }
0x1f8: {  	v1 =	vadd.f32 v13, v1;
	v13 =	vld [tilespmem:$0x1FD70]  }
0x1f9: {  	v2 =	vadd.f32 v14, v2;
	v14 =	vld [tilespmem:$0x1FD80]  }
0x1fa: {  	v3 =	vadd.f32 v15, v3;
	v15 =	vld [tilespmem:$0x1FD90]  }
0x1fb: {  	v0 =	vadd.f32 v16, v0;
	v16 =	vld [tilespmem:$0x1FDA0]  }
0x1fc: {  	v4 =	vld.idx.msk [tilespmem:v4+s23+$0x0], $0xffff  }
0x1fd: {  	v1 =	vadd.f32 v17, v1;
	v17 =	vld [tilespmem:$0x1FDB0]  }
0x1fe: {  	v5 =	vld.idx.msk [tilespmem:v5+s23+$0x0], $0xffff  }
0x1ff: {  	v6 =	vld.idx.msk [tilespmem:v6+s23+$0x0], $0xffff  }
0x200: {  	v7 =	vld.idx.msk [tilespmem:v7+s23+$0x0], $0xffff  }
0x201: {  	v8 =	vld.idx.msk [tilespmem:v8+s23+$0x0], $0xffff  }
0x202: {  	v61 =	vld.idx.msk [tilespmem:v61+s23+$0x0], $0xffff  }
0x203: {  	v62 =	vld.idx.msk [tilespmem:v62+s23+$0x0], $0xffff  }
0x204: {  	v9 =	vld.idx.msk [tilespmem:v9+s23+$0x0], $0xffff  }
0x205: {  	v10 =	vld.idx.msk [tilespmem:v10+s23+$0x0], $0xffff  }
0x206: {  	v2 =	vadd.f32 v18, v2;
	v11 =	vld.idx.msk [tilespmem:v11+s23+$0x0], $0xffff  }
0x207: {  	v3 =	vadd.f32 v19, v3;
	v1 =	vadd.f32 v21, v1;
	v12 =	vld.idx.msk [tilespmem:v12+s23+$0x0], $0xffff  }
0x208: {  	v0 =	vadd.f32 v20, v0;
	v2 =	vadd.f32 v22, v2;
	v13 =	vld.idx.msk [tilespmem:v13+s23+$0x0], $0xffff  }
0x209: {  	v3 =	vadd.f32 v23, v3;
	v1 =	vadd.f32 v25, v1;
	v14 =	vld.idx.msk [tilespmem:v14+s23+$0x0], $0xffff  }
0x20a: {  	v0 =	vadd.f32 v24, v0;
	v2 =	vadd.f32 v26, v2;
	v15 =	vld.idx.msk [tilespmem:v15+s23+$0x0], $0xffff  }
0x20b: {  	v3 =	vadd.f32 v27, v3;
	v1 =	vadd.f32 v29, v1;
	v16 =	vld.idx.msk [tilespmem:v16+s23+$0x0], $0xffff  }
0x20c: {  	v0 =	vadd.f32 v28, v0;
	v2 =	vadd.f32 v30, v2;
	v17 =	vld.idx.msk [tilespmem:v17+s23+$0x0], $0xffff  }
0x20d: {  	v3 =	vadd.f32 v31, v3;
	v1 =	vadd.f32 v33, v1;
	v33 =	vld [tilespmem:$0x1FDC0]  }
0x20e: {  	v0 =	vadd.f32 v32, v0;
	v2 =	vadd.f32 v34, v2;
	v34 =	vld [tilespmem:$0x1FDD0]  }
0x20f: {  	v3 =	vadd.f32 v35, v3;
	v35 =	vld [tilespmem:$0x1FDE0]  }
0x210: {  	v0 =	vadd.f32 v36, v0;
	v36 =	vld [tilespmem:$0x1FDF0]  }
0x211: {  	v1 =	vadd.f32 v37, v1;
	v37 =	vld [tilespmem:$0x1FE00]  }
0x212: {  	v2 =	vadd.f32 v38, v2;
	v38 =	vld [tilespmem:$0x1FE10]  }
0x213: {  	v3 =	vadd.f32 v39, v3;
	v39 =	vld [tilespmem:$0x1FE20]  }
0x214: {  	v0 =	vadd.f32 v40, v0;
	v40 =	vld [tilespmem:$0x1FE30]  }
0x215: {  	v1 =	vadd.f32 v41, v1;
	v41 =	vld [tilespmem:$0x1FE40]  }
0x216: {  	v2 =	vadd.f32 v42, v2;
	v42 =	vld [tilespmem:$0x1FE50]  }
0x217: {  	v3 =	vadd.f32 v43, v3;
	v43 =	vld [tilespmem:$0x1FE60]  }
0x218: {  	v0 =	vadd.f32 v44, v0;
	v44 =	vld [tilespmem:$0x1FE70]  }
0x219: {  	v1 =	vadd.f32 v45, v1;
	v45 =	vld [tilespmem:$0x1FE80]  }
0x21a: {  	v2 =	vadd.f32 v46, v2;
	v46 =	vld [tilespmem:$0x1FE90]  }
0x21b: {  	v3 =	vadd.f32 v47, v3;
	v47 =	vld [tilespmem:$0x1FEA0]  }
0x21c: {  	v0 =	vadd.f32 v48, v0;
	v48 =	vld [tilespmem:$0x1FEB0]  }
0x21d: {  	v18 =	vld.idx.msk [tilespmem:v33+s23+$0x0], $0xffff  }
0x21e: {  	v19 =	vld.idx.msk [tilespmem:v34+s23+$0x0], $0xffff  }
0x21f: {  	v20 =	vld.idx.msk [tilespmem:v35+s23+$0x0], $0xffff  }
0x220: {  	v21 =	vld.idx.msk [tilespmem:v36+s23+$0x0], $0xffff  }
0x221: {  	v1 =	vadd.f32 v49, v1;
	v49 =	vld [tilespmem:$0x1FEC0]  }
0x222: {  	v2 =	vadd.f32 v50, v2;
	v50 =	vld [tilespmem:$0x1FED0]  }
0x223: {  	v3 =	vadd.f32 v51, v3;
	v51 =	vld [tilespmem:$0x1FEE0]  }
0x224: {  	v0 =	vadd.f32 v52, v0;
	v52 =	vld [tilespmem:$0x1FEF0]  }
0x225: {  	v22 =	vld.idx.msk [tilespmem:v37+s23+$0x0], $0xffff  }
0x226: {  	v23 =	vld.idx.msk [tilespmem:v38+s23+$0x0], $0xffff  }
0x227: {  	v24 =	vld.idx.msk [tilespmem:v39+s23+$0x0], $0xffff  }
0x228: {  	v25 =	vld.idx.msk [tilespmem:v40+s23+$0x0], $0xffff  }
0x229: {  	v1 =	vadd.f32 v53, v1;
	v53 =	vld [tilespmem:$0x1FF00]  }
0x22a: {  	v2 =	vadd.f32 v54, v2;
	v54 =	vld [tilespmem:$0x1FF10]  }
0x22b: {  	v3 =	vadd.f32 v55, v3;
	v55 =	vld [tilespmem:$0x1FF20]  }
0x22c: {  	v0 =	vadd.f32 v56, v0;
	v56 =	vld [tilespmem:$0x1FF30]  }
0x22d: {  	v26 =	vld.idx.msk [tilespmem:v41+s23+$0x0], $0xffff  }
0x22e: {  	v27 =	vld.idx.msk [tilespmem:v42+s23+$0x0], $0xffff  }
0x22f: {  	v28 =	vld.idx.msk [tilespmem:v43+s23+$0x0], $0xffff  }
0x230: {  	v29 =	vld.idx.msk [tilespmem:v44+s23+$0x0], $0xffff  }
0x231: {  	v1 =	vadd.f32 v57, v1;
	v57 =	vld [tilespmem:$0x1FFA0]  }
0x232: {  	v2 =	vadd.f32 v58, v2;
	v58 =	vld [tilespmem:$0x1FFB0]  }
0x233: {  	v3 =	vadd.f32 v59, v3;
	v59 =	vld [tilespmem:$0x1FFC0]  }
0x234: {  	v0 =	vadd.f32 v61, v0;
	v61 =	vld [tilespmem:$0x1FFD0]  }
0x235: {  	v30 =	vld.idx.msk [tilespmem:v45+s23+$0x0], $0xffff  }
0x236: {  	v31 =	vld.idx.msk [tilespmem:v46+s23+$0x0], $0xffff  }
0x237: {  	v1 =	vadd.f32 v62, v1;
	v62 =	vld [tilespmem:$0x1FFE0]  }
0x238: {  	v32 =	vld.idx.msk [tilespmem:v47+s23+$0x0], $0xffff  }
0x239: {  	v3 =	vadd.f32 v4, v3;
	v4 =	vld.idx.msk [tilespmem:v48+s23+$0x0], $0xffff  }
0x23a: {  	v2 =	vadd.f32 v63, v2;
	v63 =	vld [tilespmem:$0x1FF40]  }
0x23b: {  	v0 =	vadd.f32 v5, v0;
	v5 =	vld.idx.msk [tilespmem:v49+s23+$0x0], $0xffff  }
0x23c: {  	v1 =	vadd.f32 v6, v1;
	v3 =	vadd.f32 v8, v3;
	v6 =	vld.idx.msk [tilespmem:v50+s23+$0x0], $0xffff  }
0x23d: {  	v2 =	vadd.f32 v7, v2;
	v0 =	vadd.f32 v9, v0;
	v7 =	vld.idx.msk [tilespmem:v51+s23+$0x0], $0xffff  }
0x23e: {  	v8 =	vld.idx.msk [tilespmem:v52+s23+$0x0], $0xffff;
	v3 =	vadd.f32 v12, v3  }
0x23f: {  	v1 =	vadd.f32 v10, v1;
	v0 =	vadd.f32 v13, v0;
	v9 =	vld.idx.msk [tilespmem:v53+s23+$0x0], $0xffff  }
0x240: {  	v2 =	vadd.f32 v11, v2;
	v10 =	vld.idx.msk [tilespmem:v54+s23+$0x0], $0xffff;
	v3 =	vadd.f32 v16, v3  }
0x241: {  	v11 =	vld.idx.msk [tilespmem:v55+s23+$0x0], $0xffff;
	v1 =	vadd.f32 v14, v1;
	v0 =	vadd.f32 v17, v0  }
0x242: {  	v2 =	vadd.f32 v15, v2;
	v3 =	vadd.f32 v20, v3;
	v20 =	vld [tilespmem:$0x1FF50]  }
0x243: {  	v0 =	vadd.f32 v21, v0;
	v21 =	vld [tilespmem:$0x1FF60]  }
0x244: {  	v1 =	vadd.f32 v18, v1;
	v2 =	vadd.f32 v19, v2;
	v19 =	vld [tilespmem:$0x1FF90]  }
0x245: {  	v12 =	vld.idx.msk [tilespmem:v56+s23+$0x0], $0xffff;
	v0 =	vadd.f32 v25, v0  }
0x246: {  	v1 =	vadd.f32 v22, v1;
	v22 =	vld [tilespmem:$0x1FF70]  }
0x247: {  	v3 =	vadd.f32 v24, v3;
	v24 =	vld [tilespmem:$0x1FF80];
	v0 =	vadd.f32 v29, v0  }
0x248: {  	v13 =	vld.idx.msk [tilespmem:v63+s23+$0x0], $0xffff;
	v2 =	vadd.f32 v23, v2  }
0x249: {  	v1 =	vadd.f32 v26, v1;
	v0 =	vadd.f32 v4, v0;
	v4 =	vld.idx.msk [tilespmem:v57+s23+$0x0], $0xffff  }
0x24a: {  	v3 =	vadd.f32 v28, v3;
	v14 =	vld.idx.msk [tilespmem:v20+s23+$0x0], $0xffff  }
0x24b: {  	v2 =	vadd.f32 v27, v2;
	v1 =	vadd.f32 v30, v1;
	v15 =	vld.idx.msk [tilespmem:v21+s23+$0x0], $0xffff  }
0x24c: {  	v3 =	vadd.f32 v32, v3;
	v32 =	vld.idx.msk [tilespmem:v19+s23+$0x0], $0xffff  }
0x24d: {  	v2 =	vadd.f32 v31, v2;
	v1 =	vadd.f32 v5, v1;
	v5 =	vld.idx.msk [tilespmem:v58+s23+$0x0], $0xffff  }
0x24e: {  	v16 =	vld.idx.msk [tilespmem:v22+s23+$0x0], $0xffff  }
0x24f: {  	v2 =	vadd.f32 v6, v2;
	v3 =	vadd.f32 v7, v3;
	v63 =	vld.idx.msk [tilespmem:v24+s23+$0x0], $0xffff  }
0x250: {  	v0 =	vadd.f32 v8, v0;
	v6 =	vld.idx.msk [tilespmem:v59+s23+$0x0], $0xffff;
	v1 =	vadd.f32 v9, v1  }
0x251: {  	v7 =	vld.idx.msk [tilespmem:v61+s23+$0x0], $0xffff;
	v2 =	vadd.f32 v10, v2;
	v3 =	vadd.f32 v11, v3  }
0x252: {  	v8 =	vld.idx.msk [tilespmem:v62+s23+$0x0], $0xffff;
	v0 =	vadd.f32 v12, v0;
	v1 =	vadd.f32 v13, v1  }
0x253: {  	v2 =	vadd.f32 v14, v2;
	v3 =	vadd.f32 v15, v3  }
0x254: {  	v0 =	vadd.f32 v16, v0;
	v1 =	vadd.f32 v63, v1  }
0x255: {  	v2 =	vadd.f32 v32, v2;
	v3 =	vadd.f32 v4, v3  }
0x256: {  	v15 =	vld [tilespmem:$0x1FFF0];
	v0 =	vadd.f32 v5, v0;
	v1 =	vadd.f32 v6, v1  }
0x257: {  	v2 =	vadd.f32 v7, v2;
	v3 =	vadd.f32 v8, v3  }
0x258: {  	v23 =	vld [tilespmem:$0x1FD40]  }
0x259: {  	v25 =	vld [tilespmem:$0x1FD50];
	v0 =	vadd.f32 v1, v0;
	v1 =	vadd.f32 v3, v2  }
0x25a: {  	v26 =	vld [tilespmem:$0x1FD60]  }
0x25b: {  	v27 =	vld [tilespmem:$0x1FD70];
	v0 =	vadd.f32 v1, v0;
	v1 =	vcvt.s32.f32 v60  }
0x25c: {  	v28 =	vld [tilespmem:$0x1FD80]  }
0x25d: {  	v63 =	vld [tilespmem:$0x1FC60];
	[tilespmem:$0x9010] =	vst v0;
	(erf) = vrcp.f32 v1  }
0x25e: {  	v2 =	vld.idx.msk [tilespmem:v15+s25+$0x0], $0xffff  }
0x25f: {  	v29 =	vld [tilespmem:$0x1FD90]  }
0x260: {  	v30 =	vld [tilespmem:$0x1FDA0];
	v1 =	vsub.f32 $2.240000000e+02, v1  }
0x261: {  	v31 =	vld [tilespmem:$0x1FDB0]  }
0x262: {  	v9 =	vld [tilespmem:$0x1FCE0];
	v1 =	vmul.f32 v1, v63  }
0x263: {  	v10 =	vld [tilespmem:$0x1FCF0];
	v0 =	vadd.f32 v0, v2  }
0x264: {  	v11 =	vld [tilespmem:$0x1FD00]  }
0x265: {  	v12 =	vld [tilespmem:$0x1FD10];
	v0 =	vsub.f32 v0, v1  }
0x266: {  	v13 =	vld [tilespmem:$0x1FD20];
	v1 =	vpop (erf)  }
0x267: {  	v0 =	vmul.f32 v0, v1;
	v1 =	vld [tilespmem:$0x1FC50]  }
0x268: {  	v14 =	vld [tilespmem:$0x1FD30]  }
0x269: {  	p0 =	sne.s32 s30, $0x1F80;
	v4 =	vld [tilespmem:$0x1FC90]  }
.Ltmp0:
0x26a: {  	v5 =	vld [tilespmem:$0x1FCA0];
	(pc) =	sbr.rel @p0 .LBB2_2-.Ltmp0, $4  }
0x26b: {  	v6 =	vld [tilespmem:$0x1FCB0]  }
0x26c: {  	v7 =	vld [tilespmem:$0x1FCC0];
	v0 =	vadd.f32 v0, v1  }
0x26d: {  	v8 =	vld [tilespmem:$0x1FCD0]  }
0x26e: {  	s30 =	sadd.s32 $0x80, s30;
	s29 =	sadd.s32 $0x200, s29;
	v3 =	vld [tilespmem:$0x1FC80];
	v2 =	vlaneseq.u32;
	[tilespmem:s31+$0x9030] =	vst v0  }
0x26f: {  	s28 =	sadd.s32 $0x1, s28  }
0x270: {  	p0 =	sne.s32 s28, s10  }
.Ltmp1:
0x271: {  	_ = 	snop;
	(pc) =	sbr.rel @p0 .LBB2_1-.Ltmp1, $4  }
0x272: {  	[hbm4b:s9+s4] =	stream.linear.scatter [tilespmem:s26], [sflag:$0x2], $0x800, $0x38;
	[tilespmem:$0x15B70] =	vst v63  }
0x273: {  	_ =	swait.ge [sflag:s12], $0x800  }
0x274: {  	[sflag:s12] =	ssyncset.done $0x0  }
0x275: {  	[sflag:s12] =	ssyncadd.s32 $0xFFFFF800  }
0x276: {  	_ =	sfence.sel $0x180000  }
0x277: {  	[bflag:$0x0] =	sbarrier.arrive $0xFFFF  }
0x278: {  	p0 =	sne.s32 s3, $0x0;
	_ =	strace $0x90000047  }
0x279: {  	s0 =	sadd.s32 @!p0 $0x100000, s1;
	[bflag:$0x2] =	sbarrier.arrive $0xFFFF  }
0x27a: {  	[sflag:s0] =	ssyncadd.tile.s32 @!p0 $0x1;
	_ =	shalt  }
.Lfunc_end2:
_tile_overlayer_lowered:
.L_overlay_start_2:
0x27b: {  	(tag) =	ssettag $0x2  }
0x27c: {  	s0 =	rddreg [dreg:$0x0];
	s2 =	stileid.u32  }
0x27d: {  	s1 =	rddreg [dreg:$0x1];
	p0 =	sne.s32 s2, $0x0  }
0x27e: {  	s3 =	rddreg [dreg:$0x2];
	[bflag:$0x3] =	sbarrier.arrive $0xFFFF;
	s2 =	simm.s32 @!p0 $0x1C02  }
0x27f: {  	[timem:s3], [sflag:s2] =	dma.local @!p0 [hbm:s0], s1  }
0x280: {  	s0 =	simm.s32 @!p0 $0x2  }
0x281: {  	_ =	swait.ge @!p0 [sflag:s0], s1  }
0x282: {  	s1 =	ssub.s32 @!p0 $0x0, s1;
	[sflag:s0] =	ssyncset.done @!p0 $0x0  }
0x283: {  	[sflag:s0] =	ssyncadd.s32 @!p0 s1  }
0x284: {  	[bflag:$0x3] =	sbarrier.arrive $0xFFFF  }
0x285: {  	_ =	shalt  }

</sc_bundles>
